<compile_context>
chip_gen: v7x
topology: tpu7x:2x2x1
jax: 0.10.2.dev20260603
libtpu: 0.0.44.dev20260713+nightly
codegen_flags: <defaults>
</compile_context>

<pallas_src>
import functools

import jax
import jax.numpy as jnp
from jax import lax
from jax.experimental import pallas as pl
from jax.experimental.pallas import tpu as pltpu
from jax.experimental.pallas import tpu_sc as plsc

N = 50000
E = 800000
F_IN = 128
C = 64
H = 4
B = 64
D = C // H

R = 2000
NBLK = N // R
RE = 2000
EBLK = E // RE
NTILE = 16
CH = 128
NCH = E // CH
NPA = 12544
AROWS_PT = NPA // NTILE
NPD = 1664
DROWS_PT = NPD // NTILE


def _pre1_body(x_ref, Win_ref, bin_ref, Wq_ref, bq_ref, Wk_ref, bk_ref,
               Wv_ref, bv_ref, h_ref, qp_ref, kv_ref):
  h = jnp.dot(x_ref[...], Win_ref[...], preferred_element_type=jnp.float32)
  h = h + bin_ref[...]
  h_ref[...] = h
  q = jnp.dot(h, Wq_ref[...], preferred_element_type=jnp.float32) + bq_ref[...]
  k = jnp.dot(h, Wk_ref[...], preferred_element_type=jnp.float32) + bk_ref[...]
  v = jnp.dot(h, Wv_ref[...], preferred_element_type=jnp.float32) + bv_ref[...]
  qp_ref[...] = jnp.concatenate([q, q], axis=1)
  kv_ref[...] = jnp.concatenate([k, v], axis=1)


def _w_spec(shape):
  return pl.BlockSpec(shape, lambda i: (0,) * len(shape))


_row_spec64 = pl.BlockSpec((R, C), lambda i: (i, 0))
_row_spec128 = pl.BlockSpec((R, 128), lambda i: (i, 0))


def _tc_pre1(x, Win, bin_, Wq, bq, Wk, bk, Wv, bv):
  out = jax.ShapeDtypeStruct((N, 128), jnp.float32)
  return pl.pallas_call(
      _pre1_body,
      grid=(NBLK,),
      in_specs=[
          pl.BlockSpec((R, F_IN), lambda i: (i, 0)),
          _w_spec((F_IN, C)), _w_spec((1, C)),
          _w_spec((C, C)), _w_spec((1, C)),
          _w_spec((C, C)), _w_spec((1, C)),
          _w_spec((C, C)), _w_spec((1, C)),
      ],
      out_specs=[_row_spec64, _row_spec128, _row_spec128],
      out_shape=[jax.ShapeDtypeStruct((N, C), jnp.float32), out, out],
  )(x, Win, bin_, Wq, bq, Wk, bk, Wv, bv)


def _qkv_body(h_ref, Wq_ref, bq_ref, Wk_ref, bk_ref, Wv_ref, bv_ref,
              qp_ref, kv_ref):
  h = h_ref[...]
  q = jnp.dot(h, Wq_ref[...], preferred_element_type=jnp.float32) + bq_ref[...]
  k = jnp.dot(h, Wk_ref[...], preferred_element_type=jnp.float32) + bk_ref[...]
  v = jnp.dot(h, Wv_ref[...], preferred_element_type=jnp.float32) + bv_ref[...]
  qp_ref[...] = jnp.concatenate([q, q], axis=1)
  kv_ref[...] = jnp.concatenate([k, v], axis=1)


def _tc_qkv(h, Wq, bq, Wk, bk, Wv, bv):
  out = jax.ShapeDtypeStruct((N, 128), jnp.float32)
  return pl.pallas_call(
      _qkv_body,
      grid=(NBLK,),
      in_specs=[
          _row_spec64,
          _w_spec((C, C)), _w_spec((1, C)),
          _w_spec((C, C)), _w_spec((1, C)),
          _w_spec((C, C)), _w_spec((1, C)),
      ],
      out_specs=[_row_spec128, _row_spec128],
      out_shape=[out, out],
  )(h, Wq, bq, Wk, bk, Wv, bv)


def _make_sc_gather():
  mesh = plsc.VectorSubcoreMesh(core_axis_name="c", subcore_axis_name="s")
  eout = jax.ShapeDtypeStruct((E, 128), jnp.float32)

  @functools.partial(
      pl.kernel,
      mesh=mesh,
      out_type=[eout, eout],
      scratch_types=[
          pltpu.VMEM((CH,), jnp.int32),
          pltpu.VMEM((CH,), jnp.int32),
          pltpu.VMEM((CH, 128), jnp.float32),
          pltpu.VMEM((CH, 128), jnp.float32),
          pltpu.SemaphoreType.DMA,
      ],
  )
  def sc_gather(qp_hbm, kv_hbm, src_hbm, dst_hbm,
                qd_out, kvs_out,
                src_v, dst_v, qb, kvb, sem):
    c = lax.axis_index("c")
    s = lax.axis_index("s")
    wid = s * 2 + c
    nw = (NCH - wid + 31) // 32

    def chunk(i, _):
      e0 = (wid + 32 * i) * CH
      pltpu.sync_copy(src_hbm.at[pl.ds(e0, CH)], src_v)
      pltpu.sync_copy(dst_hbm.at[pl.ds(e0, CH)], dst_v)
      cp_q = pltpu.async_copy(qp_hbm.at[dst_v], qb, sem)
      cp_kv = pltpu.async_copy(kv_hbm.at[src_v], kvb, sem)
      cp_q.wait()
      cp_kv.wait()
      pltpu.sync_copy(qb, qd_out.at[pl.ds(e0, CH)])
      pltpu.sync_copy(kvb, kvs_out.at[pl.ds(e0, CH)])
      return ()

    lax.fori_loop(0, nw, chunk, ())

  return sc_gather


_sc_gather = _make_sc_gather()


def _mid_body(qd_ref, kvs_ref, p32_ref, p16_ref, wv0_ref, wv1_ref, exd_ref):
  qd = qd_ref[...]
  kvs = kvs_ref[...]
  prod = qd[:, 0:C] * kvs[:, 0:C]
  exs = []
  vws = []
  for h in range(H):
    alpha = jnp.sum(prod[:, h * D:(h + 1) * D], axis=1, keepdims=True)
    ex = jnp.exp(alpha)
    exs.append(ex)
    vws.append(kvs[:, C + h * D:C + (h + 1) * D] * ex)

  p32 = p32_ref[...]
  zero32 = jnp.zeros((RE, 32), jnp.float32)
  for cc, ref in ((0, wv0_ref), (1, wv1_ref)):
    base = jnp.concatenate(vws[2 * cc:2 * cc + 2], axis=1)
    out = jnp.zeros((RE, 128), jnp.float32)
    for m in range(4):
      variant = jnp.concatenate(
          [zero32] * m + [base] + [zero32] * (3 - m), axis=1)
      out = jnp.where(p32 == 32 * m, variant, out)
    ref[...] = out

  p16 = p16_ref[...]
  colidx = lax.broadcasted_iota(jnp.int32, (RE, 128), 1)
  exd = jnp.zeros((RE, 128), jnp.float32)
  for h in range(H):
    exd = jnp.where(colidx == p16 + h,
                    jnp.broadcast_to(exs[h], (RE, 128)), exd)
  exd_ref[...] = exd


def _tc_mid(qd, kvs, p32, p16):
  espec = pl.BlockSpec((RE, 128), lambda i: (i, 0))
  iospec = pl.BlockSpec((RE, 1), lambda i: (i, 0))
  eout = jax.ShapeDtypeStruct((E, 128), jnp.float32)
  return pl.pallas_call(
      _mid_body,
      grid=(EBLK,),
      in_specs=[espec, espec, iospec, iospec],
      out_specs=[espec, espec, espec],
      out_shape=[eout, eout, eout],
  )(qd, kvs, p32, p16)


def _make_sc_scatter_v():
  mesh = plsc.VectorSubcoreMesh(core_axis_name="c", subcore_axis_name="s")

  @functools.partial(
      pl.kernel,
      mesh=mesh,
      out_type=jax.ShapeDtypeStruct((2 * NPA, 128), jnp.float32),
      scratch_types=[
          pltpu.VMEM((CH,), jnp.int32),
          pltpu.VMEM((CH,), jnp.int32),
          pltpu.VMEM((CH, 128), jnp.float32),
          pltpu.VMEM_SHARED((NPA, 128), jnp.float32),
      ],
  )
  def sc_scatter_v(wv0_hbm, wv1_hbm, dst_hbm, za_hbm,
                   exv_out, dst_v, dsh_v, wvb, acc):
    c = lax.axis_index("c")
    s = lax.axis_index("s")
    r0 = s * AROWS_PT

    pltpu.sync_copy(za_hbm, acc.at[pl.ds(r0, AROWS_PT)])
    plsc.subcore_barrier()

    ns = (NCH - s + 15) // 16

    def chunk(i, _):
      e0 = (s + 16 * i) * CH
      pltpu.sync_copy(dst_hbm.at[pl.ds(e0, CH)], dst_v)
      for g in range(CH // 16):
        dvg = dst_v[pl.ds(g * 16, 16)]
        dsh_v[pl.ds(g * 16, 16)] = lax.shift_right_logical(dvg, 2)

      @pl.when(c == 0)
      def _():
        pltpu.sync_copy(wv0_hbm.at[pl.ds(e0, CH)], wvb)

      @pl.when(c == 1)
      def _():
        pltpu.sync_copy(wv1_hbm.at[pl.ds(e0, CH)], wvb)

      pltpu.sync_copy(wvb, acc.at[dsh_v], add=True)
      return ()

    lax.fori_loop(0, ns, chunk, ())
    plsc.subcore_barrier()

    o0 = c * NPA + r0
    pltpu.sync_copy(acc.at[pl.ds(r0, AROWS_PT)], exv_out.at[pl.ds(o0, AROWS_PT)])

  return sc_scatter_v


def _make_sc_scatter_d():
  mesh = plsc.VectorSubcoreMesh(core_axis_name="c", subcore_axis_name="s")

  @functools.partial(
      pl.kernel,
      mesh=mesh,
      out_type=jax.ShapeDtypeStruct((2 * NPD, 128), jnp.float32),
      scratch_types=[
          pltpu.VMEM((CH,), jnp.int32),
          pltpu.VMEM((CH,), jnp.int32),
          pltpu.VMEM((CH, 128), jnp.float32),
          pltpu.VMEM_SHARED((NPD, 128), jnp.float32),
      ],
  )
  def sc_scatter_d(exd_hbm, dst_hbm, zd_hbm,
                   exd_out, dst_v, dsh_v, exdb, accD):
    c = lax.axis_index("c")
    s = lax.axis_index("s")
    rD0 = s * DROWS_PT

    pltpu.sync_copy(zd_hbm, accD.at[pl.ds(rD0, DROWS_PT)])
    plsc.subcore_barrier()

    nd = (NCH // 2 - s + 15) // 16

    def chunkd(i, _):
      e0 = (c * (NCH // 2) + s + 16 * i) * CH
      pltpu.sync_copy(dst_hbm.at[pl.ds(e0, CH)], dst_v)
      for g in range(CH // 16):
        dvg = dst_v[pl.ds(g * 16, 16)]
        dsh_v[pl.ds(g * 16, 16)] = lax.shift_right_logical(dvg, 5)
      pltpu.sync_copy(exd_hbm.at[pl.ds(e0, CH)], exdb)
      pltpu.sync_copy(exdb, accD.at[dsh_v], add=True)
      return ()

    lax.fori_loop(0, nd, chunkd, ())
    plsc.subcore_barrier()

    oD0 = c * NPD + rD0
    pltpu.sync_copy(accD.at[pl.ds(rD0, DROWS_PT)],
                    exd_out.at[pl.ds(oD0, DROWS_PT)])

  return sc_scatter_d


_sc_scatter_v = _make_sc_scatter_v()
_sc_scatter_d = _make_sc_scatter_d()


def _post_body(exv_ref, exd_ref, h_ref, Wa_ref, ba_ref, skip_ref,
               lng_ref, lnb_ref, ho_ref):
  out64 = jnp.concatenate([exv_ref[0], exv_ref[1]], axis=-1)
  exd = exd_ref[0] + exd_ref[1]
  dens = []
  for m in range(H):
    dens.append(jnp.broadcast_to(exd[:, m:m + 1], (R, D)))
  den64 = jnp.concatenate(dens, axis=-1)
  out = out64 / (den64 + 1e-16)
  out = 0.5 * out * (1.0 + lax.erf(out * 0.7071067811865476))
  out = jnp.dot(out, Wa_ref[...], preferred_element_type=jnp.float32) + ba_ref[...]
  beta = 1.0 / (1.0 + jnp.exp(-skip_ref[0, 0]))
  h = beta * out + (1.0 - beta) * h_ref[...]
  e = jnp.where(h > 0, h, jnp.exp(jnp.minimum(h, 0.0)) - 1.0)
  mu = jnp.mean(e, axis=-1, keepdims=True)
  var = jnp.mean((e - mu) ** 2, axis=-1, keepdims=True)
  ho_ref[...] = (e - mu) * lax.rsqrt(var + 1e-5) * lng_ref[...] + lnb_ref[...]


def _tc_post(exv, exd, h, Wa, ba, skip, lng, lnb):
  return pl.pallas_call(
      _post_body,
      grid=(NBLK,),
      in_specs=[
          pl.BlockSpec((2, R, 32), lambda i: (0, i, 0)),
          pl.BlockSpec((2, R, 4), lambda i: (0, i, 0)),
          _row_spec64,
          _w_spec((C, C)), _w_spec((1, C)),
          _w_spec((1, 1)),
          _w_spec((1, C)), _w_spec((1, C)),
      ],
      out_specs=_row_spec64,
      out_shape=jax.ShapeDtypeStruct((N, C), jnp.float32),
  )(exv, exd, h, Wa, ba, skip, lng, lnb)


def _pool_body(h_ref, bo_ref, Wmt_ref, bmt_ref, o_ref, acc):
  i = pl.program_id(0)

  @pl.when(i == 0)
  def _():
    acc[...] = jnp.zeros_like(acc)

  ids = bo_ref[0]
  rows = lax.broadcasted_iota(jnp.int32, (B, R), 0)
  oh = (rows == ids).astype(jnp.float32)
  h_aug = jnp.concatenate(
      [h_ref[...], jnp.ones((R, 1), jnp.float32), jnp.zeros((R, 63), jnp.float32)],
      axis=-1)
  acc[...] += jnp.dot(oh, h_aug, preferred_element_type=jnp.float32)

  @pl.when(i == NBLK - 1)
  def _():
    sums = acc[:, :C]
    cnt = acc[:, C:C + 1]
    emb = sums / jnp.maximum(cnt, 1.0)
    o_ref[...] = jnp.dot(emb, Wmt_ref[...], preferred_element_type=jnp.float32) + bmt_ref[...]


def _tc_pool(h, bo3, Wmt, bmt):
  return pl.pallas_call(
      _pool_body,
      grid=(NBLK,),
      in_specs=[
          _row_spec64,
          pl.BlockSpec((1, 1, R), lambda i: (i, 0, 0)),
          _w_spec((C, 128)), _w_spec((1, 128)),
      ],
      out_specs=_w_spec((B, 128)),
      out_shape=jax.ShapeDtypeStruct((B, 128), jnp.float32),
      scratch_shapes=[pltpu.VMEM((B, 128), jnp.float32)],
  )(h, bo3, Wmt, bmt)


def kernel(x_operator, edge_index_calledby, batch_operator, W_in, b_in,
           Wk, bk, Wq, bq, Wv, bv, a_rel, m_rel, p_rel, Wa, ba, skip,
           ln_g, ln_b, Wm, bm, Wt, bt):
  f32 = jnp.float32
  scale = (p_rel / jnp.sqrt(jnp.float32(D))).astype(f32)
  Wq2 = (Wq.reshape(C, H, D) * scale[None, :, None]).reshape(C, C)
  bq2 = (bq.reshape(H, D) * scale[:, None]).reshape(C)
  Wk2 = jnp.einsum('nhd,hde->nhe', Wk.reshape(C, H, D), a_rel).reshape(C, C)
  bk2 = jnp.einsum('hd,hde->he', bk.reshape(H, D), a_rel).reshape(C)
  Wv2 = jnp.einsum('nhd,hde->nhe', Wv.reshape(C, H, D), m_rel).reshape(C, C)
  bv2 = jnp.einsum('hd,hde->he', bv.reshape(H, D), m_rel).reshape(C)

  r1 = lambda a: a.reshape(1, -1)
  src = edge_index_calledby[0]
  dst = edge_index_calledby[1]
  p32 = ((dst & 3) * 32).astype(jnp.int32).reshape(E, 1)
  p16 = ((dst & 31) * 4).astype(jnp.int32).reshape(E, 1)
  za = jnp.zeros((AROWS_PT, 128), f32)
  zd = jnp.zeros((DROWS_PT, 128), f32)
  skip2 = skip.reshape(1, 1)

  h, qp, kv = _tc_pre1(x_operator, W_in, r1(b_in), Wq2, r1(bq2),
                       Wk2, r1(bk2), Wv2, r1(bv2))
  for layer in range(2):
    qd, kvs = _sc_gather(qp, kv, src, dst)
    wv0, wv1, exd = _tc_mid(qd, kvs, p32, p16)
    exv = _sc_scatter_v(wv0, wv1, dst, za)
    exdacc = _sc_scatter_d(exd, dst, zd)
    h = _tc_post(exv.reshape(2, 4 * NPA, 32)[:, :N],
                 exdacc.reshape(2, 32 * NPD, 4)[:, :N],
                 h, Wa, r1(ba), skip2, r1(ln_g), r1(ln_b))
    if layer == 0:
      qp, kv = _tc_qkv(h, Wq2, r1(bq2), Wk2, r1(bk2), Wv2, r1(bv2))

  Wmt = jnp.zeros((C, 128), f32).at[:, 0].set(Wm[:, 0]).at[:, 1].set(Wt[:, 0])
  bmt = jnp.zeros((1, 128), f32).at[0, 0].set(bm[0]).at[0, 1].set(bt[0])
  bo3 = batch_operator.reshape(NBLK, 1, R)
  res = _tc_pool(h, bo3, Wmt, bmt)
  return res[:, 0], res[:, 1]

# --- scband reference (transcript-rebuilt; emitter-appended) ---
"""Pipeline reference for scband-hetero-graph-hgt-17428977287425 (READ-ONLY COPY).

The authoritative reference and input builder live on the scoring server;
editing this copy changes nothing except your own understanding.
"""

import jax, jax.numpy as jnp
import numpy as np

N = 50000
E = 800000
F_IN = 128
C = 64
H = 4
B = 64
L = 2
D = C // H


def setup_inputs(seed: int = 0):
    key = jax.random.key(seed)
    ks = jax.random.split(key, 16)
    def w(k, shape, s=0.05):
        return jax.random.normal(k, shape, dtype=jnp.float32) * s
    return {
        'x_operator': jax.random.normal(ks[0], (N, F_IN), dtype=jnp.float32),
        'edge_index_calledby': jax.random.randint(ks[1], (2, E), 0, N, dtype=jnp.int32),
        'batch_operator': jnp.sort(jax.random.randint(ks[2], (N,), 0, B, dtype=jnp.int32)),
        'W_in': w(ks[3], (F_IN, C)), 'b_in': jnp.zeros((C,), jnp.float32),
        'Wk': w(ks[4], (C, C)), 'bk': jnp.zeros((C,), jnp.float32),
        'Wq': w(ks[5], (C, C)), 'bq': jnp.zeros((C,), jnp.float32),
        'Wv': w(ks[6], (C, C)), 'bv': jnp.zeros((C,), jnp.float32),
        'a_rel': w(ks[7], (H, D, D), 0.1),
        'm_rel': w(ks[8], (H, D, D), 0.1),
        'p_rel': jnp.ones((H,), jnp.float32),
        'Wa': w(ks[9], (C, C)), 'ba': jnp.zeros((C,), jnp.float32),
        'skip': jnp.ones((), jnp.float32),
        'ln_g': jnp.ones((C,), jnp.float32), 'ln_b': jnp.zeros((C,), jnp.float32),
        'Wm': w(ks[10], (C, 1)), 'bm': jnp.zeros((1,), jnp.float32),
        'Wt': w(ks[11], (C, 1)), 'bt': jnp.zeros((1,), jnp.float32),
    }


def _forward(x, edge_index, batch_operator, W_in, b_in, Wk, bk, Wq, bq, Wv, bv, a_rel, m_rel, p_rel, Wa, ba, skip, ln_g, ln_b, Wm, bm, Wt, bt):
    src = edge_index[0]
    dst = edge_index[1]
    h = x @ W_in + b_in
    for _ in range(L):
        k = (h @ Wk + bk).reshape(N, H, D)
        q = (h @ Wq + bq).reshape(N, H, D)
        v = (h @ Wv + bv).reshape(N, H, D)
        k = jnp.einsum('nhd,hde->nhe', k, a_rel)
        v = jnp.einsum('nhd,hde->nhe', v, m_rel)
        alpha = (q[dst] * k[src]).sum(-1) * p_rel / jnp.sqrt(jnp.float32(D))
        amax = jax.lax.stop_gradient(jax.ops.segment_max(alpha, dst, num_segments=N))
        amax = jnp.where(jnp.isfinite(amax), amax, 0.0)
        ex = jnp.exp(alpha - amax[dst])
        denom = jax.ops.segment_sum(ex, dst, num_segments=N)
        attn = ex / (denom[dst] + 1e-16)
        out = jax.ops.segment_sum(v[src] * attn[:, :, None], dst, num_segments=N).reshape(N, C)
        out = jax.nn.gelu(out, approximate=False) @ Wa + ba
        beta = jax.nn.sigmoid(skip)
        h = beta * out + (1.0 - beta) * h
        e = jax.nn.elu(h)
        mu = e.mean(-1, keepdims=True)
        var = ((e - mu) ** 2).mean(-1, keepdims=True)
        h = (e - mu) / jnp.sqrt(var + 1e-5) * ln_g + ln_b
    ssum = jax.ops.segment_sum(h, batch_operator, num_segments=B)
    cnt = jax.ops.segment_sum(jnp.ones((N,), h.dtype), batch_operator, num_segments=B)
    emb = ssum / jnp.maximum(cnt, 1.0)[:, None]
    mem = (emb @ Wm + bm).squeeze()
    tim = (emb @ Wt + bt).squeeze()
    return mem, tim


def reference(x_operator, edge_index_calledby, batch_operator, W_in, b_in, Wk, bk, Wq, bq, Wv, bv, a_rel, m_rel, p_rel, Wa, ba, skip, ln_g, ln_b, Wm, bm, Wt, bt):
    return _forward(x_operator, edge_index_calledby, batch_operator, W_in, b_in, Wk, bk, Wq, bq, Wv, bv, a_rel, m_rel, p_rel, Wa, ba, skip, ln_g, ln_b, Wm, bm, Wt, bt)

if __name__ == "__main__":
    import jax
    _d = setup_inputs()
    print(jax.jit(kernel)(*tuple(_d.values())))

</pallas_src>

<mosaic_0001>
#map = affine_map<(d0, d1) -> (0, 0)>
#map1 = affine_map<(d0, d1) -> (0)>
module attributes {stable_mosaic.version = 14 : i64} {
  func.func @sc_scatter_v(%arg0: i32, %arg1: i32, %arg2: memref<800000x128xf32, #tpu.memory_space<hbm>>, %arg3: memref<800000x128xf32, #tpu.memory_space<hbm>>, %arg4: memref<800000xi32, #tpu.memory_space<hbm>>, %arg5: memref<784x128xf32, #tpu.memory_space<hbm>>, %arg6: memref<25088x128xf32, #tpu.memory_space<hbm>>, %arg7: memref<128xi32, #tpu.memory_space<vmem>>, %arg8: memref<128xi32, #tpu.memory_space<vmem>>, %arg9: memref<128x128xf32, #tpu.memory_space<vmem>>, %arg10: memref<12544x128xf32, #tpu.memory_space<vmem_shared>>) attributes {dimension_semantics = [#tpu.dimension_semantics<core_parallel>, #tpu.dimension_semantics<subcore_parallel>], iteration_bounds = array<i64: 2, 16>, scalar_prefetch = 0 : i64, scratch_operands = 4 : i64, tpu.core_type = #tpu.core_type<sc_vector_subcore>, window_params = [{transform_indices = #map}, {transform_indices = #map}, {transform_indices = #map1}, {transform_indices = #map}, {transform_indices = #map}]} {
    %mul3A = arith.constant 784 : i32
    %mul3A_0 = arith.muli %arg1, %mul3A : i32
    "tpu.region"() ({
      %run_scoped3A = tpu.sem_alloc : memref<!tpu.dma_semaphore, #tpu.memory_space<semaphore_mem>>
      %dma_start3A = arith.constant 0 : i32
      %dma_start3A_32 = tpu.memref_slice %arg10[%mul3A_0, %dma_start3A] : memref<12544x128xf32, #tpu.memory_space<vmem_shared>> -> memref<784x128xf32, #tpu.memory_space<vmem_shared>>
      tpu.enqueue_dma source(%arg5 : memref<784x128xf32, #tpu.memory_space<hbm>>) target(%dma_start3A_32 : memref<784x128xf32, #tpu.memory_space<vmem_shared>>) target_semaphore(%run_scoped3A : memref<!tpu.dma_semaphore, #tpu.memory_space<semaphore_mem>>)
      %dma_wait3A = arith.constant 0 : i32
      %dma_wait3A_33 = tpu.memref_slice %arg10[%mul3A_0, %dma_wait3A] : memref<12544x128xf32, #tpu.memory_space<vmem_shared>> -> memref<784x128xf32, #tpu.memory_space<vmem_shared>>
      tpu.wait_dma2 semaphore(%run_scoped3A : memref<!tpu.dma_semaphore, #tpu.memory_space<semaphore_mem>>) src(%arg5 : memref<784x128xf32, #tpu.memory_space<hbm>>) dst(%dma_wait3A_33 : memref<784x128xf32, #tpu.memory_space<vmem_shared>>)
      tpu.yield
    }) : () -> ()
    %barrier3A = arith.constant 0 : index
    tpu.barrier barrier_id(%barrier3A)
    %sub3A = arith.constant 6250 : i32
    %sub3A_1 = arith.subi %sub3A, %arg1 : i32
    %add3A = arith.constant 15 : i32
    %add3A_2 = arith.addi %sub3A_1, %add3A : i32
    %jit3A = arith.constant 16 : i32
    %div3A = arith.divsi %add3A_2, %jit3A : i32
    %sign3A = arith.constant 0 : i32
    %sign3A_3 = arith.cmpi sgt, %add3A_2, %sign3A : i32
    %sign3A_4 = arith.extui %sign3A_3 : i1 to i32
    %sign3A_5 = arith.constant 0 : i32
    %sign3A_6 = arith.cmpi slt, %add3A_2, %sign3A_5 : i32
    %sign3A_7 = arith.extui %sign3A_6 : i1 to i32
    %sign3A_8 = arith.subi %sign3A_4, %sign3A_7 : i32
    %sign3A_9 = arith.constant 0 : i32
    %sign3A_10 = arith.cmpi sgt, %jit3A, %sign3A_9 : i32
    %sign3A_11 = arith.extui %sign3A_10 : i1 to i32
    %sign3A_12 = arith.constant 0 : i32
    %sign3A_13 = arith.cmpi slt, %jit3A, %sign3A_12 : i32
    %sign3A_14 = arith.extui %sign3A_13 : i1 to i32
    %sign3A_15 = arith.subi %sign3A_11, %sign3A_14 : i32
    %ne3A = arith.cmpi ne, %sign3A_8, %sign3A_15 : i32
    %rem3A = arith.remsi %add3A_2, %jit3A : i32
    %ne3A_16 = arith.constant 0 : i32
    %ne3A_17 = arith.cmpi ne, %rem3A, %ne3A_16 : i32
    %and3A = arith.andi %ne3A, %ne3A_17 : i1
    %sub3A_18 = arith.constant 1 : i32
    %sub3A_19 = arith.subi %div3A, %sub3A_18 : i32
    %select_n3A = arith.select %and3A, %sub3A_19, %div3A : i32
    %while3A = arith.constant 0 : i32
    %while3A_20 = arith.subi %select_n3A, %while3A : i32
    %while3A_21 = arith.addi %while3A, %while3A_20 : i32
    %while3A_22 = arith.constant 1 : i32
    %while3A_23 = arith.divsi %while3A_20, %while3A_22 : i32
    %while3A_24 = arith.muli %while3A_23, %while3A_22 : i32
    %while3A_25 = arith.addi %while3A, %while3A_24 : i32
    %while3A_26 = arith.constant 1 : i32
    scf.for %while3A_32 = %while3A to %while3A_25 step %while3A_26  : i32 {
      %mul3A_33 = arith.constant 16 : i32
      %mul3A_34 = arith.muli %mul3A_33, %while3A_32 : i32
      %add3A_35 = arith.addi %arg1, %mul3A_34 : i32
      %mul3A_36 = arith.constant 128 : i32
      %mul3A_37 = arith.muli %add3A_35, %mul3A_36 : i32
      "tpu.region"() ({
        %run_scoped3A = tpu.sem_alloc : memref<!tpu.dma_semaphore, #tpu.memory_space<semaphore_mem>>
        %dma_start3A = tpu.memref_slice %arg4[%mul3A_37] : memref<800000xi32, #tpu.memory_space<hbm>> -> memref<128xi32, #tpu.memory_space<hbm>>
        %dma_start3A_122 = tpu.memref_slice %arg4[%mul3A_37] : memref<800000xi32, #tpu.memory_space<hbm>> -> memref<128xi32, #tpu.memory_space<hbm>>
        tpu.enqueue_dma source(%dma_start3A_122 : memref<128xi32, #tpu.memory_space<hbm>>) target(%arg7 : memref<128xi32, #tpu.memory_space<vmem>>) target_semaphore(%run_scoped3A : memref<!tpu.dma_semaphore, #tpu.memory_space<semaphore_mem>>)
        %dma_wait3A = tpu.memref_slice %arg4[%mul3A_37] : memref<800000xi32, #tpu.memory_space<hbm>> -> memref<128xi32, #tpu.memory_space<hbm>>
        %dma_wait3A_123 = tpu.memref_slice %arg4[%mul3A_37] : memref<800000xi32, #tpu.memory_space<hbm>> -> memref<128xi32, #tpu.memory_space<hbm>>
        tpu.wait_dma2 semaphore(%run_scoped3A : memref<!tpu.dma_semaphore, #tpu.memory_space<semaphore_mem>>) src(%dma_wait3A_123 : memref<128xi32, #tpu.memory_space<hbm>>) dst(%arg7 : memref<128xi32, #tpu.memory_space<vmem>>)
        tpu.yield
      }) : () -> ()
      %get3A = arith.constant 0 : index
      %get3A_38 = tpu.vector_load %arg7[%get3A] {strides = array<i32>} : memref<128xi32, #tpu.memory_space<vmem>>, vector<16xi32>,
      %get3A_39 = vector.shape_cast %get3A_38 : vector<16xi32> to vector<16xi32>
      %shift_right_logical3A = arith.constant 2 : i32
      %shift_right_logical3A_40 = vector.broadcast %shift_right_logical3A : i32 to vector<16xi32>
      %shift_right_logical3A_41 = arith.shrui %get3A_39, %shift_right_logical3A_40 : vector<16xi32>
      %swap3A = arith.constant 0 : index
      %swap3A_42 = tpu.vector_load %arg8[%swap3A] {strides = array<i32>} : memref<128xi32, #tpu.memory_space<vmem>>, vector<16xi32>,
      %swap3A_43 = vector.shape_cast %swap3A_42 : vector<16xi32> to vector<16xi32>
      %swap3A_44 = vector.shape_cast %shift_right_logical3A_41 : vector<16xi32> to vector<16xi32>
      tpu.vector_store %arg8[%swap3A], %swap3A_44 {strides = array<i32>} : memref<128xi32, #tpu.memory_space<vmem>>, vector<16xi32>,
      %get3A_45 = arith.constant 16 : index
      %get3A_46 = tpu.vector_load %arg7[%get3A_45] {strides = array<i32>} : memref<128xi32, #tpu.memory_space<vmem>>, vector<16xi32>,
      %get3A_47 = vector.shape_cast %get3A_46 : vector<16xi32> to vector<16xi32>
      %shift_right_logical3A_48 = arith.constant 2 : i32
      %shift_right_logical3A_49 = vector.broadcast %shift_right_logical3A_48 : i32 to vector<16xi32>
      %shift_right_logical3A_50 = arith.shrui %get3A_47, %shift_right_logical3A_49 : vector<16xi32>
      %swap3A_51 = arith.constant 16 : index
      %swap3A_52 = tpu.vector_load %arg8[%swap3A_51] {strides = array<i32>} : memref<128xi32, #tpu.memory_space<vmem>>, vector<16xi32>,
      %swap3A_53 = vector.shape_cast %swap3A_52 : vector<16xi32> to vector<16xi32>
      %swap3A_54 = vector.shape_cast %shift_right_logical3A_50 : vector<16xi32> to vector<16xi32>
      tpu.vector_store %arg8[%swap3A_51], %swap3A_54 {strides = array<i32>} : memref<128xi32, #tpu.memory_space<vmem>>, vector<16xi32>,
      %get3A_55 = arith.constant 32 : index
      %get3A_56 = tpu.vector_load %arg7[%get3A_55] {strides = array<i32>} : memref<128xi32, #tpu.memory_space<vmem>>, vector<16xi32>,
      %get3A_57 = vector.shape_cast %get3A_56 : vector<16xi32> to vector<16xi32>
      %shift_right_logical3A_58 = arith.constant 2 : i32
      %shift_right_logical3A_59 = vector.broadcast %shift_right_logical3A_58 : i32 to vector<16xi32>
      %shift_right_logical3A_60 = arith.shrui %get3A_57, %shift_right_logical3A_59 : vector<16xi32>
      %swap3A_61 = arith.constant 32 : index
      %swap3A_62 = tpu.vector_load %arg8[%swap3A_61] {strides = array<i32>} : memref<128xi32, #tpu.memory_space<vmem>>, vector<16xi32>,
      %swap3A_63 = vector.shape_cast %swap3A_62 : vector<16xi32> to vector<16xi32>
      %swap3A_64 = vector.shape_cast %shift_right_logical3A_60 : vector<16xi32> to vector<16xi32>
      tpu.vector_store %arg8[%swap3A_61], %swap3A_64 {strides = array<i32>} : memref<128xi32, #tpu.memory_space<vmem>>, vector<16xi32>,
      %get3A_65 = arith.constant 48 : index
      %get3A_66 = tpu.vector_load %arg7[%get3A_65] {strides = array<i32>} : memref<128xi32, #tpu.memory_space<vmem>>, vector<16xi32>,
      %get3A_67 = vector.shape_cast %get3A_66 : vector<16xi32> to vector<16xi32>
      %shift_right_logical3A_68 = arith.constant 2 : i32
      %shift_right_logical3A_69 = vector.broadcast %shift_right_logical3A_68 : i32 to vector<16xi32>
      %shift_right_logical3A_70 = arith.shrui %get3A_67, %shift_right_logical3A_69 : vector<16xi32>
      %swap3A_71 = arith.constant 48 : index
      %swap3A_72 = tpu.vector_load %arg8[%swap3A_71] {strides = array<i32>} : memref<128xi32, #tpu.memory_space<vmem>>, vector<16xi32>,
      %swap3A_73 = vector.shape_cast %swap3A_72 : vector<16xi32> to vector<16xi32>
      %swap3A_74 = vector.shape_cast %shift_right_logical3A_70 : vector<16xi32> to vector<16xi32>
      tpu.vector_store %arg8[%swap3A_71], %swap3A_74 {strides = array<i32>} : memref<128xi32, #tpu.memory_space<vmem>>, vector<16xi32>,
      %get3A_75 = arith.constant 64 : index
      %get3A_76 = tpu.vector_load %arg7[%get3A_75] {strides = array<i32>} : memref<128xi32, #tpu.memory_space<vmem>>, vector<16xi32>,
      %get3A_77 = vector.shape_cast %get3A_76 : vector<16xi32> to vector<16xi32>
      %shift_right_logical3A_78 = arith.constant 2 : i32
      %shift_right_logical3A_79 = vector.broadcast %shift_right_logical3A_78 : i32 to vector<16xi32>
      %shift_right_logical3A_80 = arith.shrui %get3A_77, %shift_right_logical3A_79 : vector<16xi32>
      %swap3A_81 = arith.constant 64 : index
      %swap3A_82 = tpu.vector_load %arg8[%swap3A_81] {strides = array<i32>} : memref<128xi32, #tpu.memory_space<vmem>>, vector<16xi32>,
      %swap3A_83 = vector.shape_cast %swap3A_82 : vector<16xi32> to vector<16xi32>
      %swap3A_84 = vector.shape_cast %shift_right_logical3A_80 : vector<16xi32> to vector<16xi32>
      tpu.vector_store %arg8[%swap3A_81], %swap3A_84 {strides = array<i32>} : memref<128xi32, #tpu.memory_space<vmem>>, vector<16xi32>,
      %get3A_85 = arith.constant 80 : index
      %get3A_86 = tpu.vector_load %arg7[%get3A_85] {strides = array<i32>} : memref<128xi32, #tpu.memory_space<vmem>>, vector<16xi32>,
      %get3A_87 = vector.shape_cast %get3A_86 : vector<16xi32> to vector<16xi32>
      %shift_right_logical3A_88 = arith.constant 2 : i32
      %shift_right_logical3A_89 = vector.broadcast %shift_right_logical3A_88 : i32 to vector<16xi32>
      %shift_right_logical3A_90 = arith.shrui %get3A_87, %shift_right_logical3A_89 : vector<16xi32>
      %swap3A_91 = arith.constant 80 : index
      %swap3A_92 = tpu.vector_load %arg8[%swap3A_91] {strides = array<i32>} : memref<128xi32, #tpu.memory_space<vmem>>, vector<16xi32>,
      %swap3A_93 = vector.shape_cast %swap3A_92 : vector<16xi32> to vector<16xi32>
      %swap3A_94 = vector.shape_cast %shift_right_logical3A_90 : vector<16xi32> to vector<16xi32>
      tpu.vector_store %arg8[%swap3A_91], %swap3A_94 {strides = array<i32>} : memref<128xi32, #tpu.memory_space<vmem>>, vector<16xi32>,
      %get3A_95 = arith.constant 96 : index
      %get3A_96 = tpu.vector_load %arg7[%get3A_95] {strides = array<i32>} : memref<128xi32, #tpu.memory_space<vmem>>, vector<16xi32>,
      %get3A_97 = vector.shape_cast %get3A_96 : vector<16xi32> to vector<16xi32>
      %shift_right_logical3A_98 = arith.constant 2 : i32
      %shift_right_logical3A_99 = vector.broadcast %shift_right_logical3A_98 : i32 to vector<16xi32>
      %shift_right_logical3A_100 = arith.shrui %get3A_97, %shift_right_logical3A_99 : vector<16xi32>
      %swap3A_101 = arith.constant 96 : index
      %swap3A_102 = tpu.vector_load %arg8[%swap3A_101] {strides = array<i32>} : memref<128xi32, #tpu.memory_space<vmem>>, vector<16xi32>,
      %swap3A_103 = vector.shape_cast %swap3A_102 : vector<16xi32> to vector<16xi32>
      %swap3A_104 = vector.shape_cast %shift_right_logical3A_100 : vector<16xi32> to vector<16xi32>
      tpu.vector_store %arg8[%swap3A_101], %swap3A_104 {strides = array<i32>} : memref<128xi32, #tpu.memory_space<vmem>>, vector<16xi32>,
      %get3A_105 = arith.constant 112 : index
      %get3A_106 = tpu.vector_load %arg7[%get3A_105] {strides = array<i32>} : memref<128xi32, #tpu.memory_space<vmem>>, vector<16xi32>,
      %get3A_107 = vector.shape_cast %get3A_106 : vector<16xi32> to vector<16xi32>
      %shift_right_logical3A_108 = arith.constant 2 : i32
      %shift_right_logical3A_109 = vector.broadcast %shift_right_logical3A_108 : i32 to vector<16xi32>
      %shift_right_logical3A_110 = arith.shrui %get3A_107, %shift_right_logical3A_109 : vector<16xi32>
      %swap3A_111 = arith.constant 112 : index
      %swap3A_112 = tpu.vector_load %arg8[%swap3A_111] {strides = array<i32>} : memref<128xi32, #tpu.memory_space<vmem>>, vector<16xi32>,
      %swap3A_113 = vector.shape_cast %swap3A_112 : vector<16xi32> to vector<16xi32>
      %swap3A_114 = vector.shape_cast %shift_right_logical3A_110 : vector<16xi32> to vector<16xi32>
      tpu.vector_store %arg8[%swap3A_111], %swap3A_114 {strides = array<i32>} : memref<128xi32, #tpu.memory_space<vmem>>, vector<16xi32>,
      %eq3A = arith.constant 0 : i32
      %eq3A_115 = arith.cmpi eq, %arg0, %eq3A : i32
      %convert_element_type3A = arith.extui %eq3A_115 : i1 to i32
      %cond3A = arith.constant 0 : i32
      %cond3A_116 = arith.cmpi ne, %convert_element_type3A, %cond3A : i32
      scf.if %cond3A_116 {
        "tpu.region"() ({
          %run_scoped3A = tpu.sem_alloc : memref<!tpu.dma_semaphore, #tpu.memory_space<semaphore_mem>>
          %dma_start3A = arith.constant 0 : i32
          %dma_start3A_122 = tpu.memref_slice %arg2[%mul3A_37, %dma_start3A] : memref<800000x128xf32, #tpu.memory_space<hbm>> -> memref<128x128xf32, #tpu.memory_space<hbm>>
          %dma_start3A_123 = arith.constant 0 : i32
          %dma_start3A_124 = tpu.memref_slice %arg2[%mul3A_37, %dma_start3A_123] : memref<800000x128xf32, #tpu.memory_space<hbm>> -> memref<128x128xf32, #tpu.memory_space<hbm>>
          tpu.enqueue_dma source(%dma_start3A_124 : memref<128x128xf32, #tpu.memory_space<hbm>>) target(%arg9 : memref<128x128xf32, #tpu.memory_space<vmem>>) target_semaphore(%run_scoped3A : memref<!tpu.dma_semaphore, #tpu.memory_space<semaphore_mem>>)
          %dma_wait3A = arith.constant 0 : i32
          %dma_wait3A_125 = tpu.memref_slice %arg2[%mul3A_37, %dma_wait3A] : memref<800000x128xf32, #tpu.memory_space<hbm>> -> memref<128x128xf32, #tpu.memory_space<hbm>>
          %dma_wait3A_126 = arith.constant 0 : i32
          %dma_wait3A_127 = tpu.memref_slice %arg2[%mul3A_37, %dma_wait3A_126] : memref<800000x128xf32, #tpu.memory_space<hbm>> -> memref<128x128xf32, #tpu.memory_space<hbm>>
          tpu.wait_dma2 semaphore(%run_scoped3A : memref<!tpu.dma_semaphore, #tpu.memory_space<semaphore_mem>>) src(%dma_wait3A_127 : memref<128x128xf32, #tpu.memory_space<hbm>>) dst(%arg9 : memref<128x128xf32, #tpu.memory_space<vmem>>)
          tpu.yield
        }) : () -> ()
      } else {
      }
      %eq3A_117 = arith.constant 1 : i32
      %eq3A_118 = arith.cmpi eq, %arg0, %eq3A_117 : i32
      %convert_element_type3A_119 = arith.extui %eq3A_118 : i1 to i32
      %cond3A_120 = arith.constant 0 : i32
      %cond3A_121 = arith.cmpi ne, %convert_element_type3A_119, %cond3A_120 : i32
      scf.if %cond3A_121 {
        "tpu.region"() ({
          %run_scoped3A = tpu.sem_alloc : memref<!tpu.dma_semaphore, #tpu.memory_space<semaphore_mem>>
          %dma_start3A = arith.constant 0 : i32
          %dma_start3A_122 = tpu.memref_slice %arg3[%mul3A_37, %dma_start3A] : memref<800000x128xf32, #tpu.memory_space<hbm>> -> memref<128x128xf32, #tpu.memory_space<hbm>>
          %dma_start3A_123 = arith.constant 0 : i32
          %dma_start3A_124 = tpu.memref_slice %arg3[%mul3A_37, %dma_start3A_123] : memref<800000x128xf32, #tpu.memory_space<hbm>> -> memref<128x128xf32, #tpu.memory_space<hbm>>
          tpu.enqueue_dma source(%dma_start3A_124 : memref<128x128xf32, #tpu.memory_space<hbm>>) target(%arg9 : memref<128x128xf32, #tpu.memory_space<vmem>>) target_semaphore(%run_scoped3A : memref<!tpu.dma_semaphore, #tpu.memory_space<semaphore_mem>>)
          %dma_wait3A = arith.constant 0 : i32
          %dma_wait3A_125 = tpu.memref_slice %arg3[%mul3A_37, %dma_wait3A] : memref<800000x128xf32, #tpu.memory_space<hbm>> -> memref<128x128xf32, #tpu.memory_space<hbm>>
          %dma_wait3A_126 = arith.constant 0 : i32
          %dma_wait3A_127 = tpu.memref_slice %arg3[%mul3A_37, %dma_wait3A_126] : memref<800000x128xf32, #tpu.memory_space<hbm>> -> memref<128x128xf32, #tpu.memory_space<hbm>>
          tpu.wait_dma2 semaphore(%run_scoped3A : memref<!tpu.dma_semaphore, #tpu.memory_space<semaphore_mem>>) src(%dma_wait3A_127 : memref<128x128xf32, #tpu.memory_space<hbm>>) dst(%arg9 : memref<128x128xf32, #tpu.memory_space<vmem>>)
          tpu.yield
        }) : () -> ()
      } else {
      }
      "tpu.region"() ({
        %run_scoped3A = tpu.sem_alloc : memref<!tpu.dma_semaphore, #tpu.memory_space<semaphore_mem>>
        %dma_start3A = arith.constant 0 : i32
        %dma_start3A_122 = arith.constant 0 : i32
        %dma_start3A_123 = tpu.memref_slice %arg10[%dma_start3A, %dma_start3A_122] : memref<12544x128xf32, #tpu.memory_space<vmem_shared>> -> memref<12544x128xf32, #tpu.memory_space<vmem_shared>>
        tpu.enqueue_indirect_dma source(%arg9 : memref<128x128xf32, #tpu.memory_space<vmem>>) target(%dma_start3A_123 : memref<12544x128xf32, #tpu.memory_space<vmem_shared>>) offsets(%arg8 : memref<128xi32, #tpu.memory_space<vmem>>) semaphore(%run_scoped3A : memref<!tpu.dma_semaphore, #tpu.memory_space<semaphore_mem>>) {add = true}
        %dma_wait3A = arith.constant 0 : i32
        %dma_wait3A_124 = arith.constant 0 : i32
        %dma_wait3A_125 = tpu.memref_slice %arg10[%dma_wait3A, %dma_wait3A_124] : memref<12544x128xf32, #tpu.memory_space<vmem_shared>> -> memref<12544x128xf32, #tpu.memory_space<vmem_shared>>
        tpu.wait_indirect_dma semaphore(%run_scoped3A : memref<!tpu.dma_semaphore, #tpu.memory_space<semaphore_mem>>) src(%arg9 : memref<128x128xf32, #tpu.memory_space<vmem>>) dst(%dma_wait3A_125 : memref<12544x128xf32, #tpu.memory_space<vmem_shared>>)
        tpu.yield
      }) : () -> ()
    }
    %while3A_27 = arith.constant 1 : i32
    scf.for %while3A_32 = %while3A_25 to %while3A_21 step %while3A_27  : i32 {
      %mul3A_33 = arith.constant 16 : i32
      %mul3A_34 = arith.muli %mul3A_33, %while3A_32 : i32
      %add3A_35 = arith.addi %arg1, %mul3A_34 : i32
      %mul3A_36 = arith.constant 128 : i32
      %mul3A_37 = arith.muli %add3A_35, %mul3A_36 : i32
      "tpu.region"() ({
        %run_scoped3A = tpu.sem_alloc : memref<!tpu.dma_semaphore, #tpu.memory_space<semaphore_mem>>
        %dma_start3A = tpu.memref_slice %arg4[%mul3A_37] : memref<800000xi32, #tpu.memory_space<hbm>> -> memref<128xi32, #tpu.memory_space<hbm>>
        %dma_start3A_122 = tpu.memref_slice %arg4[%mul3A_37] : memref<800000xi32, #tpu.memory_space<hbm>> -> memref<128xi32, #tpu.memory_space<hbm>>
        tpu.enqueue_dma source(%dma_start3A_122 : memref<128xi32, #tpu.memory_space<hbm>>) target(%arg7 : memref<128xi32, #tpu.memory_space<vmem>>) target_semaphore(%run_scoped3A : memref<!tpu.dma_semaphore, #tpu.memory_space<semaphore_mem>>)
        %dma_wait3A = tpu.memref_slice %arg4[%mul3A_37] : memref<800000xi32, #tpu.memory_space<hbm>> -> memref<128xi32, #tpu.memory_space<hbm>>
        %dma_wait3A_123 = tpu.memref_slice %arg4[%mul3A_37] : memref<800000xi32, #tpu.memory_space<hbm>> -> memref<128xi32, #tpu.memory_space<hbm>>
        tpu.wait_dma2 semaphore(%run_scoped3A : memref<!tpu.dma_semaphore, #tpu.memory_space<semaphore_mem>>) src(%dma_wait3A_123 : memref<128xi32, #tpu.memory_space<hbm>>) dst(%arg7 : memref<128xi32, #tpu.memory_space<vmem>>)
        tpu.yield
      }) : () -> ()
      %get3A = arith.constant 0 : index
      %get3A_38 = tpu.vector_load %arg7[%get3A] {strides = array<i32>} : memref<128xi32, #tpu.memory_space<vmem>>, vector<16xi32>,
      %get3A_39 = vector.shape_cast %get3A_38 : vector<16xi32> to vector<16xi32>
      %shift_right_logical3A = arith.constant 2 : i32
      %shift_right_logical3A_40 = vector.broadcast %shift_right_logical3A : i32 to vector<16xi32>
      %shift_right_logical3A_41 = arith.shrui %get3A_39, %shift_right_logical3A_40 : vector<16xi32>
      %swap3A = arith.constant 0 : index
      %swap3A_42 = tpu.vector_load %arg8[%swap3A] {strides = array<i32>} : memref<128xi32, #tpu.memory_space<vmem>>, vector<16xi32>,
      %swap3A_43 = vector.shape_cast %swap3A_42 : vector<16xi32> to vector<16xi32>
      %swap3A_44 = vector.shape_cast %shift_right_logical3A_41 : vector<16xi32> to vector<16xi32>
      tpu.vector_store %arg8[%swap3A], %swap3A_44 {strides = array<i32>} : memref<128xi32, #tpu.memory_space<vmem>>, vector<16xi32>,
      %get3A_45 = arith.constant 16 : index
      %get3A_46 = tpu.vector_load %arg7[%get3A_45] {strides = array<i32>} : memref<128xi32, #tpu.memory_space<vmem>>, vector<16xi32>,
      %get3A_47 = vector.shape_cast %get3A_46 : vector<16xi32> to vector<16xi32>
      %shift_right_logical3A_48 = arith.constant 2 : i32
      %shift_right_logical3A_49 = vector.broadcast %shift_right_logical3A_48 : i32 to vector<16xi32>
      %shift_right_logical3A_50 = arith.shrui %get3A_47, %shift_right_logical3A_49 : vector<16xi32>
      %swap3A_51 = arith.constant 16 : index
      %swap3A_52 = tpu.vector_load %arg8[%swap3A_51] {strides = array<i32>} : memref<128xi32, #tpu.memory_space<vmem>>, vector<16xi32>,
      %swap3A_53 = vector.shape_cast %swap3A_52 : vector<16xi32> to vector<16xi32>
      %swap3A_54 = vector.shape_cast %shift_right_logical3A_50 : vector<16xi32> to vector<16xi32>
      tpu.vector_store %arg8[%swap3A_51], %swap3A_54 {strides = array<i32>} : memref<128xi32, #tpu.memory_space<vmem>>, vector<16xi32>,
      %get3A_55 = arith.constant 32 : index
      %get3A_56 = tpu.vector_load %arg7[%get3A_55] {strides = array<i32>} : memref<128xi32, #tpu.memory_space<vmem>>, vector<16xi32>,
      %get3A_57 = vector.shape_cast %get3A_56 : vector<16xi32> to vector<16xi32>
      %shift_right_logical3A_58 = arith.constant 2 : i32
      %shift_right_logical3A_59 = vector.broadcast %shift_right_logical3A_58 : i32 to vector<16xi32>
      %shift_right_logical3A_60 = arith.shrui %get3A_57, %shift_right_logical3A_59 : vector<16xi32>
      %swap3A_61 = arith.constant 32 : index
      %swap3A_62 = tpu.vector_load %arg8[%swap3A_61] {strides = array<i32>} : memref<128xi32, #tpu.memory_space<vmem>>, vector<16xi32>,
      %swap3A_63 = vector.shape_cast %swap3A_62 : vector<16xi32> to vector<16xi32>
      %swap3A_64 = vector.shape_cast %shift_right_logical3A_60 : vector<16xi32> to vector<16xi32>
      tpu.vector_store %arg8[%swap3A_61], %swap3A_64 {strides = array<i32>} : memref<128xi32, #tpu.memory_space<vmem>>, vector<16xi32>,
      %get3A_65 = arith.constant 48 : index
      %get3A_66 = tpu.vector_load %arg7[%get3A_65] {strides = array<i32>} : memref<128xi32, #tpu.memory_space<vmem>>, vector<16xi32>,
      %get3A_67 = vector.shape_cast %get3A_66 : vector<16xi32> to vector<16xi32>
      %shift_right_logical3A_68 = arith.constant 2 : i32
      %shift_right_logical3A_69 = vector.broadcast %shift_right_logical3A_68 : i32 to vector<16xi32>
      %shift_right_logical3A_70 = arith.shrui %get3A_67, %shift_right_logical3A_69 : vector<16xi32>
      %swap3A_71 = arith.constant 48 : index
      %swap3A_72 = tpu.vector_load %arg8[%swap3A_71] {strides = array<i32>} : memref<128xi32, #tpu.memory_space<vmem>>, vector<16xi32>,
      %swap3A_73 = vector.shape_cast %swap3A_72 : vector<16xi32> to vector<16xi32>
      %swap3A_74 = vector.shape_cast %shift_right_logical3A_70 : vector<16xi32> to vector<16xi32>
      tpu.vector_store %arg8[%swap3A_71], %swap3A_74 {strides = array<i32>} : memref<128xi32, #tpu.memory_space<vmem>>, vector<16xi32>,
      %get3A_75 = arith.constant 64 : index
      %get3A_76 = tpu.vector_load %arg7[%get3A_75] {strides = array<i32>} : memref<128xi32, #tpu.memory_space<vmem>>, vector<16xi32>,
      %get3A_77 = vector.shape_cast %get3A_76 : vector<16xi32> to vector<16xi32>
      %shift_right_logical3A_78 = arith.constant 2 : i32
      %shift_right_logical3A_79 = vector.broadcast %shift_right_logical3A_78 : i32 to vector<16xi32>
      %shift_right_logical3A_80 = arith.shrui %get3A_77, %shift_right_logical3A_79 : vector<16xi32>
      %swap3A_81 = arith.constant 64 : index
      %swap3A_82 = tpu.vector_load %arg8[%swap3A_81] {strides = array<i32>} : memref<128xi32, #tpu.memory_space<vmem>>, vector<16xi32>,
      %swap3A_83 = vector.shape_cast %swap3A_82 : vector<16xi32> to vector<16xi32>
      %swap3A_84 = vector.shape_cast %shift_right_logical3A_80 : vector<16xi32> to vector<16xi32>
      tpu.vector_store %arg8[%swap3A_81], %swap3A_84 {strides = array<i32>} : memref<128xi32, #tpu.memory_space<vmem>>, vector<16xi32>,
      %get3A_85 = arith.constant 80 : index
      %get3A_86 = tpu.vector_load %arg7[%get3A_85] {strides = array<i32>} : memref<128xi32, #tpu.memory_space<vmem>>, vector<16xi32>,
      %get3A_87 = vector.shape_cast %get3A_86 : vector<16xi32> to vector<16xi32>
      %shift_right_logical3A_88 = arith.constant 2 : i32
      %shift_right_logical3A_89 = vector.broadcast %shift_right_logical3A_88 : i32 to vector<16xi32>
      %shift_right_logical3A_90 = arith.shrui %get3A_87, %shift_right_logical3A_89 : vector<16xi32>
      %swap3A_91 = arith.constant 80 : index
      %swap3A_92 = tpu.vector_load %arg8[%swap3A_91] {strides = array<i32>} : memref<128xi32, #tpu.memory_space<vmem>>, vector<16xi32>,
      %swap3A_93 = vector.shape_cast %swap3A_92 : vector<16xi32> to vector<16xi32>
      %swap3A_94 = vector.shape_cast %shift_right_logical3A_90 : vector<16xi32> to vector<16xi32>
      tpu.vector_store %arg8[%swap3A_91], %swap3A_94 {strides = array<i32>} : memref<128xi32, #tpu.memory_space<vmem>>, vector<16xi32>,
      %get3A_95 = arith.constant 96 : index
      %get3A_96 = tpu.vector_load %arg7[%get3A_95] {strides = array<i32>} : memref<128xi32, #tpu.memory_space<vmem>>, vector<16xi32>,
      %get3A_97 = vector.shape_cast %get3A_96 : vector<16xi32> to vector<16xi32>
      %shift_right_logical3A_98 = arith.constant 2 : i32
      %shift_right_logical3A_99 = vector.broadcast %shift_right_logical3A_98 : i32 to vector<16xi32>
      %shift_right_logical3A_100 = arith.shrui %get3A_97, %shift_right_logical3A_99 : vector<16xi32>
      %swap3A_101 = arith.constant 96 : index
      %swap3A_102 = tpu.vector_load %arg8[%swap3A_101] {strides = array<i32>} : memref<128xi32, #tpu.memory_space<vmem>>, vector<16xi32>,
      %swap3A_103 = vector.shape_cast %swap3A_102 : vector<16xi32> to vector<16xi32>
      %swap3A_104 = vector.shape_cast %shift_right_logical3A_100 : vector<16xi32> to vector<16xi32>
      tpu.vector_store %arg8[%swap3A_101], %swap3A_104 {strides = array<i32>} : memref<128xi32, #tpu.memory_space<vmem>>, vector<16xi32>,
      %get3A_105 = arith.constant 112 : index
      %get3A_106 = tpu.vector_load %arg7[%get3A_105] {strides = array<i32>} : memref<128xi32, #tpu.memory_space<vmem>>, vector<16xi32>,
      %get3A_107 = vector.shape_cast %get3A_106 : vector<16xi32> to vector<16xi32>
      %shift_right_logical3A_108 = arith.constant 2 : i32
      %shift_right_logical3A_109 = vector.broadcast %shift_right_logical3A_108 : i32 to vector<16xi32>
      %shift_right_logical3A_110 = arith.shrui %get3A_107, %shift_right_logical3A_109 : vector<16xi32>
      %swap3A_111 = arith.constant 112 : index
      %swap3A_112 = tpu.vector_load %arg8[%swap3A_111] {strides = array<i32>} : memref<128xi32, #tpu.memory_space<vmem>>, vector<16xi32>,
      %swap3A_113 = vector.shape_cast %swap3A_112 : vector<16xi32> to vector<16xi32>
      %swap3A_114 = vector.shape_cast %shift_right_logical3A_110 : vector<16xi32> to vector<16xi32>
      tpu.vector_store %arg8[%swap3A_111], %swap3A_114 {strides = array<i32>} : memref<128xi32, #tpu.memory_space<vmem>>, vector<16xi32>,
      %eq3A = arith.constant 0 : i32
      %eq3A_115 = arith.cmpi eq, %arg0, %eq3A : i32
      %convert_element_type3A = arith.extui %eq3A_115 : i1 to i32
      %cond3A = arith.constant 0 : i32
      %cond3A_116 = arith.cmpi ne, %convert_element_type3A, %cond3A : i32
      scf.if %cond3A_116 {
        "tpu.region"() ({
          %run_scoped3A = tpu.sem_alloc : memref<!tpu.dma_semaphore, #tpu.memory_space<semaphore_mem>>
          %dma_start3A = arith.constant 0 : i32
          %dma_start3A_122 = tpu.memref_slice %arg2[%mul3A_37, %dma_start3A] : memref<800000x128xf32, #tpu.memory_space<hbm>> -> memref<128x128xf32, #tpu.memory_space<hbm>>
          %dma_start3A_123 = arith.constant 0 : i32
          %dma_start3A_124 = tpu.memref_slice %arg2[%mul3A_37, %dma_start3A_123] : memref<800000x128xf32, #tpu.memory_space<hbm>> -> memref<128x128xf32, #tpu.memory_space<hbm>>
          tpu.enqueue_dma source(%dma_start3A_124 : memref<128x128xf32, #tpu.memory_space<hbm>>) target(%arg9 : memref<128x128xf32, #tpu.memory_space<vmem>>) target_semaphore(%run_scoped3A : memref<!tpu.dma_semaphore, #tpu.memory_space<semaphore_mem>>)
          %dma_wait3A = arith.constant 0 : i32
          %dma_wait3A_125 = tpu.memref_slice %arg2[%mul3A_37, %dma_wait3A] : memref<800000x128xf32, #tpu.memory_space<hbm>> -> memref<128x128xf32, #tpu.memory_space<hbm>>
          %dma_wait3A_126 = arith.constant 0 : i32
          %dma_wait3A_127 = tpu.memref_slice %arg2[%mul3A_37, %dma_wait3A_126] : memref<800000x128xf32, #tpu.memory_space<hbm>> -> memref<128x128xf32, #tpu.memory_space<hbm>>
          tpu.wait_dma2 semaphore(%run_scoped3A : memref<!tpu.dma_semaphore, #tpu.memory_space<semaphore_mem>>) src(%dma_wait3A_127 : memref<128x128xf32, #tpu.memory_space<hbm>>) dst(%arg9 : memref<128x128xf32, #tpu.memory_space<vmem>>)
          tpu.yield
        }) : () -> ()
      } else {
      }
      %eq3A_117 = arith.constant 1 : i32
      %eq3A_118 = arith.cmpi eq, %arg0, %eq3A_117 : i32
      %convert_element_type3A_119 = arith.extui %eq3A_118 : i1 to i32
      %cond3A_120 = arith.constant 0 : i32
      %cond3A_121 = arith.cmpi ne, %convert_element_type3A_119, %cond3A_120 : i32
      scf.if %cond3A_121 {
        "tpu.region"() ({
          %run_scoped3A = tpu.sem_alloc : memref<!tpu.dma_semaphore, #tpu.memory_space<semaphore_mem>>
          %dma_start3A = arith.constant 0 : i32
          %dma_start3A_122 = tpu.memref_slice %arg3[%mul3A_37, %dma_start3A] : memref<800000x128xf32, #tpu.memory_space<hbm>> -> memref<128x128xf32, #tpu.memory_space<hbm>>
          %dma_start3A_123 = arith.constant 0 : i32
          %dma_start3A_124 = tpu.memref_slice %arg3[%mul3A_37, %dma_start3A_123] : memref<800000x128xf32, #tpu.memory_space<hbm>> -> memref<128x128xf32, #tpu.memory_space<hbm>>
          tpu.enqueue_dma source(%dma_start3A_124 : memref<128x128xf32, #tpu.memory_space<hbm>>) target(%arg9 : memref<128x128xf32, #tpu.memory_space<vmem>>) target_semaphore(%run_scoped3A : memref<!tpu.dma_semaphore, #tpu.memory_space<semaphore_mem>>)
          %dma_wait3A = arith.constant 0 : i32
          %dma_wait3A_125 = tpu.memref_slice %arg3[%mul3A_37, %dma_wait3A] : memref<800000x128xf32, #tpu.memory_space<hbm>> -> memref<128x128xf32, #tpu.memory_space<hbm>>
          %dma_wait3A_126 = arith.constant 0 : i32
          %dma_wait3A_127 = tpu.memref_slice %arg3[%mul3A_37, %dma_wait3A_126] : memref<800000x128xf32, #tpu.memory_space<hbm>> -> memref<128x128xf32, #tpu.memory_space<hbm>>
          tpu.wait_dma2 semaphore(%run_scoped3A : memref<!tpu.dma_semaphore, #tpu.memory_space<semaphore_mem>>) src(%dma_wait3A_127 : memref<128x128xf32, #tpu.memory_space<hbm>>) dst(%arg9 : memref<128x128xf32, #tpu.memory_space<vmem>>)
          tpu.yield
        }) : () -> ()
      } else {
      }
      "tpu.region"() ({
        %run_scoped3A = tpu.sem_alloc : memref<!tpu.dma_semaphore, #tpu.memory_space<semaphore_mem>>
        %dma_start3A = arith.constant 0 : i32
        %dma_start3A_122 = arith.constant 0 : i32
        %dma_start3A_123 = tpu.memref_slice %arg10[%dma_start3A, %dma_start3A_122] : memref<12544x128xf32, #tpu.memory_space<vmem_shared>> -> memref<12544x128xf32, #tpu.memory_space<vmem_shared>>
        tpu.enqueue_indirect_dma source(%arg9 : memref<128x128xf32, #tpu.memory_space<vmem>>) target(%dma_start3A_123 : memref<12544x128xf32, #tpu.memory_space<vmem_shared>>) offsets(%arg8 : memref<128xi32, #tpu.memory_space<vmem>>) semaphore(%run_scoped3A : memref<!tpu.dma_semaphore, #tpu.memory_space<semaphore_mem>>) {add = true}
        %dma_wait3A = arith.constant 0 : i32
        %dma_wait3A_124 = arith.constant 0 : i32
        %dma_wait3A_125 = tpu.memref_slice %arg10[%dma_wait3A, %dma_wait3A_124] : memref<12544x128xf32, #tpu.memory_space<vmem_shared>> -> memref<12544x128xf32, #tpu.memory_space<vmem_shared>>
        tpu.wait_indirect_dma semaphore(%run_scoped3A : memref<!tpu.dma_semaphore, #tpu.memory_space<semaphore_mem>>) src(%arg9 : memref<128x128xf32, #tpu.memory_space<vmem>>) dst(%dma_wait3A_125 : memref<12544x128xf32, #tpu.memory_space<vmem_shared>>)
        tpu.yield
      }) : () -> ()
    }
    %barrier3A_28 = arith.constant 0 : index
    tpu.barrier barrier_id(%barrier3A_28)
    %mul3A_29 = arith.constant 12544 : i32
    %mul3A_30 = arith.muli %arg0, %mul3A_29 : i32
    %add3A_31 = arith.addi %mul3A_30, %mul3A_0 : i32
    "tpu.region"() ({
      %run_scoped3A = tpu.sem_alloc : memref<!tpu.dma_semaphore, #tpu.memory_space<semaphore_mem>>
      %dma_start3A = arith.constant 0 : i32
      %dma_start3A_32 = tpu.memref_slice %arg6[%add3A_31, %dma_start3A] : memref<25088x128xf32, #tpu.memory_space<hbm>> -> memref<784x128xf32, #tpu.memory_space<hbm>>
      %dma_start3A_33 = arith.constant 0 : i32
      %dma_start3A_34 = tpu.memref_slice %arg10[%mul3A_0, %dma_start3A_33] : memref<12544x128xf32, #tpu.memory_space<vmem_shared>> -> memref<784x128xf32, #tpu.memory_space<vmem_shared>>
      tpu.enqueue_dma source(%dma_start3A_34 : memref<784x128xf32, #tpu.memory_space<vmem_shared>>) target(%dma_start3A_32 : memref<784x128xf32, #tpu.memory_space<hbm>>) target_semaphore(%run_scoped3A : memref<!tpu.dma_semaphore, #tpu.memory_space<semaphore_mem>>)
      %dma_wait3A = arith.constant 0 : i32
      %dma_wait3A_35 = tpu.memref_slice %arg6[%add3A_31, %dma_wait3A] : memref<25088x128xf32, #tpu.memory_space<hbm>> -> memref<784x128xf32, #tpu.memory_space<hbm>>
      %dma_wait3A_36 = arith.constant 0 : i32
      %dma_wait3A_37 = tpu.memref_slice %arg10[%mul3A_0, %dma_wait3A_36] : memref<12544x128xf32, #tpu.memory_space<vmem_shared>> -> memref<784x128xf32, #tpu.memory_space<vmem_shared>>
      tpu.wait_dma2 semaphore(%run_scoped3A : memref<!tpu.dma_semaphore, #tpu.memory_space<semaphore_mem>>) src(%dma_wait3A_37 : memref<784x128xf32, #tpu.memory_space<vmem_shared>>) dst(%dma_wait3A_35 : memref<784x128xf32, #tpu.memory_space<hbm>>)
      tpu.yield
    }) : () -> ()
    return
  }
}

#map = affine_map<(d0, d1) -> (0, 0)>
#map1 = affine_map<(d0, d1) -> (0)>
module attributes {stable_mosaic.version = 14 : i64} {
  func.func @sc_gather(%arg0: i32, %arg1: i32, %arg2: memref<50000x128xf32, #tpu.memory_space<hbm>>, %arg3: memref<50000x128xf32, #tpu.memory_space<hbm>>, %arg4: memref<800000xi32, #tpu.memory_space<hbm>>, %arg5: memref<800000xi32, #tpu.memory_space<hbm>>, %arg6: memref<800000x128xf32, #tpu.memory_space<hbm>>, %arg7: memref<800000x128xf32, #tpu.memory_space<hbm>>, %arg8: memref<128xi32, #tpu.memory_space<vmem>>, %arg9: memref<128xi32, #tpu.memory_space<vmem>>, %arg10: memref<128x128xf32, #tpu.memory_space<vmem>>, %arg11: memref<128x128xf32, #tpu.memory_space<vmem>>, %arg12: memref<!tpu.dma_semaphore, #tpu.memory_space<semaphore_mem>>) attributes {dimension_semantics = [#tpu.dimension_semantics<core_parallel>, #tpu.dimension_semantics<subcore_parallel>], iteration_bounds = array<i64: 2, 16>, scalar_prefetch = 0 : i64, scratch_operands = 5 : i64, tpu.core_type = #tpu.core_type<sc_vector_subcore>, window_params = [{transform_indices = #map}, {transform_indices = #map}, {transform_indices = #map1}, {transform_indices = #map1}, {transform_indices = #map}, {transform_indices = #map}]} {
    %mul3A = arith.constant 2 : i32
    %mul3A_0 = arith.muli %arg1, %mul3A : i32
    %add3A = arith.addi %mul3A_0, %arg0 : i32
    %sub3A = arith.constant 6250 : i32
    %sub3A_1 = arith.subi %sub3A, %add3A : i32
    %add3A_2 = arith.constant 31 : i32
    %add3A_3 = arith.addi %sub3A_1, %add3A_2 : i32
    %jit3A = arith.constant 32 : i32
    %div3A = arith.divsi %add3A_3, %jit3A : i32
    %sign3A = arith.constant 0 : i32
    %sign3A_4 = arith.cmpi sgt, %add3A_3, %sign3A : i32
    %sign3A_5 = arith.extui %sign3A_4 : i1 to i32
    %sign3A_6 = arith.constant 0 : i32
    %sign3A_7 = arith.cmpi slt, %add3A_3, %sign3A_6 : i32
    %sign3A_8 = arith.extui %sign3A_7 : i1 to i32
    %sign3A_9 = arith.subi %sign3A_5, %sign3A_8 : i32
    %sign3A_10 = arith.constant 0 : i32
    %sign3A_11 = arith.cmpi sgt, %jit3A, %sign3A_10 : i32
    %sign3A_12 = arith.extui %sign3A_11 : i1 to i32
    %sign3A_13 = arith.constant 0 : i32
    %sign3A_14 = arith.cmpi slt, %jit3A, %sign3A_13 : i32
    %sign3A_15 = arith.extui %sign3A_14 : i1 to i32
    %sign3A_16 = arith.subi %sign3A_12, %sign3A_15 : i32
    %ne3A = arith.cmpi ne, %sign3A_9, %sign3A_16 : i32
    %rem3A = arith.remsi %add3A_3, %jit3A : i32
    %ne3A_17 = arith.constant 0 : i32
    %ne3A_18 = arith.cmpi ne, %rem3A, %ne3A_17 : i32
    %and3A = arith.andi %ne3A, %ne3A_18 : i1
    %sub3A_19 = arith.constant 1 : i32
    %sub3A_20 = arith.subi %div3A, %sub3A_19 : i32
    %select_n3A = arith.select %and3A, %sub3A_20, %div3A : i32
    %while3A = arith.constant 0 : i32
    %while3A_21 = arith.subi %select_n3A, %while3A : i32
    %while3A_22 = arith.addi %while3A, %while3A_21 : i32
    %while3A_23 = arith.constant 1 : i32
    %while3A_24 = arith.divsi %while3A_21, %while3A_23 : i32
    %while3A_25 = arith.muli %while3A_24, %while3A_23 : i32
    %while3A_26 = arith.addi %while3A, %while3A_25 : i32
    %while3A_27 = arith.constant 1 : i32
    scf.for %while3A_29 = %while3A to %while3A_26 step %while3A_27  : i32 {
      %mul3A_30 = arith.constant 32 : i32
      %mul3A_31 = arith.muli %mul3A_30, %while3A_29 : i32
      %add3A_32 = arith.addi %add3A, %mul3A_31 : i32
      %mul3A_33 = arith.constant 128 : i32
      %mul3A_34 = arith.muli %add3A_32, %mul3A_33 : i32
      "tpu.region"() ({
        %run_scoped3A = tpu.sem_alloc : memref<!tpu.dma_semaphore, #tpu.memory_space<semaphore_mem>>
        %dma_start3A_45 = tpu.memref_slice %arg4[%mul3A_34] : memref<800000xi32, #tpu.memory_space<hbm>> -> memref<128xi32, #tpu.memory_space<hbm>>
        %dma_start3A_46 = tpu.memref_slice %arg4[%mul3A_34] : memref<800000xi32, #tpu.memory_space<hbm>> -> memref<128xi32, #tpu.memory_space<hbm>>
        tpu.enqueue_dma source(%dma_start3A_46 : memref<128xi32, #tpu.memory_space<hbm>>) target(%arg8 : memref<128xi32, #tpu.memory_space<vmem>>) target_semaphore(%run_scoped3A : memref<!tpu.dma_semaphore, #tpu.memory_space<semaphore_mem>>)
        %dma_wait3A_47 = tpu.memref_slice %arg4[%mul3A_34] : memref<800000xi32, #tpu.memory_space<hbm>> -> memref<128xi32, #tpu.memory_space<hbm>>
        %dma_wait3A_48 = tpu.memref_slice %arg4[%mul3A_34] : memref<800000xi32, #tpu.memory_space<hbm>> -> memref<128xi32, #tpu.memory_space<hbm>>
        tpu.wait_dma2 semaphore(%run_scoped3A : memref<!tpu.dma_semaphore, #tpu.memory_space<semaphore_mem>>) src(%dma_wait3A_48 : memref<128xi32, #tpu.memory_space<hbm>>) dst(%arg8 : memref<128xi32, #tpu.memory_space<vmem>>)
        tpu.yield
      }) : () -> ()
      "tpu.region"() ({
        %run_scoped3A = tpu.sem_alloc : memref<!tpu.dma_semaphore, #tpu.memory_space<semaphore_mem>>
        %dma_start3A_45 = tpu.memref_slice %arg5[%mul3A_34] : memref<800000xi32, #tpu.memory_space<hbm>> -> memref<128xi32, #tpu.memory_space<hbm>>
        %dma_start3A_46 = tpu.memref_slice %arg5[%mul3A_34] : memref<800000xi32, #tpu.memory_space<hbm>> -> memref<128xi32, #tpu.memory_space<hbm>>
        tpu.enqueue_dma source(%dma_start3A_46 : memref<128xi32, #tpu.memory_space<hbm>>) target(%arg9 : memref<128xi32, #tpu.memory_space<vmem>>) target_semaphore(%run_scoped3A : memref<!tpu.dma_semaphore, #tpu.memory_space<semaphore_mem>>)
        %dma_wait3A_47 = tpu.memref_slice %arg5[%mul3A_34] : memref<800000xi32, #tpu.memory_space<hbm>> -> memref<128xi32, #tpu.memory_space<hbm>>
        %dma_wait3A_48 = tpu.memref_slice %arg5[%mul3A_34] : memref<800000xi32, #tpu.memory_space<hbm>> -> memref<128xi32, #tpu.memory_space<hbm>>
        tpu.wait_dma2 semaphore(%run_scoped3A : memref<!tpu.dma_semaphore, #tpu.memory_space<semaphore_mem>>) src(%dma_wait3A_48 : memref<128xi32, #tpu.memory_space<hbm>>) dst(%arg9 : memref<128xi32, #tpu.memory_space<vmem>>)
        tpu.yield
      }) : () -> ()
      %dma_start3A = arith.constant 0 : i32
      %dma_start3A_35 = arith.constant 0 : i32
      %dma_start3A_36 = tpu.memref_slice %arg2[%dma_start3A, %dma_start3A_35] : memref<50000x128xf32, #tpu.memory_space<hbm>> -> memref<50000x128xf32, #tpu.memory_space<hbm>>
      tpu.enqueue_indirect_dma source(%dma_start3A_36 : memref<50000x128xf32, #tpu.memory_space<hbm>>) target(%arg10 : memref<128x128xf32, #tpu.memory_space<vmem>>) offsets(%arg9 : memref<128xi32, #tpu.memory_space<vmem>>) semaphore(%arg12 : memref<!tpu.dma_semaphore, #tpu.memory_space<semaphore_mem>>)
      %dma_start3A_37 = arith.constant 0 : i32
      %dma_start3A_38 = arith.constant 0 : i32
      %dma_start3A_39 = tpu.memref_slice %arg3[%dma_start3A_37, %dma_start3A_38] : memref<50000x128xf32, #tpu.memory_space<hbm>> -> memref<50000x128xf32, #tpu.memory_space<hbm>>
      tpu.enqueue_indirect_dma source(%dma_start3A_39 : memref<50000x128xf32, #tpu.memory_space<hbm>>) target(%arg11 : memref<128x128xf32, #tpu.memory_space<vmem>>) offsets(%arg8 : memref<128xi32, #tpu.memory_space<vmem>>) semaphore(%arg12 : memref<!tpu.dma_semaphore, #tpu.memory_space<semaphore_mem>>)
      %dma_wait3A = arith.constant 0 : i32
      %dma_wait3A_40 = arith.constant 0 : i32
      %dma_wait3A_41 = tpu.memref_slice %arg2[%dma_wait3A, %dma_wait3A_40] : memref<50000x128xf32, #tpu.memory_space<hbm>> -> memref<50000x128xf32, #tpu.memory_space<hbm>>
      tpu.wait_indirect_dma semaphore(%arg12 : memref<!tpu.dma_semaphore, #tpu.memory_space<semaphore_mem>>) src(%dma_wait3A_41 : memref<50000x128xf32, #tpu.memory_space<hbm>>) dst(%arg10 : memref<128x128xf32, #tpu.memory_space<vmem>>)
      %dma_wait3A_42 = arith.constant 0 : i32
      %dma_wait3A_43 = arith.constant 0 : i32
      %dma_wait3A_44 = tpu.memref_slice %arg3[%dma_wait3A_42, %dma_wait3A_43] : memref<50000x128xf32, #tpu.memory_space<hbm>> -> memref<50000x128xf32, #tpu.memory_space<hbm>>
      tpu.wait_indirect_dma semaphore(%arg12 : memref<!tpu.dma_semaphore, #tpu.memory_space<semaphore_mem>>) src(%dma_wait3A_44 : memref<50000x128xf32, #tpu.memory_space<hbm>>) dst(%arg11 : memref<128x128xf32, #tpu.memory_space<vmem>>)
      "tpu.region"() ({
        %run_scoped3A = tpu.sem_alloc : memref<!tpu.dma_semaphore, #tpu.memory_space<semaphore_mem>>
        %dma_start3A_45 = arith.constant 0 : i32
        %dma_start3A_46 = tpu.memref_slice %arg6[%mul3A_34, %dma_start3A_45] : memref<800000x128xf32, #tpu.memory_space<hbm>> -> memref<128x128xf32, #tpu.memory_space<hbm>>
        %dma_start3A_47 = arith.constant 0 : i32
        %dma_start3A_48 = tpu.memref_slice %arg6[%mul3A_34, %dma_start3A_47] : memref<800000x128xf32, #tpu.memory_space<hbm>> -> memref<128x128xf32, #tpu.memory_space<hbm>>
        tpu.enqueue_dma source(%arg10 : memref<128x128xf32, #tpu.memory_space<vmem>>) target(%dma_start3A_48 : memref<128x128xf32, #tpu.memory_space<hbm>>) target_semaphore(%run_scoped3A : memref<!tpu.dma_semaphore, #tpu.memory_space<semaphore_mem>>)
        %dma_wait3A_49 = arith.constant 0 : i32
        %dma_wait3A_50 = tpu.memref_slice %arg6[%mul3A_34, %dma_wait3A_49] : memref<800000x128xf32, #tpu.memory_space<hbm>> -> memref<128x128xf32, #tpu.memory_space<hbm>>
        %dma_wait3A_51 = arith.constant 0 : i32
        %dma_wait3A_52 = tpu.memref_slice %arg6[%mul3A_34, %dma_wait3A_51] : memref<800000x128xf32, #tpu.memory_space<hbm>> -> memref<128x128xf32, #tpu.memory_space<hbm>>
        tpu.wait_dma2 semaphore(%run_scoped3A : memref<!tpu.dma_semaphore, #tpu.memory_space<semaphore_mem>>) src(%arg10 : memref<128x128xf32, #tpu.memory_space<vmem>>) dst(%dma_wait3A_52 : memref<128x128xf32, #tpu.memory_space<hbm>>)
        tpu.yield
      }) : () -> ()
      "tpu.region"() ({
        %run_scoped3A = tpu.sem_alloc : memref<!tpu.dma_semaphore, #tpu.memory_space<semaphore_mem>>
        %dma_start3A_45 = arith.constant 0 : i32
        %dma_start3A_46 = tpu.memref_slice %arg7[%mul3A_34, %dma_start3A_45] : memref<800000x128xf32, #tpu.memory_space<hbm>> -> memref<128x128xf32, #tpu.memory_space<hbm>>
        %dma_start3A_47 = arith.constant 0 : i32
        %dma_start3A_48 = tpu.memref_slice %arg7[%mul3A_34, %dma_start3A_47] : memref<800000x128xf32, #tpu.memory_space<hbm>> -> memref<128x128xf32, #tpu.memory_space<hbm>>
        tpu.enqueue_dma source(%arg11 : memref<128x128xf32, #tpu.memory_space<vmem>>) target(%dma_start3A_48 : memref<128x128xf32, #tpu.memory_space<hbm>>) target_semaphore(%run_scoped3A : memref<!tpu.dma_semaphore, #tpu.memory_space<semaphore_mem>>)
        %dma_wait3A_49 = arith.constant 0 : i32
        %dma_wait3A_50 = tpu.memref_slice %arg7[%mul3A_34, %dma_wait3A_49] : memref<800000x128xf32, #tpu.memory_space<hbm>> -> memref<128x128xf32, #tpu.memory_space<hbm>>
        %dma_wait3A_51 = arith.constant 0 : i32
        %dma_wait3A_52 = tpu.memref_slice %arg7[%mul3A_34, %dma_wait3A_51] : memref<800000x128xf32, #tpu.memory_space<hbm>> -> memref<128x128xf32, #tpu.memory_space<hbm>>
        tpu.wait_dma2 semaphore(%run_scoped3A : memref<!tpu.dma_semaphore, #tpu.memory_space<semaphore_mem>>) src(%arg11 : memref<128x128xf32, #tpu.memory_space<vmem>>) dst(%dma_wait3A_52 : memref<128x128xf32, #tpu.memory_space<hbm>>)
        tpu.yield
      }) : () -> ()
    }
    %while3A_28 = arith.constant 1 : i32
    scf.for %while3A_29 = %while3A_26 to %while3A_22 step %while3A_28  : i32 {
      %mul3A_30 = arith.constant 32 : i32
      %mul3A_31 = arith.muli %mul3A_30, %while3A_29 : i32
      %add3A_32 = arith.addi %add3A, %mul3A_31 : i32
      %mul3A_33 = arith.constant 128 : i32
      %mul3A_34 = arith.muli %add3A_32, %mul3A_33 : i32
      "tpu.region"() ({
        %run_scoped3A = tpu.sem_alloc : memref<!tpu.dma_semaphore, #tpu.memory_space<semaphore_mem>>
        %dma_start3A_45 = tpu.memref_slice %arg4[%mul3A_34] : memref<800000xi32, #tpu.memory_space<hbm>> -> memref<128xi32, #tpu.memory_space<hbm>>
        %dma_start3A_46 = tpu.memref_slice %arg4[%mul3A_34] : memref<800000xi32, #tpu.memory_space<hbm>> -> memref<128xi32, #tpu.memory_space<hbm>>
        tpu.enqueue_dma source(%dma_start3A_46 : memref<128xi32, #tpu.memory_space<hbm>>) target(%arg8 : memref<128xi32, #tpu.memory_space<vmem>>) target_semaphore(%run_scoped3A : memref<!tpu.dma_semaphore, #tpu.memory_space<semaphore_mem>>)
        %dma_wait3A_47 = tpu.memref_slice %arg4[%mul3A_34] : memref<800000xi32, #tpu.memory_space<hbm>> -> memref<128xi32, #tpu.memory_space<hbm>>
        %dma_wait3A_48 = tpu.memref_slice %arg4[%mul3A_34] : memref<800000xi32, #tpu.memory_space<hbm>> -> memref<128xi32, #tpu.memory_space<hbm>>
        tpu.wait_dma2 semaphore(%run_scoped3A : memref<!tpu.dma_semaphore, #tpu.memory_space<semaphore_mem>>) src(%dma_wait3A_48 : memref<128xi32, #tpu.memory_space<hbm>>) dst(%arg8 : memref<128xi32, #tpu.memory_space<vmem>>)
        tpu.yield
      }) : () -> ()
      "tpu.region"() ({
        %run_scoped3A = tpu.sem_alloc : memref<!tpu.dma_semaphore, #tpu.memory_space<semaphore_mem>>
        %dma_start3A_45 = tpu.memref_slice %arg5[%mul3A_34] : memref<800000xi32, #tpu.memory_space<hbm>> -> memref<128xi32, #tpu.memory_space<hbm>>
        %dma_start3A_46 = tpu.memref_slice %arg5[%mul3A_34] : memref<800000xi32, #tpu.memory_space<hbm>> -> memref<128xi32, #tpu.memory_space<hbm>>
        tpu.enqueue_dma source(%dma_start3A_46 : memref<128xi32, #tpu.memory_space<hbm>>) target(%arg9 : memref<128xi32, #tpu.memory_space<vmem>>) target_semaphore(%run_scoped3A : memref<!tpu.dma_semaphore, #tpu.memory_space<semaphore_mem>>)
        %dma_wait3A_47 = tpu.memref_slice %arg5[%mul3A_34] : memref<800000xi32, #tpu.memory_space<hbm>> -> memref<128xi32, #tpu.memory_space<hbm>>
        %dma_wait3A_48 = tpu.memref_slice %arg5[%mul3A_34] : memref<800000xi32, #tpu.memory_space<hbm>> -> memref<128xi32, #tpu.memory_space<hbm>>
        tpu.wait_dma2 semaphore(%run_scoped3A : memref<!tpu.dma_semaphore, #tpu.memory_space<semaphore_mem>>) src(%dma_wait3A_48 : memref<128xi32, #tpu.memory_space<hbm>>) dst(%arg9 : memref<128xi32, #tpu.memory_space<vmem>>)
        tpu.yield
      }) : () -> ()
      %dma_start3A = arith.constant 0 : i32
      %dma_start3A_35 = arith.constant 0 : i32
      %dma_start3A_36 = tpu.memref_slice %arg2[%dma_start3A, %dma_start3A_35] : memref<50000x128xf32, #tpu.memory_space<hbm>> -> memref<50000x128xf32, #tpu.memory_space<hbm>>
      tpu.enqueue_indirect_dma source(%dma_start3A_36 : memref<50000x128xf32, #tpu.memory_space<hbm>>) target(%arg10 : memref<128x128xf32, #tpu.memory_space<vmem>>) offsets(%arg9 : memref<128xi32, #tpu.memory_space<vmem>>) semaphore(%arg12 : memref<!tpu.dma_semaphore, #tpu.memory_space<semaphore_mem>>)
      %dma_start3A_37 = arith.constant 0 : i32
      %dma_start3A_38 = arith.constant 0 : i32
      %dma_start3A_39 = tpu.memref_slice %arg3[%dma_start3A_37, %dma_start3A_38] : memref<50000x128xf32, #tpu.memory_space<hbm>> -> memref<50000x128xf32, #tpu.memory_space<hbm>>
      tpu.enqueue_indirect_dma source(%dma_start3A_39 : memref<50000x128xf32, #tpu.memory_space<hbm>>) target(%arg11 : memref<128x128xf32, #tpu.memory_space<vmem>>) offsets(%arg8 : memref<128xi32, #tpu.memory_space<vmem>>) semaphore(%arg12 : memref<!tpu.dma_semaphore, #tpu.memory_space<semaphore_mem>>)
      %dma_wait3A = arith.constant 0 : i32
      %dma_wait3A_40 = arith.constant 0 : i32
      %dma_wait3A_41 = tpu.memref_slice %arg2[%dma_wait3A, %dma_wait3A_40] : memref<50000x128xf32, #tpu.memory_space<hbm>> -> memref<50000x128xf32, #tpu.memory_space<hbm>>
      tpu.wait_indirect_dma semaphore(%arg12 : memref<!tpu.dma_semaphore, #tpu.memory_space<semaphore_mem>>) src(%dma_wait3A_41 : memref<50000x128xf32, #tpu.memory_space<hbm>>) dst(%arg10 : memref<128x128xf32, #tpu.memory_space<vmem>>)
      %dma_wait3A_42 = arith.constant 0 : i32
      %dma_wait3A_43 = arith.constant 0 : i32
      %dma_wait3A_44 = tpu.memref_slice %arg3[%dma_wait3A_42, %dma_wait3A_43] : memref<50000x128xf32, #tpu.memory_space<hbm>> -> memref<50000x128xf32, #tpu.memory_space<hbm>>
      tpu.wait_indirect_dma semaphore(%arg12 : memref<!tpu.dma_semaphore, #tpu.memory_space<semaphore_mem>>) src(%dma_wait3A_44 : memref<50000x128xf32, #tpu.memory_space<hbm>>) dst(%arg11 : memref<128x128xf32, #tpu.memory_space<vmem>>)
      "tpu.region"() ({
        %run_scoped3A = tpu.sem_alloc : memref<!tpu.dma_semaphore, #tpu.memory_space<semaphore_mem>>
        %dma_start3A_45 = arith.constant 0 : i32
        %dma_start3A_46 = tpu.memref_slice %arg6[%mul3A_34, %dma_start3A_45] : memref<800000x128xf32, #tpu.memory_space<hbm>> -> memref<128x128xf32, #tpu.memory_space<hbm>>
        %dma_start3A_47 = arith.constant 0 : i32
        %dma_start3A_48 = tpu.memref_slice %arg6[%mul3A_34, %dma_start3A_47] : memref<800000x128xf32, #tpu.memory_space<hbm>> -> memref<128x128xf32, #tpu.memory_space<hbm>>
        tpu.enqueue_dma source(%arg10 : memref<128x128xf32, #tpu.memory_space<vmem>>) target(%dma_start3A_48 : memref<128x128xf32, #tpu.memory_space<hbm>>) target_semaphore(%run_scoped3A : memref<!tpu.dma_semaphore, #tpu.memory_space<semaphore_mem>>)
        %dma_wait3A_49 = arith.constant 0 : i32
        %dma_wait3A_50 = tpu.memref_slice %arg6[%mul3A_34, %dma_wait3A_49] : memref<800000x128xf32, #tpu.memory_space<hbm>> -> memref<128x128xf32, #tpu.memory_space<hbm>>
        %dma_wait3A_51 = arith.constant 0 : i32
        %dma_wait3A_52 = tpu.memref_slice %arg6[%mul3A_34, %dma_wait3A_51] : memref<800000x128xf32, #tpu.memory_space<hbm>> -> memref<128x128xf32, #tpu.memory_space<hbm>>
        tpu.wait_dma2 semaphore(%run_scoped3A : memref<!tpu.dma_semaphore, #tpu.memory_space<semaphore_mem>>) src(%arg10 : memref<128x128xf32, #tpu.memory_space<vmem>>) dst(%dma_wait3A_52 : memref<128x128xf32, #tpu.memory_space<hbm>>)
        tpu.yield
      }) : () -> ()
      "tpu.region"() ({
        %run_scoped3A = tpu.sem_alloc : memref<!tpu.dma_semaphore, #tpu.memory_space<semaphore_mem>>
        %dma_start3A_45 = arith.constant 0 : i32
        %dma_start3A_46 = tpu.memref_slice %arg7[%mul3A_34, %dma_start3A_45] : memref<800000x128xf32, #tpu.memory_space<hbm>> -> memref<128x128xf32, #tpu.memory_space<hbm>>
        %dma_start3A_47 = arith.constant 0 : i32
        %dma_start3A_48 = tpu.memref_slice %arg7[%mul3A_34, %dma_start3A_47] : memref<800000x128xf32, #tpu.memory_space<hbm>> -> memref<128x128xf32, #tpu.memory_space<hbm>>
        tpu.enqueue_dma source(%arg11 : memref<128x128xf32, #tpu.memory_space<vmem>>) target(%dma_start3A_48 : memref<128x128xf32, #tpu.memory_space<hbm>>) target_semaphore(%run_scoped3A : memref<!tpu.dma_semaphore, #tpu.memory_space<semaphore_mem>>)
        %dma_wait3A_49 = arith.constant 0 : i32
        %dma_wait3A_50 = tpu.memref_slice %arg7[%mul3A_34, %dma_wait3A_49] : memref<800000x128xf32, #tpu.memory_space<hbm>> -> memref<128x128xf32, #tpu.memory_space<hbm>>
        %dma_wait3A_51 = arith.constant 0 : i32
        %dma_wait3A_52 = tpu.memref_slice %arg7[%mul3A_34, %dma_wait3A_51] : memref<800000x128xf32, #tpu.memory_space<hbm>> -> memref<128x128xf32, #tpu.memory_space<hbm>>
        tpu.wait_dma2 semaphore(%run_scoped3A : memref<!tpu.dma_semaphore, #tpu.memory_space<semaphore_mem>>) src(%arg11 : memref<128x128xf32, #tpu.memory_space<vmem>>) dst(%dma_wait3A_52 : memref<128x128xf32, #tpu.memory_space<hbm>>)
        tpu.yield
      }) : () -> ()
    }
    return
  }
}

#map = affine_map<(d0, d1) -> (0, 0)>
#map1 = affine_map<(d0, d1) -> (0)>
module attributes {stable_mosaic.version = 14 : i64} {
  func.func @sc_gather(%arg0: i32, %arg1: i32, %arg2: memref<50000x128xf32, #tpu.memory_space<hbm>>, %arg3: memref<50000x128xf32, #tpu.memory_space<hbm>>, %arg4: memref<800000xi32, #tpu.memory_space<hbm>>, %arg5: memref<800000xi32, #tpu.memory_space<hbm>>, %arg6: memref<800000x128xf32, #tpu.memory_space<hbm>>, %arg7: memref<800000x128xf32, #tpu.memory_space<hbm>>, %arg8: memref<128xi32, #tpu.memory_space<vmem>>, %arg9: memref<128xi32, #tpu.memory_space<vmem>>, %arg10: memref<128x128xf32, #tpu.memory_space<vmem>>, %arg11: memref<128x128xf32, #tpu.memory_space<vmem>>, %arg12: memref<!tpu.dma_semaphore, #tpu.memory_space<semaphore_mem>>) attributes {dimension_semantics = [#tpu.dimension_semantics<core_parallel>, #tpu.dimension_semantics<subcore_parallel>], iteration_bounds = array<i64: 2, 16>, scalar_prefetch = 0 : i64, scratch_operands = 5 : i64, tpu.core_type = #tpu.core_type<sc_vector_subcore>, window_params = [{transform_indices = #map}, {transform_indices = #map}, {transform_indices = #map1}, {transform_indices = #map1}, {transform_indices = #map}, {transform_indices = #map}]} {
    %mul3A = arith.constant 2 : i32
    %mul3A_0 = arith.muli %arg1, %mul3A : i32
    %add3A = arith.addi %mul3A_0, %arg0 : i32
    %sub3A = arith.constant 6250 : i32
    %sub3A_1 = arith.subi %sub3A, %add3A : i32
    %add3A_2 = arith.constant 31 : i32
    %add3A_3 = arith.addi %sub3A_1, %add3A_2 : i32
    %jit3A = arith.constant 32 : i32
    %div3A = arith.divsi %add3A_3, %jit3A : i32
    %sign3A = arith.constant 0 : i32
    %sign3A_4 = arith.cmpi sgt, %add3A_3, %sign3A : i32
    %sign3A_5 = arith.extui %sign3A_4 : i1 to i32
    %sign3A_6 = arith.constant 0 : i32
    %sign3A_7 = arith.cmpi slt, %add3A_3, %sign3A_6 : i32
    %sign3A_8 = arith.extui %sign3A_7 : i1 to i32
    %sign3A_9 = arith.subi %sign3A_5, %sign3A_8 : i32
    %sign3A_10 = arith.constant 0 : i32
    %sign3A_11 = arith.cmpi sgt, %jit3A, %sign3A_10 : i32
    %sign3A_12 = arith.extui %sign3A_11 : i1 to i32
    %sign3A_13 = arith.constant 0 : i32
    %sign3A_14 = arith.cmpi slt, %jit3A, %sign3A_13 : i32
    %sign3A_15 = arith.extui %sign3A_14 : i1 to i32
    %sign3A_16 = arith.subi %sign3A_12, %sign3A_15 : i32
    %ne3A = arith.cmpi ne, %sign3A_9, %sign3A_16 : i32
    %rem3A = arith.remsi %add3A_3, %jit3A : i32
    %ne3A_17 = arith.constant 0 : i32
    %ne3A_18 = arith.cmpi ne, %rem3A, %ne3A_17 : i32
    %and3A = arith.andi %ne3A, %ne3A_18 : i1
    %sub3A_19 = arith.constant 1 : i32
    %sub3A_20 = arith.subi %div3A, %sub3A_19 : i32
    %select_n3A = arith.select %and3A, %sub3A_20, %div3A : i32
    %while3A = arith.constant 0 : i32
    %while3A_21 = arith.subi %select_n3A, %while3A : i32
    %while3A_22 = arith.addi %while3A, %while3A_21 : i32
    %while3A_23 = arith.constant 1 : i32
    %while3A_24 = arith.divsi %while3A_21, %while3A_23 : i32
    %while3A_25 = arith.muli %while3A_24, %while3A_23 : i32
    %while3A_26 = arith.addi %while3A, %while3A_25 : i32
    %while3A_27 = arith.constant 1 : i32
    scf.for %while3A_29 = %while3A to %while3A_26 step %while3A_27  : i32 {
      %mul3A_30 = arith.constant 32 : i32
      %mul3A_31 = arith.muli %mul3A_30, %while3A_29 : i32
      %add3A_32 = arith.addi %add3A, %mul3A_31 : i32
      %mul3A_33 = arith.constant 128 : i32
      %mul3A_34 = arith.muli %add3A_32, %mul3A_33 : i32
      "tpu.region"() ({
        %run_scoped3A = tpu.sem_alloc : memref<!tpu.dma_semaphore, #tpu.memory_space<semaphore_mem>>
        %dma_start3A_45 = tpu.memref_slice %arg4[%mul3A_34] : memref<800000xi32, #tpu.memory_space<hbm>> -> memref<128xi32, #tpu.memory_space<hbm>>
        %dma_start3A_46 = tpu.memref_slice %arg4[%mul3A_34] : memref<800000xi32, #tpu.memory_space<hbm>> -> memref<128xi32, #tpu.memory_space<hbm>>
        tpu.enqueue_dma source(%dma_start3A_46 : memref<128xi32, #tpu.memory_space<hbm>>) target(%arg8 : memref<128xi32, #tpu.memory_space<vmem>>) target_semaphore(%run_scoped3A : memref<!tpu.dma_semaphore, #tpu.memory_space<semaphore_mem>>)
        %dma_wait3A_47 = tpu.memref_slice %arg4[%mul3A_34] : memref<800000xi32, #tpu.memory_space<hbm>> -> memref<128xi32, #tpu.memory_space<hbm>>
        %dma_wait3A_48 = tpu.memref_slice %arg4[%mul3A_34] : memref<800000xi32, #tpu.memory_space<hbm>> -> memref<128xi32, #tpu.memory_space<hbm>>
        tpu.wait_dma2 semaphore(%run_scoped3A : memref<!tpu.dma_semaphore, #tpu.memory_space<semaphore_mem>>) src(%dma_wait3A_48 : memref<128xi32, #tpu.memory_space<hbm>>) dst(%arg8 : memref<128xi32, #tpu.memory_space<vmem>>)
        tpu.yield
      }) : () -> ()
      "tpu.region"() ({
        %run_scoped3A = tpu.sem_alloc : memref<!tpu.dma_semaphore, #tpu.memory_space<semaphore_mem>>
        %dma_start3A_45 = tpu.memref_slice %arg5[%mul3A_34] : memref<800000xi32, #tpu.memory_space<hbm>> -> memref<128xi32, #tpu.memory_space<hbm>>
        %dma_start3A_46 = tpu.memref_slice %arg5[%mul3A_34] : memref<800000xi32, #tpu.memory_space<hbm>> -> memref<128xi32, #tpu.memory_space<hbm>>
        tpu.enqueue_dma source(%dma_start3A_46 : memref<128xi32, #tpu.memory_space<hbm>>) target(%arg9 : memref<128xi32, #tpu.memory_space<vmem>>) target_semaphore(%run_scoped3A : memref<!tpu.dma_semaphore, #tpu.memory_space<semaphore_mem>>)
        %dma_wait3A_47 = tpu.memref_slice %arg5[%mul3A_34] : memref<800000xi32, #tpu.memory_space<hbm>> -> memref<128xi32, #tpu.memory_space<hbm>>
        %dma_wait3A_48 = tpu.memref_slice %arg5[%mul3A_34] : memref<800000xi32, #tpu.memory_space<hbm>> -> memref<128xi32, #tpu.memory_space<hbm>>
        tpu.wait_dma2 semaphore(%run_scoped3A : memref<!tpu.dma_semaphore, #tpu.memory_space<semaphore_mem>>) src(%dma_wait3A_48 : memref<128xi32, #tpu.memory_space<hbm>>) dst(%arg9 : memref<128xi32, #tpu.memory_space<vmem>>)
        tpu.yield
      }) : () -> ()
      %dma_start3A = arith.constant 0 : i32
      %dma_start3A_35 = arith.constant 0 : i32
      %dma_start3A_36 = tpu.memref_slice %arg2[%dma_start3A, %dma_start3A_35] : memref<50000x128xf32, #tpu.memory_space<hbm>> -> memref<50000x128xf32, #tpu.memory_space<hbm>>
      tpu.enqueue_indirect_dma source(%dma_start3A_36 : memref<50000x128xf32, #tpu.memory_space<hbm>>) target(%arg10 : memref<128x128xf32, #tpu.memory_space<vmem>>) offsets(%arg9 : memref<128xi32, #tpu.memory_space<vmem>>) semaphore(%arg12 : memref<!tpu.dma_semaphore, #tpu.memory_space<semaphore_mem>>)
      %dma_start3A_37 = arith.constant 0 : i32
      %dma_start3A_38 = arith.constant 0 : i32
      %dma_start3A_39 = tpu.memref_slice %arg3[%dma_start3A_37, %dma_start3A_38] : memref<50000x128xf32, #tpu.memory_space<hbm>> -> memref<50000x128xf32, #tpu.memory_space<hbm>>
      tpu.enqueue_indirect_dma source(%dma_start3A_39 : memref<50000x128xf32, #tpu.memory_space<hbm>>) target(%arg11 : memref<128x128xf32, #tpu.memory_space<vmem>>) offsets(%arg8 : memref<128xi32, #tpu.memory_space<vmem>>) semaphore(%arg12 : memref<!tpu.dma_semaphore, #tpu.memory_space<semaphore_mem>>)
      %dma_wait3A = arith.constant 0 : i32
      %dma_wait3A_40 = arith.constant 0 : i32
      %dma_wait3A_41 = tpu.memref_slice %arg2[%dma_wait3A, %dma_wait3A_40] : memref<50000x128xf32, #tpu.memory_space<hbm>> -> memref<50000x128xf32, #tpu.memory_space<hbm>>
      tpu.wait_indirect_dma semaphore(%arg12 : memref<!tpu.dma_semaphore, #tpu.memory_space<semaphore_mem>>) src(%dma_wait3A_41 : memref<50000x128xf32, #tpu.memory_space<hbm>>) dst(%arg10 : memref<128x128xf32, #tpu.memory_space<vmem>>)
      %dma_wait3A_42 = arith.constant 0 : i32
      %dma_wait3A_43 = arith.constant 0 : i32
      %dma_wait3A_44 = tpu.memref_slice %arg3[%dma_wait3A_42, %dma_wait3A_43] : memref<50000x128xf32, #tpu.memory_space<hbm>> -> memref<50000x128xf32, #tpu.memory_space<hbm>>
      tpu.wait_indirect_dma semaphore(%arg12 : memref<!tpu.dma_semaphore, #tpu.memory_space<semaphore_mem>>) src(%dma_wait3A_44 : memref<50000x128xf32, #tpu.memory_space<hbm>>) dst(%arg11 : memref<128x128xf32, #tpu.memory_space<vmem>>)
      "tpu.region"() ({
        %run_scoped3A = tpu.sem_alloc : memref<!tpu.dma_semaphore, #tpu.memory_space<semaphore_mem>>
        %dma_start3A_45 = arith.constant 0 : i32
        %dma_start3A_46 = tpu.memref_slice %arg6[%mul3A_34, %dma_start3A_45] : memref<800000x128xf32, #tpu.memory_space<hbm>> -> memref<128x128xf32, #tpu.memory_space<hbm>>
        %dma_start3A_47 = arith.constant 0 : i32
        %dma_start3A_48 = tpu.memref_slice %arg6[%mul3A_34, %dma_start3A_47] : memref<800000x128xf32, #tpu.memory_space<hbm>> -> memref<128x128xf32, #tpu.memory_space<hbm>>
        tpu.enqueue_dma source(%arg10 : memref<128x128xf32, #tpu.memory_space<vmem>>) target(%dma_start3A_48 : memref<128x128xf32, #tpu.memory_space<hbm>>) target_semaphore(%run_scoped3A : memref<!tpu.dma_semaphore, #tpu.memory_space<semaphore_mem>>)
        %dma_wait3A_49 = arith.constant 0 : i32
        %dma_wait3A_50 = tpu.memref_slice %arg6[%mul3A_34, %dma_wait3A_49] : memref<800000x128xf32, #tpu.memory_space<hbm>> -> memref<128x128xf32, #tpu.memory_space<hbm>>
        %dma_wait3A_51 = arith.constant 0 : i32
        %dma_wait3A_52 = tpu.memref_slice %arg6[%mul3A_34, %dma_wait3A_51] : memref<800000x128xf32, #tpu.memory_space<hbm>> -> memref<128x128xf32, #tpu.memory_space<hbm>>
        tpu.wait_dma2 semaphore(%run_scoped3A : memref<!tpu.dma_semaphore, #tpu.memory_space<semaphore_mem>>) src(%arg10 : memref<128x128xf32, #tpu.memory_space<vmem>>) dst(%dma_wait3A_52 : memref<128x128xf32, #tpu.memory_space<hbm>>)
        tpu.yield
      }) : () -> ()
      "tpu.region"() ({
        %run_scoped3A = tpu.sem_alloc : memref<!tpu.dma_semaphore, #tpu.memory_space<semaphore_mem>>
        %dma_start3A_45 = arith.constant 0 : i32
        %dma_start3A_46 = tpu.memref_slice %arg7[%mul3A_34, %dma_start3A_45] : memref<800000x128xf32, #tpu.memory_space<hbm>> -> memref<128x128xf32, #tpu.memory_space<hbm>>
        %dma_start3A_47 = arith.constant 0 : i32
        %dma_start3A_48 = tpu.memref_slice %arg7[%mul3A_34, %dma_start3A_47] : memref<800000x128xf32, #tpu.memory_space<hbm>> -> memref<128x128xf32, #tpu.memory_space<hbm>>
        tpu.enqueue_dma source(%arg11 : memref<128x128xf32, #tpu.memory_space<vmem>>) target(%dma_start3A_48 : memref<128x128xf32, #tpu.memory_space<hbm>>) target_semaphore(%run_scoped3A : memref<!tpu.dma_semaphore, #tpu.memory_space<semaphore_mem>>)
        %dma_wait3A_49 = arith.constant 0 : i32
        %dma_wait3A_50 = tpu.memref_slice %arg7[%mul3A_34, %dma_wait3A_49] : memref<800000x128xf32, #tpu.memory_space<hbm>> -> memref<128x128xf32, #tpu.memory_space<hbm>>
        %dma_wait3A_51 = arith.constant 0 : i32
        %dma_wait3A_52 = tpu.memref_slice %arg7[%mul3A_34, %dma_wait3A_51] : memref<800000x128xf32, #tpu.memory_space<hbm>> -> memref<128x128xf32, #tpu.memory_space<hbm>>
        tpu.wait_dma2 semaphore(%run_scoped3A : memref<!tpu.dma_semaphore, #tpu.memory_space<semaphore_mem>>) src(%arg11 : memref<128x128xf32, #tpu.memory_space<vmem>>) dst(%dma_wait3A_52 : memref<128x128xf32, #tpu.memory_space<hbm>>)
        tpu.yield
      }) : () -> ()
    }
    %while3A_28 = arith.constant 1 : i32
    scf.for %while3A_29 = %while3A_26 to %while3A_22 step %while3A_28  : i32 {
      %mul3A_30 = arith.constant 32 : i32
      %mul3A_31 = arith.muli %mul3A_30, %while3A_29 : i32
      %add3A_32 = arith.addi %add3A, %mul3A_31 : i32
      %mul3A_33 = arith.constant 128 : i32
      %mul3A_34 = arith.muli %add3A_32, %mul3A_33 : i32
      "tpu.region"() ({
        %run_scoped3A = tpu.sem_alloc : memref<!tpu.dma_semaphore, #tpu.memory_space<semaphore_mem>>
        %dma_start3A_45 = tpu.memref_slice %arg4[%mul3A_34] : memref<800000xi32, #tpu.memory_space<hbm>> -> memref<128xi32, #tpu.memory_space<hbm>>
        %dma_start3A_46 = tpu.memref_slice %arg4[%mul3A_34] : memref<800000xi32, #tpu.memory_space<hbm>> -> memref<128xi32, #tpu.memory_space<hbm>>
        tpu.enqueue_dma source(%dma_start3A_46 : memref<128xi32, #tpu.memory_space<hbm>>) target(%arg8 : memref<128xi32, #tpu.memory_space<vmem>>) target_semaphore(%run_scoped3A : memref<!tpu.dma_semaphore, #tpu.memory_space<semaphore_mem>>)
        %dma_wait3A_47 = tpu.memref_slice %arg4[%mul3A_34] : memref<800000xi32, #tpu.memory_space<hbm>> -> memref<128xi32, #tpu.memory_space<hbm>>
        %dma_wait3A_48 = tpu.memref_slice %arg4[%mul3A_34] : memref<800000xi32, #tpu.memory_space<hbm>> -> memref<128xi32, #tpu.memory_space<hbm>>
        tpu.wait_dma2 semaphore(%run_scoped3A : memref<!tpu.dma_semaphore, #tpu.memory_space<semaphore_mem>>) src(%dma_wait3A_48 : memref<128xi32, #tpu.memory_space<hbm>>) dst(%arg8 : memref<128xi32, #tpu.memory_space<vmem>>)
        tpu.yield
      }) : () -> ()
      "tpu.region"() ({
        %run_scoped3A = tpu.sem_alloc : memref<!tpu.dma_semaphore, #tpu.memory_space<semaphore_mem>>
        %dma_start3A_45 = tpu.memref_slice %arg5[%mul3A_34] : memref<800000xi32, #tpu.memory_space<hbm>> -> memref<128xi32, #tpu.memory_space<hbm>>
        %dma_start3A_46 = tpu.memref_slice %arg5[%mul3A_34] : memref<800000xi32, #tpu.memory_space<hbm>> -> memref<128xi32, #tpu.memory_space<hbm>>
        tpu.enqueue_dma source(%dma_start3A_46 : memref<128xi32, #tpu.memory_space<hbm>>) target(%arg9 : memref<128xi32, #tpu.memory_space<vmem>>) target_semaphore(%run_scoped3A : memref<!tpu.dma_semaphore, #tpu.memory_space<semaphore_mem>>)
        %dma_wait3A_47 = tpu.memref_slice %arg5[%mul3A_34] : memref<800000xi32, #tpu.memory_space<hbm>> -> memref<128xi32, #tpu.memory_space<hbm>>
        %dma_wait3A_48 = tpu.memref_slice %arg5[%mul3A_34] : memref<800000xi32, #tpu.memory_space<hbm>> -> memref<128xi32, #tpu.memory_space<hbm>>
        tpu.wait_dma2 semaphore(%run_scoped3A : memref<!tpu.dma_semaphore, #tpu.memory_space<semaphore_mem>>) src(%dma_wait3A_48 : memref<128xi32, #tpu.memory_space<hbm>>) dst(%arg9 : memref<128xi32, #tpu.memory_space<vmem>>)
        tpu.yield
      }) : () -> ()
      %dma_start3A = arith.constant 0 : i32
      %dma_start3A_35 = arith.constant 0 : i32
      %dma_start3A_36 = tpu.memref_slice %arg2[%dma_start3A, %dma_start3A_35] : memref<50000x128xf32, #tpu.memory_space<hbm>> -> memref<50000x128xf32, #tpu.memory_space<hbm>>
      tpu.enqueue_indirect_dma source(%dma_start3A_36 : memref<50000x128xf32, #tpu.memory_space<hbm>>) target(%arg10 : memref<128x128xf32, #tpu.memory_space<vmem>>) offsets(%arg9 : memref<128xi32, #tpu.memory_space<vmem>>) semaphore(%arg12 : memref<!tpu.dma_semaphore, #tpu.memory_space<semaphore_mem>>)
      %dma_start3A_37 = arith.constant 0 : i32
      %dma_start3A_38 = arith.constant 0 : i32
      %dma_start3A_39 = tpu.memref_slice %arg3[%dma_start3A_37, %dma_start3A_38] : memref<50000x128xf32, #tpu.memory_space<hbm>> -> memref<50000x128xf32, #tpu.memory_space<hbm>>
      tpu.enqueue_indirect_dma source(%dma_start3A_39 : memref<50000x128xf32, #tpu.memory_space<hbm>>) target(%arg11 : memref<128x128xf32, #tpu.memory_space<vmem>>) offsets(%arg8 : memref<128xi32, #tpu.memory_space<vmem>>) semaphore(%arg12 : memref<!tpu.dma_semaphore, #tpu.memory_space<semaphore_mem>>)
      %dma_wait3A = arith.constant 0 : i32
      %dma_wait3A_40 = arith.constant 0 : i32
      %dma_wait3A_41 = tpu.memref_slice %arg2[%dma_wait3A, %dma_wait3A_40] : memref<50000x128xf32, #tpu.memory_space<hbm>> -> memref<50000x128xf32, #tpu.memory_space<hbm>>
      tpu.wait_indirect_dma semaphore(%arg12 : memref<!tpu.dma_semaphore, #tpu.memory_space<semaphore_mem>>) src(%dma_wait3A_41 : memref<50000x128xf32, #tpu.memory_space<hbm>>) dst(%arg10 : memref<128x128xf32, #tpu.memory_space<vmem>>)
      %dma_wait3A_42 = arith.constant 0 : i32
      %dma_wait3A_43 = arith.constant 0 : i32
      %dma_wait3A_44 = tpu.memref_slice %arg3[%dma_wait3A_42, %dma_wait3A_43] : memref<50000x128xf32, #tpu.memory_space<hbm>> -> memref<50000x128xf32, #tpu.memory_space<hbm>>
      tpu.wait_indirect_dma semaphore(%arg12 : memref<!tpu.dma_semaphore, #tpu.memory_space<semaphore_mem>>) src(%dma_wait3A_44 : memref<50000x128xf32, #tpu.memory_space<hbm>>) dst(%arg11 : memref<128x128xf32, #tpu.memory_space<vmem>>)
      "tpu.region"() ({
        %run_scoped3A = tpu.sem_alloc : memref<!tpu.dma_semaphore, #tpu.memory_space<semaphore_mem>>
        %dma_start3A_45 = arith.constant 0 : i32
        %dma_start3A_46 = tpu.memref_slice %arg6[%mul3A_34, %dma_start3A_45] : memref<800000x128xf32, #tpu.memory_space<hbm>> -> memref<128x128xf32, #tpu.memory_space<hbm>>
        %dma_start3A_47 = arith.constant 0 : i32
        %dma_start3A_48 = tpu.memref_slice %arg6[%mul3A_34, %dma_start3A_47] : memref<800000x128xf32, #tpu.memory_space<hbm>> -> memref<128x128xf32, #tpu.memory_space<hbm>>
        tpu.enqueue_dma source(%arg10 : memref<128x128xf32, #tpu.memory_space<vmem>>) target(%dma_start3A_48 : memref<128x128xf32, #tpu.memory_space<hbm>>) target_semaphore(%run_scoped3A : memref<!tpu.dma_semaphore, #tpu.memory_space<semaphore_mem>>)
        %dma_wait3A_49 = arith.constant 0 : i32
        %dma_wait3A_50 = tpu.memref_slice %arg6[%mul3A_34, %dma_wait3A_49] : memref<800000x128xf32, #tpu.memory_space<hbm>> -> memref<128x128xf32, #tpu.memory_space<hbm>>
        %dma_wait3A_51 = arith.constant 0 : i32
        %dma_wait3A_52 = tpu.memref_slice %arg6[%mul3A_34, %dma_wait3A_51] : memref<800000x128xf32, #tpu.memory_space<hbm>> -> memref<128x128xf32, #tpu.memory_space<hbm>>
        tpu.wait_dma2 semaphore(%run_scoped3A : memref<!tpu.dma_semaphore, #tpu.memory_space<semaphore_mem>>) src(%arg10 : memref<128x128xf32, #tpu.memory_space<vmem>>) dst(%dma_wait3A_52 : memref<128x128xf32, #tpu.memory_space<hbm>>)
        tpu.yield
      }) : () -> ()
      "tpu.region"() ({
        %run_scoped3A = tpu.sem_alloc : memref<!tpu.dma_semaphore, #tpu.memory_space<semaphore_mem>>
        %dma_start3A_45 = arith.constant 0 : i32
        %dma_start3A_46 = tpu.memref_slice %arg7[%mul3A_34, %dma_start3A_45] : memref<800000x128xf32, #tpu.memory_space<hbm>> -> memref<128x128xf32, #tpu.memory_space<hbm>>
        %dma_start3A_47 = arith.constant 0 : i32
        %dma_start3A_48 = tpu.memref_slice %arg7[%mul3A_34, %dma_start3A_47] : memref<800000x128xf32, #tpu.memory_space<hbm>> -> memref<128x128xf32, #tpu.memory_space<hbm>>
        tpu.enqueue_dma source(%arg11 : memref<128x128xf32, #tpu.memory_space<vmem>>) target(%dma_start3A_48 : memref<128x128xf32, #tpu.memory_space<hbm>>) target_semaphore(%run_scoped3A : memref<!tpu.dma_semaphore, #tpu.memory_space<semaphore_mem>>)
        %dma_wait3A_49 = arith.constant 0 : i32
        %dma_wait3A_50 = tpu.memref_slice %arg7[%mul3A_34, %dma_wait3A_49] : memref<800000x128xf32, #tpu.memory_space<hbm>> -> memref<128x128xf32, #tpu.memory_space<hbm>>
        %dma_wait3A_51 = arith.constant 0 : i32
        %dma_wait3A_52 = tpu.memref_slice %arg7[%mul3A_34, %dma_wait3A_51] : memref<800000x128xf32, #tpu.memory_space<hbm>> -> memref<128x128xf32, #tpu.memory_space<hbm>>
        tpu.wait_dma2 semaphore(%run_scoped3A : memref<!tpu.dma_semaphore, #tpu.memory_space<semaphore_mem>>) src(%arg11 : memref<128x128xf32, #tpu.memory_space<vmem>>) dst(%dma_wait3A_52 : memref<128x128xf32, #tpu.memory_space<hbm>>)
        tpu.yield
      }) : () -> ()
    }
    return
  }
}

#map = affine_map<(d0, d1) -> (0, 0)>
#map1 = affine_map<(d0, d1) -> (0)>
module attributes {stable_mosaic.version = 14 : i64} {
  func.func @sc_scatter_d(%arg0: i32, %arg1: i32, %arg2: memref<800000x128xf32, #tpu.memory_space<hbm>>, %arg3: memref<800000xi32, #tpu.memory_space<hbm>>, %arg4: memref<104x128xf32, #tpu.memory_space<hbm>>, %arg5: memref<3328x128xf32, #tpu.memory_space<hbm>>, %arg6: memref<128xi32, #tpu.memory_space<vmem>>, %arg7: memref<128xi32, #tpu.memory_space<vmem>>, %arg8: memref<128x128xf32, #tpu.memory_space<vmem>>, %arg9: memref<1664x128xf32, #tpu.memory_space<vmem_shared>>) attributes {dimension_semantics = [#tpu.dimension_semantics<core_parallel>, #tpu.dimension_semantics<subcore_parallel>], iteration_bounds = array<i64: 2, 16>, scalar_prefetch = 0 : i64, scratch_operands = 4 : i64, tpu.core_type = #tpu.core_type<sc_vector_subcore>, window_params = [{transform_indices = #map}, {transform_indices = #map1}, {transform_indices = #map}, {transform_indices = #map}]} {
    %mul3A = arith.constant 104 : i32
    %mul3A_0 = arith.muli %arg1, %mul3A : i32
    "tpu.region"() ({
      %run_scoped3A = tpu.sem_alloc : memref<!tpu.dma_semaphore, #tpu.memory_space<semaphore_mem>>
      %dma_start3A = arith.constant 0 : i32
      %dma_start3A_32 = tpu.memref_slice %arg9[%mul3A_0, %dma_start3A] : memref<1664x128xf32, #tpu.memory_space<vmem_shared>> -> memref<104x128xf32, #tpu.memory_space<vmem_shared>>
      tpu.enqueue_dma source(%arg4 : memref<104x128xf32, #tpu.memory_space<hbm>>) target(%dma_start3A_32 : memref<104x128xf32, #tpu.memory_space<vmem_shared>>) target_semaphore(%run_scoped3A : memref<!tpu.dma_semaphore, #tpu.memory_space<semaphore_mem>>)
      %dma_wait3A = arith.constant 0 : i32
      %dma_wait3A_33 = tpu.memref_slice %arg9[%mul3A_0, %dma_wait3A] : memref<1664x128xf32, #tpu.memory_space<vmem_shared>> -> memref<104x128xf32, #tpu.memory_space<vmem_shared>>
      tpu.wait_dma2 semaphore(%run_scoped3A : memref<!tpu.dma_semaphore, #tpu.memory_space<semaphore_mem>>) src(%arg4 : memref<104x128xf32, #tpu.memory_space<hbm>>) dst(%dma_wait3A_33 : memref<104x128xf32, #tpu.memory_space<vmem_shared>>)
      tpu.yield
    }) : () -> ()
    %barrier3A = arith.constant 0 : index
    tpu.barrier barrier_id(%barrier3A)
    %sub3A = arith.constant 3125 : i32
    %sub3A_1 = arith.subi %sub3A, %arg1 : i32
    %add3A = arith.constant 15 : i32
    %add3A_2 = arith.addi %sub3A_1, %add3A : i32
    %jit3A = arith.constant 16 : i32
    %div3A = arith.divsi %add3A_2, %jit3A : i32
    %sign3A = arith.constant 0 : i32
    %sign3A_3 = arith.cmpi sgt, %add3A_2, %sign3A : i32
    %sign3A_4 = arith.extui %sign3A_3 : i1 to i32
    %sign3A_5 = arith.constant 0 : i32
    %sign3A_6 = arith.cmpi slt, %add3A_2, %sign3A_5 : i32
    %sign3A_7 = arith.extui %sign3A_6 : i1 to i32
    %sign3A_8 = arith.subi %sign3A_4, %sign3A_7 : i32
    %sign3A_9 = arith.constant 0 : i32
    %sign3A_10 = arith.cmpi sgt, %jit3A, %sign3A_9 : i32
    %sign3A_11 = arith.extui %sign3A_10 : i1 to i32
    %sign3A_12 = arith.constant 0 : i32
    %sign3A_13 = arith.cmpi slt, %jit3A, %sign3A_12 : i32
    %sign3A_14 = arith.extui %sign3A_13 : i1 to i32
    %sign3A_15 = arith.subi %sign3A_11, %sign3A_14 : i32
    %ne3A = arith.cmpi ne, %sign3A_8, %sign3A_15 : i32
    %rem3A = arith.remsi %add3A_2, %jit3A : i32
    %ne3A_16 = arith.constant 0 : i32
    %ne3A_17 = arith.cmpi ne, %rem3A, %ne3A_16 : i32
    %and3A = arith.andi %ne3A, %ne3A_17 : i1
    %sub3A_18 = arith.constant 1 : i32
    %sub3A_19 = arith.subi %div3A, %sub3A_18 : i32
    %select_n3A = arith.select %and3A, %sub3A_19, %div3A : i32
    %while3A = arith.constant 0 : i32
    %while3A_20 = arith.subi %select_n3A, %while3A : i32
    %while3A_21 = arith.addi %while3A, %while3A_20 : i32
    %while3A_22 = arith.constant 1 : i32
    %while3A_23 = arith.divsi %while3A_20, %while3A_22 : i32
    %while3A_24 = arith.muli %while3A_23, %while3A_22 : i32
    %while3A_25 = arith.addi %while3A, %while3A_24 : i32
    %while3A_26 = arith.constant 1 : i32
    scf.for %while3A_32 = %while3A to %while3A_25 step %while3A_26  : i32 {
      %mul3A_33 = arith.constant 3125 : i32
      %mul3A_34 = arith.muli %arg0, %mul3A_33 : i32
      %add3A_35 = arith.addi %mul3A_34, %arg1 : i32
      %mul3A_36 = arith.constant 16 : i32
      %mul3A_37 = arith.muli %mul3A_36, %while3A_32 : i32
      %add3A_38 = arith.addi %add3A_35, %mul3A_37 : i32
      %mul3A_39 = arith.constant 128 : i32
      %mul3A_40 = arith.muli %add3A_38, %mul3A_39 : i32
      "tpu.region"() ({
        %run_scoped3A = tpu.sem_alloc : memref<!tpu.dma_semaphore, #tpu.memory_space<semaphore_mem>>
        %dma_start3A = tpu.memref_slice %arg3[%mul3A_40] : memref<800000xi32, #tpu.memory_space<hbm>> -> memref<128xi32, #tpu.memory_space<hbm>>
        %dma_start3A_118 = tpu.memref_slice %arg3[%mul3A_40] : memref<800000xi32, #tpu.memory_space<hbm>> -> memref<128xi32, #tpu.memory_space<hbm>>
        tpu.enqueue_dma source(%dma_start3A_118 : memref<128xi32, #tpu.memory_space<hbm>>) target(%arg6 : memref<128xi32, #tpu.memory_space<vmem>>) target_semaphore(%run_scoped3A : memref<!tpu.dma_semaphore, #tpu.memory_space<semaphore_mem>>)
        %dma_wait3A = tpu.memref_slice %arg3[%mul3A_40] : memref<800000xi32, #tpu.memory_space<hbm>> -> memref<128xi32, #tpu.memory_space<hbm>>
        %dma_wait3A_119 = tpu.memref_slice %arg3[%mul3A_40] : memref<800000xi32, #tpu.memory_space<hbm>> -> memref<128xi32, #tpu.memory_space<hbm>>
        tpu.wait_dma2 semaphore(%run_scoped3A : memref<!tpu.dma_semaphore, #tpu.memory_space<semaphore_mem>>) src(%dma_wait3A_119 : memref<128xi32, #tpu.memory_space<hbm>>) dst(%arg6 : memref<128xi32, #tpu.memory_space<vmem>>)
        tpu.yield
      }) : () -> ()
      %get3A = arith.constant 0 : index
      %get3A_41 = tpu.vector_load %arg6[%get3A] {strides = array<i32>} : memref<128xi32, #tpu.memory_space<vmem>>, vector<16xi32>,
      %get3A_42 = vector.shape_cast %get3A_41 : vector<16xi32> to vector<16xi32>
      %shift_right_logical3A = arith.constant 5 : i32
      %shift_right_logical3A_43 = vector.broadcast %shift_right_logical3A : i32 to vector<16xi32>
      %shift_right_logical3A_44 = arith.shrui %get3A_42, %shift_right_logical3A_43 : vector<16xi32>
      %swap3A = arith.constant 0 : index
      %swap3A_45 = tpu.vector_load %arg7[%swap3A] {strides = array<i32>} : memref<128xi32, #tpu.memory_space<vmem>>, vector<16xi32>,
      %swap3A_46 = vector.shape_cast %swap3A_45 : vector<16xi32> to vector<16xi32>
      %swap3A_47 = vector.shape_cast %shift_right_logical3A_44 : vector<16xi32> to vector<16xi32>
      tpu.vector_store %arg7[%swap3A], %swap3A_47 {strides = array<i32>} : memref<128xi32, #tpu.memory_space<vmem>>, vector<16xi32>,
      %get3A_48 = arith.constant 16 : index
      %get3A_49 = tpu.vector_load %arg6[%get3A_48] {strides = array<i32>} : memref<128xi32, #tpu.memory_space<vmem>>, vector<16xi32>,
      %get3A_50 = vector.shape_cast %get3A_49 : vector<16xi32> to vector<16xi32>
      %shift_right_logical3A_51 = arith.constant 5 : i32
      %shift_right_logical3A_52 = vector.broadcast %shift_right_logical3A_51 : i32 to vector<16xi32>
      %shift_right_logical3A_53 = arith.shrui %get3A_50, %shift_right_logical3A_52 : vector<16xi32>
      %swap3A_54 = arith.constant 16 : index
      %swap3A_55 = tpu.vector_load %arg7[%swap3A_54] {strides = array<i32>} : memref<128xi32, #tpu.memory_space<vmem>>, vector<16xi32>,
      %swap3A_56 = vector.shape_cast %swap3A_55 : vector<16xi32> to vector<16xi32>
      %swap3A_57 = vector.shape_cast %shift_right_logical3A_53 : vector<16xi32> to vector<16xi32>
      tpu.vector_store %arg7[%swap3A_54], %swap3A_57 {strides = array<i32>} : memref<128xi32, #tpu.memory_space<vmem>>, vector<16xi32>,
      %get3A_58 = arith.constant 32 : index
      %get3A_59 = tpu.vector_load %arg6[%get3A_58] {strides = array<i32>} : memref<128xi32, #tpu.memory_space<vmem>>, vector<16xi32>,
      %get3A_60 = vector.shape_cast %get3A_59 : vector<16xi32> to vector<16xi32>
      %shift_right_logical3A_61 = arith.constant 5 : i32
      %shift_right_logical3A_62 = vector.broadcast %shift_right_logical3A_61 : i32 to vector<16xi32>
      %shift_right_logical3A_63 = arith.shrui %get3A_60, %shift_right_logical3A_62 : vector<16xi32>
      %swap3A_64 = arith.constant 32 : index
      %swap3A_65 = tpu.vector_load %arg7[%swap3A_64] {strides = array<i32>} : memref<128xi32, #tpu.memory_space<vmem>>, vector<16xi32>,
      %swap3A_66 = vector.shape_cast %swap3A_65 : vector<16xi32> to vector<16xi32>
      %swap3A_67 = vector.shape_cast %shift_right_logical3A_63 : vector<16xi32> to vector<16xi32>
      tpu.vector_store %arg7[%swap3A_64], %swap3A_67 {strides = array<i32>} : memref<128xi32, #tpu.memory_space<vmem>>, vector<16xi32>,
      %get3A_68 = arith.constant 48 : index
      %get3A_69 = tpu.vector_load %arg6[%get3A_68] {strides = array<i32>} : memref<128xi32, #tpu.memory_space<vmem>>, vector<16xi32>,
      %get3A_70 = vector.shape_cast %get3A_69 : vector<16xi32> to vector<16xi32>
      %shift_right_logical3A_71 = arith.constant 5 : i32
      %shift_right_logical3A_72 = vector.broadcast %shift_right_logical3A_71 : i32 to vector<16xi32>
      %shift_right_logical3A_73 = arith.shrui %get3A_70, %shift_right_logical3A_72 : vector<16xi32>
      %swap3A_74 = arith.constant 48 : index
      %swap3A_75 = tpu.vector_load %arg7[%swap3A_74] {strides = array<i32>} : memref<128xi32, #tpu.memory_space<vmem>>, vector<16xi32>,
      %swap3A_76 = vector.shape_cast %swap3A_75 : vector<16xi32> to vector<16xi32>
      %swap3A_77 = vector.shape_cast %shift_right_logical3A_73 : vector<16xi32> to vector<16xi32>
      tpu.vector_store %arg7[%swap3A_74], %swap3A_77 {strides = array<i32>} : memref<128xi32, #tpu.memory_space<vmem>>, vector<16xi32>,
      %get3A_78 = arith.constant 64 : index
      %get3A_79 = tpu.vector_load %arg6[%get3A_78] {strides = array<i32>} : memref<128xi32, #tpu.memory_space<vmem>>, vector<16xi32>,
      %get3A_80 = vector.shape_cast %get3A_79 : vector<16xi32> to vector<16xi32>
      %shift_right_logical3A_81 = arith.constant 5 : i32
      %shift_right_logical3A_82 = vector.broadcast %shift_right_logical3A_81 : i32 to vector<16xi32>
      %shift_right_logical3A_83 = arith.shrui %get3A_80, %shift_right_logical3A_82 : vector<16xi32>
      %swap3A_84 = arith.constant 64 : index
      %swap3A_85 = tpu.vector_load %arg7[%swap3A_84] {strides = array<i32>} : memref<128xi32, #tpu.memory_space<vmem>>, vector<16xi32>,
      %swap3A_86 = vector.shape_cast %swap3A_85 : vector<16xi32> to vector<16xi32>
      %swap3A_87 = vector.shape_cast %shift_right_logical3A_83 : vector<16xi32> to vector<16xi32>
      tpu.vector_store %arg7[%swap3A_84], %swap3A_87 {strides = array<i32>} : memref<128xi32, #tpu.memory_space<vmem>>, vector<16xi32>,
      %get3A_88 = arith.constant 80 : index
      %get3A_89 = tpu.vector_load %arg6[%get3A_88] {strides = array<i32>} : memref<128xi32, #tpu.memory_space<vmem>>, vector<16xi32>,
      %get3A_90 = vector.shape_cast %get3A_89 : vector<16xi32> to vector<16xi32>
      %shift_right_logical3A_91 = arith.constant 5 : i32
      %shift_right_logical3A_92 = vector.broadcast %shift_right_logical3A_91 : i32 to vector<16xi32>
      %shift_right_logical3A_93 = arith.shrui %get3A_90, %shift_right_logical3A_92 : vector<16xi32>
      %swap3A_94 = arith.constant 80 : index
      %swap3A_95 = tpu.vector_load %arg7[%swap3A_94] {strides = array<i32>} : memref<128xi32, #tpu.memory_space<vmem>>, vector<16xi32>,
      %swap3A_96 = vector.shape_cast %swap3A_95 : vector<16xi32> to vector<16xi32>
      %swap3A_97 = vector.shape_cast %shift_right_logical3A_93 : vector<16xi32> to vector<16xi32>
      tpu.vector_store %arg7[%swap3A_94], %swap3A_97 {strides = array<i32>} : memref<128xi32, #tpu.memory_space<vmem>>, vector<16xi32>,
      %get3A_98 = arith.constant 96 : index
      %get3A_99 = tpu.vector_load %arg6[%get3A_98] {strides = array<i32>} : memref<128xi32, #tpu.memory_space<vmem>>, vector<16xi32>,
      %get3A_100 = vector.shape_cast %get3A_99 : vector<16xi32> to vector<16xi32>
      %shift_right_logical3A_101 = arith.constant 5 : i32
      %shift_right_logical3A_102 = vector.broadcast %shift_right_logical3A_101 : i32 to vector<16xi32>
      %shift_right_logical3A_103 = arith.shrui %get3A_100, %shift_right_logical3A_102 : vector<16xi32>
      %swap3A_104 = arith.constant 96 : index
      %swap3A_105 = tpu.vector_load %arg7[%swap3A_104] {strides = array<i32>} : memref<128xi32, #tpu.memory_space<vmem>>, vector<16xi32>,
      %swap3A_106 = vector.shape_cast %swap3A_105 : vector<16xi32> to vector<16xi32>
      %swap3A_107 = vector.shape_cast %shift_right_logical3A_103 : vector<16xi32> to vector<16xi32>
      tpu.vector_store %arg7[%swap3A_104], %swap3A_107 {strides = array<i32>} : memref<128xi32, #tpu.memory_space<vmem>>, vector<16xi32>,
      %get3A_108 = arith.constant 112 : index
      %get3A_109 = tpu.vector_load %arg6[%get3A_108] {strides = array<i32>} : memref<128xi32, #tpu.memory_space<vmem>>, vector<16xi32>,
      %get3A_110 = vector.shape_cast %get3A_109 : vector<16xi32> to vector<16xi32>
      %shift_right_logical3A_111 = arith.constant 5 : i32
      %shift_right_logical3A_112 = vector.broadcast %shift_right_logical3A_111 : i32 to vector<16xi32>
      %shift_right_logical3A_113 = arith.shrui %get3A_110, %shift_right_logical3A_112 : vector<16xi32>
      %swap3A_114 = arith.constant 112 : index
      %swap3A_115 = tpu.vector_load %arg7[%swap3A_114] {strides = array<i32>} : memref<128xi32, #tpu.memory_space<vmem>>, vector<16xi32>,
      %swap3A_116 = vector.shape_cast %swap3A_115 : vector<16xi32> to vector<16xi32>
      %swap3A_117 = vector.shape_cast %shift_right_logical3A_113 : vector<16xi32> to vector<16xi32>
      tpu.vector_store %arg7[%swap3A_114], %swap3A_117 {strides = array<i32>} : memref<128xi32, #tpu.memory_space<vmem>>, vector<16xi32>,
      "tpu.region"() ({
        %run_scoped3A = tpu.sem_alloc : memref<!tpu.dma_semaphore, #tpu.memory_space<semaphore_mem>>
        %dma_start3A = arith.constant 0 : i32
        %dma_start3A_118 = tpu.memref_slice %arg2[%mul3A_40, %dma_start3A] : memref<800000x128xf32, #tpu.memory_space<hbm>> -> memref<128x128xf32, #tpu.memory_space<hbm>>
        %dma_start3A_119 = arith.constant 0 : i32
        %dma_start3A_120 = tpu.memref_slice %arg2[%mul3A_40, %dma_start3A_119] : memref<800000x128xf32, #tpu.memory_space<hbm>> -> memref<128x128xf32, #tpu.memory_space<hbm>>
        tpu.enqueue_dma source(%dma_start3A_120 : memref<128x128xf32, #tpu.memory_space<hbm>>) target(%arg8 : memref<128x128xf32, #tpu.memory_space<vmem>>) target_semaphore(%run_scoped3A : memref<!tpu.dma_semaphore, #tpu.memory_space<semaphore_mem>>)
        %dma_wait3A = arith.constant 0 : i32
        %dma_wait3A_121 = tpu.memref_slice %arg2[%mul3A_40, %dma_wait3A] : memref<800000x128xf32, #tpu.memory_space<hbm>> -> memref<128x128xf32, #tpu.memory_space<hbm>>
        %dma_wait3A_122 = arith.constant 0 : i32
        %dma_wait3A_123 = tpu.memref_slice %arg2[%mul3A_40, %dma_wait3A_122] : memref<800000x128xf32, #tpu.memory_space<hbm>> -> memref<128x128xf32, #tpu.memory_space<hbm>>
        tpu.wait_dma2 semaphore(%run_scoped3A : memref<!tpu.dma_semaphore, #tpu.memory_space<semaphore_mem>>) src(%dma_wait3A_123 : memref<128x128xf32, #tpu.memory_space<hbm>>) dst(%arg8 : memref<128x128xf32, #tpu.memory_space<vmem>>)
        tpu.yield
      }) : () -> ()
      "tpu.region"() ({
        %run_scoped3A = tpu.sem_alloc : memref<!tpu.dma_semaphore, #tpu.memory_space<semaphore_mem>>
        %dma_start3A = arith.constant 0 : i32
        %dma_start3A_118 = arith.constant 0 : i32
        %dma_start3A_119 = tpu.memref_slice %arg9[%dma_start3A, %dma_start3A_118] : memref<1664x128xf32, #tpu.memory_space<vmem_shared>> -> memref<1664x128xf32, #tpu.memory_space<vmem_shared>>
        tpu.enqueue_indirect_dma source(%arg8 : memref<128x128xf32, #tpu.memory_space<vmem>>) target(%dma_start3A_119 : memref<1664x128xf32, #tpu.memory_space<vmem_shared>>) offsets(%arg7 : memref<128xi32, #tpu.memory_space<vmem>>) semaphore(%run_scoped3A : memref<!tpu.dma_semaphore, #tpu.memory_space<semaphore_mem>>) {add = true}
        %dma_wait3A = arith.constant 0 : i32
        %dma_wait3A_120 = arith.constant 0 : i32
        %dma_wait3A_121 = tpu.memref_slice %arg9[%dma_wait3A, %dma_wait3A_120] : memref<1664x128xf32, #tpu.memory_space<vmem_shared>> -> memref<1664x128xf32, #tpu.memory_space<vmem_shared>>
        tpu.wait_indirect_dma semaphore(%run_scoped3A : memref<!tpu.dma_semaphore, #tpu.memory_space<semaphore_mem>>) src(%arg8 : memref<128x128xf32, #tpu.memory_space<vmem>>) dst(%dma_wait3A_121 : memref<1664x128xf32, #tpu.memory_space<vmem_shared>>)
        tpu.yield
      }) : () -> ()
    }
    %while3A_27 = arith.constant 1 : i32
    scf.for %while3A_32 = %while3A_25 to %while3A_21 step %while3A_27  : i32 {
      %mul3A_33 = arith.constant 3125 : i32
      %mul3A_34 = arith.muli %arg0, %mul3A_33 : i32
      %add3A_35 = arith.addi %mul3A_34, %arg1 : i32
      %mul3A_36 = arith.constant 16 : i32
      %mul3A_37 = arith.muli %mul3A_36, %while3A_32 : i32
      %add3A_38 = arith.addi %add3A_35, %mul3A_37 : i32
      %mul3A_39 = arith.constant 128 : i32
      %mul3A_40 = arith.muli %add3A_38, %mul3A_39 : i32
      "tpu.region"() ({
        %run_scoped3A = tpu.sem_alloc : memref<!tpu.dma_semaphore, #tpu.memory_space<semaphore_mem>>
        %dma_start3A = tpu.memref_slice %arg3[%mul3A_40] : memref<800000xi32, #tpu.memory_space<hbm>> -> memref<128xi32, #tpu.memory_space<hbm>>
        %dma_start3A_118 = tpu.memref_slice %arg3[%mul3A_40] : memref<800000xi32, #tpu.memory_space<hbm>> -> memref<128xi32, #tpu.memory_space<hbm>>
        tpu.enqueue_dma source(%dma_start3A_118 : memref<128xi32, #tpu.memory_space<hbm>>) target(%arg6 : memref<128xi32, #tpu.memory_space<vmem>>) target_semaphore(%run_scoped3A : memref<!tpu.dma_semaphore, #tpu.memory_space<semaphore_mem>>)
        %dma_wait3A = tpu.memref_slice %arg3[%mul3A_40] : memref<800000xi32, #tpu.memory_space<hbm>> -> memref<128xi32, #tpu.memory_space<hbm>>
        %dma_wait3A_119 = tpu.memref_slice %arg3[%mul3A_40] : memref<800000xi32, #tpu.memory_space<hbm>> -> memref<128xi32, #tpu.memory_space<hbm>>
        tpu.wait_dma2 semaphore(%run_scoped3A : memref<!tpu.dma_semaphore, #tpu.memory_space<semaphore_mem>>) src(%dma_wait3A_119 : memref<128xi32, #tpu.memory_space<hbm>>) dst(%arg6 : memref<128xi32, #tpu.memory_space<vmem>>)
        tpu.yield
      }) : () -> ()
      %get3A = arith.constant 0 : index
      %get3A_41 = tpu.vector_load %arg6[%get3A] {strides = array<i32>} : memref<128xi32, #tpu.memory_space<vmem>>, vector<16xi32>,
      %get3A_42 = vector.shape_cast %get3A_41 : vector<16xi32> to vector<16xi32>
      %shift_right_logical3A = arith.constant 5 : i32
      %shift_right_logical3A_43 = vector.broadcast %shift_right_logical3A : i32 to vector<16xi32>
      %shift_right_logical3A_44 = arith.shrui %get3A_42, %shift_right_logical3A_43 : vector<16xi32>
      %swap3A = arith.constant 0 : index
      %swap3A_45 = tpu.vector_load %arg7[%swap3A] {strides = array<i32>} : memref<128xi32, #tpu.memory_space<vmem>>, vector<16xi32>,
      %swap3A_46 = vector.shape_cast %swap3A_45 : vector<16xi32> to vector<16xi32>
      %swap3A_47 = vector.shape_cast %shift_right_logical3A_44 : vector<16xi32> to vector<16xi32>
      tpu.vector_store %arg7[%swap3A], %swap3A_47 {strides = array<i32>} : memref<128xi32, #tpu.memory_space<vmem>>, vector<16xi32>,
      %get3A_48 = arith.constant 16 : index
      %get3A_49 = tpu.vector_load %arg6[%get3A_48] {strides = array<i32>} : memref<128xi32, #tpu.memory_space<vmem>>, vector<16xi32>,
      %get3A_50 = vector.shape_cast %get3A_49 : vector<16xi32> to vector<16xi32>
      %shift_right_logical3A_51 = arith.constant 5 : i32
      %shift_right_logical3A_52 = vector.broadcast %shift_right_logical3A_51 : i32 to vector<16xi32>
      %shift_right_logical3A_53 = arith.shrui %get3A_50, %shift_right_logical3A_52 : vector<16xi32>
      %swap3A_54 = arith.constant 16 : index
      %swap3A_55 = tpu.vector_load %arg7[%swap3A_54] {strides = array<i32>} : memref<128xi32, #tpu.memory_space<vmem>>, vector<16xi32>,
      %swap3A_56 = vector.shape_cast %swap3A_55 : vector<16xi32> to vector<16xi32>
      %swap3A_57 = vector.shape_cast %shift_right_logical3A_53 : vector<16xi32> to vector<16xi32>
      tpu.vector_store %arg7[%swap3A_54], %swap3A_57 {strides = array<i32>} : memref<128xi32, #tpu.memory_space<vmem>>, vector<16xi32>,
      %get3A_58 = arith.constant 32 : index
      %get3A_59 = tpu.vector_load %arg6[%get3A_58] {strides = array<i32>} : memref<128xi32, #tpu.memory_space<vmem>>, vector<16xi32>,
      %get3A_60 = vector.shape_cast %get3A_59 : vector<16xi32> to vector<16xi32>
      %shift_right_logical3A_61 = arith.constant 5 : i32
      %shift_right_logical3A_62 = vector.broadcast %shift_right_logical3A_61 : i32 to vector<16xi32>
      %shift_right_logical3A_63 = arith.shrui %get3A_60, %shift_right_logical3A_62 : vector<16xi32>
      %swap3A_64 = arith.constant 32 : index
      %swap3A_65 = tpu.vector_load %arg7[%swap3A_64] {strides = array<i32>} : memref<128xi32, #tpu.memory_space<vmem>>, vector<16xi32>,
      %swap3A_66 = vector.shape_cast %swap3A_65 : vector<16xi32> to vector<16xi32>
      %swap3A_67 = vector.shape_cast %shift_right_logical3A_63 : vector<16xi32> to vector<16xi32>
      tpu.vector_store %arg7[%swap3A_64], %swap3A_67 {strides = array<i32>} : memref<128xi32, #tpu.memory_space<vmem>>, vector<16xi32>,
      %get3A_68 = arith.constant 48 : index
      %get3A_69 = tpu.vector_load %arg6[%get3A_68] {strides = array<i32>} : memref<128xi32, #tpu.memory_space<vmem>>, vector<16xi32>,
      %get3A_70 = vector.shape_cast %get3A_69 : vector<16xi32> to vector<16xi32>
      %shift_right_logical3A_71 = arith.constant 5 : i32
      %shift_right_logical3A_72 = vector.broadcast %shift_right_logical3A_71 : i32 to vector<16xi32>
      %shift_right_logical3A_73 = arith.shrui %get3A_70, %shift_right_logical3A_72 : vector<16xi32>
      %swap3A_74 = arith.constant 48 : index
      %swap3A_75 = tpu.vector_load %arg7[%swap3A_74] {strides = array<i32>} : memref<128xi32, #tpu.memory_space<vmem>>, vector<16xi32>,
      %swap3A_76 = vector.shape_cast %swap3A_75 : vector<16xi32> to vector<16xi32>
      %swap3A_77 = vector.shape_cast %shift_right_logical3A_73 : vector<16xi32> to vector<16xi32>
      tpu.vector_store %arg7[%swap3A_74], %swap3A_77 {strides = array<i32>} : memref<128xi32, #tpu.memory_space<vmem>>, vector<16xi32>,
      %get3A_78 = arith.constant 64 : index
      %get3A_79 = tpu.vector_load %arg6[%get3A_78] {strides = array<i32>} : memref<128xi32, #tpu.memory_space<vmem>>, vector<16xi32>,
      %get3A_80 = vector.shape_cast %get3A_79 : vector<16xi32> to vector<16xi32>
      %shift_right_logical3A_81 = arith.constant 5 : i32
      %shift_right_logical3A_82 = vector.broadcast %shift_right_logical3A_81 : i32 to vector<16xi32>
      %shift_right_logical3A_83 = arith.shrui %get3A_80, %shift_right_logical3A_82 : vector<16xi32>
      %swap3A_84 = arith.constant 64 : index
      %swap3A_85 = tpu.vector_load %arg7[%swap3A_84] {strides = array<i32>} : memref<128xi32, #tpu.memory_space<vmem>>, vector<16xi32>,
      %swap3A_86 = vector.shape_cast %swap3A_85 : vector<16xi32> to vector<16xi32>
      %swap3A_87 = vector.shape_cast %shift_right_logical3A_83 : vector<16xi32> to vector<16xi32>
      tpu.vector_store %arg7[%swap3A_84], %swap3A_87 {strides = array<i32>} : memref<128xi32, #tpu.memory_space<vmem>>, vector<16xi32>,
      %get3A_88 = arith.constant 80 : index
      %get3A_89 = tpu.vector_load %arg6[%get3A_88] {strides = array<i32>} : memref<128xi32, #tpu.memory_space<vmem>>, vector<16xi32>,
      %get3A_90 = vector.shape_cast %get3A_89 : vector<16xi32> to vector<16xi32>
      %shift_right_logical3A_91 = arith.constant 5 : i32
      %shift_right_logical3A_92 = vector.broadcast %shift_right_logical3A_91 : i32 to vector<16xi32>
      %shift_right_logical3A_93 = arith.shrui %get3A_90, %shift_right_logical3A_92 : vector<16xi32>
      %swap3A_94 = arith.constant 80 : index
      %swap3A_95 = tpu.vector_load %arg7[%swap3A_94] {strides = array<i32>} : memref<128xi32, #tpu.memory_space<vmem>>, vector<16xi32>,
      %swap3A_96 = vector.shape_cast %swap3A_95 : vector<16xi32> to vector<16xi32>
      %swap3A_97 = vector.shape_cast %shift_right_logical3A_93 : vector<16xi32> to vector<16xi32>
      tpu.vector_store %arg7[%swap3A_94], %swap3A_97 {strides = array<i32>} : memref<128xi32, #tpu.memory_space<vmem>>, vector<16xi32>,
      %get3A_98 = arith.constant 96 : index
      %get3A_99 = tpu.vector_load %arg6[%get3A_98] {strides = array<i32>} : memref<128xi32, #tpu.memory_space<vmem>>, vector<16xi32>,
      %get3A_100 = vector.shape_cast %get3A_99 : vector<16xi32> to vector<16xi32>
      %shift_right_logical3A_101 = arith.constant 5 : i32
      %shift_right_logical3A_102 = vector.broadcast %shift_right_logical3A_101 : i32 to vector<16xi32>
      %shift_right_logical3A_103 = arith.shrui %get3A_100, %shift_right_logical3A_102 : vector<16xi32>
      %swap3A_104 = arith.constant 96 : index
      %swap3A_105 = tpu.vector_load %arg7[%swap3A_104] {strides = array<i32>} : memref<128xi32, #tpu.memory_space<vmem>>, vector<16xi32>,
      %swap3A_106 = vector.shape_cast %swap3A_105 : vector<16xi32> to vector<16xi32>
      %swap3A_107 = vector.shape_cast %shift_right_logical3A_103 : vector<16xi32> to vector<16xi32>
      tpu.vector_store %arg7[%swap3A_104], %swap3A_107 {strides = array<i32>} : memref<128xi32, #tpu.memory_space<vmem>>, vector<16xi32>,
      %get3A_108 = arith.constant 112 : index
      %get3A_109 = tpu.vector_load %arg6[%get3A_108] {strides = array<i32>} : memref<128xi32, #tpu.memory_space<vmem>>, vector<16xi32>,
      %get3A_110 = vector.shape_cast %get3A_109 : vector<16xi32> to vector<16xi32>
      %shift_right_logical3A_111 = arith.constant 5 : i32
      %shift_right_logical3A_112 = vector.broadcast %shift_right_logical3A_111 : i32 to vector<16xi32>
      %shift_right_logical3A_113 = arith.shrui %get3A_110, %shift_right_logical3A_112 : vector<16xi32>
      %swap3A_114 = arith.constant 112 : index
      %swap3A_115 = tpu.vector_load %arg7[%swap3A_114] {strides = array<i32>} : memref<128xi32, #tpu.memory_space<vmem>>, vector<16xi32>,
      %swap3A_116 = vector.shape_cast %swap3A_115 : vector<16xi32> to vector<16xi32>
      %swap3A_117 = vector.shape_cast %shift_right_logical3A_113 : vector<16xi32> to vector<16xi32>
      tpu.vector_store %arg7[%swap3A_114], %swap3A_117 {strides = array<i32>} : memref<128xi32, #tpu.memory_space<vmem>>, vector<16xi32>,
      "tpu.region"() ({
        %run_scoped3A = tpu.sem_alloc : memref<!tpu.dma_semaphore, #tpu.memory_space<semaphore_mem>>
        %dma_start3A = arith.constant 0 : i32
        %dma_start3A_118 = tpu.memref_slice %arg2[%mul3A_40, %dma_start3A] : memref<800000x128xf32, #tpu.memory_space<hbm>> -> memref<128x128xf32, #tpu.memory_space<hbm>>
        %dma_start3A_119 = arith.constant 0 : i32
        %dma_start3A_120 = tpu.memref_slice %arg2[%mul3A_40, %dma_start3A_119] : memref<800000x128xf32, #tpu.memory_space<hbm>> -> memref<128x128xf32, #tpu.memory_space<hbm>>
        tpu.enqueue_dma source(%dma_start3A_120 : memref<128x128xf32, #tpu.memory_space<hbm>>) target(%arg8 : memref<128x128xf32, #tpu.memory_space<vmem>>) target_semaphore(%run_scoped3A : memref<!tpu.dma_semaphore, #tpu.memory_space<semaphore_mem>>)
        %dma_wait3A = arith.constant 0 : i32
        %dma_wait3A_121 = tpu.memref_slice %arg2[%mul3A_40, %dma_wait3A] : memref<800000x128xf32, #tpu.memory_space<hbm>> -> memref<128x128xf32, #tpu.memory_space<hbm>>
        %dma_wait3A_122 = arith.constant 0 : i32
        %dma_wait3A_123 = tpu.memref_slice %arg2[%mul3A_40, %dma_wait3A_122] : memref<800000x128xf32, #tpu.memory_space<hbm>> -> memref<128x128xf32, #tpu.memory_space<hbm>>
        tpu.wait_dma2 semaphore(%run_scoped3A : memref<!tpu.dma_semaphore, #tpu.memory_space<semaphore_mem>>) src(%dma_wait3A_123 : memref<128x128xf32, #tpu.memory_space<hbm>>) dst(%arg8 : memref<128x128xf32, #tpu.memory_space<vmem>>)
        tpu.yield
      }) : () -> ()
      "tpu.region"() ({
        %run_scoped3A = tpu.sem_alloc : memref<!tpu.dma_semaphore, #tpu.memory_space<semaphore_mem>>
        %dma_start3A = arith.constant 0 : i32
        %dma_start3A_118 = arith.constant 0 : i32
        %dma_start3A_119 = tpu.memref_slice %arg9[%dma_start3A, %dma_start3A_118] : memref<1664x128xf32, #tpu.memory_space<vmem_shared>> -> memref<1664x128xf32, #tpu.memory_space<vmem_shared>>
        tpu.enqueue_indirect_dma source(%arg8 : memref<128x128xf32, #tpu.memory_space<vmem>>) target(%dma_start3A_119 : memref<1664x128xf32, #tpu.memory_space<vmem_shared>>) offsets(%arg7 : memref<128xi32, #tpu.memory_space<vmem>>) semaphore(%run_scoped3A : memref<!tpu.dma_semaphore, #tpu.memory_space<semaphore_mem>>) {add = true}
        %dma_wait3A = arith.constant 0 : i32
        %dma_wait3A_120 = arith.constant 0 : i32
        %dma_wait3A_121 = tpu.memref_slice %arg9[%dma_wait3A, %dma_wait3A_120] : memref<1664x128xf32, #tpu.memory_space<vmem_shared>> -> memref<1664x128xf32, #tpu.memory_space<vmem_shared>>
        tpu.wait_indirect_dma semaphore(%run_scoped3A : memref<!tpu.dma_semaphore, #tpu.memory_space<semaphore_mem>>) src(%arg8 : memref<128x128xf32, #tpu.memory_space<vmem>>) dst(%dma_wait3A_121 : memref<1664x128xf32, #tpu.memory_space<vmem_shared>>)
        tpu.yield
      }) : () -> ()
    }
    %barrier3A_28 = arith.constant 0 : index
    tpu.barrier barrier_id(%barrier3A_28)
    %mul3A_29 = arith.constant 1664 : i32
    %mul3A_30 = arith.muli %arg0, %mul3A_29 : i32
    %add3A_31 = arith.addi %mul3A_30, %mul3A_0 : i32
    "tpu.region"() ({
      %run_scoped3A = tpu.sem_alloc : memref<!tpu.dma_semaphore, #tpu.memory_space<semaphore_mem>>
      %dma_start3A = arith.constant 0 : i32
      %dma_start3A_32 = tpu.memref_slice %arg5[%add3A_31, %dma_start3A] : memref<3328x128xf32, #tpu.memory_space<hbm>> -> memref<104x128xf32, #tpu.memory_space<hbm>>
      %dma_start3A_33 = arith.constant 0 : i32
      %dma_start3A_34 = tpu.memref_slice %arg9[%mul3A_0, %dma_start3A_33] : memref<1664x128xf32, #tpu.memory_space<vmem_shared>> -> memref<104x128xf32, #tpu.memory_space<vmem_shared>>
      tpu.enqueue_dma source(%dma_start3A_34 : memref<104x128xf32, #tpu.memory_space<vmem_shared>>) target(%dma_start3A_32 : memref<104x128xf32, #tpu.memory_space<hbm>>) target_semaphore(%run_scoped3A : memref<!tpu.dma_semaphore, #tpu.memory_space<semaphore_mem>>)
      %dma_wait3A = arith.constant 0 : i32
      %dma_wait3A_35 = tpu.memref_slice %arg5[%add3A_31, %dma_wait3A] : memref<3328x128xf32, #tpu.memory_space<hbm>> -> memref<104x128xf32, #tpu.memory_space<hbm>>
      %dma_wait3A_36 = arith.constant 0 : i32
      %dma_wait3A_37 = tpu.memref_slice %arg9[%mul3A_0, %dma_wait3A_36] : memref<1664x128xf32, #tpu.memory_space<vmem_shared>> -> memref<104x128xf32, #tpu.memory_space<vmem_shared>>
      tpu.wait_dma2 semaphore(%run_scoped3A : memref<!tpu.dma_semaphore, #tpu.memory_space<semaphore_mem>>) src(%dma_wait3A_37 : memref<104x128xf32, #tpu.memory_space<vmem_shared>>) dst(%dma_wait3A_35 : memref<104x128xf32, #tpu.memory_space<hbm>>)
      tpu.yield
    }) : () -> ()
    return
  }
}

#map = affine_map<(d0, d1) -> (0, 0)>
#map1 = affine_map<(d0, d1) -> (0)>
module attributes {stable_mosaic.version = 14 : i64} {
  func.func @sc_scatter_d(%arg0: i32, %arg1: i32, %arg2: memref<800000x128xf32, #tpu.memory_space<hbm>>, %arg3: memref<800000xi32, #tpu.memory_space<hbm>>, %arg4: memref<104x128xf32, #tpu.memory_space<hbm>>, %arg5: memref<3328x128xf32, #tpu.memory_space<hbm>>, %arg6: memref<128xi32, #tpu.memory_space<vmem>>, %arg7: memref<128xi32, #tpu.memory_space<vmem>>, %arg8: memref<128x128xf32, #tpu.memory_space<vmem>>, %arg9: memref<1664x128xf32, #tpu.memory_space<vmem_shared>>) attributes {dimension_semantics = [#tpu.dimension_semantics<core_parallel>, #tpu.dimension_semantics<subcore_parallel>], iteration_bounds = array<i64: 2, 16>, scalar_prefetch = 0 : i64, scratch_operands = 4 : i64, tpu.core_type = #tpu.core_type<sc_vector_subcore>, window_params = [{transform_indices = #map}, {transform_indices = #map1}, {transform_indices = #map}, {transform_indices = #map}]} {
    %mul3A = arith.constant 104 : i32
    %mul3A_0 = arith.muli %arg1, %mul3A : i32
    "tpu.region"() ({
      %run_scoped3A = tpu.sem_alloc : memref<!tpu.dma_semaphore, #tpu.memory_space<semaphore_mem>>
      %dma_start3A = arith.constant 0 : i32
      %dma_start3A_32 = tpu.memref_slice %arg9[%mul3A_0, %dma_start3A] : memref<1664x128xf32, #tpu.memory_space<vmem_shared>> -> memref<104x128xf32, #tpu.memory_space<vmem_shared>>
      tpu.enqueue_dma source(%arg4 : memref<104x128xf32, #tpu.memory_space<hbm>>) target(%dma_start3A_32 : memref<104x128xf32, #tpu.memory_space<vmem_shared>>) target_semaphore(%run_scoped3A : memref<!tpu.dma_semaphore, #tpu.memory_space<semaphore_mem>>)
      %dma_wait3A = arith.constant 0 : i32
      %dma_wait3A_33 = tpu.memref_slice %arg9[%mul3A_0, %dma_wait3A] : memref<1664x128xf32, #tpu.memory_space<vmem_shared>> -> memref<104x128xf32, #tpu.memory_space<vmem_shared>>
      tpu.wait_dma2 semaphore(%run_scoped3A : memref<!tpu.dma_semaphore, #tpu.memory_space<semaphore_mem>>) src(%arg4 : memref<104x128xf32, #tpu.memory_space<hbm>>) dst(%dma_wait3A_33 : memref<104x128xf32, #tpu.memory_space<vmem_shared>>)
      tpu.yield
    }) : () -> ()
    %barrier3A = arith.constant 0 : index
    tpu.barrier barrier_id(%barrier3A)
    %sub3A = arith.constant 3125 : i32
    %sub3A_1 = arith.subi %sub3A, %arg1 : i32
    %add3A = arith.constant 15 : i32
    %add3A_2 = arith.addi %sub3A_1, %add3A : i32
    %jit3A = arith.constant 16 : i32
    %div3A = arith.divsi %add3A_2, %jit3A : i32
    %sign3A = arith.constant 0 : i32
    %sign3A_3 = arith.cmpi sgt, %add3A_2, %sign3A : i32
    %sign3A_4 = arith.extui %sign3A_3 : i1 to i32
    %sign3A_5 = arith.constant 0 : i32
    %sign3A_6 = arith.cmpi slt, %add3A_2, %sign3A_5 : i32
    %sign3A_7 = arith.extui %sign3A_6 : i1 to i32
    %sign3A_8 = arith.subi %sign3A_4, %sign3A_7 : i32
    %sign3A_9 = arith.constant 0 : i32
    %sign3A_10 = arith.cmpi sgt, %jit3A, %sign3A_9 : i32
    %sign3A_11 = arith.extui %sign3A_10 : i1 to i32
    %sign3A_12 = arith.constant 0 : i32
    %sign3A_13 = arith.cmpi slt, %jit3A, %sign3A_12 : i32
    %sign3A_14 = arith.extui %sign3A_13 : i1 to i32
    %sign3A_15 = arith.subi %sign3A_11, %sign3A_14 : i32
    %ne3A = arith.cmpi ne, %sign3A_8, %sign3A_15 : i32
    %rem3A = arith.remsi %add3A_2, %jit3A : i32
    %ne3A_16 = arith.constant 0 : i32
    %ne3A_17 = arith.cmpi ne, %rem3A, %ne3A_16 : i32
    %and3A = arith.andi %ne3A, %ne3A_17 : i1
    %sub3A_18 = arith.constant 1 : i32
    %sub3A_19 = arith.subi %div3A, %sub3A_18 : i32
    %select_n3A = arith.select %and3A, %sub3A_19, %div3A : i32
    %while3A = arith.constant 0 : i32
    %while3A_20 = arith.subi %select_n3A, %while3A : i32
    %while3A_21 = arith.addi %while3A, %while3A_20 : i32
    %while3A_22 = arith.constant 1 : i32
    %while3A_23 = arith.divsi %while3A_20, %while3A_22 : i32
    %while3A_24 = arith.muli %while3A_23, %while3A_22 : i32
    %while3A_25 = arith.addi %while3A, %while3A_24 : i32
    %while3A_26 = arith.constant 1 : i32
    scf.for %while3A_32 = %while3A to %while3A_25 step %while3A_26  : i32 {
      %mul3A_33 = arith.constant 3125 : i32
      %mul3A_34 = arith.muli %arg0, %mul3A_33 : i32
      %add3A_35 = arith.addi %mul3A_34, %arg1 : i32
      %mul3A_36 = arith.constant 16 : i32
      %mul3A_37 = arith.muli %mul3A_36, %while3A_32 : i32
      %add3A_38 = arith.addi %add3A_35, %mul3A_37 : i32
      %mul3A_39 = arith.constant 128 : i32
      %mul3A_40 = arith.muli %add3A_38, %mul3A_39 : i32
      "tpu.region"() ({
        %run_scoped3A = tpu.sem_alloc : memref<!tpu.dma_semaphore, #tpu.memory_space<semaphore_mem>>
        %dma_start3A = tpu.memref_slice %arg3[%mul3A_40] : memref<800000xi32, #tpu.memory_space<hbm>> -> memref<128xi32, #tpu.memory_space<hbm>>
        %dma_start3A_118 = tpu.memref_slice %arg3[%mul3A_40] : memref<800000xi32, #tpu.memory_space<hbm>> -> memref<128xi32, #tpu.memory_space<hbm>>
        tpu.enqueue_dma source(%dma_start3A_118 : memref<128xi32, #tpu.memory_space<hbm>>) target(%arg6 : memref<128xi32, #tpu.memory_space<vmem>>) target_semaphore(%run_scoped3A : memref<!tpu.dma_semaphore, #tpu.memory_space<semaphore_mem>>)
        %dma_wait3A = tpu.memref_slice %arg3[%mul3A_40] : memref<800000xi32, #tpu.memory_space<hbm>> -> memref<128xi32, #tpu.memory_space<hbm>>
        %dma_wait3A_119 = tpu.memref_slice %arg3[%mul3A_40] : memref<800000xi32, #tpu.memory_space<hbm>> -> memref<128xi32, #tpu.memory_space<hbm>>
        tpu.wait_dma2 semaphore(%run_scoped3A : memref<!tpu.dma_semaphore, #tpu.memory_space<semaphore_mem>>) src(%dma_wait3A_119 : memref<128xi32, #tpu.memory_space<hbm>>) dst(%arg6 : memref<128xi32, #tpu.memory_space<vmem>>)
        tpu.yield
      }) : () -> ()
      %get3A = arith.constant 0 : index
      %get3A_41 = tpu.vector_load %arg6[%get3A] {strides = array<i32>} : memref<128xi32, #tpu.memory_space<vmem>>, vector<16xi32>,
      %get3A_42 = vector.shape_cast %get3A_41 : vector<16xi32> to vector<16xi32>
      %shift_right_logical3A = arith.constant 5 : i32
      %shift_right_logical3A_43 = vector.broadcast %shift_right_logical3A : i32 to vector<16xi32>
      %shift_right_logical3A_44 = arith.shrui %get3A_42, %shift_right_logical3A_43 : vector<16xi32>
      %swap3A = arith.constant 0 : index
      %swap3A_45 = tpu.vector_load %arg7[%swap3A] {strides = array<i32>} : memref<128xi32, #tpu.memory_space<vmem>>, vector<16xi32>,
      %swap3A_46 = vector.shape_cast %swap3A_45 : vector<16xi32> to vector<16xi32>
      %swap3A_47 = vector.shape_cast %shift_right_logical3A_44 : vector<16xi32> to vector<16xi32>
      tpu.vector_store %arg7[%swap3A], %swap3A_47 {strides = array<i32>} : memref<128xi32, #tpu.memory_space<vmem>>, vector<16xi32>,
      %get3A_48 = arith.constant 16 : index
      %get3A_49 = tpu.vector_load %arg6[%get3A_48] {strides = array<i32>} : memref<128xi32, #tpu.memory_space<vmem>>, vector<16xi32>,
      %get3A_50 = vector.shape_cast %get3A_49 : vector<16xi32> to vector<16xi32>
      %shift_right_logical3A_51 = arith.constant 5 : i32
      %shift_right_logical3A_52 = vector.broadcast %shift_right_logical3A_51 : i32 to vector<16xi32>
      %shift_right_logical3A_53 = arith.shrui %get3A_50, %shift_right_logical3A_52 : vector<16xi32>
      %swap3A_54 = arith.constant 16 : index
      %swap3A_55 = tpu.vector_load %arg7[%swap3A_54] {strides = array<i32>} : memref<128xi32, #tpu.memory_space<vmem>>, vector<16xi32>,
      %swap3A_56 = vector.shape_cast %swap3A_55 : vector<16xi32> to vector<16xi32>
      %swap3A_57 = vector.shape_cast %shift_right_logical3A_53 : vector<16xi32> to vector<16xi32>
      tpu.vector_store %arg7[%swap3A_54], %swap3A_57 {strides = array<i32>} : memref<128xi32, #tpu.memory_space<vmem>>, vector<16xi32>,
      %get3A_58 = arith.constant 32 : index
      %get3A_59 = tpu.vector_load %arg6[%get3A_58] {strides = array<i32>} : memref<128xi32, #tpu.memory_space<vmem>>, vector<16xi32>,
      %get3A_60 = vector.shape_cast %get3A_59 : vector<16xi32> to vector<16xi32>
      %shift_right_logical3A_61 = arith.constant 5 : i32
      %shift_right_logical3A_62 = vector.broadcast %shift_right_logical3A_61 : i32 to vector<16xi32>
      %shift_right_logical3A_63 = arith.shrui %get3A_60, %shift_right_logical3A_62 : vector<16xi32>
      %swap3A_64 = arith.constant 32 : index
      %swap3A_65 = tpu.vector_load %arg7[%swap3A_64] {strides = array<i32>} : memref<128xi32, #tpu.memory_space<vmem>>, vector<16xi32>,
      %swap3A_66 = vector.shape_cast %swap3A_65 : vector<16xi32> to vector<16xi32>
      %swap3A_67 = vector.shape_cast %shift_right_logical3A_63 : vector<16xi32> to vector<16xi32>
      tpu.vector_store %arg7[%swap3A_64], %swap3A_67 {strides = array<i32>} : memref<128xi32, #tpu.memory_space<vmem>>, vector<16xi32>,
      %get3A_68 = arith.constant 48 : index
      %get3A_69 = tpu.vector_load %arg6[%get3A_68] {strides = array<i32>} : memref<128xi32, #tpu.memory_space<vmem>>, vector<16xi32>,
      %get3A_70 = vector.shape_cast %get3A_69 : vector<16xi32> to vector<16xi32>
      %shift_right_logical3A_71 = arith.constant 5 : i32
      %shift_right_logical3A_72 = vector.broadcast %shift_right_logical3A_71 : i32 to vector<16xi32>
      %shift_right_logical3A_73 = arith.shrui %get3A_70, %shift_right_logical3A_72 : vector<16xi32>
      %swap3A_74 = arith.constant 48 : index
      %swap3A_75 = tpu.vector_load %arg7[%swap3A_74] {strides = array<i32>} : memref<128xi32, #tpu.memory_space<vmem>>, vector<16xi32>,
      %swap3A_76 = vector.shape_cast %swap3A_75 : vector<16xi32> to vector<16xi32>
      %swap3A_77 = vector.shape_cast %shift_right_logical3A_73 : vector<16xi32> to vector<16xi32>
      tpu.vector_store %arg7[%swap3A_74], %swap3A_77 {strides = array<i32>} : memref<128xi32, #tpu.memory_space<vmem>>, vector<16xi32>,
      %get3A_78 = arith.constant 64 : index
      %get3A_79 = tpu.vector_load %arg6[%get3A_78] {strides = array<i32>} : memref<128xi32, #tpu.memory_space<vmem>>, vector<16xi32>,
      %get3A_80 = vector.shape_cast %get3A_79 : vector<16xi32> to vector<16xi32>
      %shift_right_logical3A_81 = arith.constant 5 : i32
      %shift_right_logical3A_82 = vector.broadcast %shift_right_logical3A_81 : i32 to vector<16xi32>
      %shift_right_logical3A_83 = arith.shrui %get3A_80, %shift_right_logical3A_82 : vector<16xi32>
      %swap3A_84 = arith.constant 64 : index
      %swap3A_85 = tpu.vector_load %arg7[%swap3A_84] {strides = array<i32>} : memref<128xi32, #tpu.memory_space<vmem>>, vector<16xi32>,
      %swap3A_86 = vector.shape_cast %swap3A_85 : vector<16xi32> to vector<16xi32>
      %swap3A_87 = vector.shape_cast %shift_right_logical3A_83 : vector<16xi32> to vector<16xi32>
      tpu.vector_store %arg7[%swap3A_84], %swap3A_87 {strides = array<i32>} : memref<128xi32, #tpu.memory_space<vmem>>, vector<16xi32>,
      %get3A_88 = arith.constant 80 : index
      %get3A_89 = tpu.vector_load %arg6[%get3A_88] {strides = array<i32>} : memref<128xi32, #tpu.memory_space<vmem>>, vector<16xi32>,
      %get3A_90 = vector.shape_cast %get3A_89 : vector<16xi32> to vector<16xi32>
      %shift_right_logical3A_91 = arith.constant 5 : i32
      %shift_right_logical3A_92 = vector.broadcast %shift_right_logical3A_91 : i32 to vector<16xi32>
      %shift_right_logical3A_93 = arith.shrui %get3A_90, %shift_right_logical3A_92 : vector<16xi32>
      %swap3A_94 = arith.constant 80 : index
      %swap3A_95 = tpu.vector_load %arg7[%swap3A_94] {strides = array<i32>} : memref<128xi32, #tpu.memory_space<vmem>>, vector<16xi32>,
      %swap3A_96 = vector.shape_cast %swap3A_95 : vector<16xi32> to vector<16xi32>
      %swap3A_97 = vector.shape_cast %shift_right_logical3A_93 : vector<16xi32> to vector<16xi32>
      tpu.vector_store %arg7[%swap3A_94], %swap3A_97 {strides = array<i32>} : memref<128xi32, #tpu.memory_space<vmem>>, vector<16xi32>,
      %get3A_98 = arith.constant 96 : index
      %get3A_99 = tpu.vector_load %arg6[%get3A_98] {strides = array<i32>} : memref<128xi32, #tpu.memory_space<vmem>>, vector<16xi32>,
      %get3A_100 = vector.shape_cast %get3A_99 : vector<16xi32> to vector<16xi32>
      %shift_right_logical3A_101 = arith.constant 5 : i32
      %shift_right_logical3A_102 = vector.broadcast %shift_right_logical3A_101 : i32 to vector<16xi32>
      %shift_right_logical3A_103 = arith.shrui %get3A_100, %shift_right_logical3A_102 : vector<16xi32>
      %swap3A_104 = arith.constant 96 : index
      %swap3A_105 = tpu.vector_load %arg7[%swap3A_104] {strides = array<i32>} : memref<128xi32, #tpu.memory_space<vmem>>, vector<16xi32>,
      %swap3A_106 = vector.shape_cast %swap3A_105 : vector<16xi32> to vector<16xi32>
      %swap3A_107 = vector.shape_cast %shift_right_logical3A_103 : vector<16xi32> to vector<16xi32>
      tpu.vector_store %arg7[%swap3A_104], %swap3A_107 {strides = array<i32>} : memref<128xi32, #tpu.memory_space<vmem>>, vector<16xi32>,
      %get3A_108 = arith.constant 112 : index
      %get3A_109 = tpu.vector_load %arg6[%get3A_108] {strides = array<i32>} : memref<128xi32, #tpu.memory_space<vmem>>, vector<16xi32>,
      %get3A_110 = vector.shape_cast %get3A_109 : vector<16xi32> to vector<16xi32>
      %shift_right_logical3A_111 = arith.constant 5 : i32
      %shift_right_logical3A_112 = vector.broadcast %shift_right_logical3A_111 : i32 to vector<16xi32>
      %shift_right_logical3A_113 = arith.shrui %get3A_110, %shift_right_logical3A_112 : vector<16xi32>
      %swap3A_114 = arith.constant 112 : index
      %swap3A_115 = tpu.vector_load %arg7[%swap3A_114] {strides = array<i32>} : memref<128xi32, #tpu.memory_space<vmem>>, vector<16xi32>,
      %swap3A_116 = vector.shape_cast %swap3A_115 : vector<16xi32> to vector<16xi32>
      %swap3A_117 = vector.shape_cast %shift_right_logical3A_113 : vector<16xi32> to vector<16xi32>
      tpu.vector_store %arg7[%swap3A_114], %swap3A_117 {strides = array<i32>} : memref<128xi32, #tpu.memory_space<vmem>>, vector<16xi32>,
      "tpu.region"() ({
        %run_scoped3A = tpu.sem_alloc : memref<!tpu.dma_semaphore, #tpu.memory_space<semaphore_mem>>
        %dma_start3A = arith.constant 0 : i32
        %dma_start3A_118 = tpu.memref_slice %arg2[%mul3A_40, %dma_start3A] : memref<800000x128xf32, #tpu.memory_space<hbm>> -> memref<128x128xf32, #tpu.memory_space<hbm>>
        %dma_start3A_119 = arith.constant 0 : i32
        %dma_start3A_120 = tpu.memref_slice %arg2[%mul3A_40, %dma_start3A_119] : memref<800000x128xf32, #tpu.memory_space<hbm>> -> memref<128x128xf32, #tpu.memory_space<hbm>>
        tpu.enqueue_dma source(%dma_start3A_120 : memref<128x128xf32, #tpu.memory_space<hbm>>) target(%arg8 : memref<128x128xf32, #tpu.memory_space<vmem>>) target_semaphore(%run_scoped3A : memref<!tpu.dma_semaphore, #tpu.memory_space<semaphore_mem>>)
        %dma_wait3A = arith.constant 0 : i32
        %dma_wait3A_121 = tpu.memref_slice %arg2[%mul3A_40, %dma_wait3A] : memref<800000x128xf32, #tpu.memory_space<hbm>> -> memref<128x128xf32, #tpu.memory_space<hbm>>
        %dma_wait3A_122 = arith.constant 0 : i32
        %dma_wait3A_123 = tpu.memref_slice %arg2[%mul3A_40, %dma_wait3A_122] : memref<800000x128xf32, #tpu.memory_space<hbm>> -> memref<128x128xf32, #tpu.memory_space<hbm>>
        tpu.wait_dma2 semaphore(%run_scoped3A : memref<!tpu.dma_semaphore, #tpu.memory_space<semaphore_mem>>) src(%dma_wait3A_123 : memref<128x128xf32, #tpu.memory_space<hbm>>) dst(%arg8 : memref<128x128xf32, #tpu.memory_space<vmem>>)
        tpu.yield
      }) : () -> ()
      "tpu.region"() ({
        %run_scoped3A = tpu.sem_alloc : memref<!tpu.dma_semaphore, #tpu.memory_space<semaphore_mem>>
        %dma_start3A = arith.constant 0 : i32
        %dma_start3A_118 = arith.constant 0 : i32
        %dma_start3A_119 = tpu.memref_slice %arg9[%dma_start3A, %dma_start3A_118] : memref<1664x128xf32, #tpu.memory_space<vmem_shared>> -> memref<1664x128xf32, #tpu.memory_space<vmem_shared>>
        tpu.enqueue_indirect_dma source(%arg8 : memref<128x128xf32, #tpu.memory_space<vmem>>) target(%dma_start3A_119 : memref<1664x128xf32, #tpu.memory_space<vmem_shared>>) offsets(%arg7 : memref<128xi32, #tpu.memory_space<vmem>>) semaphore(%run_scoped3A : memref<!tpu.dma_semaphore, #tpu.memory_space<semaphore_mem>>) {add = true}
        %dma_wait3A = arith.constant 0 : i32
        %dma_wait3A_120 = arith.constant 0 : i32
        %dma_wait3A_121 = tpu.memref_slice %arg9[%dma_wait3A, %dma_wait3A_120] : memref<1664x128xf32, #tpu.memory_space<vmem_shared>> -> memref<1664x128xf32, #tpu.memory_space<vmem_shared>>
        tpu.wait_indirect_dma semaphore(%run_scoped3A : memref<!tpu.dma_semaphore, #tpu.memory_space<semaphore_mem>>) src(%arg8 : memref<128x128xf32, #tpu.memory_space<vmem>>) dst(%dma_wait3A_121 : memref<1664x128xf32, #tpu.memory_space<vmem_shared>>)
        tpu.yield
      }) : () -> ()
    }
    %while3A_27 = arith.constant 1 : i32
    scf.for %while3A_32 = %while3A_25 to %while3A_21 step %while3A_27  : i32 {
      %mul3A_33 = arith.constant 3125 : i32
      %mul3A_34 = arith.muli %arg0, %mul3A_33 : i32
      %add3A_35 = arith.addi %mul3A_34, %arg1 : i32
      %mul3A_36 = arith.constant 16 : i32
      %mul3A_37 = arith.muli %mul3A_36, %while3A_32 : i32
      %add3A_38 = arith.addi %add3A_35, %mul3A_37 : i32
      %mul3A_39 = arith.constant 128 : i32
      %mul3A_40 = arith.muli %add3A_38, %mul3A_39 : i32
      "tpu.region"() ({
        %run_scoped3A = tpu.sem_alloc : memref<!tpu.dma_semaphore, #tpu.memory_space<semaphore_mem>>
        %dma_start3A = tpu.memref_slice %arg3[%mul3A_40] : memref<800000xi32, #tpu.memory_space<hbm>> -> memref<128xi32, #tpu.memory_space<hbm>>
        %dma_start3A_118 = tpu.memref_slice %arg3[%mul3A_40] : memref<800000xi32, #tpu.memory_space<hbm>> -> memref<128xi32, #tpu.memory_space<hbm>>
        tpu.enqueue_dma source(%dma_start3A_118 : memref<128xi32, #tpu.memory_space<hbm>>) target(%arg6 : memref<128xi32, #tpu.memory_space<vmem>>) target_semaphore(%run_scoped3A : memref<!tpu.dma_semaphore, #tpu.memory_space<semaphore_mem>>)
        %dma_wait3A = tpu.memref_slice %arg3[%mul3A_40] : memref<800000xi32, #tpu.memory_space<hbm>> -> memref<128xi32, #tpu.memory_space<hbm>>
        %dma_wait3A_119 = tpu.memref_slice %arg3[%mul3A_40] : memref<800000xi32, #tpu.memory_space<hbm>> -> memref<128xi32, #tpu.memory_space<hbm>>
        tpu.wait_dma2 semaphore(%run_scoped3A : memref<!tpu.dma_semaphore, #tpu.memory_space<semaphore_mem>>) src(%dma_wait3A_119 : memref<128xi32, #tpu.memory_space<hbm>>) dst(%arg6 : memref<128xi32, #tpu.memory_space<vmem>>)
        tpu.yield
      }) : () -> ()
      %get3A = arith.constant 0 : index
      %get3A_41 = tpu.vector_load %arg6[%get3A] {strides = array<i32>} : memref<128xi32, #tpu.memory_space<vmem>>, vector<16xi32>,
      %get3A_42 = vector.shape_cast %get3A_41 : vector<16xi32> to vector<16xi32>
      %shift_right_logical3A = arith.constant 5 : i32
      %shift_right_logical3A_43 = vector.broadcast %shift_right_logical3A : i32 to vector<16xi32>
      %shift_right_logical3A_44 = arith.shrui %get3A_42, %shift_right_logical3A_43 : vector<16xi32>
      %swap3A = arith.constant 0 : index
      %swap3A_45 = tpu.vector_load %arg7[%swap3A] {strides = array<i32>} : memref<128xi32, #tpu.memory_space<vmem>>, vector<16xi32>,
      %swap3A_46 = vector.shape_cast %swap3A_45 : vector<16xi32> to vector<16xi32>
      %swap3A_47 = vector.shape_cast %shift_right_logical3A_44 : vector<16xi32> to vector<16xi32>
      tpu.vector_store %arg7[%swap3A], %swap3A_47 {strides = array<i32>} : memref<128xi32, #tpu.memory_space<vmem>>, vector<16xi32>,
      %get3A_48 = arith.constant 16 : index
      %get3A_49 = tpu.vector_load %arg6[%get3A_48] {strides = array<i32>} : memref<128xi32, #tpu.memory_space<vmem>>, vector<16xi32>,
      %get3A_50 = vector.shape_cast %get3A_49 : vector<16xi32> to vector<16xi32>
      %shift_right_logical3A_51 = arith.constant 5 : i32
      %shift_right_logical3A_52 = vector.broadcast %shift_right_logical3A_51 : i32 to vector<16xi32>
      %shift_right_logical3A_53 = arith.shrui %get3A_50, %shift_right_logical3A_52 : vector<16xi32>
      %swap3A_54 = arith.constant 16 : index
      %swap3A_55 = tpu.vector_load %arg7[%swap3A_54] {strides = array<i32>} : memref<128xi32, #tpu.memory_space<vmem>>, vector<16xi32>,
      %swap3A_56 = vector.shape_cast %swap3A_55 : vector<16xi32> to vector<16xi32>
      %swap3A_57 = vector.shape_cast %shift_right_logical3A_53 : vector<16xi32> to vector<16xi32>
      tpu.vector_store %arg7[%swap3A_54], %swap3A_57 {strides = array<i32>} : memref<128xi32, #tpu.memory_space<vmem>>, vector<16xi32>,
      %get3A_58 = arith.constant 32 : index
      %get3A_59 = tpu.vector_load %arg6[%get3A_58] {strides = array<i32>} : memref<128xi32, #tpu.memory_space<vmem>>, vector<16xi32>,
      %get3A_60 = vector.shape_cast %get3A_59 : vector<16xi32> to vector<16xi32>
      %shift_right_logical3A_61 = arith.constant 5 : i32
      %shift_right_logical3A_62 = vector.broadcast %shift_right_logical3A_61 : i32 to vector<16xi32>
      %shift_right_logical3A_63 = arith.shrui %get3A_60, %shift_right_logical3A_62 : vector<16xi32>
      %swap3A_64 = arith.constant 32 : index
      %swap3A_65 = tpu.vector_load %arg7[%swap3A_64] {strides = array<i32>} : memref<128xi32, #tpu.memory_space<vmem>>, vector<16xi32>,
      %swap3A_66 = vector.shape_cast %swap3A_65 : vector<16xi32> to vector<16xi32>
      %swap3A_67 = vector.shape_cast %shift_right_logical3A_63 : vector<16xi32> to vector<16xi32>
      tpu.vector_store %arg7[%swap3A_64], %swap3A_67 {strides = array<i32>} : memref<128xi32, #tpu.memory_space<vmem>>, vector<16xi32>,
      %get3A_68 = arith.constant 48 : index
      %get3A_69 = tpu.vector_load %arg6[%get3A_68] {strides = array<i32>} : memref<128xi32, #tpu.memory_space<vmem>>, vector<16xi32>,
      %get3A_70 = vector.shape_cast %get3A_69 : vector<16xi32> to vector<16xi32>
      %shift_right_logical3A_71 = arith.constant 5 : i32
      %shift_right_logical3A_72 = vector.broadcast %shift_right_logical3A_71 : i32 to vector<16xi32>
      %shift_right_logical3A_73 = arith.shrui %get3A_70, %shift_right_logical3A_72 : vector<16xi32>
      %swap3A_74 = arith.constant 48 : index
      %swap3A_75 = tpu.vector_load %arg7[%swap3A_74] {strides = array<i32>} : memref<128xi32, #tpu.memory_space<vmem>>, vector<16xi32>,
      %swap3A_76 = vector.shape_cast %swap3A_75 : vector<16xi32> to vector<16xi32>
      %swap3A_77 = vector.shape_cast %shift_right_logical3A_73 : vector<16xi32> to vector<16xi32>
      tpu.vector_store %arg7[%swap3A_74], %swap3A_77 {strides = array<i32>} : memref<128xi32, #tpu.memory_space<vmem>>, vector<16xi32>,
      %get3A_78 = arith.constant 64 : index
      %get3A_79 = tpu.vector_load %arg6[%get3A_78] {strides = array<i32>} : memref<128xi32, #tpu.memory_space<vmem>>, vector<16xi32>,
      %get3A_80 = vector.shape_cast %get3A_79 : vector<16xi32> to vector<16xi32>
      %shift_right_logical3A_81 = arith.constant 5 : i32
      %shift_right_logical3A_82 = vector.broadcast %shift_right_logical3A_81 : i32 to vector<16xi32>
      %shift_right_logical3A_83 = arith.shrui %get3A_80, %shift_right_logical3A_82 : vector<16xi32>
      %swap3A_84 = arith.constant 64 : index
      %swap3A_85 = tpu.vector_load %arg7[%swap3A_84] {strides = array<i32>} : memref<128xi32, #tpu.memory_space<vmem>>, vector<16xi32>,
      %swap3A_86 = vector.shape_cast %swap3A_85 : vector<16xi32> to vector<16xi32>
      %swap3A_87 = vector.shape_cast %shift_right_logical3A_83 : vector<16xi32> to vector<16xi32>
      tpu.vector_store %arg7[%swap3A_84], %swap3A_87 {strides = array<i32>} : memref<128xi32, #tpu.memory_space<vmem>>, vector<16xi32>,
      %get3A_88 = arith.constant 80 : index
      %get3A_89 = tpu.vector_load %arg6[%get3A_88] {strides = array<i32>} : memref<128xi32, #tpu.memory_space<vmem>>, vector<16xi32>,
      %get3A_90 = vector.shape_cast %get3A_89 : vector<16xi32> to vector<16xi32>
      %shift_right_logical3A_91 = arith.constant 5 : i32
      %shift_right_logical3A_92 = vector.broadcast %shift_right_logical3A_91 : i32 to vector<16xi32>
      %shift_right_logical3A_93 = arith.shrui %get3A_90, %shift_right_logical3A_92 : vector<16xi32>
      %swap3A_94 = arith.constant 80 : index
      %swap3A_95 = tpu.vector_load %arg7[%swap3A_94] {strides = array<i32>} : memref<128xi32, #tpu.memory_space<vmem>>, vector<16xi32>,
      %swap3A_96 = vector.shape_cast %swap3A_95 : vector<16xi32> to vector<16xi32>
      %swap3A_97 = vector.shape_cast %shift_right_logical3A_93 : vector<16xi32> to vector<16xi32>
      tpu.vector_store %arg7[%swap3A_94], %swap3A_97 {strides = array<i32>} : memref<128xi32, #tpu.memory_space<vmem>>, vector<16xi32>,
      %get3A_98 = arith.constant 96 : index
      %get3A_99 = tpu.vector_load %arg6[%get3A_98] {strides = array<i32>} : memref<128xi32, #tpu.memory_space<vmem>>, vector<16xi32>,
      %get3A_100 = vector.shape_cast %get3A_99 : vector<16xi32> to vector<16xi32>
      %shift_right_logical3A_101 = arith.constant 5 : i32
      %shift_right_logical3A_102 = vector.broadcast %shift_right_logical3A_101 : i32 to vector<16xi32>
      %shift_right_logical3A_103 = arith.shrui %get3A_100, %shift_right_logical3A_102 : vector<16xi32>
      %swap3A_104 = arith.constant 96 : index
      %swap3A_105 = tpu.vector_load %arg7[%swap3A_104] {strides = array<i32>} : memref<128xi32, #tpu.memory_space<vmem>>, vector<16xi32>,
      %swap3A_106 = vector.shape_cast %swap3A_105 : vector<16xi32> to vector<16xi32>
      %swap3A_107 = vector.shape_cast %shift_right_logical3A_103 : vector<16xi32> to vector<16xi32>
      tpu.vector_store %arg7[%swap3A_104], %swap3A_107 {strides = array<i32>} : memref<128xi32, #tpu.memory_space<vmem>>, vector<16xi32>,
      %get3A_108 = arith.constant 112 : index
      %get3A_109 = tpu.vector_load %arg6[%get3A_108] {strides = array<i32>} : memref<128xi32, #tpu.memory_space<vmem>>, vector<16xi32>,
      %get3A_110 = vector.shape_cast %get3A_109 : vector<16xi32> to vector<16xi32>
      %shift_right_logical3A_111 = arith.constant 5 : i32
      %shift_right_logical3A_112 = vector.broadcast %shift_right_logical3A_111 : i32 to vector<16xi32>
      %shift_right_logical3A_113 = arith.shrui %get3A_110, %shift_right_logical3A_112 : vector<16xi32>
      %swap3A_114 = arith.constant 112 : index
      %swap3A_115 = tpu.vector_load %arg7[%swap3A_114] {strides = array<i32>} : memref<128xi32, #tpu.memory_space<vmem>>, vector<16xi32>,
      %swap3A_116 = vector.shape_cast %swap3A_115 : vector<16xi32> to vector<16xi32>
      %swap3A_117 = vector.shape_cast %shift_right_logical3A_113 : vector<16xi32> to vector<16xi32>
      tpu.vector_store %arg7[%swap3A_114], %swap3A_117 {strides = array<i32>} : memref<128xi32, #tpu.memory_space<vmem>>, vector<16xi32>,
      "tpu.region"() ({
        %run_scoped3A = tpu.sem_alloc : memref<!tpu.dma_semaphore, #tpu.memory_space<semaphore_mem>>
        %dma_start3A = arith.constant 0 : i32
        %dma_start3A_118 = tpu.memref_slice %arg2[%mul3A_40, %dma_start3A] : memref<800000x128xf32, #tpu.memory_space<hbm>> -> memref<128x128xf32, #tpu.memory_space<hbm>>
        %dma_start3A_119 = arith.constant 0 : i32
        %dma_start3A_120 = tpu.memref_slice %arg2[%mul3A_40, %dma_start3A_119] : memref<800000x128xf32, #tpu.memory_space<hbm>> -> memref<128x128xf32, #tpu.memory_space<hbm>>
        tpu.enqueue_dma source(%dma_start3A_120 : memref<128x128xf32, #tpu.memory_space<hbm>>) target(%arg8 : memref<128x128xf32, #tpu.memory_space<vmem>>) target_semaphore(%run_scoped3A : memref<!tpu.dma_semaphore, #tpu.memory_space<semaphore_mem>>)
        %dma_wait3A = arith.constant 0 : i32
        %dma_wait3A_121 = tpu.memref_slice %arg2[%mul3A_40, %dma_wait3A] : memref<800000x128xf32, #tpu.memory_space<hbm>> -> memref<128x128xf32, #tpu.memory_space<hbm>>
        %dma_wait3A_122 = arith.constant 0 : i32
        %dma_wait3A_123 = tpu.memref_slice %arg2[%mul3A_40, %dma_wait3A_122] : memref<800000x128xf32, #tpu.memory_space<hbm>> -> memref<128x128xf32, #tpu.memory_space<hbm>>
        tpu.wait_dma2 semaphore(%run_scoped3A : memref<!tpu.dma_semaphore, #tpu.memory_space<semaphore_mem>>) src(%dma_wait3A_123 : memref<128x128xf32, #tpu.memory_space<hbm>>) dst(%arg8 : memref<128x128xf32, #tpu.memory_space<vmem>>)
        tpu.yield
      }) : () -> ()
      "tpu.region"() ({
        %run_scoped3A = tpu.sem_alloc : memref<!tpu.dma_semaphore, #tpu.memory_space<semaphore_mem>>
        %dma_start3A = arith.constant 0 : i32
        %dma_start3A_118 = arith.constant 0 : i32
        %dma_start3A_119 = tpu.memref_slice %arg9[%dma_start3A, %dma_start3A_118] : memref<1664x128xf32, #tpu.memory_space<vmem_shared>> -> memref<1664x128xf32, #tpu.memory_space<vmem_shared>>
        tpu.enqueue_indirect_dma source(%arg8 : memref<128x128xf32, #tpu.memory_space<vmem>>) target(%dma_start3A_119 : memref<1664x128xf32, #tpu.memory_space<vmem_shared>>) offsets(%arg7 : memref<128xi32, #tpu.memory_space<vmem>>) semaphore(%run_scoped3A : memref<!tpu.dma_semaphore, #tpu.memory_space<semaphore_mem>>) {add = true}
        %dma_wait3A = arith.constant 0 : i32
        %dma_wait3A_120 = arith.constant 0 : i32
        %dma_wait3A_121 = tpu.memref_slice %arg9[%dma_wait3A, %dma_wait3A_120] : memref<1664x128xf32, #tpu.memory_space<vmem_shared>> -> memref<1664x128xf32, #tpu.memory_space<vmem_shared>>
        tpu.wait_indirect_dma semaphore(%run_scoped3A : memref<!tpu.dma_semaphore, #tpu.memory_space<semaphore_mem>>) src(%arg8 : memref<128x128xf32, #tpu.memory_space<vmem>>) dst(%dma_wait3A_121 : memref<1664x128xf32, #tpu.memory_space<vmem_shared>>)
        tpu.yield
      }) : () -> ()
    }
    %barrier3A_28 = arith.constant 0 : index
    tpu.barrier barrier_id(%barrier3A_28)
    %mul3A_29 = arith.constant 1664 : i32
    %mul3A_30 = arith.muli %arg0, %mul3A_29 : i32
    %add3A_31 = arith.addi %mul3A_30, %mul3A_0 : i32
    "tpu.region"() ({
      %run_scoped3A = tpu.sem_alloc : memref<!tpu.dma_semaphore, #tpu.memory_space<semaphore_mem>>
      %dma_start3A = arith.constant 0 : i32
      %dma_start3A_32 = tpu.memref_slice %arg5[%add3A_31, %dma_start3A] : memref<3328x128xf32, #tpu.memory_space<hbm>> -> memref<104x128xf32, #tpu.memory_space<hbm>>
      %dma_start3A_33 = arith.constant 0 : i32
      %dma_start3A_34 = tpu.memref_slice %arg9[%mul3A_0, %dma_start3A_33] : memref<1664x128xf32, #tpu.memory_space<vmem_shared>> -> memref<104x128xf32, #tpu.memory_space<vmem_shared>>
      tpu.enqueue_dma source(%dma_start3A_34 : memref<104x128xf32, #tpu.memory_space<vmem_shared>>) target(%dma_start3A_32 : memref<104x128xf32, #tpu.memory_space<hbm>>) target_semaphore(%run_scoped3A : memref<!tpu.dma_semaphore, #tpu.memory_space<semaphore_mem>>)
      %dma_wait3A = arith.constant 0 : i32
      %dma_wait3A_35 = tpu.memref_slice %arg5[%add3A_31, %dma_wait3A] : memref<3328x128xf32, #tpu.memory_space<hbm>> -> memref<104x128xf32, #tpu.memory_space<hbm>>
      %dma_wait3A_36 = arith.constant 0 : i32
      %dma_wait3A_37 = tpu.memref_slice %arg9[%mul3A_0, %dma_wait3A_36] : memref<1664x128xf32, #tpu.memory_space<vmem_shared>> -> memref<104x128xf32, #tpu.memory_space<vmem_shared>>
      tpu.wait_dma2 semaphore(%run_scoped3A : memref<!tpu.dma_semaphore, #tpu.memory_space<semaphore_mem>>) src(%dma_wait3A_37 : memref<104x128xf32, #tpu.memory_space<vmem_shared>>) dst(%dma_wait3A_35 : memref<104x128xf32, #tpu.memory_space<hbm>>)
      tpu.yield
    }) : () -> ()
    return
  }
}

#map = affine_map<(d0, d1) -> (0, 0)>
#map1 = affine_map<(d0, d1) -> (0)>
module attributes {stable_mosaic.version = 14 : i64} {
  func.func @sc_scatter_v(%arg0: i32, %arg1: i32, %arg2: memref<800000x128xf32, #tpu.memory_space<hbm>>, %arg3: memref<800000x128xf32, #tpu.memory_space<hbm>>, %arg4: memref<800000xi32, #tpu.memory_space<hbm>>, %arg5: memref<784x128xf32, #tpu.memory_space<hbm>>, %arg6: memref<25088x128xf32, #tpu.memory_space<hbm>>, %arg7: memref<128xi32, #tpu.memory_space<vmem>>, %arg8: memref<128xi32, #tpu.memory_space<vmem>>, %arg9: memref<128x128xf32, #tpu.memory_space<vmem>>, %arg10: memref<12544x128xf32, #tpu.memory_space<vmem_shared>>) attributes {dimension_semantics = [#tpu.dimension_semantics<core_parallel>, #tpu.dimension_semantics<subcore_parallel>], iteration_bounds = array<i64: 2, 16>, scalar_prefetch = 0 : i64, scratch_operands = 4 : i64, tpu.core_type = #tpu.core_type<sc_vector_subcore>, window_params = [{transform_indices = #map}, {transform_indices = #map}, {transform_indices = #map1}, {transform_indices = #map}, {transform_indices = #map}]} {
    %mul3A = arith.constant 784 : i32
    %mul3A_0 = arith.muli %arg1, %mul3A : i32
    "tpu.region"() ({
      %run_scoped3A = tpu.sem_alloc : memref<!tpu.dma_semaphore, #tpu.memory_space<semaphore_mem>>
      %dma_start3A = arith.constant 0 : i32
      %dma_start3A_32 = tpu.memref_slice %arg10[%mul3A_0, %dma_start3A] : memref<12544x128xf32, #tpu.memory_space<vmem_shared>> -> memref<784x128xf32, #tpu.memory_space<vmem_shared>>
      tpu.enqueue_dma source(%arg5 : memref<784x128xf32, #tpu.memory_space<hbm>>) target(%dma_start3A_32 : memref<784x128xf32, #tpu.memory_space<vmem_shared>>) target_semaphore(%run_scoped3A : memref<!tpu.dma_semaphore, #tpu.memory_space<semaphore_mem>>)
      %dma_wait3A = arith.constant 0 : i32
      %dma_wait3A_33 = tpu.memref_slice %arg10[%mul3A_0, %dma_wait3A] : memref<12544x128xf32, #tpu.memory_space<vmem_shared>> -> memref<784x128xf32, #tpu.memory_space<vmem_shared>>
      tpu.wait_dma2 semaphore(%run_scoped3A : memref<!tpu.dma_semaphore, #tpu.memory_space<semaphore_mem>>) src(%arg5 : memref<784x128xf32, #tpu.memory_space<hbm>>) dst(%dma_wait3A_33 : memref<784x128xf32, #tpu.memory_space<vmem_shared>>)
      tpu.yield
    }) : () -> ()
    %barrier3A = arith.constant 0 : index
    tpu.barrier barrier_id(%barrier3A)
    %sub3A = arith.constant 6250 : i32
    %sub3A_1 = arith.subi %sub3A, %arg1 : i32
    %add3A = arith.constant 15 : i32
    %add3A_2 = arith.addi %sub3A_1, %add3A : i32
    %jit3A = arith.constant 16 : i32
    %div3A = arith.divsi %add3A_2, %jit3A : i32
    %sign3A = arith.constant 0 : i32
    %sign3A_3 = arith.cmpi sgt, %add3A_2, %sign3A : i32
    %sign3A_4 = arith.extui %sign3A_3 : i1 to i32
    %sign3A_5 = arith.constant 0 : i32
    %sign3A_6 = arith.cmpi slt, %add3A_2, %sign3A_5 : i32
    %sign3A_7 = arith.extui %sign3A_6 : i1 to i32
    %sign3A_8 = arith.subi %sign3A_4, %sign3A_7 : i32
    %sign3A_9 = arith.constant 0 : i32
    %sign3A_10 = arith.cmpi sgt, %jit3A, %sign3A_9 : i32
    %sign3A_11 = arith.extui %sign3A_10 : i1 to i32
    %sign3A_12 = arith.constant 0 : i32
    %sign3A_13 = arith.cmpi slt, %jit3A, %sign3A_12 : i32
    %sign3A_14 = arith.extui %sign3A_13 : i1 to i32
    %sign3A_15 = arith.subi %sign3A_11, %sign3A_14 : i32
    %ne3A = arith.cmpi ne, %sign3A_8, %sign3A_15 : i32
    %rem3A = arith.remsi %add3A_2, %jit3A : i32
    %ne3A_16 = arith.constant 0 : i32
    %ne3A_17 = arith.cmpi ne, %rem3A, %ne3A_16 : i32
    %and3A = arith.andi %ne3A, %ne3A_17 : i1
    %sub3A_18 = arith.constant 1 : i32
    %sub3A_19 = arith.subi %div3A, %sub3A_18 : i32
    %select_n3A = arith.select %and3A, %sub3A_19, %div3A : i32
    %while3A = arith.constant 0 : i32
    %while3A_20 = arith.subi %select_n3A, %while3A : i32
    %while3A_21 = arith.addi %while3A, %while3A_20 : i32
    %while3A_22 = arith.constant 1 : i32
    %while3A_23 = arith.divsi %while3A_20, %while3A_22 : i32
    %while3A_24 = arith.muli %while3A_23, %while3A_22 : i32
    %while3A_25 = arith.addi %while3A, %while3A_24 : i32
    %while3A_26 = arith.constant 1 : i32
    scf.for %while3A_32 = %while3A to %while3A_25 step %while3A_26  : i32 {
      %mul3A_33 = arith.constant 16 : i32
      %mul3A_34 = arith.muli %mul3A_33, %while3A_32 : i32
      %add3A_35 = arith.addi %arg1, %mul3A_34 : i32
      %mul3A_36 = arith.constant 128 : i32
      %mul3A_37 = arith.muli %add3A_35, %mul3A_36 : i32
      "tpu.region"() ({
        %run_scoped3A = tpu.sem_alloc : memref<!tpu.dma_semaphore, #tpu.memory_space<semaphore_mem>>
        %dma_start3A = tpu.memref_slice %arg4[%mul3A_37] : memref<800000xi32, #tpu.memory_space<hbm>> -> memref<128xi32, #tpu.memory_space<hbm>>
        %dma_start3A_122 = tpu.memref_slice %arg4[%mul3A_37] : memref<800000xi32, #tpu.memory_space<hbm>> -> memref<128xi32, #tpu.memory_space<hbm>>
        tpu.enqueue_dma source(%dma_start3A_122 : memref<128xi32, #tpu.memory_space<hbm>>) target(%arg7 : memref<128xi32, #tpu.memory_space<vmem>>) target_semaphore(%run_scoped3A : memref<!tpu.dma_semaphore, #tpu.memory_space<semaphore_mem>>)
        %dma_wait3A = tpu.memref_slice %arg4[%mul3A_37] : memref<800000xi32, #tpu.memory_space<hbm>> -> memref<128xi32, #tpu.memory_space<hbm>>
        %dma_wait3A_123 = tpu.memref_slice %arg4[%mul3A_37] : memref<800000xi32, #tpu.memory_space<hbm>> -> memref<128xi32, #tpu.memory_space<hbm>>
        tpu.wait_dma2 semaphore(%run_scoped3A : memref<!tpu.dma_semaphore, #tpu.memory_space<semaphore_mem>>) src(%dma_wait3A_123 : memref<128xi32, #tpu.memory_space<hbm>>) dst(%arg7 : memref<128xi32, #tpu.memory_space<vmem>>)
        tpu.yield
      }) : () -> ()
      %get3A = arith.constant 0 : index
      %get3A_38 = tpu.vector_load %arg7[%get3A] {strides = array<i32>} : memref<128xi32, #tpu.memory_space<vmem>>, vector<16xi32>,
      %get3A_39 = vector.shape_cast %get3A_38 : vector<16xi32> to vector<16xi32>
      %shift_right_logical3A = arith.constant 2 : i32
      %shift_right_logical3A_40 = vector.broadcast %shift_right_logical3A : i32 to vector<16xi32>
      %shift_right_logical3A_41 = arith.shrui %get3A_39, %shift_right_logical3A_40 : vector<16xi32>
      %swap3A = arith.constant 0 : index
      %swap3A_42 = tpu.vector_load %arg8[%swap3A] {strides = array<i32>} : memref<128xi32, #tpu.memory_space<vmem>>, vector<16xi32>,
      %swap3A_43 = vector.shape_cast %swap3A_42 : vector<16xi32> to vector<16xi32>
      %swap3A_44 = vector.shape_cast %shift_right_logical3A_41 : vector<16xi32> to vector<16xi32>
      tpu.vector_store %arg8[%swap3A], %swap3A_44 {strides = array<i32>} : memref<128xi32, #tpu.memory_space<vmem>>, vector<16xi32>,
      %get3A_45 = arith.constant 16 : index
      %get3A_46 = tpu.vector_load %arg7[%get3A_45] {strides = array<i32>} : memref<128xi32, #tpu.memory_space<vmem>>, vector<16xi32>,
      %get3A_47 = vector.shape_cast %get3A_46 : vector<16xi32> to vector<16xi32>
      %shift_right_logical3A_48 = arith.constant 2 : i32
      %shift_right_logical3A_49 = vector.broadcast %shift_right_logical3A_48 : i32 to vector<16xi32>
      %shift_right_logical3A_50 = arith.shrui %get3A_47, %shift_right_logical3A_49 : vector<16xi32>
      %swap3A_51 = arith.constant 16 : index
      %swap3A_52 = tpu.vector_load %arg8[%swap3A_51] {strides = array<i32>} : memref<128xi32, #tpu.memory_space<vmem>>, vector<16xi32>,
      %swap3A_53 = vector.shape_cast %swap3A_52 : vector<16xi32> to vector<16xi32>
      %swap3A_54 = vector.shape_cast %shift_right_logical3A_50 : vector<16xi32> to vector<16xi32>
      tpu.vector_store %arg8[%swap3A_51], %swap3A_54 {strides = array<i32>} : memref<128xi32, #tpu.memory_space<vmem>>, vector<16xi32>,
      %get3A_55 = arith.constant 32 : index
      %get3A_56 = tpu.vector_load %arg7[%get3A_55] {strides = array<i32>} : memref<128xi32, #tpu.memory_space<vmem>>, vector<16xi32>,
      %get3A_57 = vector.shape_cast %get3A_56 : vector<16xi32> to vector<16xi32>
      %shift_right_logical3A_58 = arith.constant 2 : i32
      %shift_right_logical3A_59 = vector.broadcast %shift_right_logical3A_58 : i32 to vector<16xi32>
      %shift_right_logical3A_60 = arith.shrui %get3A_57, %shift_right_logical3A_59 : vector<16xi32>
      %swap3A_61 = arith.constant 32 : index
      %swap3A_62 = tpu.vector_load %arg8[%swap3A_61] {strides = array<i32>} : memref<128xi32, #tpu.memory_space<vmem>>, vector<16xi32>,
      %swap3A_63 = vector.shape_cast %swap3A_62 : vector<16xi32> to vector<16xi32>
      %swap3A_64 = vector.shape_cast %shift_right_logical3A_60 : vector<16xi32> to vector<16xi32>
      tpu.vector_store %arg8[%swap3A_61], %swap3A_64 {strides = array<i32>} : memref<128xi32, #tpu.memory_space<vmem>>, vector<16xi32>,
      %get3A_65 = arith.constant 48 : index
      %get3A_66 = tpu.vector_load %arg7[%get3A_65] {strides = array<i32>} : memref<128xi32, #tpu.memory_space<vmem>>, vector<16xi32>,
      %get3A_67 = vector.shape_cast %get3A_66 : vector<16xi32> to vector<16xi32>
      %shift_right_logical3A_68 = arith.constant 2 : i32
      %shift_right_logical3A_69 = vector.broadcast %shift_right_logical3A_68 : i32 to vector<16xi32>
      %shift_right_logical3A_70 = arith.shrui %get3A_67, %shift_right_logical3A_69 : vector<16xi32>
      %swap3A_71 = arith.constant 48 : index
      %swap3A_72 = tpu.vector_load %arg8[%swap3A_71] {strides = array<i32>} : memref<128xi32, #tpu.memory_space<vmem>>, vector<16xi32>,
      %swap3A_73 = vector.shape_cast %swap3A_72 : vector<16xi32> to vector<16xi32>
      %swap3A_74 = vector.shape_cast %shift_right_logical3A_70 : vector<16xi32> to vector<16xi32>
      tpu.vector_store %arg8[%swap3A_71], %swap3A_74 {strides = array<i32>} : memref<128xi32, #tpu.memory_space<vmem>>, vector<16xi32>,
      %get3A_75 = arith.constant 64 : index
      %get3A_76 = tpu.vector_load %arg7[%get3A_75] {strides = array<i32>} : memref<128xi32, #tpu.memory_space<vmem>>, vector<16xi32>,
      %get3A_77 = vector.shape_cast %get3A_76 : vector<16xi32> to vector<16xi32>
      %shift_right_logical3A_78 = arith.constant 2 : i32
      %shift_right_logical3A_79 = vector.broadcast %shift_right_logical3A_78 : i32 to vector<16xi32>
      %shift_right_logical3A_80 = arith.shrui %get3A_77, %shift_right_logical3A_79 : vector<16xi32>
      %swap3A_81 = arith.constant 64 : index
      %swap3A_82 = tpu.vector_load %arg8[%swap3A_81] {strides = array<i32>} : memref<128xi32, #tpu.memory_space<vmem>>, vector<16xi32>,
      %swap3A_83 = vector.shape_cast %swap3A_82 : vector<16xi32> to vector<16xi32>
      %swap3A_84 = vector.shape_cast %shift_right_logical3A_80 : vector<16xi32> to vector<16xi32>
      tpu.vector_store %arg8[%swap3A_81], %swap3A_84 {strides = array<i32>} : memref<128xi32, #tpu.memory_space<vmem>>, vector<16xi32>,
      %get3A_85 = arith.constant 80 : index
      %get3A_86 = tpu.vector_load %arg7[%get3A_85] {strides = array<i32>} : memref<128xi32, #tpu.memory_space<vmem>>, vector<16xi32>,
      %get3A_87 = vector.shape_cast %get3A_86 : vector<16xi32> to vector<16xi32>
      %shift_right_logical3A_88 = arith.constant 2 : i32
      %shift_right_logical3A_89 = vector.broadcast %shift_right_logical3A_88 : i32 to vector<16xi32>
      %shift_right_logical3A_90 = arith.shrui %get3A_87, %shift_right_logical3A_89 : vector<16xi32>
      %swap3A_91 = arith.constant 80 : index
      %swap3A_92 = tpu.vector_load %arg8[%swap3A_91] {strides = array<i32>} : memref<128xi32, #tpu.memory_space<vmem>>, vector<16xi32>,
      %swap3A_93 = vector.shape_cast %swap3A_92 : vector<16xi32> to vector<16xi32>
      %swap3A_94 = vector.shape_cast %shift_right_logical3A_90 : vector<16xi32> to vector<16xi32>
      tpu.vector_store %arg8[%swap3A_91], %swap3A_94 {strides = array<i32>} : memref<128xi32, #tpu.memory_space<vmem>>, vector<16xi32>,
      %get3A_95 = arith.constant 96 : index
      %get3A_96 = tpu.vector_load %arg7[%get3A_95] {strides = array<i32>} : memref<128xi32, #tpu.memory_space<vmem>>, vector<16xi32>,
      %get3A_97 = vector.shape_cast %get3A_96 : vector<16xi32> to vector<16xi32>
      %shift_right_logical3A_98 = arith.constant 2 : i32
      %shift_right_logical3A_99 = vector.broadcast %shift_right_logical3A_98 : i32 to vector<16xi32>
      %shift_right_logical3A_100 = arith.shrui %get3A_97, %shift_right_logical3A_99 : vector<16xi32>
      %swap3A_101 = arith.constant 96 : index
      %swap3A_102 = tpu.vector_load %arg8[%swap3A_101] {strides = array<i32>} : memref<128xi32, #tpu.memory_space<vmem>>, vector<16xi32>,
      %swap3A_103 = vector.shape_cast %swap3A_102 : vector<16xi32> to vector<16xi32>
      %swap3A_104 = vector.shape_cast %shift_right_logical3A_100 : vector<16xi32> to vector<16xi32>
      tpu.vector_store %arg8[%swap3A_101], %swap3A_104 {strides = array<i32>} : memref<128xi32, #tpu.memory_space<vmem>>, vector<16xi32>,
      %get3A_105 = arith.constant 112 : index
      %get3A_106 = tpu.vector_load %arg7[%get3A_105] {strides = array<i32>} : memref<128xi32, #tpu.memory_space<vmem>>, vector<16xi32>,
      %get3A_107 = vector.shape_cast %get3A_106 : vector<16xi32> to vector<16xi32>
      %shift_right_logical3A_108 = arith.constant 2 : i32
      %shift_right_logical3A_109 = vector.broadcast %shift_right_logical3A_108 : i32 to vector<16xi32>
      %shift_right_logical3A_110 = arith.shrui %get3A_107, %shift_right_logical3A_109 : vector<16xi32>
      %swap3A_111 = arith.constant 112 : index
      %swap3A_112 = tpu.vector_load %arg8[%swap3A_111] {strides = array<i32>} : memref<128xi32, #tpu.memory_space<vmem>>, vector<16xi32>,
      %swap3A_113 = vector.shape_cast %swap3A_112 : vector<16xi32> to vector<16xi32>
      %swap3A_114 = vector.shape_cast %shift_right_logical3A_110 : vector<16xi32> to vector<16xi32>
      tpu.vector_store %arg8[%swap3A_111], %swap3A_114 {strides = array<i32>} : memref<128xi32, #tpu.memory_space<vmem>>, vector<16xi32>,
      %eq3A = arith.constant 0 : i32
      %eq3A_115 = arith.cmpi eq, %arg0, %eq3A : i32
      %convert_element_type3A = arith.extui %eq3A_115 : i1 to i32
      %cond3A = arith.constant 0 : i32
      %cond3A_116 = arith.cmpi ne, %convert_element_type3A, %cond3A : i32
      scf.if %cond3A_116 {
        "tpu.region"() ({
          %run_scoped3A = tpu.sem_alloc : memref<!tpu.dma_semaphore, #tpu.memory_space<semaphore_mem>>
          %dma_start3A = arith.constant 0 : i32
          %dma_start3A_122 = tpu.memref_slice %arg2[%mul3A_37, %dma_start3A] : memref<800000x128xf32, #tpu.memory_space<hbm>> -> memref<128x128xf32, #tpu.memory_space<hbm>>
          %dma_start3A_123 = arith.constant 0 : i32
          %dma_start3A_124 = tpu.memref_slice %arg2[%mul3A_37, %dma_start3A_123] : memref<800000x128xf32, #tpu.memory_space<hbm>> -> memref<128x128xf32, #tpu.memory_space<hbm>>
          tpu.enqueue_dma source(%dma_start3A_124 : memref<128x128xf32, #tpu.memory_space<hbm>>) target(%arg9 : memref<128x128xf32, #tpu.memory_space<vmem>>) target_semaphore(%run_scoped3A : memref<!tpu.dma_semaphore, #tpu.memory_space<semaphore_mem>>)
          %dma_wait3A = arith.constant 0 : i32
          %dma_wait3A_125 = tpu.memref_slice %arg2[%mul3A_37, %dma_wait3A] : memref<800000x128xf32, #tpu.memory_space<hbm>> -> memref<128x128xf32, #tpu.memory_space<hbm>>
          %dma_wait3A_126 = arith.constant 0 : i32
          %dma_wait3A_127 = tpu.memref_slice %arg2[%mul3A_37, %dma_wait3A_126] : memref<800000x128xf32, #tpu.memory_space<hbm>> -> memref<128x128xf32, #tpu.memory_space<hbm>>
          tpu.wait_dma2 semaphore(%run_scoped3A : memref<!tpu.dma_semaphore, #tpu.memory_space<semaphore_mem>>) src(%dma_wait3A_127 : memref<128x128xf32, #tpu.memory_space<hbm>>) dst(%arg9 : memref<128x128xf32, #tpu.memory_space<vmem>>)
          tpu.yield
        }) : () -> ()
      } else {
      }
      %eq3A_117 = arith.constant 1 : i32
      %eq3A_118 = arith.cmpi eq, %arg0, %eq3A_117 : i32
      %convert_element_type3A_119 = arith.extui %eq3A_118 : i1 to i32
      %cond3A_120 = arith.constant 0 : i32
      %cond3A_121 = arith.cmpi ne, %convert_element_type3A_119, %cond3A_120 : i32
      scf.if %cond3A_121 {
        "tpu.region"() ({
          %run_scoped3A = tpu.sem_alloc : memref<!tpu.dma_semaphore, #tpu.memory_space<semaphore_mem>>
          %dma_start3A = arith.constant 0 : i32
          %dma_start3A_122 = tpu.memref_slice %arg3[%mul3A_37, %dma_start3A] : memref<800000x128xf32, #tpu.memory_space<hbm>> -> memref<128x128xf32, #tpu.memory_space<hbm>>
          %dma_start3A_123 = arith.constant 0 : i32
          %dma_start3A_124 = tpu.memref_slice %arg3[%mul3A_37, %dma_start3A_123] : memref<800000x128xf32, #tpu.memory_space<hbm>> -> memref<128x128xf32, #tpu.memory_space<hbm>>
          tpu.enqueue_dma source(%dma_start3A_124 : memref<128x128xf32, #tpu.memory_space<hbm>>) target(%arg9 : memref<128x128xf32, #tpu.memory_space<vmem>>) target_semaphore(%run_scoped3A : memref<!tpu.dma_semaphore, #tpu.memory_space<semaphore_mem>>)
          %dma_wait3A = arith.constant 0 : i32
          %dma_wait3A_125 = tpu.memref_slice %arg3[%mul3A_37, %dma_wait3A] : memref<800000x128xf32, #tpu.memory_space<hbm>> -> memref<128x128xf32, #tpu.memory_space<hbm>>
          %dma_wait3A_126 = arith.constant 0 : i32
          %dma_wait3A_127 = tpu.memref_slice %arg3[%mul3A_37, %dma_wait3A_126] : memref<800000x128xf32, #tpu.memory_space<hbm>> -> memref<128x128xf32, #tpu.memory_space<hbm>>
          tpu.wait_dma2 semaphore(%run_scoped3A : memref<!tpu.dma_semaphore, #tpu.memory_space<semaphore_mem>>) src(%dma_wait3A_127 : memref<128x128xf32, #tpu.memory_space<hbm>>) dst(%arg9 : memref<128x128xf32, #tpu.memory_space<vmem>>)
          tpu.yield
        }) : () -> ()
      } else {
      }
      "tpu.region"() ({
        %run_scoped3A = tpu.sem_alloc : memref<!tpu.dma_semaphore, #tpu.memory_space<semaphore_mem>>
        %dma_start3A = arith.constant 0 : i32
        %dma_start3A_122 = arith.constant 0 : i32
        %dma_start3A_123 = tpu.memref_slice %arg10[%dma_start3A, %dma_start3A_122] : memref<12544x128xf32, #tpu.memory_space<vmem_shared>> -> memref<12544x128xf32, #tpu.memory_space<vmem_shared>>
        tpu.enqueue_indirect_dma source(%arg9 : memref<128x128xf32, #tpu.memory_space<vmem>>) target(%dma_start3A_123 : memref<12544x128xf32, #tpu.memory_space<vmem_shared>>) offsets(%arg8 : memref<128xi32, #tpu.memory_space<vmem>>) semaphore(%run_scoped3A : memref<!tpu.dma_semaphore, #tpu.memory_space<semaphore_mem>>) {add = true}
        %dma_wait3A = arith.constant 0 : i32
        %dma_wait3A_124 = arith.constant 0 : i32
        %dma_wait3A_125 = tpu.memref_slice %arg10[%dma_wait3A, %dma_wait3A_124] : memref<12544x128xf32, #tpu.memory_space<vmem_shared>> -> memref<12544x128xf32, #tpu.memory_space<vmem_shared>>
        tpu.wait_indirect_dma semaphore(%run_scoped3A : memref<!tpu.dma_semaphore, #tpu.memory_space<semaphore_mem>>) src(%arg9 : memref<128x128xf32, #tpu.memory_space<vmem>>) dst(%dma_wait3A_125 : memref<12544x128xf32, #tpu.memory_space<vmem_shared>>)
        tpu.yield
      }) : () -> ()
    }
    %while3A_27 = arith.constant 1 : i32
    scf.for %while3A_32 = %while3A_25 to %while3A_21 step %while3A_27  : i32 {
      %mul3A_33 = arith.constant 16 : i32
      %mul3A_34 = arith.muli %mul3A_33, %while3A_32 : i32
      %add3A_35 = arith.addi %arg1, %mul3A_34 : i32
      %mul3A_36 = arith.constant 128 : i32
      %mul3A_37 = arith.muli %add3A_35, %mul3A_36 : i32
      "tpu.region"() ({
        %run_scoped3A = tpu.sem_alloc : memref<!tpu.dma_semaphore, #tpu.memory_space<semaphore_mem>>
        %dma_start3A = tpu.memref_slice %arg4[%mul3A_37] : memref<800000xi32, #tpu.memory_space<hbm>> -> memref<128xi32, #tpu.memory_space<hbm>>
        %dma_start3A_122 = tpu.memref_slice %arg4[%mul3A_37] : memref<800000xi32, #tpu.memory_space<hbm>> -> memref<128xi32, #tpu.memory_space<hbm>>
        tpu.enqueue_dma source(%dma_start3A_122 : memref<128xi32, #tpu.memory_space<hbm>>) target(%arg7 : memref<128xi32, #tpu.memory_space<vmem>>) target_semaphore(%run_scoped3A : memref<!tpu.dma_semaphore, #tpu.memory_space<semaphore_mem>>)
        %dma_wait3A = tpu.memref_slice %arg4[%mul3A_37] : memref<800000xi32, #tpu.memory_space<hbm>> -> memref<128xi32, #tpu.memory_space<hbm>>
        %dma_wait3A_123 = tpu.memref_slice %arg4[%mul3A_37] : memref<800000xi32, #tpu.memory_space<hbm>> -> memref<128xi32, #tpu.memory_space<hbm>>
        tpu.wait_dma2 semaphore(%run_scoped3A : memref<!tpu.dma_semaphore, #tpu.memory_space<semaphore_mem>>) src(%dma_wait3A_123 : memref<128xi32, #tpu.memory_space<hbm>>) dst(%arg7 : memref<128xi32, #tpu.memory_space<vmem>>)
        tpu.yield
      }) : () -> ()
      %get3A = arith.constant 0 : index
      %get3A_38 = tpu.vector_load %arg7[%get3A] {strides = array<i32>} : memref<128xi32, #tpu.memory_space<vmem>>, vector<16xi32>,
      %get3A_39 = vector.shape_cast %get3A_38 : vector<16xi32> to vector<16xi32>
      %shift_right_logical3A = arith.constant 2 : i32
      %shift_right_logical3A_40 = vector.broadcast %shift_right_logical3A : i32 to vector<16xi32>
      %shift_right_logical3A_41 = arith.shrui %get3A_39, %shift_right_logical3A_40 : vector<16xi32>
      %swap3A = arith.constant 0 : index
      %swap3A_42 = tpu.vector_load %arg8[%swap3A] {strides = array<i32>} : memref<128xi32, #tpu.memory_space<vmem>>, vector<16xi32>,
      %swap3A_43 = vector.shape_cast %swap3A_42 : vector<16xi32> to vector<16xi32>
      %swap3A_44 = vector.shape_cast %shift_right_logical3A_41 : vector<16xi32> to vector<16xi32>
      tpu.vector_store %arg8[%swap3A], %swap3A_44 {strides = array<i32>} : memref<128xi32, #tpu.memory_space<vmem>>, vector<16xi32>,
      %get3A_45 = arith.constant 16 : index
      %get3A_46 = tpu.vector_load %arg7[%get3A_45] {strides = array<i32>} : memref<128xi32, #tpu.memory_space<vmem>>, vector<16xi32>,
      %get3A_47 = vector.shape_cast %get3A_46 : vector<16xi32> to vector<16xi32>
      %shift_right_logical3A_48 = arith.constant 2 : i32
      %shift_right_logical3A_49 = vector.broadcast %shift_right_logical3A_48 : i32 to vector<16xi32>
      %shift_right_logical3A_50 = arith.shrui %get3A_47, %shift_right_logical3A_49 : vector<16xi32>
      %swap3A_51 = arith.constant 16 : index
      %swap3A_52 = tpu.vector_load %arg8[%swap3A_51] {strides = array<i32>} : memref<128xi32, #tpu.memory_space<vmem>>, vector<16xi32>,
      %swap3A_53 = vector.shape_cast %swap3A_52 : vector<16xi32> to vector<16xi32>
      %swap3A_54 = vector.shape_cast %shift_right_logical3A_50 : vector<16xi32> to vector<16xi32>
      tpu.vector_store %arg8[%swap3A_51], %swap3A_54 {strides = array<i32>} : memref<128xi32, #tpu.memory_space<vmem>>, vector<16xi32>,
      %get3A_55 = arith.constant 32 : index
      %get3A_56 = tpu.vector_load %arg7[%get3A_55] {strides = array<i32>} : memref<128xi32, #tpu.memory_space<vmem>>, vector<16xi32>,
      %get3A_57 = vector.shape_cast %get3A_56 : vector<16xi32> to vector<16xi32>
      %shift_right_logical3A_58 = arith.constant 2 : i32
      %shift_right_logical3A_59 = vector.broadcast %shift_right_logical3A_58 : i32 to vector<16xi32>
      %shift_right_logical3A_60 = arith.shrui %get3A_57, %shift_right_logical3A_59 : vector<16xi32>
      %swap3A_61 = arith.constant 32 : index
      %swap3A_62 = tpu.vector_load %arg8[%swap3A_61] {strides = array<i32>} : memref<128xi32, #tpu.memory_space<vmem>>, vector<16xi32>,
      %swap3A_63 = vector.shape_cast %swap3A_62 : vector<16xi32> to vector<16xi32>
      %swap3A_64 = vector.shape_cast %shift_right_logical3A_60 : vector<16xi32> to vector<16xi32>
      tpu.vector_store %arg8[%swap3A_61], %swap3A_64 {strides = array<i32>} : memref<128xi32, #tpu.memory_space<vmem>>, vector<16xi32>,
      %get3A_65 = arith.constant 48 : index
      %get3A_66 = tpu.vector_load %arg7[%get3A_65] {strides = array<i32>} : memref<128xi32, #tpu.memory_space<vmem>>, vector<16xi32>,
      %get3A_67 = vector.shape_cast %get3A_66 : vector<16xi32> to vector<16xi32>
      %shift_right_logical3A_68 = arith.constant 2 : i32
      %shift_right_logical3A_69 = vector.broadcast %shift_right_logical3A_68 : i32 to vector<16xi32>
      %shift_right_logical3A_70 = arith.shrui %get3A_67, %shift_right_logical3A_69 : vector<16xi32>
      %swap3A_71 = arith.constant 48 : index
      %swap3A_72 = tpu.vector_load %arg8[%swap3A_71] {strides = array<i32>} : memref<128xi32, #tpu.memory_space<vmem>>, vector<16xi32>,
      %swap3A_73 = vector.shape_cast %swap3A_72 : vector<16xi32> to vector<16xi32>
      %swap3A_74 = vector.shape_cast %shift_right_logical3A_70 : vector<16xi32> to vector<16xi32>
      tpu.vector_store %arg8[%swap3A_71], %swap3A_74 {strides = array<i32>} : memref<128xi32, #tpu.memory_space<vmem>>, vector<16xi32>,
      %get3A_75 = arith.constant 64 : index
      %get3A_76 = tpu.vector_load %arg7[%get3A_75] {strides = array<i32>} : memref<128xi32, #tpu.memory_space<vmem>>, vector<16xi32>,
      %get3A_77 = vector.shape_cast %get3A_76 : vector<16xi32> to vector<16xi32>
      %shift_right_logical3A_78 = arith.constant 2 : i32
      %shift_right_logical3A_79 = vector.broadcast %shift_right_logical3A_78 : i32 to vector<16xi32>
      %shift_right_logical3A_80 = arith.shrui %get3A_77, %shift_right_logical3A_79 : vector<16xi32>
      %swap3A_81 = arith.constant 64 : index
      %swap3A_82 = tpu.vector_load %arg8[%swap3A_81] {strides = array<i32>} : memref<128xi32, #tpu.memory_space<vmem>>, vector<16xi32>,
      %swap3A_83 = vector.shape_cast %swap3A_82 : vector<16xi32> to vector<16xi32>
      %swap3A_84 = vector.shape_cast %shift_right_logical3A_80 : vector<16xi32> to vector<16xi32>
      tpu.vector_store %arg8[%swap3A_81], %swap3A_84 {strides = array<i32>} : memref<128xi32, #tpu.memory_space<vmem>>, vector<16xi32>,
      %get3A_85 = arith.constant 80 : index
      %get3A_86 = tpu.vector_load %arg7[%get3A_85] {strides = array<i32>} : memref<128xi32, #tpu.memory_space<vmem>>, vector<16xi32>,
      %get3A_87 = vector.shape_cast %get3A_86 : vector<16xi32> to vector<16xi32>
      %shift_right_logical3A_88 = arith.constant 2 : i32
      %shift_right_logical3A_89 = vector.broadcast %shift_right_logical3A_88 : i32 to vector<16xi32>
      %shift_right_logical3A_90 = arith.shrui %get3A_87, %shift_right_logical3A_89 : vector<16xi32>
      %swap3A_91 = arith.constant 80 : index
      %swap3A_92 = tpu.vector_load %arg8[%swap3A_91] {strides = array<i32>} : memref<128xi32, #tpu.memory_space<vmem>>, vector<16xi32>,
      %swap3A_93 = vector.shape_cast %swap3A_92 : vector<16xi32> to vector<16xi32>
      %swap3A_94 = vector.shape_cast %shift_right_logical3A_90 : vector<16xi32> to vector<16xi32>
      tpu.vector_store %arg8[%swap3A_91], %swap3A_94 {strides = array<i32>} : memref<128xi32, #tpu.memory_space<vmem>>, vector<16xi32>,
      %get3A_95 = arith.constant 96 : index
      %get3A_96 = tpu.vector_load %arg7[%get3A_95] {strides = array<i32>} : memref<128xi32, #tpu.memory_space<vmem>>, vector<16xi32>,
      %get3A_97 = vector.shape_cast %get3A_96 : vector<16xi32> to vector<16xi32>
      %shift_right_logical3A_98 = arith.constant 2 : i32
      %shift_right_logical3A_99 = vector.broadcast %shift_right_logical3A_98 : i32 to vector<16xi32>
      %shift_right_logical3A_100 = arith.shrui %get3A_97, %shift_right_logical3A_99 : vector<16xi32>
      %swap3A_101 = arith.constant 96 : index
      %swap3A_102 = tpu.vector_load %arg8[%swap3A_101] {strides = array<i32>} : memref<128xi32, #tpu.memory_space<vmem>>, vector<16xi32>,
      %swap3A_103 = vector.shape_cast %swap3A_102 : vector<16xi32> to vector<16xi32>
      %swap3A_104 = vector.shape_cast %shift_right_logical3A_100 : vector<16xi32> to vector<16xi32>
      tpu.vector_store %arg8[%swap3A_101], %swap3A_104 {strides = array<i32>} : memref<128xi32, #tpu.memory_space<vmem>>, vector<16xi32>,
      %get3A_105 = arith.constant 112 : index
      %get3A_106 = tpu.vector_load %arg7[%get3A_105] {strides = array<i32>} : memref<128xi32, #tpu.memory_space<vmem>>, vector<16xi32>,
      %get3A_107 = vector.shape_cast %get3A_106 : vector<16xi32> to vector<16xi32>
      %shift_right_logical3A_108 = arith.constant 2 : i32
      %shift_right_logical3A_109 = vector.broadcast %shift_right_logical3A_108 : i32 to vector<16xi32>
      %shift_right_logical3A_110 = arith.shrui %get3A_107, %shift_right_logical3A_109 : vector<16xi32>
      %swap3A_111 = arith.constant 112 : index
      %swap3A_112 = tpu.vector_load %arg8[%swap3A_111] {strides = array<i32>} : memref<128xi32, #tpu.memory_space<vmem>>, vector<16xi32>,
      %swap3A_113 = vector.shape_cast %swap3A_112 : vector<16xi32> to vector<16xi32>
      %swap3A_114 = vector.shape_cast %shift_right_logical3A_110 : vector<16xi32> to vector<16xi32>
      tpu.vector_store %arg8[%swap3A_111], %swap3A_114 {strides = array<i32>} : memref<128xi32, #tpu.memory_space<vmem>>, vector<16xi32>,
      %eq3A = arith.constant 0 : i32
      %eq3A_115 = arith.cmpi eq, %arg0, %eq3A : i32
      %convert_element_type3A = arith.extui %eq3A_115 : i1 to i32
      %cond3A = arith.constant 0 : i32
      %cond3A_116 = arith.cmpi ne, %convert_element_type3A, %cond3A : i32
      scf.if %cond3A_116 {
        "tpu.region"() ({
          %run_scoped3A = tpu.sem_alloc : memref<!tpu.dma_semaphore, #tpu.memory_space<semaphore_mem>>
          %dma_start3A = arith.constant 0 : i32
          %dma_start3A_122 = tpu.memref_slice %arg2[%mul3A_37, %dma_start3A] : memref<800000x128xf32, #tpu.memory_space<hbm>> -> memref<128x128xf32, #tpu.memory_space<hbm>>
          %dma_start3A_123 = arith.constant 0 : i32
          %dma_start3A_124 = tpu.memref_slice %arg2[%mul3A_37, %dma_start3A_123] : memref<800000x128xf32, #tpu.memory_space<hbm>> -> memref<128x128xf32, #tpu.memory_space<hbm>>
          tpu.enqueue_dma source(%dma_start3A_124 : memref<128x128xf32, #tpu.memory_space<hbm>>) target(%arg9 : memref<128x128xf32, #tpu.memory_space<vmem>>) target_semaphore(%run_scoped3A : memref<!tpu.dma_semaphore, #tpu.memory_space<semaphore_mem>>)
          %dma_wait3A = arith.constant 0 : i32
          %dma_wait3A_125 = tpu.memref_slice %arg2[%mul3A_37, %dma_wait3A] : memref<800000x128xf32, #tpu.memory_space<hbm>> -> memref<128x128xf32, #tpu.memory_space<hbm>>
          %dma_wait3A_126 = arith.constant 0 : i32
          %dma_wait3A_127 = tpu.memref_slice %arg2[%mul3A_37, %dma_wait3A_126] : memref<800000x128xf32, #tpu.memory_space<hbm>> -> memref<128x128xf32, #tpu.memory_space<hbm>>
          tpu.wait_dma2 semaphore(%run_scoped3A : memref<!tpu.dma_semaphore, #tpu.memory_space<semaphore_mem>>) src(%dma_wait3A_127 : memref<128x128xf32, #tpu.memory_space<hbm>>) dst(%arg9 : memref<128x128xf32, #tpu.memory_space<vmem>>)
          tpu.yield
        }) : () -> ()
      } else {
      }
      %eq3A_117 = arith.constant 1 : i32
      %eq3A_118 = arith.cmpi eq, %arg0, %eq3A_117 : i32
      %convert_element_type3A_119 = arith.extui %eq3A_118 : i1 to i32
      %cond3A_120 = arith.constant 0 : i32
      %cond3A_121 = arith.cmpi ne, %convert_element_type3A_119, %cond3A_120 : i32
      scf.if %cond3A_121 {
        "tpu.region"() ({
          %run_scoped3A = tpu.sem_alloc : memref<!tpu.dma_semaphore, #tpu.memory_space<semaphore_mem>>
          %dma_start3A = arith.constant 0 : i32
          %dma_start3A_122 = tpu.memref_slice %arg3[%mul3A_37, %dma_start3A] : memref<800000x128xf32, #tpu.memory_space<hbm>> -> memref<128x128xf32, #tpu.memory_space<hbm>>
          %dma_start3A_123 = arith.constant 0 : i32
          %dma_start3A_124 = tpu.memref_slice %arg3[%mul3A_37, %dma_start3A_123] : memref<800000x128xf32, #tpu.memory_space<hbm>> -> memref<128x128xf32, #tpu.memory_space<hbm>>
          tpu.enqueue_dma source(%dma_start3A_124 : memref<128x128xf32, #tpu.memory_space<hbm>>) target(%arg9 : memref<128x128xf32, #tpu.memory_space<vmem>>) target_semaphore(%run_scoped3A : memref<!tpu.dma_semaphore, #tpu.memory_space<semaphore_mem>>)
          %dma_wait3A = arith.constant 0 : i32
          %dma_wait3A_125 = tpu.memref_slice %arg3[%mul3A_37, %dma_wait3A] : memref<800000x128xf32, #tpu.memory_space<hbm>> -> memref<128x128xf32, #tpu.memory_space<hbm>>
          %dma_wait3A_126 = arith.constant 0 : i32
          %dma_wait3A_127 = tpu.memref_slice %arg3[%mul3A_37, %dma_wait3A_126] : memref<800000x128xf32, #tpu.memory_space<hbm>> -> memref<128x128xf32, #tpu.memory_space<hbm>>
          tpu.wait_dma2 semaphore(%run_scoped3A : memref<!tpu.dma_semaphore, #tpu.memory_space<semaphore_mem>>) src(%dma_wait3A_127 : memref<128x128xf32, #tpu.memory_space<hbm>>) dst(%arg9 : memref<128x128xf32, #tpu.memory_space<vmem>>)
          tpu.yield
        }) : () -> ()
      } else {
      }
      "tpu.region"() ({
        %run_scoped3A = tpu.sem_alloc : memref<!tpu.dma_semaphore, #tpu.memory_space<semaphore_mem>>
        %dma_start3A = arith.constant 0 : i32
        %dma_start3A_122 = arith.constant 0 : i32
        %dma_start3A_123 = tpu.memref_slice %arg10[%dma_start3A, %dma_start3A_122] : memref<12544x128xf32, #tpu.memory_space<vmem_shared>> -> memref<12544x128xf32, #tpu.memory_space<vmem_shared>>
        tpu.enqueue_indirect_dma source(%arg9 : memref<128x128xf32, #tpu.memory_space<vmem>>) target(%dma_start3A_123 : memref<12544x128xf32, #tpu.memory_space<vmem_shared>>) offsets(%arg8 : memref<128xi32, #tpu.memory_space<vmem>>) semaphore(%run_scoped3A : memref<!tpu.dma_semaphore, #tpu.memory_space<semaphore_mem>>) {add = true}
        %dma_wait3A = arith.constant 0 : i32
        %dma_wait3A_124 = arith.constant 0 : i32
        %dma_wait3A_125 = tpu.memref_slice %arg10[%dma_wait3A, %dma_wait3A_124] : memref<12544x128xf32, #tpu.memory_space<vmem_shared>> -> memref<12544x128xf32, #tpu.memory_space<vmem_shared>>
        tpu.wait_indirect_dma semaphore(%run_scoped3A : memref<!tpu.dma_semaphore, #tpu.memory_space<semaphore_mem>>) src(%arg9 : memref<128x128xf32, #tpu.memory_space<vmem>>) dst(%dma_wait3A_125 : memref<12544x128xf32, #tpu.memory_space<vmem_shared>>)
        tpu.yield
      }) : () -> ()
    }
    %barrier3A_28 = arith.constant 0 : index
    tpu.barrier barrier_id(%barrier3A_28)
    %mul3A_29 = arith.constant 12544 : i32
    %mul3A_30 = arith.muli %arg0, %mul3A_29 : i32
    %add3A_31 = arith.addi %mul3A_30, %mul3A_0 : i32
    "tpu.region"() ({
      %run_scoped3A = tpu.sem_alloc : memref<!tpu.dma_semaphore, #tpu.memory_space<semaphore_mem>>
      %dma_start3A = arith.constant 0 : i32
      %dma_start3A_32 = tpu.memref_slice %arg6[%add3A_31, %dma_start3A] : memref<25088x128xf32, #tpu.memory_space<hbm>> -> memref<784x128xf32, #tpu.memory_space<hbm>>
      %dma_start3A_33 = arith.constant 0 : i32
      %dma_start3A_34 = tpu.memref_slice %arg10[%mul3A_0, %dma_start3A_33] : memref<12544x128xf32, #tpu.memory_space<vmem_shared>> -> memref<784x128xf32, #tpu.memory_space<vmem_shared>>
      tpu.enqueue_dma source(%dma_start3A_34 : memref<784x128xf32, #tpu.memory_space<vmem_shared>>) target(%dma_start3A_32 : memref<784x128xf32, #tpu.memory_space<hbm>>) target_semaphore(%run_scoped3A : memref<!tpu.dma_semaphore, #tpu.memory_space<semaphore_mem>>)
      %dma_wait3A = arith.constant 0 : i32
      %dma_wait3A_35 = tpu.memref_slice %arg6[%add3A_31, %dma_wait3A] : memref<25088x128xf32, #tpu.memory_space<hbm>> -> memref<784x128xf32, #tpu.memory_space<hbm>>
      %dma_wait3A_36 = arith.constant 0 : i32
      %dma_wait3A_37 = tpu.memref_slice %arg10[%mul3A_0, %dma_wait3A_36] : memref<12544x128xf32, #tpu.memory_space<vmem_shared>> -> memref<784x128xf32, #tpu.memory_space<vmem_shared>>
      tpu.wait_dma2 semaphore(%run_scoped3A : memref<!tpu.dma_semaphore, #tpu.memory_space<semaphore_mem>>) src(%dma_wait3A_37 : memref<784x128xf32, #tpu.memory_space<vmem_shared>>) dst(%dma_wait3A_35 : memref<784x128xf32, #tpu.memory_space<hbm>>)
      tpu.yield
    }) : () -> ()
    return
  }
}

module attributes {stable_mosaic.version = 14 : i64} {
  func.func @_pre1_body(%arg0: i32, %arg1: memref<2000x128xf32, #tpu.memory_space<vmem>>, %arg2: memref<128x64xf32, #tpu.memory_space<vmem>>, %arg3: memref<1x64xf32, #tpu.memory_space<vmem>>, %arg4: memref<64x64xf32, #tpu.memory_space<vmem>>, %arg5: memref<1x64xf32, #tpu.memory_space<vmem>>, %arg6: memref<64x64xf32, #tpu.memory_space<vmem>>, %arg7: memref<1x64xf32, #tpu.memory_space<vmem>>, %arg8: memref<64x64xf32, #tpu.memory_space<vmem>>, %arg9: memref<1x64xf32, #tpu.memory_space<vmem>>, %arg10: memref<2000x64xf32, #tpu.memory_space<vmem>>, %arg11: memref<2000x128xf32, #tpu.memory_space<vmem>>, %arg12: memref<2000x128xf32, #tpu.memory_space<vmem>>) attributes {dimension_semantics = [#tpu.dimension_semantics<arbitrary>], iteration_bounds = array<i64: 25>, scalar_prefetch = 0 : i64, scratch_operands = 0 : i64, tpu.core_type = #tpu.core_type<tc>, window_params = [{transform_indices = @transform_0, window_bounds = array<i64: 2000, 128>}, {pipeline_mode = #tpu.pipeline_mode<synchronous>, transform_indices = @transform_1, window_bounds = array<i64: 128, 64>}, {pipeline_mode = #tpu.pipeline_mode<synchronous>, transform_indices = @transform_2, window_bounds = array<i64: 1, 64>}, {pipeline_mode = #tpu.pipeline_mode<synchronous>, transform_indices = @transform_3, window_bounds = array<i64: 64, 64>}, {pipeline_mode = #tpu.pipeline_mode<synchronous>, transform_indices = @transform_4, window_bounds = array<i64: 1, 64>}, {pipeline_mode = #tpu.pipeline_mode<synchronous>, transform_indices = @transform_5, window_bounds = array<i64: 64, 64>}, {pipeline_mode = #tpu.pipeline_mode<synchronous>, transform_indices = @transform_6, window_bounds = array<i64: 1, 64>}, {pipeline_mode = #tpu.pipeline_mode<synchronous>, transform_indices = @transform_7, window_bounds = array<i64: 64, 64>}, {pipeline_mode = #tpu.pipeline_mode<synchronous>, transform_indices = @transform_8, window_bounds = array<i64: 1, 64>}, {transform_indices = @transform_9, window_bounds = array<i64: 2000, 64>}, {transform_indices = @transform_10, window_bounds = array<i64: 2000, 128>}, {transform_indices = @transform_11, window_bounds = array<i64: 2000, 128>}]} {
    %get3A = arith.constant 0 : index
    %get3A_0 = arith.constant 0 : index
    %get3A_1 = vector.load %arg1[%get3A, %get3A_0] : memref<2000x128xf32, #tpu.memory_space<vmem>>, vector<2000x128xf32>
    %get3A_2 = arith.constant 0 : index
    %get3A_3 = arith.constant 0 : index
    %get3A_4 = vector.load %arg2[%get3A_2, %get3A_3] : memref<128x64xf32, #tpu.memory_space<vmem>>, vector<128x64xf32>
    %dot_general3A = arith.constant dense<0.000000e+00> : vector<2000x64xf32>
    %dot_general3A_5 = tpu.matmul %get3A_1, %get3A_4, %dot_general3A {dimension_numbers = #tpu.dot_dimension_numbers<[1], [0], [0], [1], [0, 0, 1, 1], [], []>, transpose_lhs_hint = false} : vector<2000x128xf32>, vector<128x64xf32>, vector<2000x64xf32> -> vector<2000x64xf32>
    %get3A_6 = arith.constant 0 : index
    %get3A_7 = arith.constant 0 : index
    %get3A_8 = vector.load %arg3[%get3A_6, %get3A_7] : memref<1x64xf32, #tpu.memory_space<vmem>>, vector<1x64xf32>
    %add3A = vector.broadcast %get3A_8 : vector<1x64xf32> to vector<2000x64xf32>
    %add3A_9 = arith.addf %dot_general3A_5, %add3A : vector<2000x64xf32>
    %swap3A = arith.constant 0 : index
    %swap3A_10 = arith.constant 0 : index
    %swap3A_11 = vector.load %arg10[%swap3A, %swap3A_10] : memref<2000x64xf32, #tpu.memory_space<vmem>>, vector<2000x64xf32>
    tpu.vector_store %arg10[%swap3A, %swap3A_10], %add3A_9 {strides = array<i32>} : memref<2000x64xf32, #tpu.memory_space<vmem>>, vector<2000x64xf32>,
    %get3A_12 = arith.constant 0 : index
    %get3A_13 = arith.constant 0 : index
    %get3A_14 = vector.load %arg4[%get3A_12, %get3A_13] : memref<64x64xf32, #tpu.memory_space<vmem>>, vector<64x64xf32>
    %dot_general3A_15 = arith.constant dense<0.000000e+00> : vector<2000x64xf32>
    %dot_general3A_16 = tpu.matmul %add3A_9, %get3A_14, %dot_general3A_15 {dimension_numbers = #tpu.dot_dimension_numbers<[1], [0], [0], [1], [0, 0, 1, 1], [], []>, transpose_lhs_hint = false} : vector<2000x64xf32>, vector<64x64xf32>, vector<2000x64xf32> -> vector<2000x64xf32>
    %get3A_17 = arith.constant 0 : index
    %get3A_18 = arith.constant 0 : index
    %get3A_19 = vector.load %arg5[%get3A_17, %get3A_18] : memref<1x64xf32, #tpu.memory_space<vmem>>, vector<1x64xf32>
    %add3A_20 = vector.broadcast %get3A_19 : vector<1x64xf32> to vector<2000x64xf32>
    %add3A_21 = arith.addf %dot_general3A_16, %add3A_20 : vector<2000x64xf32>
    %get3A_22 = arith.constant 0 : index
    %get3A_23 = arith.constant 0 : index
    %get3A_24 = vector.load %arg6[%get3A_22, %get3A_23] : memref<64x64xf32, #tpu.memory_space<vmem>>, vector<64x64xf32>
    %dot_general3A_25 = arith.constant dense<0.000000e+00> : vector<2000x64xf32>
    %dot_general3A_26 = tpu.matmul %add3A_9, %get3A_24, %dot_general3A_25 {dimension_numbers = #tpu.dot_dimension_numbers<[1], [0], [0], [1], [0, 0, 1, 1], [], []>, transpose_lhs_hint = false} : vector<2000x64xf32>, vector<64x64xf32>, vector<2000x64xf32> -> vector<2000x64xf32>
    %get3A_27 = arith.constant 0 : index
    %get3A_28 = arith.constant 0 : index
    %get3A_29 = vector.load %arg7[%get3A_27, %get3A_28] : memref<1x64xf32, #tpu.memory_space<vmem>>, vector<1x64xf32>
    %add3A_30 = vector.broadcast %get3A_29 : vector<1x64xf32> to vector<2000x64xf32>
    %add3A_31 = arith.addf %dot_general3A_26, %add3A_30 : vector<2000x64xf32>
    %get3A_32 = arith.constant 0 : index
    %get3A_33 = arith.constant 0 : index
    %get3A_34 = vector.load %arg8[%get3A_32, %get3A_33] : memref<64x64xf32, #tpu.memory_space<vmem>>, vector<64x64xf32>
    %dot_general3A_35 = arith.constant dense<0.000000e+00> : vector<2000x64xf32>
    %dot_general3A_36 = tpu.matmul %add3A_9, %get3A_34, %dot_general3A_35 {dimension_numbers = #tpu.dot_dimension_numbers<[1], [0], [0], [1], [0, 0, 1, 1], [], []>, transpose_lhs_hint = false} : vector<2000x64xf32>, vector<64x64xf32>, vector<2000x64xf32> -> vector<2000x64xf32>
    %get3A_37 = arith.constant 0 : index
    %get3A_38 = arith.constant 0 : index
    %get3A_39 = vector.load %arg9[%get3A_37, %get3A_38] : memref<1x64xf32, #tpu.memory_space<vmem>>, vector<1x64xf32>
    %add3A_40 = vector.broadcast %get3A_39 : vector<1x64xf32> to vector<2000x64xf32>
    %add3A_41 = arith.addf %dot_general3A_36, %add3A_40 : vector<2000x64xf32>
    %concatenate3A = tpu.concatenate %add3A_21, %add3A_21 in 1 : vector<2000x64xf32>, vector<2000x64xf32> -> vector<2000x128xf32>
    %swap3A_42 = arith.constant 0 : index
    %swap3A_43 = arith.constant 0 : index
    %swap3A_44 = vector.load %arg11[%swap3A_42, %swap3A_43] : memref<2000x128xf32, #tpu.memory_space<vmem>>, vector<2000x128xf32>
    tpu.vector_store %arg11[%swap3A_42, %swap3A_43], %concatenate3A {strides = array<i32>} : memref<2000x128xf32, #tpu.memory_space<vmem>>, vector<2000x128xf32>,
    %concatenate3A_45 = tpu.concatenate %add3A_31, %add3A_41 in 1 : vector<2000x64xf32>, vector<2000x64xf32> -> vector<2000x128xf32>
    %swap3A_46 = arith.constant 0 : index
    %swap3A_47 = arith.constant 0 : index
    %swap3A_48 = vector.load %arg12[%swap3A_46, %swap3A_47] : memref<2000x128xf32, #tpu.memory_space<vmem>>, vector<2000x128xf32>
    tpu.vector_store %arg12[%swap3A_46, %swap3A_47], %concatenate3A_45 {strides = array<i32>} : memref<2000x128xf32, #tpu.memory_space<vmem>>, vector<2000x128xf32>,
    return
  }
  func.func @transform_0(%arg0: i32) -> (i32, i32) {
    %c0_i32 = arith.constant 0 : i32
    %c0_i32_0 = arith.constant 0 : i32
    return %arg0, %c0_i32 : i32, i32
  }
  func.func @transform_1(%arg0: i32) -> (i32, i32) {
    %c0_i32 = arith.constant 0 : i32
    %c0_i32_0 = arith.constant 0 : i32
    %c0_i32_1 = arith.constant 0 : i32
    return %c0_i32, %c0_i32_0 : i32, i32
  }
  func.func @transform_2(%arg0: i32) -> (i32, i32) {
    %c0_i32 = arith.constant 0 : i32
    %c0_i32_0 = arith.constant 0 : i32
    %c0_i32_1 = arith.constant 0 : i32
    return %c0_i32, %c0_i32_0 : i32, i32
  }
  func.func @transform_3(%arg0: i32) -> (i32, i32) {
    %c0_i32 = arith.constant 0 : i32
    %c0_i32_0 = arith.constant 0 : i32
    %c0_i32_1 = arith.constant 0 : i32
    return %c0_i32, %c0_i32_0 : i32, i32
  }
  func.func @transform_4(%arg0: i32) -> (i32, i32) {
    %c0_i32 = arith.constant 0 : i32
    %c0_i32_0 = arith.constant 0 : i32
    %c0_i32_1 = arith.constant 0 : i32
    return %c0_i32, %c0_i32_0 : i32, i32
  }
  func.func @transform_5(%arg0: i32) -> (i32, i32) {
    %c0_i32 = arith.constant 0 : i32
    %c0_i32_0 = arith.constant 0 : i32
    %c0_i32_1 = arith.constant 0 : i32
    return %c0_i32, %c0_i32_0 : i32, i32
  }
  func.func @transform_6(%arg0: i32) -> (i32, i32) {
    %c0_i32 = arith.constant 0 : i32
    %c0_i32_0 = arith.constant 0 : i32
    %c0_i32_1 = arith.constant 0 : i32
    return %c0_i32, %c0_i32_0 : i32, i32
  }
  func.func @transform_7(%arg0: i32) -> (i32, i32) {
    %c0_i32 = arith.constant 0 : i32
    %c0_i32_0 = arith.constant 0 : i32
    %c0_i32_1 = arith.constant 0 : i32
    return %c0_i32, %c0_i32_0 : i32, i32
  }
  func.func @transform_8(%arg0: i32) -> (i32, i32) {
    %c0_i32 = arith.constant 0 : i32
    %c0_i32_0 = arith.constant 0 : i32
    %c0_i32_1 = arith.constant 0 : i32
    return %c0_i32, %c0_i32_0 : i32, i32
  }
  func.func @transform_9(%arg0: i32) -> (i32, i32) {
    %c0_i32 = arith.constant 0 : i32
    %c0_i32_0 = arith.constant 0 : i32
    return %arg0, %c0_i32 : i32, i32
  }
  func.func @transform_10(%arg0: i32) -> (i32, i32) {
    %c0_i32 = arith.constant 0 : i32
    %c0_i32_0 = arith.constant 0 : i32
    return %arg0, %c0_i32 : i32, i32
  }
  func.func @transform_11(%arg0: i32) -> (i32, i32) {
    %c0_i32 = arith.constant 0 : i32
    %c0_i32_0 = arith.constant 0 : i32
    return %arg0, %c0_i32 : i32, i32
  }
}

module attributes {stable_mosaic.version = 14 : i64} {
  func.func @_mid_body(%arg0: i32, %arg1: memref<2000x128xf32, #tpu.memory_space<vmem>>, %arg2: memref<2000x128xf32, #tpu.memory_space<vmem>>, %arg3: memref<2000x1xi32, #tpu.memory_space<vmem>>, %arg4: memref<2000x1xi32, #tpu.memory_space<vmem>>, %arg5: memref<2000x128xf32, #tpu.memory_space<vmem>>, %arg6: memref<2000x128xf32, #tpu.memory_space<vmem>>, %arg7: memref<2000x128xf32, #tpu.memory_space<vmem>>) attributes {dimension_semantics = [#tpu.dimension_semantics<arbitrary>], iteration_bounds = array<i64: 400>, scalar_prefetch = 0 : i64, scratch_operands = 0 : i64, tpu.core_type = #tpu.core_type<tc>, window_params = [{transform_indices = @transform_0, window_bounds = array<i64: 2000, 128>}, {transform_indices = @transform_1, window_bounds = array<i64: 2000, 128>}, {transform_indices = @transform_2, window_bounds = array<i64: 2000, 1>}, {transform_indices = @transform_3, window_bounds = array<i64: 2000, 1>}, {transform_indices = @transform_4, window_bounds = array<i64: 2000, 128>}, {transform_indices = @transform_5, window_bounds = array<i64: 2000, 128>}, {transform_indices = @transform_6, window_bounds = array<i64: 2000, 128>}]} {
    %get3A = arith.constant 0 : index
    %get3A_0 = arith.constant 0 : index
    %get3A_1 = vector.load %arg1[%get3A, %get3A_0] : memref<2000x128xf32, #tpu.memory_space<vmem>>, vector<2000x128xf32>
    %get3A_2 = arith.constant 0 : index
    %get3A_3 = arith.constant 0 : index
    %get3A_4 = vector.load %arg2[%get3A_2, %get3A_3] : memref<2000x128xf32, #tpu.memory_space<vmem>>, vector<2000x128xf32>
    %slice3A = vector.extract_strided_slice %get3A_1 {offsets = [0, 0], sizes = [2000, 64], strides = [1, 1]} : vector<2000x128xf32> to vector<2000x64xf32>
    %slice3A_5 = vector.extract_strided_slice %get3A_4 {offsets = [0, 0], sizes = [2000, 64], strides = [1, 1]} : vector<2000x128xf32> to vector<2000x64xf32>
    %mul3A = arith.mulf %slice3A, %slice3A_5 : vector<2000x64xf32>
    %slice3A_6 = vector.extract_strided_slice %mul3A {offsets = [0, 0], sizes = [2000, 16], strides = [1, 1]} : vector<2000x64xf32> to vector<2000x16xf32>
    %reduce_sum3A = arith.constant dense<0.000000e+00> : vector<2000xf32>
    %reduce_sum3A_7 = vector.multi_reduction <add>, %slice3A_6, %reduce_sum3A [1] : vector<2000x16xf32> to vector<2000xf32>
    %broadcast_in_dim3A = vector.shape_cast %reduce_sum3A_7 : vector<2000xf32> to vector<2000x1xf32>
    %exp3A = math.exp %broadcast_in_dim3A : vector<2000x1xf32>
    %slice3A_8 = vector.extract_strided_slice %get3A_4 {offsets = [0, 64], sizes = [2000, 16], strides = [1, 1]} : vector<2000x128xf32> to vector<2000x16xf32>
    %mul3A_9 = vector.broadcast %exp3A : vector<2000x1xf32> to vector<2000x16xf32>
    %mul3A_10 = arith.mulf %slice3A_8, %mul3A_9 : vector<2000x16xf32>
    %slice3A_11 = vector.extract_strided_slice %mul3A {offsets = [0, 16], sizes = [2000, 16], strides = [1, 1]} : vector<2000x64xf32> to vector<2000x16xf32>
    %reduce_sum3A_12 = arith.constant dense<0.000000e+00> : vector<2000xf32>
    %reduce_sum3A_13 = vector.multi_reduction <add>, %slice3A_11, %reduce_sum3A_12 [1] : vector<2000x16xf32> to vector<2000xf32>
    %broadcast_in_dim3A_14 = vector.shape_cast %reduce_sum3A_13 : vector<2000xf32> to vector<2000x1xf32>
    %exp3A_15 = math.exp %broadcast_in_dim3A_14 : vector<2000x1xf32>
    %slice3A_16 = vector.extract_strided_slice %get3A_4 {offsets = [0, 80], sizes = [2000, 16], strides = [1, 1]} : vector<2000x128xf32> to vector<2000x16xf32>
    %mul3A_17 = vector.broadcast %exp3A_15 : vector<2000x1xf32> to vector<2000x16xf32>
    %mul3A_18 = arith.mulf %slice3A_16, %mul3A_17 : vector<2000x16xf32>
    %slice3A_19 = vector.extract_strided_slice %mul3A {offsets = [0, 32], sizes = [2000, 16], strides = [1, 1]} : vector<2000x64xf32> to vector<2000x16xf32>
    %reduce_sum3A_20 = arith.constant dense<0.000000e+00> : vector<2000xf32>
    %reduce_sum3A_21 = vector.multi_reduction <add>, %slice3A_19, %reduce_sum3A_20 [1] : vector<2000x16xf32> to vector<2000xf32>
    %broadcast_in_dim3A_22 = vector.shape_cast %reduce_sum3A_21 : vector<2000xf32> to vector<2000x1xf32>
    %exp3A_23 = math.exp %broadcast_in_dim3A_22 : vector<2000x1xf32>
    %slice3A_24 = vector.extract_strided_slice %get3A_4 {offsets = [0, 96], sizes = [2000, 16], strides = [1, 1]} : vector<2000x128xf32> to vector<2000x16xf32>
    %mul3A_25 = vector.broadcast %exp3A_23 : vector<2000x1xf32> to vector<2000x16xf32>
    %mul3A_26 = arith.mulf %slice3A_24, %mul3A_25 : vector<2000x16xf32>
    %slice3A_27 = vector.extract_strided_slice %mul3A {offsets = [0, 48], sizes = [2000, 16], strides = [1, 1]} : vector<2000x64xf32> to vector<2000x16xf32>
    %reduce_sum3A_28 = arith.constant dense<0.000000e+00> : vector<2000xf32>
    %reduce_sum3A_29 = vector.multi_reduction <add>, %slice3A_27, %reduce_sum3A_28 [1] : vector<2000x16xf32> to vector<2000xf32>
    %broadcast_in_dim3A_30 = vector.shape_cast %reduce_sum3A_29 : vector<2000xf32> to vector<2000x1xf32>
    %exp3A_31 = math.exp %broadcast_in_dim3A_30 : vector<2000x1xf32>
    %slice3A_32 = vector.extract_strided_slice %get3A_4 {offsets = [0, 112], sizes = [2000, 16], strides = [1, 1]} : vector<2000x128xf32> to vector<2000x16xf32>
    %mul3A_33 = vector.broadcast %exp3A_31 : vector<2000x1xf32> to vector<2000x16xf32>
    %mul3A_34 = arith.mulf %slice3A_32, %mul3A_33 : vector<2000x16xf32>
    %get3A_35 = arith.constant 0 : index
    %get3A_36 = arith.constant 0 : index
    %get3A_37 = vector.load %arg3[%get3A_35, %get3A_36] : memref<2000x1xi32, #tpu.memory_space<vmem>>, vector<2000x1xi32>
    %broadcast_in_dim3A_38 = arith.constant 0.000000e+00 : f32
    %broadcast_in_dim3A_39 = vector.broadcast %broadcast_in_dim3A_38 : f32 to vector<2000x32xf32>
    %concatenate3A = tpu.concatenate %mul3A_10, %mul3A_18 in 1 : vector<2000x16xf32>, vector<2000x16xf32> -> vector<2000x32xf32>
    %broadcast_in_dim3A_40 = arith.constant 0.000000e+00 : f32
    %broadcast_in_dim3A_41 = vector.broadcast %broadcast_in_dim3A_40 : f32 to vector<2000x128xf32>
    %concatenate3A_42 = tpu.concatenate %concatenate3A, %broadcast_in_dim3A_39, %broadcast_in_dim3A_39, %broadcast_in_dim3A_39 in 1 : vector<2000x32xf32>, vector<2000x32xf32>, vector<2000x32xf32>, vector<2000x32xf32> -> vector<2000x128xf32>
    %eq3A = arith.constant 0 : i32
    %eq3A_43 = vector.broadcast %eq3A : i32 to vector<2000x1xi32>
    %eq3A_44 = arith.cmpi eq, %get3A_37, %eq3A_43 : vector<2000x1xi32>
    %broadcast_in_dim3A_45 = vector.shape_cast %eq3A_44 : vector<2000x1xi1> to vector<2000x1xi1>
    %broadcast_in_dim3A_46 = vector.broadcast %broadcast_in_dim3A_45 : vector<2000x1xi1> to vector<2000x128xi1>
    %select_n3A = arith.select %broadcast_in_dim3A_46, %concatenate3A_42, %broadcast_in_dim3A_41 : vector<2000x128xi1>, vector<2000x128xf32>
    %concatenate3A_47 = tpu.concatenate %broadcast_in_dim3A_39, %concatenate3A, %broadcast_in_dim3A_39, %broadcast_in_dim3A_39 in 1 : vector<2000x32xf32>, vector<2000x32xf32>, vector<2000x32xf32>, vector<2000x32xf32> -> vector<2000x128xf32>
    %eq3A_48 = arith.constant 32 : i32
    %eq3A_49 = vector.broadcast %eq3A_48 : i32 to vector<2000x1xi32>
    %eq3A_50 = arith.cmpi eq, %get3A_37, %eq3A_49 : vector<2000x1xi32>
    %broadcast_in_dim3A_51 = vector.shape_cast %eq3A_50 : vector<2000x1xi1> to vector<2000x1xi1>
    %broadcast_in_dim3A_52 = vector.broadcast %broadcast_in_dim3A_51 : vector<2000x1xi1> to vector<2000x128xi1>
    %select_n3A_53 = arith.select %broadcast_in_dim3A_52, %concatenate3A_47, %select_n3A : vector<2000x128xi1>, vector<2000x128xf32>
    %concatenate3A_54 = tpu.concatenate %broadcast_in_dim3A_39, %broadcast_in_dim3A_39, %concatenate3A, %broadcast_in_dim3A_39 in 1 : vector<2000x32xf32>, vector<2000x32xf32>, vector<2000x32xf32>, vector<2000x32xf32> -> vector<2000x128xf32>
    %eq3A_55 = arith.constant 64 : i32
    %eq3A_56 = vector.broadcast %eq3A_55 : i32 to vector<2000x1xi32>
    %eq3A_57 = arith.cmpi eq, %get3A_37, %eq3A_56 : vector<2000x1xi32>
    %broadcast_in_dim3A_58 = vector.shape_cast %eq3A_57 : vector<2000x1xi1> to vector<2000x1xi1>
    %broadcast_in_dim3A_59 = vector.broadcast %broadcast_in_dim3A_58 : vector<2000x1xi1> to vector<2000x128xi1>
    %select_n3A_60 = arith.select %broadcast_in_dim3A_59, %concatenate3A_54, %select_n3A_53 : vector<2000x128xi1>, vector<2000x128xf32>
    %concatenate3A_61 = tpu.concatenate %broadcast_in_dim3A_39, %broadcast_in_dim3A_39, %broadcast_in_dim3A_39, %concatenate3A in 1 : vector<2000x32xf32>, vector<2000x32xf32>, vector<2000x32xf32>, vector<2000x32xf32> -> vector<2000x128xf32>
    %eq3A_62 = arith.constant 96 : i32
    %eq3A_63 = vector.broadcast %eq3A_62 : i32 to vector<2000x1xi32>
    %eq3A_64 = arith.cmpi eq, %get3A_37, %eq3A_63 : vector<2000x1xi32>
    %broadcast_in_dim3A_65 = vector.shape_cast %eq3A_64 : vector<2000x1xi1> to vector<2000x1xi1>
    %broadcast_in_dim3A_66 = vector.broadcast %broadcast_in_dim3A_65 : vector<2000x1xi1> to vector<2000x128xi1>
    %select_n3A_67 = arith.select %broadcast_in_dim3A_66, %concatenate3A_61, %select_n3A_60 : vector<2000x128xi1>, vector<2000x128xf32>
    %swap3A = arith.constant 0 : index
    %swap3A_68 = arith.constant 0 : index
    %swap3A_69 = vector.load %arg5[%swap3A, %swap3A_68] : memref<2000x128xf32, #tpu.memory_space<vmem>>, vector<2000x128xf32>
    tpu.vector_store %arg5[%swap3A, %swap3A_68], %select_n3A_67 {strides = array<i32>} : memref<2000x128xf32, #tpu.memory_space<vmem>>, vector<2000x128xf32>,
    %concatenate3A_70 = tpu.concatenate %mul3A_26, %mul3A_34 in 1 : vector<2000x16xf32>, vector<2000x16xf32> -> vector<2000x32xf32>
    %broadcast_in_dim3A_71 = arith.constant 0.000000e+00 : f32
    %broadcast_in_dim3A_72 = vector.broadcast %broadcast_in_dim3A_71 : f32 to vector<2000x128xf32>
    %concatenate3A_73 = tpu.concatenate %concatenate3A_70, %broadcast_in_dim3A_39, %broadcast_in_dim3A_39, %broadcast_in_dim3A_39 in 1 : vector<2000x32xf32>, vector<2000x32xf32>, vector<2000x32xf32>, vector<2000x32xf32> -> vector<2000x128xf32>
    %eq3A_74 = arith.constant 0 : i32
    %eq3A_75 = vector.broadcast %eq3A_74 : i32 to vector<2000x1xi32>
    %eq3A_76 = arith.cmpi eq, %get3A_37, %eq3A_75 : vector<2000x1xi32>
    %broadcast_in_dim3A_77 = vector.shape_cast %eq3A_76 : vector<2000x1xi1> to vector<2000x1xi1>
    %broadcast_in_dim3A_78 = vector.broadcast %broadcast_in_dim3A_77 : vector<2000x1xi1> to vector<2000x128xi1>
    %select_n3A_79 = arith.select %broadcast_in_dim3A_78, %concatenate3A_73, %broadcast_in_dim3A_72 : vector<2000x128xi1>, vector<2000x128xf32>
    %concatenate3A_80 = tpu.concatenate %broadcast_in_dim3A_39, %concatenate3A_70, %broadcast_in_dim3A_39, %broadcast_in_dim3A_39 in 1 : vector<2000x32xf32>, vector<2000x32xf32>, vector<2000x32xf32>, vector<2000x32xf32> -> vector<2000x128xf32>
    %eq3A_81 = arith.constant 32 : i32
    %eq3A_82 = vector.broadcast %eq3A_81 : i32 to vector<2000x1xi32>
    %eq3A_83 = arith.cmpi eq, %get3A_37, %eq3A_82 : vector<2000x1xi32>
    %broadcast_in_dim3A_84 = vector.shape_cast %eq3A_83 : vector<2000x1xi1> to vector<2000x1xi1>
    %broadcast_in_dim3A_85 = vector.broadcast %broadcast_in_dim3A_84 : vector<2000x1xi1> to vector<2000x128xi1>
    %select_n3A_86 = arith.select %broadcast_in_dim3A_85, %concatenate3A_80, %select_n3A_79 : vector<2000x128xi1>, vector<2000x128xf32>
    %concatenate3A_87 = tpu.concatenate %broadcast_in_dim3A_39, %broadcast_in_dim3A_39, %concatenate3A_70, %broadcast_in_dim3A_39 in 1 : vector<2000x32xf32>, vector<2000x32xf32>, vector<2000x32xf32>, vector<2000x32xf32> -> vector<2000x128xf32>
    %eq3A_88 = arith.constant 64 : i32
    %eq3A_89 = vector.broadcast %eq3A_88 : i32 to vector<2000x1xi32>
    %eq3A_90 = arith.cmpi eq, %get3A_37, %eq3A_89 : vector<2000x1xi32>
    %broadcast_in_dim3A_91 = vector.shape_cast %eq3A_90 : vector<2000x1xi1> to vector<2000x1xi1>
    %broadcast_in_dim3A_92 = vector.broadcast %broadcast_in_dim3A_91 : vector<2000x1xi1> to vector<2000x128xi1>
    %select_n3A_93 = arith.select %broadcast_in_dim3A_92, %concatenate3A_87, %select_n3A_86 : vector<2000x128xi1>, vector<2000x128xf32>
    %concatenate3A_94 = tpu.concatenate %broadcast_in_dim3A_39, %broadcast_in_dim3A_39, %broadcast_in_dim3A_39, %concatenate3A_70 in 1 : vector<2000x32xf32>, vector<2000x32xf32>, vector<2000x32xf32>, vector<2000x32xf32> -> vector<2000x128xf32>
    %eq3A_95 = arith.constant 96 : i32
    %eq3A_96 = vector.broadcast %eq3A_95 : i32 to vector<2000x1xi32>
    %eq3A_97 = arith.cmpi eq, %get3A_37, %eq3A_96 : vector<2000x1xi32>
    %broadcast_in_dim3A_98 = vector.shape_cast %eq3A_97 : vector<2000x1xi1> to vector<2000x1xi1>
    %broadcast_in_dim3A_99 = vector.broadcast %broadcast_in_dim3A_98 : vector<2000x1xi1> to vector<2000x128xi1>
    %select_n3A_100 = arith.select %broadcast_in_dim3A_99, %concatenate3A_94, %select_n3A_93 : vector<2000x128xi1>, vector<2000x128xf32>
    %swap3A_101 = arith.constant 0 : index
    %swap3A_102 = arith.constant 0 : index
    %swap3A_103 = vector.load %arg6[%swap3A_101, %swap3A_102] : memref<2000x128xf32, #tpu.memory_space<vmem>>, vector<2000x128xf32>
    tpu.vector_store %arg6[%swap3A_101, %swap3A_102], %select_n3A_100 {strides = array<i32>} : memref<2000x128xf32, #tpu.memory_space<vmem>>, vector<2000x128xf32>,
    %get3A_104 = arith.constant 0 : index
    %get3A_105 = arith.constant 0 : index
    %get3A_106 = vector.load %arg4[%get3A_104, %get3A_105] : memref<2000x1xi32, #tpu.memory_space<vmem>>, vector<2000x1xi32>
    %iota3A = tpu.iota {dimensions = array<i32: 1>} : vector<2000x128xi32>
    %broadcast_in_dim3A_107 = arith.constant 0.000000e+00 : f32
    %broadcast_in_dim3A_108 = vector.broadcast %broadcast_in_dim3A_107 : f32 to vector<2000x128xf32>
    %add3A = arith.constant 0 : i32
    %add3A_109 = vector.broadcast %add3A : i32 to vector<2000x1xi32>
    %add3A_110 = arith.addi %get3A_106, %add3A_109 : vector<2000x1xi32>
    %eq3A_111 = vector.broadcast %add3A_110 : vector<2000x1xi32> to vector<2000x128xi32>
    %eq3A_112 = arith.cmpi eq, %iota3A, %eq3A_111 : vector<2000x128xi32>
    %broadcast_in_dim3A_113 = vector.shape_cast %exp3A : vector<2000x1xf32> to vector<2000x1xf32>
    %broadcast_in_dim3A_114 = vector.broadcast %broadcast_in_dim3A_113 : vector<2000x1xf32> to vector<2000x128xf32>
    %select_n3A_115 = arith.select %eq3A_112, %broadcast_in_dim3A_114, %broadcast_in_dim3A_108 : vector<2000x128xi1>, vector<2000x128xf32>
    %add3A_116 = arith.constant 1 : i32
    %add3A_117 = vector.broadcast %add3A_116 : i32 to vector<2000x1xi32>
    %add3A_118 = arith.addi %get3A_106, %add3A_117 : vector<2000x1xi32>
    %eq3A_119 = vector.broadcast %add3A_118 : vector<2000x1xi32> to vector<2000x128xi32>
    %eq3A_120 = arith.cmpi eq, %iota3A, %eq3A_119 : vector<2000x128xi32>
    %broadcast_in_dim3A_121 = vector.shape_cast %exp3A_15 : vector<2000x1xf32> to vector<2000x1xf32>
    %broadcast_in_dim3A_122 = vector.broadcast %broadcast_in_dim3A_121 : vector<2000x1xf32> to vector<2000x128xf32>
    %select_n3A_123 = arith.select %eq3A_120, %broadcast_in_dim3A_122, %select_n3A_115 : vector<2000x128xi1>, vector<2000x128xf32>
    %add3A_124 = arith.constant 2 : i32
    %add3A_125 = vector.broadcast %add3A_124 : i32 to vector<2000x1xi32>
    %add3A_126 = arith.addi %get3A_106, %add3A_125 : vector<2000x1xi32>
    %eq3A_127 = vector.broadcast %add3A_126 : vector<2000x1xi32> to vector<2000x128xi32>
    %eq3A_128 = arith.cmpi eq, %iota3A, %eq3A_127 : vector<2000x128xi32>
    %broadcast_in_dim3A_129 = vector.shape_cast %exp3A_23 : vector<2000x1xf32> to vector<2000x1xf32>
    %broadcast_in_dim3A_130 = vector.broadcast %broadcast_in_dim3A_129 : vector<2000x1xf32> to vector<2000x128xf32>
    %select_n3A_131 = arith.select %eq3A_128, %broadcast_in_dim3A_130, %select_n3A_123 : vector<2000x128xi1>, vector<2000x128xf32>
    %add3A_132 = arith.constant 3 : i32
    %add3A_133 = vector.broadcast %add3A_132 : i32 to vector<2000x1xi32>
    %add3A_134 = arith.addi %get3A_106, %add3A_133 : vector<2000x1xi32>
    %eq3A_135 = vector.broadcast %add3A_134 : vector<2000x1xi32> to vector<2000x128xi32>
    %eq3A_136 = arith.cmpi eq, %iota3A, %eq3A_135 : vector<2000x128xi32>
    %broadcast_in_dim3A_137 = vector.shape_cast %exp3A_31 : vector<2000x1xf32> to vector<2000x1xf32>
    %broadcast_in_dim3A_138 = vector.broadcast %broadcast_in_dim3A_137 : vector<2000x1xf32> to vector<2000x128xf32>
    %select_n3A_139 = arith.select %eq3A_136, %broadcast_in_dim3A_138, %select_n3A_131 : vector<2000x128xi1>, vector<2000x128xf32>
    %swap3A_140 = arith.constant 0 : index
    %swap3A_141 = arith.constant 0 : index
    %swap3A_142 = vector.load %arg7[%swap3A_140, %swap3A_141] : memref<2000x128xf32, #tpu.memory_space<vmem>>, vector<2000x128xf32>
    tpu.vector_store %arg7[%swap3A_140, %swap3A_141], %select_n3A_139 {strides = array<i32>} : memref<2000x128xf32, #tpu.memory_space<vmem>>, vector<2000x128xf32>,
    return
  }
  func.func @transform_0(%arg0: i32) -> (i32, i32) {
    %c0_i32 = arith.constant 0 : i32
    %c0_i32_0 = arith.constant 0 : i32
    return %arg0, %c0_i32 : i32, i32
  }
  func.func @transform_1(%arg0: i32) -> (i32, i32) {
    %c0_i32 = arith.constant 0 : i32
    %c0_i32_0 = arith.constant 0 : i32
    return %arg0, %c0_i32 : i32, i32
  }
  func.func @transform_2(%arg0: i32) -> (i32, i32) {
    %c0_i32 = arith.constant 0 : i32
    %c0_i32_0 = arith.constant 0 : i32
    return %arg0, %c0_i32 : i32, i32
  }
  func.func @transform_3(%arg0: i32) -> (i32, i32) {
    %c0_i32 = arith.constant 0 : i32
    %c0_i32_0 = arith.constant 0 : i32
    return %arg0, %c0_i32 : i32, i32
  }
  func.func @transform_4(%arg0: i32) -> (i32, i32) {
    %c0_i32 = arith.constant 0 : i32
    %c0_i32_0 = arith.constant 0 : i32
    return %arg0, %c0_i32 : i32, i32
  }
  func.func @transform_5(%arg0: i32) -> (i32, i32) {
    %c0_i32 = arith.constant 0 : i32
    %c0_i32_0 = arith.constant 0 : i32
    return %arg0, %c0_i32 : i32, i32
  }
  func.func @transform_6(%arg0: i32) -> (i32, i32) {
    %c0_i32 = arith.constant 0 : i32
    %c0_i32_0 = arith.constant 0 : i32
    return %arg0, %c0_i32 : i32, i32
  }
}

module attributes {stable_mosaic.version = 14 : i64} {
  func.func @_post_body(%arg0: i32, %arg1: memref<2x2000x32xf32, #tpu.memory_space<vmem>>, %arg2: memref<2x2000x4xf32, #tpu.memory_space<vmem>>, %arg3: memref<2000x64xf32, #tpu.memory_space<vmem>>, %arg4: memref<64x64xf32, #tpu.memory_space<vmem>>, %arg5: memref<1x64xf32, #tpu.memory_space<vmem>>, %arg6: memref<1x1xf32, #tpu.memory_space<vmem>>, %arg7: memref<1x64xf32, #tpu.memory_space<vmem>>, %arg8: memref<1x64xf32, #tpu.memory_space<vmem>>, %arg9: memref<2000x64xf32, #tpu.memory_space<vmem>>) attributes {dimension_semantics = [#tpu.dimension_semantics<arbitrary>], iteration_bounds = array<i64: 25>, scalar_prefetch = 0 : i64, scratch_operands = 0 : i64, tpu.core_type = #tpu.core_type<tc>, window_params = [{transform_indices = @transform_0, window_bounds = array<i64: 2, 2000, 32>}, {transform_indices = @transform_1, window_bounds = array<i64: 2, 2000, 4>}, {transform_indices = @transform_2, window_bounds = array<i64: 2000, 64>}, {pipeline_mode = #tpu.pipeline_mode<synchronous>, transform_indices = @transform_3, window_bounds = array<i64: 64, 64>}, {pipeline_mode = #tpu.pipeline_mode<synchronous>, transform_indices = @transform_4, window_bounds = array<i64: 1, 64>}, {pipeline_mode = #tpu.pipeline_mode<synchronous>, transform_indices = @transform_5, window_bounds = array<i64: 1, 1>}, {pipeline_mode = #tpu.pipeline_mode<synchronous>, transform_indices = @transform_6, window_bounds = array<i64: 1, 64>}, {pipeline_mode = #tpu.pipeline_mode<synchronous>, transform_indices = @transform_7, window_bounds = array<i64: 1, 64>}, {transform_indices = @transform_8, window_bounds = array<i64: 2000, 64>}]} {
    %get3A = arith.constant 0 : index
    %get3A_0 = arith.constant 0 : index
    %get3A_1 = arith.constant 0 : index
    %get3A_2 = vector.load %arg1[%get3A, %get3A_0, %get3A_1] : memref<2x2000x32xf32, #tpu.memory_space<vmem>>, vector<1x2000x32xf32>
    %get3A_3 = vector.shape_cast %get3A_2 : vector<1x2000x32xf32> to vector<2000x32xf32>
    %get3A_4 = arith.constant 1 : index
    %get3A_5 = arith.constant 0 : index
    %get3A_6 = arith.constant 0 : index
    %get3A_7 = vector.load %arg1[%get3A_4, %get3A_5, %get3A_6] : memref<2x2000x32xf32, #tpu.memory_space<vmem>>, vector<1x2000x32xf32>
    %get3A_8 = vector.shape_cast %get3A_7 : vector<1x2000x32xf32> to vector<2000x32xf32>
    %concatenate3A = tpu.concatenate %get3A_3, %get3A_8 in 1 : vector<2000x32xf32>, vector<2000x32xf32> -> vector<2000x64xf32>
    %get3A_9 = arith.constant 0 : index
    %get3A_10 = arith.constant 0 : index
    %get3A_11 = arith.constant 0 : index
    %get3A_12 = vector.load %arg2[%get3A_9, %get3A_10, %get3A_11] : memref<2x2000x4xf32, #tpu.memory_space<vmem>>, vector<1x2000x4xf32>
    %get3A_13 = vector.shape_cast %get3A_12 : vector<1x2000x4xf32> to vector<2000x4xf32>
    %get3A_14 = arith.constant 1 : index
    %get3A_15 = arith.constant 0 : index
    %get3A_16 = arith.constant 0 : index
    %get3A_17 = vector.load %arg2[%get3A_14, %get3A_15, %get3A_16] : memref<2x2000x4xf32, #tpu.memory_space<vmem>>, vector<1x2000x4xf32>
    %get3A_18 = vector.shape_cast %get3A_17 : vector<1x2000x4xf32> to vector<2000x4xf32>
    %add3A = arith.addf %get3A_13, %get3A_18 : vector<2000x4xf32>
    %slice3A = vector.extract_strided_slice %add3A {offsets = [0, 0], sizes = [2000, 1], strides = [1, 1]} : vector<2000x4xf32> to vector<2000x1xf32>
    %broadcast_in_dim3A = vector.shape_cast %slice3A : vector<2000x1xf32> to vector<2000x1xf32>
    %broadcast_in_dim3A_19 = vector.broadcast %broadcast_in_dim3A : vector<2000x1xf32> to vector<2000x16xf32>
    %slice3A_20 = vector.extract_strided_slice %add3A {offsets = [0, 1], sizes = [2000, 1], strides = [1, 1]} : vector<2000x4xf32> to vector<2000x1xf32>
    %broadcast_in_dim3A_21 = vector.shape_cast %slice3A_20 : vector<2000x1xf32> to vector<2000x1xf32>
    %broadcast_in_dim3A_22 = vector.broadcast %broadcast_in_dim3A_21 : vector<2000x1xf32> to vector<2000x16xf32>
    %slice3A_23 = vector.extract_strided_slice %add3A {offsets = [0, 2], sizes = [2000, 1], strides = [1, 1]} : vector<2000x4xf32> to vector<2000x1xf32>
    %broadcast_in_dim3A_24 = vector.shape_cast %slice3A_23 : vector<2000x1xf32> to vector<2000x1xf32>
    %broadcast_in_dim3A_25 = vector.broadcast %broadcast_in_dim3A_24 : vector<2000x1xf32> to vector<2000x16xf32>
    %slice3A_26 = vector.extract_strided_slice %add3A {offsets = [0, 3], sizes = [2000, 1], strides = [1, 1]} : vector<2000x4xf32> to vector<2000x1xf32>
    %broadcast_in_dim3A_27 = vector.shape_cast %slice3A_26 : vector<2000x1xf32> to vector<2000x1xf32>
    %broadcast_in_dim3A_28 = vector.broadcast %broadcast_in_dim3A_27 : vector<2000x1xf32> to vector<2000x16xf32>
    %concatenate3A_29 = tpu.concatenate %broadcast_in_dim3A_19, %broadcast_in_dim3A_22, %broadcast_in_dim3A_25, %broadcast_in_dim3A_28 in 1 : vector<2000x16xf32>, vector<2000x16xf32>, vector<2000x16xf32>, vector<2000x16xf32> -> vector<2000x64xf32>
    %add3A_30 = arith.constant 1.000000e-16 : f32
    %add3A_31 = vector.broadcast %add3A_30 : f32 to vector<2000x64xf32>
    %add3A_32 = arith.addf %concatenate3A_29, %add3A_31 : vector<2000x64xf32>
    %div3A = arith.divf %concatenate3A, %add3A_32 : vector<2000x64xf32>
    %mul3A = arith.constant 5.000000e-01 : f32
    %mul3A_33 = vector.broadcast %mul3A : f32 to vector<2000x64xf32>
    %mul3A_34 = arith.mulf %mul3A_33, %div3A : vector<2000x64xf32>
    %mul3A_35 = arith.constant 0.707106769 : f32
    %mul3A_36 = vector.broadcast %mul3A_35 : f32 to vector<2000x64xf32>
    %mul3A_37 = arith.mulf %div3A, %mul3A_36 : vector<2000x64xf32>
    %erf3A = math.erf %mul3A_37 : vector<2000x64xf32>
    %add3A_38 = arith.constant 1.000000e+00 : f32
    %add3A_39 = vector.broadcast %add3A_38 : f32 to vector<2000x64xf32>
    %add3A_40 = arith.addf %add3A_39, %erf3A : vector<2000x64xf32>
    %mul3A_41 = arith.mulf %mul3A_34, %add3A_40 : vector<2000x64xf32>
    %get3A_42 = arith.constant 0 : index
    %get3A_43 = arith.constant 0 : index
    %get3A_44 = vector.load %arg4[%get3A_42, %get3A_43] : memref<64x64xf32, #tpu.memory_space<vmem>>, vector<64x64xf32>
    %dot_general3A = arith.constant dense<0.000000e+00> : vector<2000x64xf32>
    %dot_general3A_45 = tpu.matmul %mul3A_41, %get3A_44, %dot_general3A {dimension_numbers = #tpu.dot_dimension_numbers<[1], [0], [0], [1], [0, 0, 1, 1], [], []>, transpose_lhs_hint = false} : vector<2000x64xf32>, vector<64x64xf32>, vector<2000x64xf32> -> vector<2000x64xf32>
    %get3A_46 = arith.constant 0 : index
    %get3A_47 = arith.constant 0 : index
    %get3A_48 = vector.load %arg5[%get3A_46, %get3A_47] : memref<1x64xf32, #tpu.memory_space<vmem>>, vector<1x64xf32>
    %add3A_49 = vector.broadcast %get3A_48 : vector<1x64xf32> to vector<2000x64xf32>
    %add3A_50 = arith.addf %dot_general3A_45, %add3A_49 : vector<2000x64xf32>
    %get3A_51 = arith.constant 0 : index
    %get3A_52 = arith.constant 0 : index
    %get3A_53 = vector.load %arg6[%get3A_51, %get3A_52] : memref<1x1xf32, #tpu.memory_space<vmem>>, vector<1x1xf32>
    %get3A_54 = vector.extract %get3A_53[0, 0] : f32 from vector<1x1xf32>
    %neg3A = arith.constant 0.000000e+00 : f32
    %neg3A_55 = arith.subf %neg3A, %get3A_54 : f32
    %exp3A = math.exp %neg3A_55 : f32
    %add3A_56 = arith.constant 1.000000e+00 : f32
    %add3A_57 = arith.addf %add3A_56, %exp3A : f32
    %div3A_58 = arith.constant 1.000000e+00 : f32
    %div3A_59 = arith.divf %div3A_58, %add3A_57 : f32
    %mul3A_60 = vector.broadcast %div3A_59 : f32 to vector<2000x64xf32>
    %mul3A_61 = arith.mulf %mul3A_60, %add3A_50 : vector<2000x64xf32>
    %sub3A = arith.constant 1.000000e+00 : f32
    %sub3A_62 = arith.subf %sub3A, %div3A_59 : f32
    %get3A_63 = arith.constant 0 : index
    %get3A_64 = arith.constant 0 : index
    %get3A_65 = vector.load %arg3[%get3A_63, %get3A_64] : memref<2000x64xf32, #tpu.memory_space<vmem>>, vector<2000x64xf32>
    %mul3A_66 = vector.broadcast %sub3A_62 : f32 to vector<2000x64xf32>
    %mul3A_67 = arith.mulf %mul3A_66, %get3A_65 : vector<2000x64xf32>
    %add3A_68 = arith.addf %mul3A_61, %mul3A_67 : vector<2000x64xf32>
    %gt3A = arith.constant 0.000000e+00 : f32
    %gt3A_69 = vector.broadcast %gt3A : f32 to vector<2000x64xf32>
    %gt3A_70 = arith.cmpf ogt, %add3A_68, %gt3A_69 : vector<2000x64xf32>
    %min3A = arith.constant 0.000000e+00 : f32
    %min3A_71 = vector.broadcast %min3A : f32 to vector<2000x64xf32>
    %min3A_72 = arith.minimumf %add3A_68, %min3A_71 : vector<2000x64xf32>
    %exp3A_73 = math.exp %min3A_72 : vector<2000x64xf32>
    %sub3A_74 = arith.constant 1.000000e+00 : f32
    %sub3A_75 = vector.broadcast %sub3A_74 : f32 to vector<2000x64xf32>
    %sub3A_76 = arith.subf %exp3A_73, %sub3A_75 : vector<2000x64xf32>
    %select_n3A = arith.select %gt3A_70, %add3A_68, %sub3A_76 : vector<2000x64xi1>, vector<2000x64xf32>
    %reduce_sum3A = arith.constant dense<0.000000e+00> : vector<2000xf32>
    %reduce_sum3A_77 = vector.multi_reduction <add>, %select_n3A, %reduce_sum3A [1] : vector<2000x64xf32> to vector<2000xf32>
    %broadcast_in_dim3A_78 = vector.shape_cast %reduce_sum3A_77 : vector<2000xf32> to vector<2000x1xf32>
    %div3A_79 = arith.constant 6.400000e+01 : f32
    %div3A_80 = vector.broadcast %div3A_79 : f32 to vector<2000x1xf32>
    %div3A_81 = arith.divf %broadcast_in_dim3A_78, %div3A_80 : vector<2000x1xf32>
    %sub3A_82 = vector.broadcast %div3A_81 : vector<2000x1xf32> to vector<2000x64xf32>
    %sub3A_83 = arith.subf %select_n3A, %sub3A_82 : vector<2000x64xf32>
    %integer_pow3A = arith.mulf %sub3A_83, %sub3A_83 : vector<2000x64xf32>
    %reduce_sum3A_84 = arith.constant dense<0.000000e+00> : vector<2000xf32>
    %reduce_sum3A_85 = vector.multi_reduction <add>, %integer_pow3A, %reduce_sum3A_84 [1] : vector<2000x64xf32> to vector<2000xf32>
    %broadcast_in_dim3A_86 = vector.shape_cast %reduce_sum3A_85 : vector<2000xf32> to vector<2000x1xf32>
    %div3A_87 = arith.constant 6.400000e+01 : f32
    %div3A_88 = vector.broadcast %div3A_87 : f32 to vector<2000x1xf32>
    %div3A_89 = arith.divf %broadcast_in_dim3A_86, %div3A_88 : vector<2000x1xf32>
    %sub3A_90 = vector.broadcast %div3A_81 : vector<2000x1xf32> to vector<2000x64xf32>
    %sub3A_91 = arith.subf %select_n3A, %sub3A_90 : vector<2000x64xf32>
    %add3A_92 = arith.constant 9.99999974E-6 : f32
    %add3A_93 = vector.broadcast %add3A_92 : f32 to vector<2000x1xf32>
    %add3A_94 = arith.addf %div3A_89, %add3A_93 : vector<2000x1xf32>
    %rsqrt3A = math.rsqrt %add3A_94 : vector<2000x1xf32>
    %mul3A_95 = vector.broadcast %rsqrt3A : vector<2000x1xf32> to vector<2000x64xf32>
    %mul3A_96 = arith.mulf %sub3A_91, %mul3A_95 : vector<2000x64xf32>
    %get3A_97 = arith.constant 0 : index
    %get3A_98 = arith.constant 0 : index
    %get3A_99 = vector.load %arg7[%get3A_97, %get3A_98] : memref<1x64xf32, #tpu.memory_space<vmem>>, vector<1x64xf32>
    %mul3A_100 = vector.broadcast %get3A_99 : vector<1x64xf32> to vector<2000x64xf32>
    %mul3A_101 = arith.mulf %mul3A_96, %mul3A_100 : vector<2000x64xf32>
    %get3A_102 = arith.constant 0 : index
    %get3A_103 = arith.constant 0 : index
    %get3A_104 = vector.load %arg8[%get3A_102, %get3A_103] : memref<1x64xf32, #tpu.memory_space<vmem>>, vector<1x64xf32>
    %add3A_105 = vector.broadcast %get3A_104 : vector<1x64xf32> to vector<2000x64xf32>
    %add3A_106 = arith.addf %mul3A_101, %add3A_105 : vector<2000x64xf32>
    %swap3A = arith.constant 0 : index
    %swap3A_107 = arith.constant 0 : index
    %swap3A_108 = vector.load %arg9[%swap3A, %swap3A_107] : memref<2000x64xf32, #tpu.memory_space<vmem>>, vector<2000x64xf32>
    tpu.vector_store %arg9[%swap3A, %swap3A_107], %add3A_106 {strides = array<i32>} : memref<2000x64xf32, #tpu.memory_space<vmem>>, vector<2000x64xf32>,
    return
  }
  func.func @transform_0(%arg0: i32) -> (i32, i32, i32) {
    %c0_i32 = arith.constant 0 : i32
    %c0_i32_0 = arith.constant 0 : i32
    %c0_i32_1 = arith.constant 0 : i32
    return %c0_i32, %arg0, %c0_i32_0 : i32, i32, i32
  }
  func.func @transform_1(%arg0: i32) -> (i32, i32, i32) {
    %c0_i32 = arith.constant 0 : i32
    %c0_i32_0 = arith.constant 0 : i32
    %c0_i32_1 = arith.constant 0 : i32
    return %c0_i32, %arg0, %c0_i32_0 : i32, i32, i32
  }
  func.func @transform_2(%arg0: i32) -> (i32, i32) {
    %c0_i32 = arith.constant 0 : i32
    %c0_i32_0 = arith.constant 0 : i32
    return %arg0, %c0_i32 : i32, i32
  }
  func.func @transform_3(%arg0: i32) -> (i32, i32) {
    %c0_i32 = arith.constant 0 : i32
    %c0_i32_0 = arith.constant 0 : i32
    %c0_i32_1 = arith.constant 0 : i32
    return %c0_i32, %c0_i32_0 : i32, i32
  }
  func.func @transform_4(%arg0: i32) -> (i32, i32) {
    %c0_i32 = arith.constant 0 : i32
    %c0_i32_0 = arith.constant 0 : i32
    %c0_i32_1 = arith.constant 0 : i32
    return %c0_i32, %c0_i32_0 : i32, i32
  }
  func.func @transform_5(%arg0: i32) -> (i32, i32) {
    %c0_i32 = arith.constant 0 : i32
    %c0_i32_0 = arith.constant 0 : i32
    %c0_i32_1 = arith.constant 0 : i32
    return %c0_i32, %c0_i32_0 : i32, i32
  }
  func.func @transform_6(%arg0: i32) -> (i32, i32) {
    %c0_i32 = arith.constant 0 : i32
    %c0_i32_0 = arith.constant 0 : i32
    %c0_i32_1 = arith.constant 0 : i32
    return %c0_i32, %c0_i32_0 : i32, i32
  }
  func.func @transform_7(%arg0: i32) -> (i32, i32) {
    %c0_i32 = arith.constant 0 : i32
    %c0_i32_0 = arith.constant 0 : i32
    %c0_i32_1 = arith.constant 0 : i32
    return %c0_i32, %c0_i32_0 : i32, i32
  }
  func.func @transform_8(%arg0: i32) -> (i32, i32) {
    %c0_i32 = arith.constant 0 : i32
    %c0_i32_0 = arith.constant 0 : i32
    return %arg0, %c0_i32 : i32, i32
  }
}

module attributes {stable_mosaic.version = 14 : i64} {
  func.func @_qkv_body(%arg0: i32, %arg1: memref<2000x64xf32, #tpu.memory_space<vmem>>, %arg2: memref<64x64xf32, #tpu.memory_space<vmem>>, %arg3: memref<1x64xf32, #tpu.memory_space<vmem>>, %arg4: memref<64x64xf32, #tpu.memory_space<vmem>>, %arg5: memref<1x64xf32, #tpu.memory_space<vmem>>, %arg6: memref<64x64xf32, #tpu.memory_space<vmem>>, %arg7: memref<1x64xf32, #tpu.memory_space<vmem>>, %arg8: memref<2000x128xf32, #tpu.memory_space<vmem>>, %arg9: memref<2000x128xf32, #tpu.memory_space<vmem>>) attributes {dimension_semantics = [#tpu.dimension_semantics<arbitrary>], iteration_bounds = array<i64: 25>, scalar_prefetch = 0 : i64, scratch_operands = 0 : i64, tpu.core_type = #tpu.core_type<tc>, window_params = [{transform_indices = @transform_0, window_bounds = array<i64: 2000, 64>}, {pipeline_mode = #tpu.pipeline_mode<synchronous>, transform_indices = @transform_1, window_bounds = array<i64: 64, 64>}, {pipeline_mode = #tpu.pipeline_mode<synchronous>, transform_indices = @transform_2, window_bounds = array<i64: 1, 64>}, {pipeline_mode = #tpu.pipeline_mode<synchronous>, transform_indices = @transform_3, window_bounds = array<i64: 64, 64>}, {pipeline_mode = #tpu.pipeline_mode<synchronous>, transform_indices = @transform_4, window_bounds = array<i64: 1, 64>}, {pipeline_mode = #tpu.pipeline_mode<synchronous>, transform_indices = @transform_5, window_bounds = array<i64: 64, 64>}, {pipeline_mode = #tpu.pipeline_mode<synchronous>, transform_indices = @transform_6, window_bounds = array<i64: 1, 64>}, {transform_indices = @transform_7, window_bounds = array<i64: 2000, 128>}, {transform_indices = @transform_8, window_bounds = array<i64: 2000, 128>}]} {
    %get3A = arith.constant 0 : index
    %get3A_0 = arith.constant 0 : index
    %get3A_1 = vector.load %arg1[%get3A, %get3A_0] : memref<2000x64xf32, #tpu.memory_space<vmem>>, vector<2000x64xf32>
    %get3A_2 = arith.constant 0 : index
    %get3A_3 = arith.constant 0 : index
    %get3A_4 = vector.load %arg2[%get3A_2, %get3A_3] : memref<64x64xf32, #tpu.memory_space<vmem>>, vector<64x64xf32>
    %dot_general3A = arith.constant dense<0.000000e+00> : vector<2000x64xf32>
    %dot_general3A_5 = tpu.matmul %get3A_1, %get3A_4, %dot_general3A {dimension_numbers = #tpu.dot_dimension_numbers<[1], [0], [0], [1], [0, 0, 1, 1], [], []>, transpose_lhs_hint = false} : vector<2000x64xf32>, vector<64x64xf32>, vector<2000x64xf32> -> vector<2000x64xf32>
    %get3A_6 = arith.constant 0 : index
    %get3A_7 = arith.constant 0 : index
    %get3A_8 = vector.load %arg3[%get3A_6, %get3A_7] : memref<1x64xf32, #tpu.memory_space<vmem>>, vector<1x64xf32>
    %add3A = vector.broadcast %get3A_8 : vector<1x64xf32> to vector<2000x64xf32>
    %add3A_9 = arith.addf %dot_general3A_5, %add3A : vector<2000x64xf32>
    %get3A_10 = arith.constant 0 : index
    %get3A_11 = arith.constant 0 : index
    %get3A_12 = vector.load %arg4[%get3A_10, %get3A_11] : memref<64x64xf32, #tpu.memory_space<vmem>>, vector<64x64xf32>
    %dot_general3A_13 = arith.constant dense<0.000000e+00> : vector<2000x64xf32>
    %dot_general3A_14 = tpu.matmul %get3A_1, %get3A_12, %dot_general3A_13 {dimension_numbers = #tpu.dot_dimension_numbers<[1], [0], [0], [1], [0, 0, 1, 1], [], []>, transpose_lhs_hint = false} : vector<2000x64xf32>, vector<64x64xf32>, vector<2000x64xf32> -> vector<2000x64xf32>
    %get3A_15 = arith.constant 0 : index
    %get3A_16 = arith.constant 0 : index
    %get3A_17 = vector.load %arg5[%get3A_15, %get3A_16] : memref<1x64xf32, #tpu.memory_space<vmem>>, vector<1x64xf32>
    %add3A_18 = vector.broadcast %get3A_17 : vector<1x64xf32> to vector<2000x64xf32>
    %add3A_19 = arith.addf %dot_general3A_14, %add3A_18 : vector<2000x64xf32>
    %get3A_20 = arith.constant 0 : index
    %get3A_21 = arith.constant 0 : index
    %get3A_22 = vector.load %arg6[%get3A_20, %get3A_21] : memref<64x64xf32, #tpu.memory_space<vmem>>, vector<64x64xf32>
    %dot_general3A_23 = arith.constant dense<0.000000e+00> : vector<2000x64xf32>
    %dot_general3A_24 = tpu.matmul %get3A_1, %get3A_22, %dot_general3A_23 {dimension_numbers = #tpu.dot_dimension_numbers<[1], [0], [0], [1], [0, 0, 1, 1], [], []>, transpose_lhs_hint = false} : vector<2000x64xf32>, vector<64x64xf32>, vector<2000x64xf32> -> vector<2000x64xf32>
    %get3A_25 = arith.constant 0 : index
    %get3A_26 = arith.constant 0 : index
    %get3A_27 = vector.load %arg7[%get3A_25, %get3A_26] : memref<1x64xf32, #tpu.memory_space<vmem>>, vector<1x64xf32>
    %add3A_28 = vector.broadcast %get3A_27 : vector<1x64xf32> to vector<2000x64xf32>
    %add3A_29 = arith.addf %dot_general3A_24, %add3A_28 : vector<2000x64xf32>
    %concatenate3A = tpu.concatenate %add3A_9, %add3A_9 in 1 : vector<2000x64xf32>, vector<2000x64xf32> -> vector<2000x128xf32>
    %swap3A = arith.constant 0 : index
    %swap3A_30 = arith.constant 0 : index
    %swap3A_31 = vector.load %arg8[%swap3A, %swap3A_30] : memref<2000x128xf32, #tpu.memory_space<vmem>>, vector<2000x128xf32>
    tpu.vector_store %arg8[%swap3A, %swap3A_30], %concatenate3A {strides = array<i32>} : memref<2000x128xf32, #tpu.memory_space<vmem>>, vector<2000x128xf32>,
    %concatenate3A_32 = tpu.concatenate %add3A_19, %add3A_29 in 1 : vector<2000x64xf32>, vector<2000x64xf32> -> vector<2000x128xf32>
    %swap3A_33 = arith.constant 0 : index
    %swap3A_34 = arith.constant 0 : index
    %swap3A_35 = vector.load %arg9[%swap3A_33, %swap3A_34] : memref<2000x128xf32, #tpu.memory_space<vmem>>, vector<2000x128xf32>
    tpu.vector_store %arg9[%swap3A_33, %swap3A_34], %concatenate3A_32 {strides = array<i32>} : memref<2000x128xf32, #tpu.memory_space<vmem>>, vector<2000x128xf32>,
    return
  }
  func.func @transform_0(%arg0: i32) -> (i32, i32) {
    %c0_i32 = arith.constant 0 : i32
    %c0_i32_0 = arith.constant 0 : i32
    return %arg0, %c0_i32 : i32, i32
  }
  func.func @transform_1(%arg0: i32) -> (i32, i32) {
    %c0_i32 = arith.constant 0 : i32
    %c0_i32_0 = arith.constant 0 : i32
    %c0_i32_1 = arith.constant 0 : i32
    return %c0_i32, %c0_i32_0 : i32, i32
  }
  func.func @transform_2(%arg0: i32) -> (i32, i32) {
    %c0_i32 = arith.constant 0 : i32
    %c0_i32_0 = arith.constant 0 : i32
    %c0_i32_1 = arith.constant 0 : i32
    return %c0_i32, %c0_i32_0 : i32, i32
  }
  func.func @transform_3(%arg0: i32) -> (i32, i32) {
    %c0_i32 = arith.constant 0 : i32
    %c0_i32_0 = arith.constant 0 : i32
    %c0_i32_1 = arith.constant 0 : i32
    return %c0_i32, %c0_i32_0 : i32, i32
  }
  func.func @transform_4(%arg0: i32) -> (i32, i32) {
    %c0_i32 = arith.constant 0 : i32
    %c0_i32_0 = arith.constant 0 : i32
    %c0_i32_1 = arith.constant 0 : i32
    return %c0_i32, %c0_i32_0 : i32, i32
  }
  func.func @transform_5(%arg0: i32) -> (i32, i32) {
    %c0_i32 = arith.constant 0 : i32
    %c0_i32_0 = arith.constant 0 : i32
    %c0_i32_1 = arith.constant 0 : i32
    return %c0_i32, %c0_i32_0 : i32, i32
  }
  func.func @transform_6(%arg0: i32) -> (i32, i32) {
    %c0_i32 = arith.constant 0 : i32
    %c0_i32_0 = arith.constant 0 : i32
    %c0_i32_1 = arith.constant 0 : i32
    return %c0_i32, %c0_i32_0 : i32, i32
  }
  func.func @transform_7(%arg0: i32) -> (i32, i32) {
    %c0_i32 = arith.constant 0 : i32
    %c0_i32_0 = arith.constant 0 : i32
    return %arg0, %c0_i32 : i32, i32
  }
  func.func @transform_8(%arg0: i32) -> (i32, i32) {
    %c0_i32 = arith.constant 0 : i32
    %c0_i32_0 = arith.constant 0 : i32
    return %arg0, %c0_i32 : i32, i32
  }
}

module attributes {stable_mosaic.version = 14 : i64} {
  func.func @_pool_body(%arg0: i32, %arg1: memref<2000x64xf32, #tpu.memory_space<vmem>>, %arg2: memref<1x1x2000xi32, #tpu.memory_space<vmem>>, %arg3: memref<64x128xf32, #tpu.memory_space<vmem>>, %arg4: memref<1x128xf32, #tpu.memory_space<vmem>>, %arg5: memref<64x128xf32, #tpu.memory_space<vmem>>, %arg6: memref<64x128xf32, #tpu.memory_space<vmem>>) attributes {dimension_semantics = [#tpu.dimension_semantics<arbitrary>], iteration_bounds = array<i64: 25>, scalar_prefetch = 0 : i64, scratch_operands = 1 : i64, tpu.core_type = #tpu.core_type<tc>, window_params = [{transform_indices = @transform_0, window_bounds = array<i64: 2000, 64>}, {transform_indices = @transform_1, window_bounds = array<i64: 1, 1, 2000>}, {pipeline_mode = #tpu.pipeline_mode<synchronous>, transform_indices = @transform_2, window_bounds = array<i64: 64, 128>}, {pipeline_mode = #tpu.pipeline_mode<synchronous>, transform_indices = @transform_3, window_bounds = array<i64: 1, 128>}, {pipeline_mode = #tpu.pipeline_mode<synchronous>, transform_indices = @transform_4, window_bounds = array<i64: 64, 128>}]} {
    %eq3A = arith.constant 0 : i32
    %eq3A_0 = arith.cmpi eq, %arg0, %eq3A : i32
    %convert_element_type3A = arith.extui %eq3A_0 : i1 to i32
    %cond3A = arith.constant 0 : i32
    %cond3A_1 = arith.cmpi ne, %convert_element_type3A, %cond3A : i32
    scf.if %cond3A_1 {
      %broadcast_in_dim3A_27 = arith.constant 0.000000e+00 : f32
      %broadcast_in_dim3A_28 = vector.broadcast %broadcast_in_dim3A_27 : f32 to vector<64x128xf32>
      %swap3A_29 = arith.constant 0 : index
      %swap3A_30 = arith.constant 0 : index
      %swap3A_31 = vector.load %arg6[%swap3A_29, %swap3A_30] : memref<64x128xf32, #tpu.memory_space<vmem>>, vector<64x128xf32>
      tpu.vector_store %arg6[%swap3A_29, %swap3A_30], %broadcast_in_dim3A_28 {strides = array<i32>} : memref<64x128xf32, #tpu.memory_space<vmem>>, vector<64x128xf32>,
    } else {
    }
    %get3A = arith.constant 0 : index
    %get3A_2 = arith.constant 0 : index
    %get3A_3 = arith.constant 0 : index
    %get3A_4 = vector.load %arg2[%get3A, %get3A_2, %get3A_3] : memref<1x1x2000xi32, #tpu.memory_space<vmem>>, vector<1x1x2000xi32>
    %get3A_5 = vector.shape_cast %get3A_4 : vector<1x1x2000xi32> to vector<1x2000xi32>
    %iota3A = tpu.iota {dimensions = array<i32: 0>} : vector<64x2000xi32>
    %eq3A_6 = vector.broadcast %get3A_5 : vector<1x2000xi32> to vector<64x2000xi32>
    %eq3A_7 = arith.cmpi eq, %iota3A, %eq3A_6 : vector<64x2000xi32>
    %convert_element_type3A_8 = arith.extui %eq3A_7 : vector<64x2000xi1> to vector<64x2000xi32>
    %convert_element_type3A_9 = arith.sitofp %convert_element_type3A_8 : vector<64x2000xi32> to vector<64x2000xf32>
    %get3A_10 = arith.constant 0 : index
    %get3A_11 = arith.constant 0 : index
    %get3A_12 = vector.load %arg1[%get3A_10, %get3A_11] : memref<2000x64xf32, #tpu.memory_space<vmem>>, vector<2000x64xf32>
    %broadcast_in_dim3A = arith.constant 1.000000e+00 : f32
    %broadcast_in_dim3A_13 = vector.broadcast %broadcast_in_dim3A : f32 to vector<2000x1xf32>
    %broadcast_in_dim3A_14 = arith.constant 0.000000e+00 : f32
    %broadcast_in_dim3A_15 = vector.broadcast %broadcast_in_dim3A_14 : f32 to vector<2000x63xf32>
    %concatenate3A = tpu.concatenate %get3A_12, %broadcast_in_dim3A_13, %broadcast_in_dim3A_15 in 1 : vector<2000x64xf32>, vector<2000x1xf32>, vector<2000x63xf32> -> vector<2000x128xf32>
    %get3A_16 = arith.constant 0 : index
    %get3A_17 = arith.constant 0 : index
    %get3A_18 = vector.load %arg6[%get3A_16, %get3A_17] : memref<64x128xf32, #tpu.memory_space<vmem>>, vector<64x128xf32>
    %dot_general3A = arith.constant dense<0.000000e+00> : vector<64x128xf32>
    %dot_general3A_19 = tpu.matmul %convert_element_type3A_9, %concatenate3A, %dot_general3A {dimension_numbers = #tpu.dot_dimension_numbers<[1], [0], [0], [1], [0, 0, 1, 1], [], []>, transpose_lhs_hint = false} : vector<64x2000xf32>, vector<2000x128xf32>, vector<64x128xf32> -> vector<64x128xf32>
    %add3A = arith.addf %get3A_18, %dot_general3A_19 : vector<64x128xf32>
    %swap3A = arith.constant 0 : index
    %swap3A_20 = arith.constant 0 : index
    %swap3A_21 = vector.load %arg6[%swap3A, %swap3A_20] : memref<64x128xf32, #tpu.memory_space<vmem>>, vector<64x128xf32>
    tpu.vector_store %arg6[%swap3A, %swap3A_20], %add3A {strides = array<i32>} : memref<64x128xf32, #tpu.memory_space<vmem>>, vector<64x128xf32>,
    %eq3A_22 = arith.constant 24 : i32
    %eq3A_23 = arith.cmpi eq, %arg0, %eq3A_22 : i32
    %convert_element_type3A_24 = arith.extui %eq3A_23 : i1 to i32
    %cond3A_25 = arith.constant 0 : i32
    %cond3A_26 = arith.cmpi ne, %convert_element_type3A_24, %cond3A_25 : i32
    scf.if %cond3A_26 {
      %get3A_27 = arith.constant 0 : index
      %get3A_28 = arith.constant 0 : index
      %get3A_29 = vector.load %arg6[%get3A_27, %get3A_28] : memref<64x128xf32, #tpu.memory_space<vmem>>, vector<64x64xf32>
      %get3A_30 = arith.constant 0 : index
      %get3A_31 = arith.constant 64 : index
      %get3A_32 = vector.load %arg6[%get3A_30, %get3A_31] : memref<64x128xf32, #tpu.memory_space<vmem>>, vector<64x1xf32>
      %max3A = arith.constant 1.000000e+00 : f32
      %max3A_33 = vector.broadcast %max3A : f32 to vector<64x1xf32>
      %max3A_34 = arith.maximumf %get3A_32, %max3A_33 : vector<64x1xf32>
      %div3A = vector.broadcast %max3A_34 : vector<64x1xf32> to vector<64x64xf32>
      %div3A_35 = arith.divf %get3A_29, %div3A : vector<64x64xf32>
      %get3A_36 = arith.constant 0 : index
      %get3A_37 = arith.constant 0 : index
      %get3A_38 = vector.load %arg3[%get3A_36, %get3A_37] : memref<64x128xf32, #tpu.memory_space<vmem>>, vector<64x128xf32>
      %dot_general3A_39 = arith.constant dense<0.000000e+00> : vector<64x128xf32>
      %dot_general3A_40 = tpu.matmul %div3A_35, %get3A_38, %dot_general3A_39 {dimension_numbers = #tpu.dot_dimension_numbers<[1], [0], [0], [1], [0, 0, 1, 1], [], []>, transpose_lhs_hint = false} : vector<64x64xf32>, vector<64x128xf32>, vector<64x128xf32> -> vector<64x128xf32>
      %get3A_41 = arith.constant 0 : index
      %get3A_42 = arith.constant 0 : index
      %get3A_43 = vector.load %arg4[%get3A_41, %get3A_42] : memref<1x128xf32, #tpu.memory_space<vmem>>, vector<1x128xf32>
      %add3A_44 = vector.broadcast %get3A_43 : vector<1x128xf32> to vector<64x128xf32>
      %add3A_45 = arith.addf %dot_general3A_40, %add3A_44 : vector<64x128xf32>
      %swap3A_46 = arith.constant 0 : index
      %swap3A_47 = arith.constant 0 : index
      %swap3A_48 = vector.load %arg5[%swap3A_46, %swap3A_47] : memref<64x128xf32, #tpu.memory_space<vmem>>, vector<64x128xf32>
      tpu.vector_store %arg5[%swap3A_46, %swap3A_47], %add3A_45 {strides = array<i32>} : memref<64x128xf32, #tpu.memory_space<vmem>>, vector<64x128xf32>,
    } else {
    }
    return
  }
  func.func @transform_0(%arg0: i32) -> (i32, i32) {
    %c0_i32 = arith.constant 0 : i32
    %c0_i32_0 = arith.constant 0 : i32
    return %arg0, %c0_i32 : i32, i32
  }
  func.func @transform_1(%arg0: i32) -> (i32, i32, i32) {
    %c0_i32 = arith.constant 0 : i32
    %c0_i32_0 = arith.constant 0 : i32
    %c0_i32_1 = arith.constant 0 : i32
    return %arg0, %c0_i32, %c0_i32_0 : i32, i32, i32
  }
  func.func @transform_2(%arg0: i32) -> (i32, i32) {
    %c0_i32 = arith.constant 0 : i32
    %c0_i32_0 = arith.constant 0 : i32
    %c0_i32_1 = arith.constant 0 : i32
    return %c0_i32, %c0_i32_0 : i32, i32
  }
  func.func @transform_3(%arg0: i32) -> (i32, i32) {
    %c0_i32 = arith.constant 0 : i32
    %c0_i32_0 = arith.constant 0 : i32
    %c0_i32_1 = arith.constant 0 : i32
    return %c0_i32, %c0_i32_0 : i32, i32
  }
  func.func @transform_4(%arg0: i32) -> (i32, i32) {
    %c0_i32 = arith.constant 0 : i32
    %c0_i32_0 = arith.constant 0 : i32
    %c0_i32_1 = arith.constant 0 : i32
    return %c0_i32, %c0_i32_0 : i32, i32
  }
}

</mosaic_0001>

<sc_bundles>
// kernel: kernel.15.cloned.1.call-start
scs
__scs_entry_jumppad:
0x0: {  	(pc) =	sbr.rel $0x88, $3  }
0x1: {  	(tag) =	ssettag $0x0;
	lr =	simm.s32 $0x1  }
0x2: {  	[smem:$0x3F8A] =	sst lr;
	_ =	strace $0xD0000000  }
0x3: {  	_ = 	snop  }
0x4: {  	_ = 	snop  }
0x5: {  	_ = 	snop  }
0x6: {  	_ = 	snop  }
0x7: {  	_ = 	snop  }
__scs_overlays_trampoline_lowered:
0x8: {  	[smem:$0x3F99] =	sst s0  }
0x9: {  	[smem:$0x3F9A] =	sst s1  }
0xa: {  	[smem:$0x3F9B] =	sst s2  }
0xb: {  	[smem:$0x3F9C] =	sst s3  }
0xc: {  	[smem:$0x3F9D] =	sst s4  }
0xd: {  	[smem:$0x3F9E] =	sst s5  }
0xe: {  	[smem:$0x3F9F] =	sst s6  }
0xf: {  	[smem:$0x3FA0] =	sst s7  }
0x10: {  	[smem:$0x3FA1] =	sst s8  }
0x11: {  	[smem:$0x3FA2] =	sst s9;
	s0 =	simm.s32 @!p0 $0x0  }
0x12: {  	s1 =	sld [smem:$0x3F88];
	s0 =	simm.s32 @p0 $0x1  }
0x13: {  	[smem:$0x3FA3] =	sst s0;
	s0 =	simm.s32 @!p1 $0x0  }
0x14: {  	s2 =	sld [smem:$0x3F87];
	s0 =	simm.s32 @p1 $0x1  }
0x15: {  	[smem:$0x3FA4] =	sst s0;
	s0 =	simm.s32 @!p2 $0x0  }
0x16: {  	s3 =	sld [smem:$0x3FDB];
	s0 =	simm.s32 @p2 $0x1  }
0x17: {  	s4 =	simm.s32 $0x1BF5;
	[smem:$0x3FA6] =	sst s0  }
0x18: {  	s0 =	sld [smem:$0x3F89];
	_ =	swait.ge [sflag:s4], $0x0  }
0x19: {  	s7 =	sld [smem:$0x3F8A]  }
0x1a: {  	s8 =	sadd.s32 $0xFFFFE003, lr  }
0x1b: {  	s9 =	sadd.s32 $0xFFFFFEF7, lr;
	s5 =	simm.s32 $0xFFFFFFFF;
	p2 =	slt.u32 s8, $0xFFFFF086  }
0x1c: {  	p1 =	slt.u32 s9, $0xF7A;
	s5 =	simm.s32 @!p2 $0x0  }
0x1d: {  	s5 =	simm.s32 @p1 $0x1;
	p0 =	seq.s32 s7, s2  }
0x1e: {  	s7 =	smul.u32 @!p0 $0xF7A, s2;
	p2 =	seq.s32 @!p0 s5, $0x0  }
0x1f: {  	s9 =	smul.u32 $0xF7A, s1;
	s8 =	simm.s32 @!p0 $0x1BF5;
	p2 =	por !p2, p0  }
0x20: {  	[sflag:s8] =	ssyncset.s32 @!p0 $0xFFFFF086;
	s6 =	sadd.s32 @!p0 s3, s7;
	s7 =	simm.s32 @!p0 $0x108  }
0x21: {  	s3 =	sadd.s32 s3, s9;
	s6 =	sadd.s32 @!p0 $0x88, s6;
	s7 =	simm.s32 @p2 $0x1082  }
0x22: {  	[simem:s7], [sflag:s8] =	dma.local @!p0 [hbm:s6], $0xF7A  }
0x23: {  	s9 =	sor.u32 $0xD0000000, s2;
	s6 =	simm.s32 $0x108;
	_ =	swait.ge @!p0 [sflag:s8], $0x0  }
0x24: {  	s3 =	sadd.s32 $0x88, s3;
	s6 =	simm.s32 @!p1 $0x1082;
	[sflag:s4] =	ssyncset.s32 $0xFFFFF086  }
0x25: {  	[simem:s6], [sflag:s4] =	dma.local [hbm:s3], $0xF7A  }
0x26: {  	[smem:$0x3F8A] =	sst s1;
	(tag) =	ssettag s2;
	_ =	strace s9  }
0x27: {  	s1 =	sld [smem:$0x3F9A]  }
0x28: {  	s2 =	sld [smem:$0x3F9B]  }
0x29: {  	s4 =	sld [smem:$0x3F9D]  }
0x2a: {  	p0 =	seq.s32 s5, $0x0;
	s5 =	sld [smem:$0x3F9E]  }
0x2b: {  	s6 =	sld [smem:$0x3F9F]  }
0x2c: {  	s7 =	sld [smem:$0x3FA0]  }
0x2d: {  	s3 =	simm.s32 $0x108;
	s8 =	sld [smem:$0x3FA1]  }
0x2e: {  	s3 =	simm.s32 @!p0 $0x1082;
	s9 =	sld [smem:$0x3FA2]  }
0x2f: {  	lr =	sadd.s32 s0, s3;
	s0 =	sld [smem:$0x3F99]  }
0x30: {  	s3 =	sld [smem:$0x3F9C]  }
0x31: {  	[smem:$0x3FA5] =	sst s10  }
0x32: {  	s10 =	sld [smem:$0x3FA3];
	_ =	sdelay $0x3  }
0x33: {  	p0 =	seq.s32 s10, $0x1;
	s10 =	sld [smem:$0x3FA5];
	_ =	sdelay $0x3  }
0x34: {  	[smem:$0x3FA5] =	sst s10  }
0x35: {  	s10 =	sld [smem:$0x3FA4];
	_ =	sdelay $0x3  }
0x36: {  	p1 =	seq.s32 s10, $0x1;
	s10 =	sld [smem:$0x3FA5];
	_ =	sdelay $0x3  }
0x37: {  	[smem:$0x3FA5] =	sst s10  }
0x38: {  	s10 =	sld [smem:$0x3FA6]  }
0x39: {  	_ = 	snop;
	(pc) =	sbr.ind lr, $3  }
0x3a: {  	_ = 	snop  }
0x3b: {  	_ = 	snop  }
0x3c: {  	p2 =	seq.s32 s10, $0x1;
	s10 =	sld [smem:$0x3FA5]  }
0x3d: {  	_ =	shalt  }
0x3e: {  	_ =	shalt  }
0x3f: {  	_ =	shalt  }
0x40: {  	_ =	shalt  }
0x41: {  	_ =	shalt  }
0x42: {  	_ =	shalt  }
0x43: {  	_ =	shalt  }
0x44: {  	_ =	shalt  }
0x45: {  	_ =	shalt  }
0x46: {  	_ =	shalt  }
0x47: {  	_ =	shalt  }
0x48: {  	_ =	shalt  }
0x49: {  	_ =	shalt  }
0x4a: {  	_ =	shalt  }
0x4b: {  	_ =	shalt  }
0x4c: {  	_ =	shalt  }
0x4d: {  	_ =	shalt  }
0x4e: {  	_ =	shalt  }
0x4f: {  	_ =	shalt  }
0x50: {  	_ =	shalt  }
0x51: {  	_ =	shalt  }
0x52: {  	_ =	shalt  }
0x53: {  	_ =	shalt  }
0x54: {  	_ =	shalt  }
0x55: {  	_ =	shalt  }
0x56: {  	_ =	shalt  }
0x57: {  	_ =	shalt  }
0x58: {  	_ =	shalt  }
0x59: {  	_ =	shalt  }
0x5a: {  	_ =	shalt  }
0x5b: {  	_ =	shalt  }
0x5c: {  	_ =	shalt  }
0x5d: {  	_ =	shalt  }
0x5e: {  	_ =	shalt  }
0x5f: {  	_ =	shalt  }
0x60: {  	_ =	shalt  }
0x61: {  	_ =	shalt  }
0x62: {  	_ =	shalt  }
0x63: {  	_ =	shalt  }
0x64: {  	_ =	shalt  }
0x65: {  	_ =	shalt  }
0x66: {  	_ =	shalt  }
0x67: {  	_ =	shalt  }
0x68: {  	_ =	shalt  }
0x69: {  	_ =	shalt  }
0x6a: {  	_ =	shalt  }
0x6b: {  	_ =	shalt  }
0x6c: {  	_ =	shalt  }
0x6d: {  	_ =	shalt  }
0x6e: {  	_ =	shalt  }
0x6f: {  	_ =	shalt  }
0x70: {  	_ =	shalt  }
0x71: {  	_ =	shalt  }
0x72: {  	_ =	shalt  }
0x73: {  	_ =	shalt  }
0x74: {  	_ =	shalt  }
0x75: {  	_ =	shalt  }
0x76: {  	_ =	shalt  }
0x77: {  	_ =	shalt  }
0x78: {  	_ =	shalt  }
0x79: {  	_ =	shalt  }
0x7a: {  	_ =	shalt  }
0x7b: {  	_ =	shalt  }
0x7c: {  	_ =	shalt  }
0x7d: {  	_ =	shalt  }
0x7e: {  	_ =	shalt  }
0x7f: {  	_ =	shalt  }
0x80: {  	_ =	shalt  }
0x81: {  	_ =	shalt  }
0x82: {  	_ =	shalt  }
0x83: {  	_ =	shalt  }
0x84: {  	_ =	shalt  }
0x85: {  	_ =	shalt  }
0x86: {  	_ =	shalt  }
0x87: {  	_ =	shalt  }
.Lfunc_end0:
.L_simem_size_0:
called_computation_lowered:
.L_overlay_start_0:
0x88: {  	s2 =	sld [smem:$0x3FD9]  }
0x89: {  	s3 =	sld [smem:$0x3FFE];
	_ =	sdelay $0x1  }
0x8a: {  	s1 =	srdreg.scid  }
0x8b: {  	s0 =	sand.u32 $0x1, s1  }
0x8c: {  	s16 =	sshll.u32 s0, $0xA;
	s2 =	sadd.s32 s3, s2  }
0x8d: {  	s2 =	sadd.s32 s2, s16  }
0x8e: {  	[smem:$0x3FB1] =	sst s2  }
0x8f: {  	_ = 	snop  }
0x90: {  	(tm) =	ssettm $0x1  }
0x91: {  	s17 =	sld [smem:$0x3FFB];
	_ =	sdelay $0x3  }
0x92: {  	_ =	strace s17  }
0x93: {  	s2 =	sld [smem:$0x3FFC];
	_ =	sdelay $0x3  }
0x94: {  	_ =	strace s2  }
0x95: {  	s2 =	sld [smem:$0x3FFD];
	_ =	sdelay $0x3  }
0x96: {  	_ =	strace s2  }
0x97: {  	_ =	strace $0x8FFFFFFF  }
0x98: {  	s18 =	sld [smem:$0x3FDB];
	_ =	sdelay $0x1  }
0x99: {  	s19 =	simm.s32 $_scs_section_size  }
0x9a: {  	s4 =	simm.s32 $_size__tile_overlayer_lowered;
	s5 =	simm.s32 $_tile_overlayer_lowered  }
0x9b: {  	s22 =	simm.s32 $0x1BFF;
	s21 =	sshll.u32 s5, $0x1;
	s2 =	sadd.s32 s19, s18  }
0x9c: {  	s6 =	simm.s32 $0x0;
	s20 =	sshll.u32 s4, $0x1;
	s4 =	sadd.s32 s21, s2  }
0x9d: {  	[timem:s6], [sflag:s22] =	dma.local [hbm:s4], s20  }
0x9e: {  	_ =	swait.ge [sflag:s22], s20  }
0x9f: {  	s3 =	ssub.s32 $0x0, s20;
	[sflag:s22] =	ssyncset.done $0x0  }
0xa0: {  	[sflag:s22] =	ssyncadd.s32 s3;
	_ =	sdelay $0x1  }
0xa1: {  	s23 =	simm.s32 $0x1B8B  }
0xa2: {  	_ =	swait.ge [sflag:s23], $0x1  }
0xa3: {  	[sflag:s23] =	ssyncset.done $0x0  }
0xa4: {  	s25 =	simm.s32 $0x1B8E;
	s24 =	sld [smem:$0x3FFE];
	[sflag:s23] =	ssyncadd.s32 $0xFFFFFFFF  }
0xa5: {  	s26 =	simm.s32 $execute0_lowered;
	[smem:$0x3FD2] =	sst s25  }
0xa6: {  	s4 =	sshll.u32 s26, $0x1;
	_ =	strace $0x80000046;
	[dreg:$0x1] =	wrdreg $0xFFFFFFFF  }
0xa7: {  	s28 =	simm.s32 $_size_execute0_lowered;
	s2 =	sadd.s32 s2, s4;
	[dreg:$0x0] =	wrdreg $0x0  }
0xa8: {  	s4 =	sshll.u32 s28, $0x1;
	[dreg:$0x2] =	wrdreg s2  }
0xa9: {  	[dreg:$0x3] =	wrdreg s4  }
0xaa: {  	[dreg:$0x4] =	wrdreg $0xC0  }
0xab: {  	_ =	task [dreg:s6], $0x5FFFF  }
0xac: {  	[dreg:$0x1] =	wrdreg $0xFFFFFFFF  }
0xad: {  	[dreg:$0x0] =	wrdreg $0x60  }
0xae: {  	[dreg:$0x2] =	wrdreg s24  }
0xaf: {  	[dreg:$0x3] =	wrdreg $0x9  }
0xb0: {  	_ =	task.clear_ibuf [dreg:s6], $0x4FFFF;
	_ =	strace $0x90000046  }
0xb1: {  	s29 =	simm.s32 $0x9;
	_ =	strace $0x80000048  }
0xb2: {  	_ =	swait.ge [sflag:s29], $0x1  }
0xb3: {  	[sflag:s29] =	ssyncadd.s32 $0xFFFFFFFF  }
0xb4: {  	_ =	strace $0x90000048  }
0xb5: {  	_ =	sfence  }
0xb6: {  	s30 =	sld [smem:$0x0];
	_ =	sdelay $0x2  }
0xb7: {  	s31 =	sshll.u32 s1, $0xD;
	s1 =	sshrl.u32 s1, $0x2  }
0xb8: {  	s3 =	sand.u32 $0x4000, s31;
	s1 =	sadd.s32 s1, s30  }
0xb9: {  	s0 =	sor.u32 s3, s0;
	s1 =	sshll.u32 s1, $0x11  }
0xba: {  	s0 =	sor.u32 s1, s0  }
0xbb: {  	s0 =	sadd.s32 $0x8F2B, s0  }
0xbc: {  	[sflag:s0] =	ssyncadd.remote.s32 $0x1  }
0xbd: {  	_ =	sfence.sel $0xFFFF  }
0xbe: {  	[dreg:$0x0] =	wrdreg $0xFFFFFFFF;
	(pc) =	sbr.abs _section_cstart, $3  }
0xbf: {  	[dreg:$0x1] =	wrdreg $0xFFFFFFFF  }
0xc0: {  	_ =	task.clear_ibuf [dreg:s6], $0x2FFFF;
	_ =	strace $0x9FFFFFFF  }
0xc1: {  	(tm) =	ssettm $0x7FFFFFFF  }
tec
execute0_lowered:
.L_overlay_start_1:
0x0: {  	(tag) =	ssettag $0x1  }
0x1: {  	s7 =	rddreg [dreg:$0x0]  }
0x2: {  	s0 =	rddreg [dreg:$0x1]  }
0x3: {  	s1 =	simm.s32 $0x0;
	s6 =	srdreg.scid;
	s2 =	stileid.u32  }
0x4: {  	s13 =	simm.s32 $0x80;
	s14 =	simm.s32 $0x100;
	s15 =	simm.s32 $0x4100  }
0x5: {  	s16 =	simm.s32 $0x1;
	s17 =	simm.s32 $0x0;
	[smem:$0x7FF] =	sst s1  }
0x6: {  	s3 =	sadd.s32 $0x4E800, s7;
	s4 =	sadd.s32 $0x111E00, s7;
	s5 =	sadd.s32 $0x1D800, s7  }
0x7: {  	s9 =	sand.u32 $0x1, s6;
	s6 =	sadd.s32 $0x36000, s7;
	s10 =	sshll.u32 s2, $0x1  }
0x8: {  	s11 =	sshll.u32 s2, $0xC;
	s31 =	sshll.u32 s2, $0x8;
	_ =	strace $0x80000047  }
0x9: {  	s8 =	ssub.s32 $0x2, s9;
	s10 =	sor.u32 s10, s9;
	s11 =	sadd.s32 s11, s7  }
0xa: {  	s30 =	sshll.u32 s9, $0xB;
	s9 =	sshll.u32 s9, $0x7;
	s12 =	sshrl.u32 s8, $0x1  }
0xb: {  	s29 =	ssub.s32 $0x1889, s10;
	s11 =	sadd.s32 s30, s11;
	s9 =	sor.u32 s9, s31  }
0xc: {  	s28 =	ssub.s32 s8, s12;
	s8 =	sshrl.u32 s29, $0x5;
	s10 =	sadd.s32 $0x298A00, s11  }
0xd: {  	s11 =	sadd.s32 $0xECDA00, s11;
	s12 =	simm.s32 $0x2;
	s7 =	smax.u32 s28, $0x1  }
.LBB2_1:
0xe: {  	p1 =	sne.s32 s8, $0x1  }
.Ltmp0:
0xf: {  	_ = 	snop;
	(pc) =	sbr.rel @!p1 .LBB2_2-.Ltmp0, $2  }
0x10: {  	_ =	sdelay $0x2  }
0x11: {  	s18 =	sadd.s32 $0xFFFFFFFF, s8;
	s22 =	sshrl.u32 s9, $0x3;
	p0 =	por $0x0, $0x0  }
0x12: {  	s19 =	sadd.s32 s5, s22  }
0x13: {  	[tilespmem:s1], [sflag:$0x2] =	stream.linear.gather [hbm4b:s19+s1], $0x80, $0x38;
	[tilespmem:$0x8100] =	vst v63  }
0x14: {  	_ =	swait.ge [sflag:s12], $0x80  }
0x15: {  	[sflag:s12] =	ssyncset.done $0x0  }
0x16: {  	s31 =	sadd.s32 s6, s22;
	[sflag:s12] =	ssyncadd.s32 $0xFFFFFF80  }
0x17: {  	[tilespmem:s13], [sflag:$0x2] =	stream.linear.gather [hbm4b:s31+s1], $0x80, $0x38;
	[tilespmem:$0x8100] =	vst v63  }
0x18: {  	_ =	swait.ge [sflag:s12], $0x80  }
0x19: {  	[sflag:s12] =	ssyncset.done $0x0  }
0x1a: {  	[sflag:s12] =	ssyncadd.s32 $0xFFFFFF80  }
0x1b: {  	[tilespmem:s14], [sflag:$0x1] =	stream.indirect.gather [hbm4b:s3+s13], $0x80, s13, s13, $0xb8;
	[tilespmem:$0x8100] =	vst v63  }
0x1c: {  	_ = 	snop  }
0x1d: {  	[tilespmem:s15], [sflag:$0x1] =	stream.indirect.gather [hbm4b:s4+s13], $0x80, s1, s13, $0xb8;
	[tilespmem:$0x8100] =	vst v63  }
0x1e: {  	_ =	swait.ge [sflag:s16], $0x4000  }
0x1f: {  	[sflag:s16] =	ssyncset.done $0x0  }
0x20: {  	[sflag:s16] =	ssyncadd.s32 $0xFFFFC000  }
0x21: {  	_ =	swait.ge [sflag:s16], $0x4000  }
0x22: {  	[sflag:s16] =	ssyncset.done $0x0  }
0x23: {  	[sflag:s16] =	ssyncadd.s32 $0xFFFFC000  }
0x24: {  	[hbm4b:s10+s1] =	stream.linear.scatter [tilespmem:s14], [sflag:$0x2], $0x4000, $0x38;
	[tilespmem:$0x8100] =	vst v63  }
0x25: {  	p1 =	sne.s32 s18, $0x1;
	_ =	swait.ge [sflag:s12], $0x4000  }
.Ltmp1:
0x26: {  	[sflag:s12] =	ssyncset.done $0x0;
	(pc) =	sbr.rel @!p1 .LBB2_4-.Ltmp1, $4  }
0x27: {  	s20 =	sadd.s32 $0x1000, s9;
	s21 =	sadd.s32 $0xFFFFFFFF, s18;
	[sflag:s12] =	ssyncadd.s32 $0xFFFFC000  }
0x28: {  	[hbm4b:s11+s1] =	stream.linear.scatter [tilespmem:s15], [sflag:$0x2], $0x4000, $0x38;
	[tilespmem:$0x8100] =	vst v63  }
0x29: {  	s18 =	sadd.s32 $0x10000, s11;
	p0 =	por $0x1, $0x1;
	_ =	swait.ge [sflag:s12], $0x4000  }
0x2a: {  	s22 =	sshrl.u32 s20, $0x3;
	s19 =	smov.u32 s10;
	[sflag:s12] =	ssyncset.done $0x0  }
.LBB2_5:
0x2b: {  	s23 =	sadd.s32 s5, s22;
	[sflag:s12] =	ssyncadd.s32 $0xFFFFC000;
	s19 =	sadd.s32 $0x10000, s19  }
0x2c: {  	[tilespmem:s1], [sflag:$0x2] =	stream.linear.gather [hbm4b:s23+s1], $0x80, $0x38;
	[tilespmem:$0x8100] =	vst v63  }
0x2d: {  	p1 =	sne.s32 s21, $0x1;
	s21 =	sadd.s32 $0xFFFFFFFF, s21;
	_ =	swait.ge [sflag:s12], $0x80  }
0x2e: {  	[sflag:s12] =	ssyncset.done $0x0  }
0x2f: {  	s22 =	sadd.s32 s6, s22;
	[sflag:s12] =	ssyncadd.s32 $0xFFFFFF80  }
0x30: {  	[tilespmem:s13], [sflag:$0x2] =	stream.linear.gather [hbm4b:s22+s1], $0x80, $0x38;
	[tilespmem:$0x8100] =	vst v63  }
0x31: {  	_ =	swait.ge [sflag:s12], $0x80  }
0x32: {  	[sflag:s12] =	ssyncset.done $0x0  }
0x33: {  	[sflag:s12] =	ssyncadd.s32 $0xFFFFFF80  }
0x34: {  	[tilespmem:s14], [sflag:$0x1] =	stream.indirect.gather [hbm4b:s3+s13], $0x80, s13, s13, $0xb8;
	[tilespmem:$0x8100] =	vst v63  }
0x35: {  	_ = 	snop  }
0x36: {  	[tilespmem:s15], [sflag:$0x1] =	stream.indirect.gather [hbm4b:s4+s13], $0x80, s1, s13, $0xb8;
	[tilespmem:$0x8100] =	vst v63  }
0x37: {  	_ =	swait.ge [sflag:s16], $0x4000  }
0x38: {  	[sflag:s16] =	ssyncset.done $0x0  }
0x39: {  	[sflag:s16] =	ssyncadd.s32 $0xFFFFC000  }
0x3a: {  	_ =	swait.ge [sflag:s16], $0x4000  }
0x3b: {  	[sflag:s16] =	ssyncset.done $0x0  }
0x3c: {  	[sflag:s16] =	ssyncadd.s32 $0xFFFFC000  }
0x3d: {  	[hbm4b:s19+s1] =	stream.linear.scatter [tilespmem:s14], [sflag:$0x2], $0x4000, $0x38;
	[tilespmem:$0x8100] =	vst v63  }
0x3e: {  	_ =	swait.ge [sflag:s12], $0x4000  }
.Ltmp2:
0x3f: {  	[sflag:s12] =	ssyncset.done $0x0;
	(pc) =	sbr.rel @p1 .LBB2_5-.Ltmp2, $4  }
0x40: {  	[sflag:s12] =	ssyncadd.s32 $0xFFFFC000  }
0x41: {  	[hbm4b:s18+s1] =	stream.linear.scatter [tilespmem:s15], [sflag:$0x2], $0x4000, $0x38;
	[tilespmem:$0x8100] =	vst v63  }
0x42: {  	s20 =	sadd.s32 $0x1000, s20;
	_ =	swait.ge [sflag:s12], $0x4000  }
0x43: {  	s22 =	sshrl.u32 s20, $0x3;
	s18 =	sadd.s32 $0x10000, s18;
	[sflag:s12] =	ssyncset.done $0x0  }
.LBB2_6:
0x44: {  	s20 =	sadd.s32 s5, s22;
	[sflag:s12] =	ssyncadd.s32 @p0 $0xFFFFC000  }
0x45: {  	[tilespmem:s1], [sflag:$0x2] =	stream.linear.gather [hbm4b:s20+s1], $0x80, $0x38;
	[tilespmem:$0x8100] =	vst v63  }
0x46: {  	_ =	swait.ge [sflag:s12], $0x80  }
0x47: {  	[sflag:s12] =	ssyncset.done $0x0  }
0x48: {  	s31 =	sadd.s32 s6, s22;
	[sflag:s12] =	ssyncadd.s32 $0xFFFFFF80  }
0x49: {  	[tilespmem:s13], [sflag:$0x2] =	stream.linear.gather [hbm4b:s31+s1], $0x80, $0x38;
	[tilespmem:$0x8100] =	vst v63  }
0x4a: {  	_ =	swait.ge [sflag:s12], $0x80  }
0x4b: {  	[sflag:s12] =	ssyncset.done $0x0  }
0x4c: {  	[sflag:s12] =	ssyncadd.s32 $0xFFFFFF80  }
0x4d: {  	[tilespmem:s14], [sflag:$0x1] =	stream.indirect.gather [hbm4b:s3+s13], $0x80, s13, s13, $0xb8;
	[tilespmem:$0x8100] =	vst v63  }
0x4e: {  	_ = 	snop  }
0x4f: {  	[tilespmem:s15], [sflag:$0x1] =	stream.indirect.gather [hbm4b:s4+s13], $0x80, s1, s13, $0xb8;
	[tilespmem:$0x8100] =	vst v63  }
0x50: {  	_ =	swait.ge [sflag:s16], $0x4000  }
0x51: {  	[sflag:s16] =	ssyncset.done $0x0  }
0x52: {  	[sflag:s16] =	ssyncadd.s32 $0xFFFFC000  }
0x53: {  	_ =	swait.ge [sflag:s16], $0x4000  }
0x54: {  	s19 =	sadd.s32 @p0 $0x10000, s19;
	s20 =	smov.u32 s10;
	[sflag:s16] =	ssyncset.done $0x0  }
0x55: {  	s20 =	smov.u32 @p0 s19;
	[sflag:s16] =	ssyncadd.s32 $0xFFFFC000  }
0x56: {  	[hbm4b:s20+s1] =	stream.linear.scatter [tilespmem:s14], [sflag:$0x2], $0x4000, $0x38;
	[tilespmem:$0x8100] =	vst v63  }
0x57: {  	_ =	swait.ge [sflag:s12], $0x4000  }
0x58: {  	s17 =	sadd.s32 $0x1, s17;
	[sflag:s12] =	ssyncset.done $0x0  }
0x59: {  	p0 =	sne.s32 s17, s7;
	[sflag:s12] =	ssyncadd.s32 $0xFFFFC000  }
0x5a: {  	[hbm4b:s18+s1] =	stream.linear.scatter [tilespmem:s15], [sflag:$0x2], $0x4000, $0x38;
	[tilespmem:$0x8100] =	vst v63  }
.Ltmp3:
0x5b: {  	_ = 	snop;
	(pc) =	sbr.rel @p0 .LBB2_1-.Ltmp3, $4  }
.Ltmp4:
0x5c: {  	_ = 	snop;
	(pc) =	sbr.rel @!p0 .LBB2_7-.Ltmp4, $4  }
0x5d: {  	_ =	swait.ge [sflag:s12], $0x4000  }
0x5e: {  	[sflag:s12] =	ssyncset.done $0x0  }
0x5f: {  	[sflag:s12] =	ssyncadd.s32 $0xFFFFC000  }
0x60: {  	_ = 	snop  }
.LBB2_2:
.Ltmp5:
0x61: {  	(pc) =	sbr.rel .LBB2_6-.Ltmp5, $2  }
0x62: {  	_ =	sdelay $0x2  }
0x63: {  	s19 =	smov.u32 s10;
	s18 =	smov.u32 s11  }
.LBB2_4:
.Ltmp6:
0x64: {  	(pc) =	sbr.rel .LBB2_6-.Ltmp6, $2  }
0x65: {  	_ =	sdelay $0x2  }
0x66: {  	s19 =	smov.u32 s10  }
.LBB2_7:
0x67: {  	_ =	sfence.sel $0x180000  }
0x68: {  	[bflag:$0x0] =	sbarrier.arrive $0xFFFF  }
0x69: {  	p0 =	sne.s32 s2, $0x0;
	_ =	strace $0x90000047  }
0x6a: {  	s0 =	sadd.s32 @!p0 $0x100000, s0;
	[bflag:$0x2] =	sbarrier.arrive $0xFFFF  }
0x6b: {  	[sflag:s0] =	ssyncadd.tile.s32 @!p0 $0x1;
	_ =	shalt  }
.Lfunc_end2:
_tile_overlayer_lowered:
.L_overlay_start_2:
0x6c: {  	(tag) =	ssettag $0x2  }
0x6d: {  	s0 =	rddreg [dreg:$0x0];
	s2 =	stileid.u32  }
0x6e: {  	s1 =	rddreg [dreg:$0x1];
	p0 =	sne.s32 s2, $0x0  }
0x6f: {  	s3 =	rddreg [dreg:$0x2];
	[bflag:$0x3] =	sbarrier.arrive $0xFFFF;
	s2 =	simm.s32 @!p0 $0x1C02  }
0x70: {  	[timem:s3], [sflag:s2] =	dma.local @!p0 [hbm:s0], s1  }
0x71: {  	s0 =	simm.s32 @!p0 $0x2  }
0x72: {  	_ =	swait.ge @!p0 [sflag:s0], s1  }
0x73: {  	s1 =	ssub.s32 @!p0 $0x0, s1;
	[sflag:s0] =	ssyncset.done @!p0 $0x0  }
0x74: {  	[sflag:s0] =	ssyncadd.s32 @!p0 s1  }
0x75: {  	[bflag:$0x3] =	sbarrier.arrive $0xFFFF  }
0x76: {  	_ =	shalt  }

// kernel: kernel.18.cloned.1.call-start
scs
__scs_entry_jumppad:
0x0: {  	(pc) =	sbr.rel $0x88, $3  }
0x1: {  	(tag) =	ssettag $0x0;
	lr =	simm.s32 $0x1  }
0x2: {  	[smem:$0x3F8A] =	sst lr;
	_ =	strace $0xD0000000  }
0x3: {  	_ = 	snop  }
0x4: {  	_ = 	snop  }
0x5: {  	_ = 	snop  }
0x6: {  	_ = 	snop  }
0x7: {  	_ = 	snop  }
__scs_overlays_trampoline_lowered:
0x8: {  	[smem:$0x3F99] =	sst s0  }
0x9: {  	[smem:$0x3F9A] =	sst s1  }
0xa: {  	[smem:$0x3F9B] =	sst s2  }
0xb: {  	[smem:$0x3F9C] =	sst s3  }
0xc: {  	[smem:$0x3F9D] =	sst s4  }
0xd: {  	[smem:$0x3F9E] =	sst s5  }
0xe: {  	[smem:$0x3F9F] =	sst s6  }
0xf: {  	[smem:$0x3FA0] =	sst s7  }
0x10: {  	[smem:$0x3FA1] =	sst s8  }
0x11: {  	[smem:$0x3FA2] =	sst s9;
	s0 =	simm.s32 @!p0 $0x0  }
0x12: {  	s1 =	sld [smem:$0x3F88];
	s0 =	simm.s32 @p0 $0x1  }
0x13: {  	[smem:$0x3FA3] =	sst s0;
	s0 =	simm.s32 @!p1 $0x0  }
0x14: {  	s2 =	sld [smem:$0x3F87];
	s0 =	simm.s32 @p1 $0x1  }
0x15: {  	[smem:$0x3FA4] =	sst s0;
	s0 =	simm.s32 @!p2 $0x0  }
0x16: {  	s3 =	sld [smem:$0x3FDB];
	s0 =	simm.s32 @p2 $0x1  }
0x17: {  	s4 =	simm.s32 $0x1BF5;
	[smem:$0x3FA6] =	sst s0  }
0x18: {  	s0 =	sld [smem:$0x3F89];
	_ =	swait.ge [sflag:s4], $0x0  }
0x19: {  	s7 =	sld [smem:$0x3F8A]  }
0x1a: {  	s8 =	sadd.s32 $0xFFFFE003, lr  }
0x1b: {  	s9 =	sadd.s32 $0xFFFFFEF7, lr;
	s5 =	simm.s32 $0xFFFFFFFF;
	p2 =	slt.u32 s8, $0xFFFFF086  }
0x1c: {  	p1 =	slt.u32 s9, $0xF7A;
	s5 =	simm.s32 @!p2 $0x0  }
0x1d: {  	s5 =	simm.s32 @p1 $0x1;
	p0 =	seq.s32 s7, s2  }
0x1e: {  	s7 =	smul.u32 @!p0 $0xF7A, s2;
	p2 =	seq.s32 @!p0 s5, $0x0  }
0x1f: {  	s9 =	smul.u32 $0xF7A, s1;
	s8 =	simm.s32 @!p0 $0x1BF5;
	p2 =	por !p2, p0  }
0x20: {  	[sflag:s8] =	ssyncset.s32 @!p0 $0xFFFFF086;
	s6 =	sadd.s32 @!p0 s3, s7;
	s7 =	simm.s32 @!p0 $0x108  }
0x21: {  	s3 =	sadd.s32 s3, s9;
	s6 =	sadd.s32 @!p0 $0x88, s6;
	s7 =	simm.s32 @p2 $0x1082  }
0x22: {  	[simem:s7], [sflag:s8] =	dma.local @!p0 [hbm:s6], $0xF7A  }
0x23: {  	s9 =	sor.u32 $0xD0000000, s2;
	s6 =	simm.s32 $0x108;
	_ =	swait.ge @!p0 [sflag:s8], $0x0  }
0x24: {  	s3 =	sadd.s32 $0x88, s3;
	s6 =	simm.s32 @!p1 $0x1082;
	[sflag:s4] =	ssyncset.s32 $0xFFFFF086  }
0x25: {  	[simem:s6], [sflag:s4] =	dma.local [hbm:s3], $0xF7A  }
0x26: {  	[smem:$0x3F8A] =	sst s1;
	(tag) =	ssettag s2;
	_ =	strace s9  }
0x27: {  	s1 =	sld [smem:$0x3F9A]  }
0x28: {  	s2 =	sld [smem:$0x3F9B]  }
0x29: {  	s4 =	sld [smem:$0x3F9D]  }
0x2a: {  	p0 =	seq.s32 s5, $0x0;
	s5 =	sld [smem:$0x3F9E]  }
0x2b: {  	s6 =	sld [smem:$0x3F9F]  }
0x2c: {  	s7 =	sld [smem:$0x3FA0]  }
0x2d: {  	s3 =	simm.s32 $0x108;
	s8 =	sld [smem:$0x3FA1]  }
0x2e: {  	s3 =	simm.s32 @!p0 $0x1082;
	s9 =	sld [smem:$0x3FA2]  }
0x2f: {  	lr =	sadd.s32 s0, s3;
	s0 =	sld [smem:$0x3F99]  }
0x30: {  	s3 =	sld [smem:$0x3F9C]  }
0x31: {  	[smem:$0x3FA5] =	sst s10  }
0x32: {  	s10 =	sld [smem:$0x3FA3];
	_ =	sdelay $0x3  }
0x33: {  	p0 =	seq.s32 s10, $0x1;
	s10 =	sld [smem:$0x3FA5];
	_ =	sdelay $0x3  }
0x34: {  	[smem:$0x3FA5] =	sst s10  }
0x35: {  	s10 =	sld [smem:$0x3FA4];
	_ =	sdelay $0x3  }
0x36: {  	p1 =	seq.s32 s10, $0x1;
	s10 =	sld [smem:$0x3FA5];
	_ =	sdelay $0x3  }
0x37: {  	[smem:$0x3FA5] =	sst s10  }
0x38: {  	s10 =	sld [smem:$0x3FA6]  }
0x39: {  	_ = 	snop;
	(pc) =	sbr.ind lr, $3  }
0x3a: {  	_ = 	snop  }
0x3b: {  	_ = 	snop  }
0x3c: {  	p2 =	seq.s32 s10, $0x1;
	s10 =	sld [smem:$0x3FA5]  }
0x3d: {  	_ =	shalt  }
0x3e: {  	_ =	shalt  }
0x3f: {  	_ =	shalt  }
0x40: {  	_ =	shalt  }
0x41: {  	_ =	shalt  }
0x42: {  	_ =	shalt  }
0x43: {  	_ =	shalt  }
0x44: {  	_ =	shalt  }
0x45: {  	_ =	shalt  }
0x46: {  	_ =	shalt  }
0x47: {  	_ =	shalt  }
0x48: {  	_ =	shalt  }
0x49: {  	_ =	shalt  }
0x4a: {  	_ =	shalt  }
0x4b: {  	_ =	shalt  }
0x4c: {  	_ =	shalt  }
0x4d: {  	_ =	shalt  }
0x4e: {  	_ =	shalt  }
0x4f: {  	_ =	shalt  }
0x50: {  	_ =	shalt  }
0x51: {  	_ =	shalt  }
0x52: {  	_ =	shalt  }
0x53: {  	_ =	shalt  }
0x54: {  	_ =	shalt  }
0x55: {  	_ =	shalt  }
0x56: {  	_ =	shalt  }
0x57: {  	_ =	shalt  }
0x58: {  	_ =	shalt  }
0x59: {  	_ =	shalt  }
0x5a: {  	_ =	shalt  }
0x5b: {  	_ =	shalt  }
0x5c: {  	_ =	shalt  }
0x5d: {  	_ =	shalt  }
0x5e: {  	_ =	shalt  }
0x5f: {  	_ =	shalt  }
0x60: {  	_ =	shalt  }
0x61: {  	_ =	shalt  }
0x62: {  	_ =	shalt  }
0x63: {  	_ =	shalt  }
0x64: {  	_ =	shalt  }
0x65: {  	_ =	shalt  }
0x66: {  	_ =	shalt  }
0x67: {  	_ =	shalt  }
0x68: {  	_ =	shalt  }
0x69: {  	_ =	shalt  }
0x6a: {  	_ =	shalt  }
0x6b: {  	_ =	shalt  }
0x6c: {  	_ =	shalt  }
0x6d: {  	_ =	shalt  }
0x6e: {  	_ =	shalt  }
0x6f: {  	_ =	shalt  }
0x70: {  	_ =	shalt  }
0x71: {  	_ =	shalt  }
0x72: {  	_ =	shalt  }
0x73: {  	_ =	shalt  }
0x74: {  	_ =	shalt  }
0x75: {  	_ =	shalt  }
0x76: {  	_ =	shalt  }
0x77: {  	_ =	shalt  }
0x78: {  	_ =	shalt  }
0x79: {  	_ =	shalt  }
0x7a: {  	_ =	shalt  }
0x7b: {  	_ =	shalt  }
0x7c: {  	_ =	shalt  }
0x7d: {  	_ =	shalt  }
0x7e: {  	_ =	shalt  }
0x7f: {  	_ =	shalt  }
0x80: {  	_ =	shalt  }
0x81: {  	_ =	shalt  }
0x82: {  	_ =	shalt  }
0x83: {  	_ =	shalt  }
0x84: {  	_ =	shalt  }
0x85: {  	_ =	shalt  }
0x86: {  	_ =	shalt  }
0x87: {  	_ =	shalt  }
.Lfunc_end0:
.L_simem_size_0:
called_computation.1_lowered:
.L_overlay_start_0:
0x88: {  	s2 =	sld [smem:$0x3FD9]  }
0x89: {  	s3 =	sld [smem:$0x3FFE];
	_ =	sdelay $0x1  }
0x8a: {  	s1 =	srdreg.scid  }
0x8b: {  	s0 =	sand.u32 $0x1, s1  }
0x8c: {  	s16 =	sshll.u32 s0, $0xA;
	s2 =	sadd.s32 s3, s2  }
0x8d: {  	s2 =	sadd.s32 s2, s16  }
0x8e: {  	[smem:$0x3FB1] =	sst s2  }
0x8f: {  	_ = 	snop  }
0x90: {  	(tm) =	ssettm $0x1  }
0x91: {  	s17 =	sld [smem:$0x3FFB];
	_ =	sdelay $0x3  }
0x92: {  	_ =	strace s17  }
0x93: {  	s2 =	sld [smem:$0x3FFC];
	_ =	sdelay $0x3  }
0x94: {  	_ =	strace s2  }
0x95: {  	s2 =	sld [smem:$0x3FFD];
	_ =	sdelay $0x3  }
0x96: {  	_ =	strace s2  }
0x97: {  	_ =	strace $0x8FFFFFFF  }
0x98: {  	s18 =	sld [smem:$0x3FDB];
	_ =	sdelay $0x1  }
0x99: {  	s19 =	simm.s32 $_scs_section_size  }
0x9a: {  	s4 =	simm.s32 $_size__tile_overlayer_lowered;
	s5 =	simm.s32 $_tile_overlayer_lowered  }
0x9b: {  	s22 =	simm.s32 $0x1BFF;
	s21 =	sshll.u32 s5, $0x1;
	s2 =	sadd.s32 s19, s18  }
0x9c: {  	s6 =	simm.s32 $0x0;
	s20 =	sshll.u32 s4, $0x1;
	s4 =	sadd.s32 s21, s2  }
0x9d: {  	[timem:s6], [sflag:s22] =	dma.local [hbm:s4], s20  }
0x9e: {  	_ =	swait.ge [sflag:s22], s20  }
0x9f: {  	s3 =	ssub.s32 $0x0, s20;
	[sflag:s22] =	ssyncset.done $0x0  }
0xa0: {  	[sflag:s22] =	ssyncadd.s32 s3;
	_ =	sdelay $0x1  }
0xa1: {  	s23 =	simm.s32 $0x1B8B  }
0xa2: {  	_ =	swait.ge [sflag:s23], $0x1  }
0xa3: {  	[sflag:s23] =	ssyncset.done $0x0  }
0xa4: {  	s25 =	simm.s32 $0x1B8E;
	s24 =	sld [smem:$0x3FFE];
	[sflag:s23] =	ssyncadd.s32 $0xFFFFFFFF  }
0xa5: {  	s26 =	simm.s32 $execute0_lowered;
	[smem:$0x3FD2] =	sst s25  }
0xa6: {  	s4 =	sshll.u32 s26, $0x1;
	_ =	strace $0x80000049;
	[dreg:$0x1] =	wrdreg $0xFFFFFFFF  }
0xa7: {  	s28 =	simm.s32 $_size_execute0_lowered;
	s2 =	sadd.s32 s2, s4;
	[dreg:$0x0] =	wrdreg $0x0  }
0xa8: {  	s4 =	sshll.u32 s28, $0x1;
	[dreg:$0x2] =	wrdreg s2  }
0xa9: {  	[dreg:$0x3] =	wrdreg s4  }
0xaa: {  	[dreg:$0x4] =	wrdreg $0xC0  }
0xab: {  	_ =	task [dreg:s6], $0x5FFFF  }
0xac: {  	[dreg:$0x1] =	wrdreg $0xFFFFFFFF  }
0xad: {  	[dreg:$0x0] =	wrdreg $0x60  }
0xae: {  	[dreg:$0x2] =	wrdreg s24  }
0xaf: {  	[dreg:$0x3] =	wrdreg $0x41000  }
0xb0: {  	[dreg:$0x4] =	wrdreg $0x9  }
0xb1: {  	_ =	task.clear_ibuf [dreg:s6], $0x5FFFF;
	_ =	strace $0x90000049  }
0xb2: {  	s29 =	simm.s32 $0x9;
	_ =	strace $0x8000004B  }
0xb3: {  	_ =	swait.ge [sflag:s29], $0x1  }
0xb4: {  	[sflag:s29] =	ssyncadd.s32 $0xFFFFFFFF  }
0xb5: {  	_ =	strace $0x9000004B  }
0xb6: {  	_ =	sfence  }
0xb7: {  	s30 =	sld [smem:$0x0];
	_ =	sdelay $0x2  }
0xb8: {  	s31 =	sshll.u32 s1, $0xD;
	s1 =	sshrl.u32 s1, $0x2  }
0xb9: {  	s3 =	sand.u32 $0x4000, s31;
	s1 =	sadd.s32 s1, s30  }
0xba: {  	s0 =	sor.u32 s3, s0;
	s1 =	sshll.u32 s1, $0x11  }
0xbb: {  	s0 =	sor.u32 s1, s0  }
0xbc: {  	s0 =	sadd.s32 $0x8F2B, s0  }
0xbd: {  	[sflag:s0] =	ssyncadd.remote.s32 $0x1  }
0xbe: {  	_ =	sfence.sel $0xFFFF  }
0xbf: {  	[dreg:$0x0] =	wrdreg $0xFFFFFFFF;
	(pc) =	sbr.abs _section_cstart, $3  }
0xc0: {  	[dreg:$0x1] =	wrdreg $0xFFFFFFFF  }
0xc1: {  	_ =	task.clear_ibuf [dreg:s6], $0x2FFFF;
	_ =	strace $0x9FFFFFFF  }
0xc2: {  	(tm) =	ssettm $0x7FFFFFFF  }
0xc3: {  	_ =	shalt  }
tec
execute0_lowered:
.L_overlay_start_1:
0x0: {  	(tag) =	ssettag $0x1  }
0x1: {  	s7 =	rddreg [dreg:$0x0]  }
0x2: {  	s2 =	rddreg [dreg:$0x1]  }
0x3: {  	s0 =	rddreg [dreg:$0x2];
	s1 =	stileid.u32  }
0x4: {  	s4 =	srdreg.scid;
	s3 =	simm.s32 $0x0;
	s14 =	simm.s32 $0x80  }
0x5: {  	s15 =	simm.s32 $0x0;
	s5 =	sand.u32 $0x1, s4;
	s6 =	smul.u32 $0x3100, s1  }
0x6: {  	[smem:$0x7FF] =	sst s3;
	s26 =	sshll.u32 s1, $0x4;
	s9 =	smul.u32 $0x62000, s1  }
0x7: {  	s4 =	sadd.s32 $0x5000, s7;
	s30 =	sshll.u32 s1, $0x6;
	s31 =	ssub.s32 $0x1879, s1  }
0x8: {  	s13 =	sshll.u32 s1, $0xB;
	s8 =	smul.u32 $0x31000, s5;
	_ =	strace $0x8000004A  }
0x9: {  	s10 =	sadd.s32 s26, s7;
	s11 =	ssub.s32 $0x2, s5;
	p0 =	seq.s32 s5, $0x1  }
0xa: {  	s5 =	sor.u32 $0x1C01, s30;
	s28 =	sshrl.u32 s11, $0x1;
	s9 =	sshrl.u32 s9, $0x2  }
0xb: {  	s10 =	sadd.s32 $0x36000, s10;
	s6 =	sadd.s32 s6, s8;
	s8 =	ssub.s32 s11, s28  }
0xc: {  	s29 =	sadd.s32 s9, s2;
	s9 =	simm.s32 $0x3FA1A00;
	s12 =	sadd.s32 s6, s7  }
0xd: {  	s9 =	simm.s32 @!p0 $0x336CA00;
	s6 =	sshrl.u32 s31, $0x4;
	s8 =	smax.u32 s8, $0x1  }
0xe: {  	s11 =	sshrl.u32 s29, $0x3;
	s9 =	sadd.s32 s9, s7;
	s7 =	sadd.s32 $0x4E800, s12  }
0xf: {  	s12 =	simm.s32 $0x1;
	s9 =	sadd.s32 s13, s9;
	s13 =	simm.s32 $0x100  }
.LBB2_1:
0x10: {  	[spmem:s11], [sflag:s5] =	dma.local [hbm:s4], $0x3100  }
0x11: {  	_ =	swait.ge [sflag:s12], $0x3100  }
0x12: {  	[sflag:s12] =	ssyncset.done $0x0  }
0x13: {  	[sflag:s12] =	ssyncadd.s32 $0xFFFFCF00  }
0x14: {  	[bflag:$0x0] =	sbarrier.arrive $0xFFFF  }
0x15: {  	[tilespmem:s3], [sflag:$0x1] =	stream.linear.gather [hbm4b:s10+s3], $0x80, $0x38;
	[tilespmem:$0x1C900] =	vst v63  }
0x16: {  	_ =	swait.ge [sflag:s12], $0x80  }
0x17: {  	[sflag:s12] =	ssyncset.done $0x0  }
0x18: {  	[sflag:s12] =	ssyncadd.s32 $0xFFFFFF80  }
0x19: {  	v0 =	vld [tilespmem:$0x70]  }
0x1a: {  	v1 =	vld [tilespmem:$0x60]  }
0x1b: {  	v2 =	vld [tilespmem:$0x50]  }
0x1c: {  	v3 =	vld [tilespmem:$0x30]  }
0x1d: {  	v4 =	vld [tilespmem:$0x20]  }
0x1e: {  	v5 =	vld [tilespmem:$0x10];
	v0 =	vshrl.u32 v0, $0x2  }
0x1f: {  	v6 =	vld [tilespmem:$0x40];
	v1 =	vshrl.u32 v1, $0x2;
	[tilespmem:$0xF0] =	vst v0  }
0x20: {  	v59 =	vld [tilespmem:$0x0];
	v2 =	vshrl.u32 v2, $0x2;
	[tilespmem:$0xE0] =	vst v1  }
0x21: {  	p0 =	sne.s32 s6, $0x1;
	v60 =	vshrl.u32 v3, $0x2;
	[tilespmem:$0xD0] =	vst v2  }
.Ltmp0:
0x22: {  	v61 =	vshrl.u32 v4, $0x2;
	[tilespmem:$0xB0] =	vst v60;
	(pc) =	sbr.rel @!p0 .LBB2_3-.Ltmp0, $4  }
0x23: {  	v62 =	vshrl.u32 v5, $0x2;
	[tilespmem:$0xA0] =	vst v61  }
0x24: {  	v63 =	vshrl.u32 v6, $0x2;
	[tilespmem:$0x90] =	vst v62  }
0x25: {  	s16 =	sadd.s32 $0xFFFFFFFF, s6;
	v0 =	vshrl.u32 v59, $0x2;
	[tilespmem:$0xC0] =	vst v63  }
0x26: {  	s17 =	sadd.s32 $0x8000, s9;
	s18 =	sadd.s32 $0x100, s10;
	s19 =	smov.u32 s9;
	[tilespmem:$0x80] =	vst v0  }
.LBB2_2:
0x27: {  	[tilespmem:s13], [sflag:$0x1] =	stream.linear.gather [hbm4b:s19+s3], $0x4000, $0x38;
	[tilespmem:$0x1C900] =	vst v63  }
0x28: {  	p0 =	sne.s32 s16, $0x1;
	s16 =	sadd.s32 $0xFFFFFFFF, s16;
	_ =	swait.ge [sflag:s12], $0x4000  }
0x29: {  	s19 =	smov.u32 s17;
	[sflag:s12] =	ssyncset.done $0x0  }
0x2a: {  	[sflag:s12] =	ssyncadd.s32 $0xFFFFC000  }
0x2b: {  	[spmem:s2] =	stream.indirect.scatter.add.f32 [tilespmem:s13], [sflag:$0x1], $0x80, s14, s14, $0xb8;
	[tilespmem:$0x1C900] =	vst v63  }
0x2c: {  	_ =	swait.ge [sflag:s12], $0x4000  }
0x2d: {  	[sflag:s12] =	ssyncset.done $0x0  }
0x2e: {  	[sflag:s12] =	ssyncadd.s32 $0xFFFFC000  }
0x2f: {  	[tilespmem:s3], [sflag:$0x1] =	stream.linear.gather [hbm4b:s18+s3], $0x80, $0x38;
	[tilespmem:$0x1C900] =	vst v63  }
0x30: {  	_ =	swait.ge [sflag:s12], $0x80  }
0x31: {  	[sflag:s12] =	ssyncset.done $0x0  }
0x32: {  	[sflag:s12] =	ssyncadd.s32 $0xFFFFFF80  }
0x33: {  	v0 =	vld [tilespmem:$0x70]  }
0x34: {  	v1 =	vld [tilespmem:$0x60]  }
0x35: {  	v2 =	vld [tilespmem:$0x50]  }
0x36: {  	v3 =	vld [tilespmem:$0x30]  }
0x37: {  	v4 =	vld [tilespmem:$0x20]  }
0x38: {  	v5 =	vld [tilespmem:$0x10];
	v0 =	vshrl.u32 v0, $0x2  }
0x39: {  	v6 =	vld [tilespmem:$0x40];
	v1 =	vshrl.u32 v1, $0x2;
	[tilespmem:$0xF0] =	vst v0  }
0x3a: {  	v0 =	vld [tilespmem:$0x0];
	v2 =	vshrl.u32 v2, $0x2;
	[tilespmem:$0xE0] =	vst v1  }
0x3b: {  	v1 =	vshrl.u32 v3, $0x2;
	[tilespmem:$0xD0] =	vst v2  }
.Ltmp1:
0x3c: {  	v2 =	vshrl.u32 v4, $0x2;
	[tilespmem:$0xB0] =	vst v1;
	(pc) =	sbr.rel @p0 .LBB2_2-.Ltmp1, $4  }
0x3d: {  	v1 =	vshrl.u32 v5, $0x2;
	[tilespmem:$0xA0] =	vst v2  }
0x3e: {  	[tilespmem:$0x90] =	vst v1;
	v1 =	vshrl.u32 v6, $0x2  }
0x3f: {  	v0 =	vshrl.u32 v0, $0x2;
	[tilespmem:$0xC0] =	vst v1  }
0x40: {  	s17 =	sadd.s32 $0x8000, s17;
	s18 =	sadd.s32 $0x100, s18;
	[tilespmem:$0x80] =	vst v0  }
.LBB2_3:
0x41: {  	[tilespmem:s13], [sflag:$0x1] =	stream.linear.gather [hbm4b:s19+s3], $0x4000, $0x38;
	[tilespmem:$0x1C900] =	vst v63  }
0x42: {  	_ =	swait.ge [sflag:s12], $0x4000  }
0x43: {  	[sflag:s12] =	ssyncset.done $0x0  }
0x44: {  	[sflag:s12] =	ssyncadd.s32 $0xFFFFC000  }
0x45: {  	[spmem:s2] =	stream.indirect.scatter.add.f32 [tilespmem:s13], [sflag:$0x1], $0x80, s14, s14, $0xb8;
	[tilespmem:$0x1C900] =	vst v63  }
0x46: {  	_ =	swait.ge [sflag:s12], $0x4000  }
0x47: {  	s15 =	sadd.s32 $0x1, s15;
	[sflag:s12] =	ssyncset.done $0x0  }
0x48: {  	p0 =	sne.s32 s15, s8;
	[sflag:s12] =	ssyncadd.s32 $0xFFFFC000  }
.Ltmp2:
0x49: {  	[bflag:$0x0] =	sbarrier.arrive $0xFFFF;
	(pc) =	sbr.rel @p0 .LBB2_1-.Ltmp2, $4  }
0x4a: {  	[hbm:s7], [sflag:s5] =	dma.local [spmem:s11], $0x3100  }
0x4b: {  	_ =	swait.ge [sflag:s12], $0x3100  }
0x4c: {  	[sflag:s12] =	ssyncset.done $0x0  }
0x4d: {  	[sflag:s12] =	ssyncadd.s32 $0xFFFFCF00  }
0x4e: {  	_ =	sfence.sel $0x180000  }
0x4f: {  	[bflag:$0x0] =	sbarrier.arrive $0xFFFF  }
0x50: {  	p0 =	sne.s32 s1, $0x0;
	_ =	strace $0x9000004A  }
0x51: {  	s0 =	sadd.s32 @!p0 $0x100000, s0;
	[bflag:$0x2] =	sbarrier.arrive $0xFFFF  }
0x52: {  	[sflag:s0] =	ssyncadd.tile.s32 @!p0 $0x1;
	_ =	shalt  }
.Lfunc_end2:
_tile_overlayer_lowered:
.L_overlay_start_2:
0x53: {  	(tag) =	ssettag $0x2  }
0x54: {  	s0 =	rddreg [dreg:$0x0];
	s2 =	stileid.u32  }
0x55: {  	s1 =	rddreg [dreg:$0x1];
	p0 =	sne.s32 s2, $0x0  }
0x56: {  	s3 =	rddreg [dreg:$0x2];
	[bflag:$0x3] =	sbarrier.arrive $0xFFFF;
	s2 =	simm.s32 @!p0 $0x1C01  }
0x57: {  	[timem:s3], [sflag:s2] =	dma.local @!p0 [hbm:s0], s1  }
0x58: {  	s0 =	simm.s32 @!p0 $0x1  }
0x59: {  	_ =	swait.ge @!p0 [sflag:s0], s1  }
0x5a: {  	s1 =	ssub.s32 @!p0 $0x0, s1;
	[sflag:s0] =	ssyncset.done @!p0 $0x0  }
0x5b: {  	[sflag:s0] =	ssyncadd.s32 @!p0 s1  }
0x5c: {  	[bflag:$0x3] =	sbarrier.arrive $0xFFFF  }
0x5d: {  	_ =	shalt  }

// kernel: kernel.21.cloned.1.call-start
scs
__scs_entry_jumppad:
0x0: {  	(pc) =	sbr.rel $0x88, $3  }
0x1: {  	(tag) =	ssettag $0x0;
	lr =	simm.s32 $0x1  }
0x2: {  	[smem:$0x3F8A] =	sst lr;
	_ =	strace $0xD0000000  }
0x3: {  	_ = 	snop  }
0x4: {  	_ = 	snop  }
0x5: {  	_ = 	snop  }
0x6: {  	_ = 	snop  }
0x7: {  	_ = 	snop  }
__scs_overlays_trampoline_lowered:
0x8: {  	[smem:$0x3F99] =	sst s0  }
0x9: {  	[smem:$0x3F9A] =	sst s1  }
0xa: {  	[smem:$0x3F9B] =	sst s2  }
0xb: {  	[smem:$0x3F9C] =	sst s3  }
0xc: {  	[smem:$0x3F9D] =	sst s4  }
0xd: {  	[smem:$0x3F9E] =	sst s5  }
0xe: {  	[smem:$0x3F9F] =	sst s6  }
0xf: {  	[smem:$0x3FA0] =	sst s7  }
0x10: {  	[smem:$0x3FA1] =	sst s8  }
0x11: {  	[smem:$0x3FA2] =	sst s9;
	s0 =	simm.s32 @!p0 $0x0  }
0x12: {  	s1 =	sld [smem:$0x3F88];
	s0 =	simm.s32 @p0 $0x1  }
0x13: {  	[smem:$0x3FA3] =	sst s0;
	s0 =	simm.s32 @!p1 $0x0  }
0x14: {  	s2 =	sld [smem:$0x3F87];
	s0 =	simm.s32 @p1 $0x1  }
0x15: {  	[smem:$0x3FA4] =	sst s0;
	s0 =	simm.s32 @!p2 $0x0  }
0x16: {  	s3 =	sld [smem:$0x3FDB];
	s0 =	simm.s32 @p2 $0x1  }
0x17: {  	s4 =	simm.s32 $0x1BF5;
	[smem:$0x3FA6] =	sst s0  }
0x18: {  	s0 =	sld [smem:$0x3F89];
	_ =	swait.ge [sflag:s4], $0x0  }
0x19: {  	s7 =	sld [smem:$0x3F8A]  }
0x1a: {  	s8 =	sadd.s32 $0xFFFFE003, lr  }
0x1b: {  	s9 =	sadd.s32 $0xFFFFFEF7, lr;
	s5 =	simm.s32 $0xFFFFFFFF;
	p2 =	slt.u32 s8, $0xFFFFF086  }
0x1c: {  	p1 =	slt.u32 s9, $0xF7A;
	s5 =	simm.s32 @!p2 $0x0  }
0x1d: {  	s5 =	simm.s32 @p1 $0x1;
	p0 =	seq.s32 s7, s2  }
0x1e: {  	s7 =	smul.u32 @!p0 $0xF7A, s2;
	p2 =	seq.s32 @!p0 s5, $0x0  }
0x1f: {  	s9 =	smul.u32 $0xF7A, s1;
	s8 =	simm.s32 @!p0 $0x1BF5;
	p2 =	por !p2, p0  }
0x20: {  	[sflag:s8] =	ssyncset.s32 @!p0 $0xFFFFF086;
	s6 =	sadd.s32 @!p0 s3, s7;
	s7 =	simm.s32 @!p0 $0x108  }
0x21: {  	s3 =	sadd.s32 s3, s9;
	s6 =	sadd.s32 @!p0 $0x88, s6;
	s7 =	simm.s32 @p2 $0x1082  }
0x22: {  	[simem:s7], [sflag:s8] =	dma.local @!p0 [hbm:s6], $0xF7A  }
0x23: {  	s9 =	sor.u32 $0xD0000000, s2;
	s6 =	simm.s32 $0x108;
	_ =	swait.ge @!p0 [sflag:s8], $0x0  }
0x24: {  	s3 =	sadd.s32 $0x88, s3;
	s6 =	simm.s32 @!p1 $0x1082;
	[sflag:s4] =	ssyncset.s32 $0xFFFFF086  }
0x25: {  	[simem:s6], [sflag:s4] =	dma.local [hbm:s3], $0xF7A  }
0x26: {  	[smem:$0x3F8A] =	sst s1;
	(tag) =	ssettag s2;
	_ =	strace s9  }
0x27: {  	s1 =	sld [smem:$0x3F9A]  }
0x28: {  	s2 =	sld [smem:$0x3F9B]  }
0x29: {  	s4 =	sld [smem:$0x3F9D]  }
0x2a: {  	p0 =	seq.s32 s5, $0x0;
	s5 =	sld [smem:$0x3F9E]  }
0x2b: {  	s6 =	sld [smem:$0x3F9F]  }
0x2c: {  	s7 =	sld [smem:$0x3FA0]  }
0x2d: {  	s3 =	simm.s32 $0x108;
	s8 =	sld [smem:$0x3FA1]  }
0x2e: {  	s3 =	simm.s32 @!p0 $0x1082;
	s9 =	sld [smem:$0x3FA2]  }
0x2f: {  	lr =	sadd.s32 s0, s3;
	s0 =	sld [smem:$0x3F99]  }
0x30: {  	s3 =	sld [smem:$0x3F9C]  }
0x31: {  	[smem:$0x3FA5] =	sst s10  }
0x32: {  	s10 =	sld [smem:$0x3FA3];
	_ =	sdelay $0x3  }
0x33: {  	p0 =	seq.s32 s10, $0x1;
	s10 =	sld [smem:$0x3FA5];
	_ =	sdelay $0x3  }
0x34: {  	[smem:$0x3FA5] =	sst s10  }
0x35: {  	s10 =	sld [smem:$0x3FA4];
	_ =	sdelay $0x3  }
0x36: {  	p1 =	seq.s32 s10, $0x1;
	s10 =	sld [smem:$0x3FA5];
	_ =	sdelay $0x3  }
0x37: {  	[smem:$0x3FA5] =	sst s10  }
0x38: {  	s10 =	sld [smem:$0x3FA6]  }
0x39: {  	_ = 	snop;
	(pc) =	sbr.ind lr, $3  }
0x3a: {  	_ = 	snop  }
0x3b: {  	_ = 	snop  }
0x3c: {  	p2 =	seq.s32 s10, $0x1;
	s10 =	sld [smem:$0x3FA5]  }
0x3d: {  	_ =	shalt  }
0x3e: {  	_ =	shalt  }
0x3f: {  	_ =	shalt  }
0x40: {  	_ =	shalt  }
0x41: {  	_ =	shalt  }
0x42: {  	_ =	shalt  }
0x43: {  	_ =	shalt  }
0x44: {  	_ =	shalt  }
0x45: {  	_ =	shalt  }
0x46: {  	_ =	shalt  }
0x47: {  	_ =	shalt  }
0x48: {  	_ =	shalt  }
0x49: {  	_ =	shalt  }
0x4a: {  	_ =	shalt  }
0x4b: {  	_ =	shalt  }
0x4c: {  	_ =	shalt  }
0x4d: {  	_ =	shalt  }
0x4e: {  	_ =	shalt  }
0x4f: {  	_ =	shalt  }
0x50: {  	_ =	shalt  }
0x51: {  	_ =	shalt  }
0x52: {  	_ =	shalt  }
0x53: {  	_ =	shalt  }
0x54: {  	_ =	shalt  }
0x55: {  	_ =	shalt  }
0x56: {  	_ =	shalt  }
0x57: {  	_ =	shalt  }
0x58: {  	_ =	shalt  }
0x59: {  	_ =	shalt  }
0x5a: {  	_ =	shalt  }
0x5b: {  	_ =	shalt  }
0x5c: {  	_ =	shalt  }
0x5d: {  	_ =	shalt  }
0x5e: {  	_ =	shalt  }
0x5f: {  	_ =	shalt  }
0x60: {  	_ =	shalt  }
0x61: {  	_ =	shalt  }
0x62: {  	_ =	shalt  }
0x63: {  	_ =	shalt  }
0x64: {  	_ =	shalt  }
0x65: {  	_ =	shalt  }
0x66: {  	_ =	shalt  }
0x67: {  	_ =	shalt  }
0x68: {  	_ =	shalt  }
0x69: {  	_ =	shalt  }
0x6a: {  	_ =	shalt  }
0x6b: {  	_ =	shalt  }
0x6c: {  	_ =	shalt  }
0x6d: {  	_ =	shalt  }
0x6e: {  	_ =	shalt  }
0x6f: {  	_ =	shalt  }
0x70: {  	_ =	shalt  }
0x71: {  	_ =	shalt  }
0x72: {  	_ =	shalt  }
0x73: {  	_ =	shalt  }
0x74: {  	_ =	shalt  }
0x75: {  	_ =	shalt  }
0x76: {  	_ =	shalt  }
0x77: {  	_ =	shalt  }
0x78: {  	_ =	shalt  }
0x79: {  	_ =	shalt  }
0x7a: {  	_ =	shalt  }
0x7b: {  	_ =	shalt  }
0x7c: {  	_ =	shalt  }
0x7d: {  	_ =	shalt  }
0x7e: {  	_ =	shalt  }
0x7f: {  	_ =	shalt  }
0x80: {  	_ =	shalt  }
0x81: {  	_ =	shalt  }
0x82: {  	_ =	shalt  }
0x83: {  	_ =	shalt  }
0x84: {  	_ =	shalt  }
0x85: {  	_ =	shalt  }
0x86: {  	_ =	shalt  }
0x87: {  	_ =	shalt  }
.Lfunc_end0:
.L_simem_size_0:
called_computation.2_lowered:
.L_overlay_start_0:
0x88: {  	s2 =	sld [smem:$0x3FD9]  }
0x89: {  	s3 =	sld [smem:$0x3FFE];
	_ =	sdelay $0x1  }
0x8a: {  	s1 =	srdreg.scid  }
0x8b: {  	s0 =	sand.u32 $0x1, s1  }
0x8c: {  	s17 =	sshll.u32 s0, $0xA;
	s2 =	sadd.s32 s3, s2  }
0x8d: {  	s2 =	sadd.s32 s2, s17  }
0x8e: {  	[smem:$0x3FB1] =	sst s2  }
0x8f: {  	_ = 	snop  }
0x90: {  	(tm) =	ssettm $0x1  }
0x91: {  	s18 =	sld [smem:$0x3FFB];
	_ =	sdelay $0x3  }
0x92: {  	_ =	strace s18  }
0x93: {  	s2 =	sld [smem:$0x3FFC];
	_ =	sdelay $0x3  }
0x94: {  	_ =	strace s2  }
0x95: {  	s2 =	sld [smem:$0x3FFD];
	_ =	sdelay $0x3  }
0x96: {  	_ =	strace s2  }
0x97: {  	_ =	strace $0x8FFFFFFF  }
0x98: {  	s19 =	sld [smem:$0x3FDB];
	_ =	sdelay $0x1  }
0x99: {  	s20 =	simm.s32 $_scs_section_size  }
0x9a: {  	s4 =	simm.s32 $_size__tile_overlayer_lowered;
	s5 =	simm.s32 $_tile_overlayer_lowered  }
0x9b: {  	s6 =	simm.s32 $0x1BFF;
	s21 =	sshll.u32 s5, $0x1;
	s3 =	sadd.s32 s20, s19  }
0x9c: {  	s22 =	simm.s32 $0x0;
	s4 =	sshll.u32 s4, $0x1;
	s5 =	sadd.s32 s21, s3  }
0x9d: {  	[timem:s22], [sflag:s6] =	dma.local [hbm:s5], s4  }
0x9e: {  	_ =	swait.ge [sflag:s6], s4  }
0x9f: {  	s4 =	ssub.s32 $0x0, s4;
	[sflag:s6] =	ssyncset.done $0x0  }
0xa0: {  	[sflag:s6] =	ssyncadd.s32 s4;
	_ =	sdelay $0x1  }
0xa1: {  	s23 =	simm.s32 $0x1B8B  }
0xa2: {  	_ =	swait.ge [sflag:s23], $0x1  }
0xa3: {  	[sflag:s23] =	ssyncset.done $0x0  }
0xa4: {  	[sflag:s23] =	ssyncadd.s32 $0xFFFFFFFF  }
0xa5: {  	s4 =	sld [smem:$0x0]  }
0xa6: {  	s5 =	sand.u32 $0xFFFFFFFE, s1  }
0xa7: {  	p0 =	sne.s32 s1, s5  }
0xa8: {  	s5 =	sshll.u32 @p0 s5, $0xE  }
0xa9: {  	s5 =	sadd.s32 @p0 $0x11B8D, s5;
	s6 =	sshll.u32 @p0 s4, $0x11  }
0xaa: {  	s5 =	sor.u32 @p0 s6, s5  }
0xab: {  	[sflag:s5] =	ssyncadd.remote.s32 @p0 $0x1;
	_ =	sdelay $0x1  }
0xac: {  	s5 =	simm.s32 @p0 $0x1B8D  }
0xad: {  	_ =	swait.eq @p0 [sflag:s5], $0x1  }
0xae: {  	[sflag:s5] =	ssyncadd.s32 @p0 $0xFFFFFFFF  }
0xaf: {  	s6 =	sshll.u32 @!p0 s1, $0xE  }
0xb0: {  	s6 =	sor.u32 @!p0 $0x4000, s6;
	s5 =	simm.s32 @!p0 $0x1B8D  }
0xb1: {  	s4 =	sshll.u32 @!p0 s4, $0x11;
	s6 =	sadd.s32 @!p0 $0x11B8D, s6;
	_ =	swait.eq @!p0 [sflag:s5], $0x1  }
0xb2: {  	s4 =	sor.u32 @!p0 s4, s6;
	[sflag:s5] =	ssyncadd.s32 @!p0 $0xFFFFFFFF  }
0xb3: {  	s25 =	simm.s32 $0x1B8E;
	s24 =	sld [smem:$0x3FFE];
	[sflag:s4] =	ssyncadd.remote.s32 @!p0 $0x1  }
0xb4: {  	s26 =	simm.s32 $execute0_lowered;
	[smem:$0x3FD2] =	sst s25  }
0xb5: {  	s5 =	sshll.u32 s26, $0x1;
	_ =	strace $0x8000004C;
	[dreg:$0x1] =	wrdreg $0xFFFFFFFF  }
0xb6: {  	s28 =	simm.s32 $_size_execute0_lowered;
	s3 =	sadd.s32 s3, s5;
	[dreg:$0x0] =	wrdreg $0x0  }
0xb7: {  	s5 =	sshll.u32 s28, $0x1;
	[dreg:$0x2] =	wrdreg s3  }
0xb8: {  	[dreg:$0x3] =	wrdreg s5  }
0xb9: {  	[dreg:$0x4] =	wrdreg $0xC0  }
0xba: {  	_ =	task [dreg:s22], $0x5FFFF  }
0xbb: {  	[dreg:$0x1] =	wrdreg $0xFFFFFFFF  }
0xbc: {  	[dreg:$0x0] =	wrdreg $0x60  }
0xbd: {  	[dreg:$0x2] =	wrdreg s24  }
0xbe: {  	[dreg:$0x3] =	wrdreg $0x41000  }
0xbf: {  	[dreg:$0x4] =	wrdreg $0xA  }
0xc0: {  	_ =	task.clear_ibuf [dreg:s22], $0x5FFFF;
	_ =	strace $0x9000004C  }
0xc1: {  	s29 =	simm.s32 $0xA;
	_ =	strace $0x8000004E  }
0xc2: {  	_ =	swait.ge [sflag:s29], $0x1  }
0xc3: {  	[sflag:s29] =	ssyncadd.s32 $0xFFFFFFFF  }
0xc4: {  	_ =	strace $0x9000004E  }
0xc5: {  	_ =	sfence  }
0xc6: {  	s30 =	sld [smem:$0x0];
	_ =	sdelay $0x2  }
0xc7: {  	s31 =	sshll.u32 s1, $0xD;
	s1 =	sshrl.u32 s1, $0x2  }
0xc8: {  	s4 =	sand.u32 $0x4000, s31;
	s1 =	sadd.s32 s1, s30  }
0xc9: {  	s0 =	sor.u32 s4, s0;
	s1 =	sshll.u32 s1, $0x11  }
0xca: {  	s0 =	sor.u32 s1, s0  }
0xcb: {  	s0 =	sadd.s32 $0x8F2B, s0  }
0xcc: {  	[sflag:s0] =	ssyncadd.remote.s32 $0x1  }
0xcd: {  	_ =	sfence.sel $0xFFFF  }
0xce: {  	[dreg:$0x0] =	wrdreg $0xFFFFFFFF;
	(pc) =	sbr.abs _section_cstart, $3  }
0xcf: {  	[dreg:$0x1] =	wrdreg $0xFFFFFFFF  }
0xd0: {  	_ =	task.clear_ibuf [dreg:s22], $0x2FFFF;
	_ =	strace $0x9FFFFFFF  }
0xd1: {  	(tm) =	ssettm $0x7FFFFFFF  }
tec
execute0_lowered:
.L_overlay_start_1:
0x0: {  	(tag) =	ssettag $0x1  }
0x1: {  	s5 =	rddreg [dreg:$0x0];
	s0 =	srdreg.scid  }
0x2: {  	s1 =	rddreg [dreg:$0x1];
	s3 =	simm.s32 $0x0;
	s2 =	stileid.u32  }
0x3: {  	s13 =	simm.s32 $0x100;
	s14 =	simm.s32 $0x80;
	s8 =	smul.u32 $0x680, s2  }
0x4: {  	s6 =	sand.u32 $0x1, s0;
	s0 =	rddreg [dreg:$0x2];
	s26 =	smul.u32 $0xD000, s2  }
0x5: {  	s15 =	simm.s32 $0x0;
	[smem:$0x7FF] =	sst s3;
	s4 =	smul.u32 $0x61A800, s6  }
0x6: {  	s29 =	sshll.u32 s2, $0x6;
	s30 =	ssub.s32 $0xC44, s2;
	s7 =	smul.u32 $0xC35, s6  }
0x7: {  	s31 =	sshll.u32 s2, $0xB;
	s9 =	smul.u32 $0x6800, s6;
	s6 =	ssub.s32 $0x2, s6  }
0x8: {  	_ =	strace $0x8000004D;
	s28 =	sshrl.u32 s6, $0x1;
	s7 =	sadd.s32 s2, s7  }
0x9: {  	s10 =	sadd.s32 s4, s5;
	s4 =	sadd.s32 $0x8200, s5;
	s8 =	sadd.s32 s8, s9  }
0xa: {  	s9 =	ssub.s32 s6, s28;
	s6 =	sshrl.u32 s30, $0x4;
	s25 =	sshll.u32 s7, $0x4  }
0xb: {  	s7 =	sshrl.u32 s26, $0x2;
	s8 =	sadd.s32 s8, s5;
	s10 =	sadd.s32 s31, s10  }
0xc: {  	s11 =	sadd.s32 s25, s5;
	s12 =	sadd.s32 s7, s1;
	s5 =	sor.u32 $0x1C01, s29  }
0xd: {  	s7 =	sadd.s32 $0x8A00, s8;
	s8 =	smax.u32 s9, $0x1;
	s9 =	sadd.s32 $0x4BD6A00, s10  }
0xe: {  	s10 =	sadd.s32 $0x36000, s11;
	s11 =	sshrl.u32 s12, $0x3;
	s12 =	simm.s32 $0x1  }
.LBB2_1:
0xf: {  	[spmem:s11], [sflag:s5] =	dma.local [hbm:s4], $0x680  }
0x10: {  	_ =	swait.ge [sflag:s12], $0x680  }
0x11: {  	[sflag:s12] =	ssyncset.done $0x0  }
0x12: {  	[sflag:s12] =	ssyncadd.s32 $0xFFFFF980  }
0x13: {  	[bflag:$0x0] =	sbarrier.arrive $0xFFFF  }
0x14: {  	[tilespmem:s3], [sflag:$0x1] =	stream.linear.gather [hbm4b:s10+s3], $0x80, $0x38;
	[tilespmem:$0x7500] =	vst v63  }
0x15: {  	_ =	swait.ge [sflag:s12], $0x80  }
0x16: {  	[sflag:s12] =	ssyncset.done $0x0  }
0x17: {  	[sflag:s12] =	ssyncadd.s32 $0xFFFFFF80  }
0x18: {  	v0 =	vld [tilespmem:$0x70]  }
0x19: {  	v1 =	vld [tilespmem:$0x60]  }
0x1a: {  	v2 =	vld [tilespmem:$0x50]  }
0x1b: {  	v3 =	vld [tilespmem:$0x30]  }
0x1c: {  	v4 =	vld [tilespmem:$0x20]  }
0x1d: {  	v5 =	vld [tilespmem:$0x10];
	v0 =	vshrl.u32 v0, $0x5  }
0x1e: {  	v6 =	vld [tilespmem:$0x40];
	v1 =	vshrl.u32 v1, $0x5;
	[tilespmem:$0xF0] =	vst v0  }
0x1f: {  	v59 =	vld [tilespmem:$0x0];
	v2 =	vshrl.u32 v2, $0x5;
	[tilespmem:$0xE0] =	vst v1  }
0x20: {  	p0 =	sne.s32 s6, $0x1;
	v60 =	vshrl.u32 v3, $0x5;
	[tilespmem:$0xD0] =	vst v2  }
.Ltmp0:
0x21: {  	v61 =	vshrl.u32 v4, $0x5;
	[tilespmem:$0xB0] =	vst v60;
	(pc) =	sbr.rel @!p0 .LBB2_3-.Ltmp0, $4  }
0x22: {  	v62 =	vshrl.u32 v5, $0x5;
	[tilespmem:$0xA0] =	vst v61  }
0x23: {  	v63 =	vshrl.u32 v6, $0x5;
	[tilespmem:$0x90] =	vst v62  }
0x24: {  	s16 =	sadd.s32 $0xFFFFFFFF, s6;
	v0 =	vshrl.u32 v59, $0x5;
	[tilespmem:$0xC0] =	vst v63  }
0x25: {  	s17 =	sadd.s32 $0x8000, s9;
	s18 =	sadd.s32 $0x100, s10;
	s19 =	smov.u32 s9;
	[tilespmem:$0x80] =	vst v0  }
.LBB2_2:
0x26: {  	[tilespmem:s13], [sflag:$0x1] =	stream.linear.gather [hbm4b:s19+s3], $0x4000, $0x38;
	[tilespmem:$0x7500] =	vst v63  }
0x27: {  	p0 =	sne.s32 s16, $0x1;
	s16 =	sadd.s32 $0xFFFFFFFF, s16;
	_ =	swait.ge [sflag:s12], $0x4000  }
0x28: {  	s19 =	smov.u32 s17;
	[sflag:s12] =	ssyncset.done $0x0  }
0x29: {  	[sflag:s12] =	ssyncadd.s32 $0xFFFFC000  }
0x2a: {  	[spmem:s1] =	stream.indirect.scatter.add.f32 [tilespmem:s13], [sflag:$0x1], $0x80, s14, s14, $0xb8;
	[tilespmem:$0x7500] =	vst v63  }
0x2b: {  	_ =	swait.ge [sflag:s12], $0x4000  }
0x2c: {  	[sflag:s12] =	ssyncset.done $0x0  }
0x2d: {  	[sflag:s12] =	ssyncadd.s32 $0xFFFFC000  }
0x2e: {  	[tilespmem:s3], [sflag:$0x1] =	stream.linear.gather [hbm4b:s18+s3], $0x80, $0x38;
	[tilespmem:$0x7500] =	vst v63  }
0x2f: {  	_ =	swait.ge [sflag:s12], $0x80  }
0x30: {  	[sflag:s12] =	ssyncset.done $0x0  }
0x31: {  	[sflag:s12] =	ssyncadd.s32 $0xFFFFFF80  }
0x32: {  	v0 =	vld [tilespmem:$0x70]  }
0x33: {  	v1 =	vld [tilespmem:$0x60]  }
0x34: {  	v2 =	vld [tilespmem:$0x50]  }
0x35: {  	v3 =	vld [tilespmem:$0x30]  }
0x36: {  	v4 =	vld [tilespmem:$0x20]  }
0x37: {  	v5 =	vld [tilespmem:$0x10];
	v0 =	vshrl.u32 v0, $0x5  }
0x38: {  	v6 =	vld [tilespmem:$0x40];
	v1 =	vshrl.u32 v1, $0x5;
	[tilespmem:$0xF0] =	vst v0  }
0x39: {  	v0 =	vld [tilespmem:$0x0];
	v2 =	vshrl.u32 v2, $0x5;
	[tilespmem:$0xE0] =	vst v1  }
0x3a: {  	v1 =	vshrl.u32 v3, $0x5;
	[tilespmem:$0xD0] =	vst v2  }
.Ltmp1:
0x3b: {  	v2 =	vshrl.u32 v4, $0x5;
	[tilespmem:$0xB0] =	vst v1;
	(pc) =	sbr.rel @p0 .LBB2_2-.Ltmp1, $4  }
0x3c: {  	v1 =	vshrl.u32 v5, $0x5;
	[tilespmem:$0xA0] =	vst v2  }
0x3d: {  	[tilespmem:$0x90] =	vst v1;
	v1 =	vshrl.u32 v6, $0x5  }
0x3e: {  	v0 =	vshrl.u32 v0, $0x5;
	[tilespmem:$0xC0] =	vst v1  }
0x3f: {  	s17 =	sadd.s32 $0x8000, s17;
	s18 =	sadd.s32 $0x100, s18;
	[tilespmem:$0x80] =	vst v0  }
.LBB2_3:
0x40: {  	[tilespmem:s13], [sflag:$0x1] =	stream.linear.gather [hbm4b:s19+s3], $0x4000, $0x38;
	[tilespmem:$0x7500] =	vst v63  }
0x41: {  	_ =	swait.ge [sflag:s12], $0x4000  }
0x42: {  	[sflag:s12] =	ssyncset.done $0x0  }
0x43: {  	[sflag:s12] =	ssyncadd.s32 $0xFFFFC000  }
0x44: {  	[spmem:s1] =	stream.indirect.scatter.add.f32 [tilespmem:s13], [sflag:$0x1], $0x80, s14, s14, $0xb8;
	[tilespmem:$0x7500] =	vst v63  }
0x45: {  	_ =	swait.ge [sflag:s12], $0x4000  }
0x46: {  	s15 =	sadd.s32 $0x1, s15;
	[sflag:s12] =	ssyncset.done $0x0  }
0x47: {  	p0 =	sne.s32 s15, s8;
	[sflag:s12] =	ssyncadd.s32 $0xFFFFC000  }
.Ltmp2:
0x48: {  	[bflag:$0x0] =	sbarrier.arrive $0xFFFF;
	(pc) =	sbr.rel @p0 .LBB2_1-.Ltmp2, $4  }
0x49: {  	[hbm:s7], [sflag:s5] =	dma.local [spmem:s11], $0x680  }
0x4a: {  	_ =	swait.ge [sflag:s12], $0x680  }
0x4b: {  	[sflag:s12] =	ssyncset.done $0x0  }
0x4c: {  	[sflag:s12] =	ssyncadd.s32 $0xFFFFF980  }
0x4d: {  	_ =	sfence.sel $0x180000  }
0x4e: {  	[bflag:$0x0] =	sbarrier.arrive $0xFFFF  }
0x4f: {  	p0 =	sne.s32 s2, $0x0;
	_ =	strace $0x9000004D  }
0x50: {  	s0 =	sadd.s32 @!p0 $0x100000, s0;
	[bflag:$0x2] =	sbarrier.arrive $0xFFFF  }
0x51: {  	[sflag:s0] =	ssyncadd.tile.s32 @!p0 $0x1;
	_ =	shalt  }
.Lfunc_end2:
_tile_overlayer_lowered:
.L_overlay_start_2:
0x52: {  	(tag) =	ssettag $0x2  }
0x53: {  	s0 =	rddreg [dreg:$0x0];
	s2 =	stileid.u32  }
0x54: {  	s1 =	rddreg [dreg:$0x1];
	p0 =	sne.s32 s2, $0x0  }
0x55: {  	s3 =	rddreg [dreg:$0x2];
	[bflag:$0x3] =	sbarrier.arrive $0xFFFF;
	s2 =	simm.s32 @!p0 $0x1C01  }
0x56: {  	[timem:s3], [sflag:s2] =	dma.local @!p0 [hbm:s0], s1  }
0x57: {  	s0 =	simm.s32 @!p0 $0x1  }
0x58: {  	_ =	swait.ge @!p0 [sflag:s0], s1  }
0x59: {  	s1 =	ssub.s32 @!p0 $0x0, s1;
	[sflag:s0] =	ssyncset.done @!p0 $0x0  }
0x5a: {  	[sflag:s0] =	ssyncadd.s32 @!p0 s1  }
0x5b: {  	[bflag:$0x3] =	sbarrier.arrive $0xFFFF  }
0x5c: {  	_ =	shalt  }

// kernel: kernel.24.cloned.1.call-start
scs
__scs_entry_jumppad:
0x0: {  	(pc) =	sbr.rel $0x88, $3  }
0x1: {  	(tag) =	ssettag $0x0;
	lr =	simm.s32 $0x1  }
0x2: {  	[smem:$0x3F8A] =	sst lr;
	_ =	strace $0xD0000000  }
0x3: {  	_ = 	snop  }
0x4: {  	_ = 	snop  }
0x5: {  	_ = 	snop  }
0x6: {  	_ = 	snop  }
0x7: {  	_ = 	snop  }
__scs_overlays_trampoline_lowered:
0x8: {  	[smem:$0x3F99] =	sst s0  }
0x9: {  	[smem:$0x3F9A] =	sst s1  }
0xa: {  	[smem:$0x3F9B] =	sst s2  }
0xb: {  	[smem:$0x3F9C] =	sst s3  }
0xc: {  	[smem:$0x3F9D] =	sst s4  }
0xd: {  	[smem:$0x3F9E] =	sst s5  }
0xe: {  	[smem:$0x3F9F] =	sst s6  }
0xf: {  	[smem:$0x3FA0] =	sst s7  }
0x10: {  	[smem:$0x3FA1] =	sst s8  }
0x11: {  	[smem:$0x3FA2] =	sst s9;
	s0 =	simm.s32 @!p0 $0x0  }
0x12: {  	s1 =	sld [smem:$0x3F88];
	s0 =	simm.s32 @p0 $0x1  }
0x13: {  	[smem:$0x3FA3] =	sst s0;
	s0 =	simm.s32 @!p1 $0x0  }
0x14: {  	s2 =	sld [smem:$0x3F87];
	s0 =	simm.s32 @p1 $0x1  }
0x15: {  	[smem:$0x3FA4] =	sst s0;
	s0 =	simm.s32 @!p2 $0x0  }
0x16: {  	s3 =	sld [smem:$0x3FDB];
	s0 =	simm.s32 @p2 $0x1  }
0x17: {  	s4 =	simm.s32 $0x1BF5;
	[smem:$0x3FA6] =	sst s0  }
0x18: {  	s0 =	sld [smem:$0x3F89];
	_ =	swait.ge [sflag:s4], $0x0  }
0x19: {  	s7 =	sld [smem:$0x3F8A]  }
0x1a: {  	s8 =	sadd.s32 $0xFFFFE003, lr  }
0x1b: {  	s9 =	sadd.s32 $0xFFFFFEF7, lr;
	s5 =	simm.s32 $0xFFFFFFFF;
	p2 =	slt.u32 s8, $0xFFFFF086  }
0x1c: {  	p1 =	slt.u32 s9, $0xF7A;
	s5 =	simm.s32 @!p2 $0x0  }
0x1d: {  	s5 =	simm.s32 @p1 $0x1;
	p0 =	seq.s32 s7, s2  }
0x1e: {  	s7 =	smul.u32 @!p0 $0xF7A, s2;
	p2 =	seq.s32 @!p0 s5, $0x0  }
0x1f: {  	s9 =	smul.u32 $0xF7A, s1;
	s8 =	simm.s32 @!p0 $0x1BF5;
	p2 =	por !p2, p0  }
0x20: {  	[sflag:s8] =	ssyncset.s32 @!p0 $0xFFFFF086;
	s6 =	sadd.s32 @!p0 s3, s7;
	s7 =	simm.s32 @!p0 $0x108  }
0x21: {  	s3 =	sadd.s32 s3, s9;
	s6 =	sadd.s32 @!p0 $0x88, s6;
	s7 =	simm.s32 @p2 $0x1082  }
0x22: {  	[simem:s7], [sflag:s8] =	dma.local @!p0 [hbm:s6], $0xF7A  }
0x23: {  	s9 =	sor.u32 $0xD0000000, s2;
	s6 =	simm.s32 $0x108;
	_ =	swait.ge @!p0 [sflag:s8], $0x0  }
0x24: {  	s3 =	sadd.s32 $0x88, s3;
	s6 =	simm.s32 @!p1 $0x1082;
	[sflag:s4] =	ssyncset.s32 $0xFFFFF086  }
0x25: {  	[simem:s6], [sflag:s4] =	dma.local [hbm:s3], $0xF7A  }
0x26: {  	[smem:$0x3F8A] =	sst s1;
	(tag) =	ssettag s2;
	_ =	strace s9  }
0x27: {  	s1 =	sld [smem:$0x3F9A]  }
0x28: {  	s2 =	sld [smem:$0x3F9B]  }
0x29: {  	s4 =	sld [smem:$0x3F9D]  }
0x2a: {  	p0 =	seq.s32 s5, $0x0;
	s5 =	sld [smem:$0x3F9E]  }
0x2b: {  	s6 =	sld [smem:$0x3F9F]  }
0x2c: {  	s7 =	sld [smem:$0x3FA0]  }
0x2d: {  	s3 =	simm.s32 $0x108;
	s8 =	sld [smem:$0x3FA1]  }
0x2e: {  	s3 =	simm.s32 @!p0 $0x1082;
	s9 =	sld [smem:$0x3FA2]  }
0x2f: {  	lr =	sadd.s32 s0, s3;
	s0 =	sld [smem:$0x3F99]  }
0x30: {  	s3 =	sld [smem:$0x3F9C]  }
0x31: {  	[smem:$0x3FA5] =	sst s10  }
0x32: {  	s10 =	sld [smem:$0x3FA3];
	_ =	sdelay $0x3  }
0x33: {  	p0 =	seq.s32 s10, $0x1;
	s10 =	sld [smem:$0x3FA5];
	_ =	sdelay $0x3  }
0x34: {  	[smem:$0x3FA5] =	sst s10  }
0x35: {  	s10 =	sld [smem:$0x3FA4];
	_ =	sdelay $0x3  }
0x36: {  	p1 =	seq.s32 s10, $0x1;
	s10 =	sld [smem:$0x3FA5];
	_ =	sdelay $0x3  }
0x37: {  	[smem:$0x3FA5] =	sst s10  }
0x38: {  	s10 =	sld [smem:$0x3FA6]  }
0x39: {  	_ = 	snop;
	(pc) =	sbr.ind lr, $3  }
0x3a: {  	_ = 	snop  }
0x3b: {  	_ = 	snop  }
0x3c: {  	p2 =	seq.s32 s10, $0x1;
	s10 =	sld [smem:$0x3FA5]  }
0x3d: {  	_ =	shalt  }
0x3e: {  	_ =	shalt  }
0x3f: {  	_ =	shalt  }
0x40: {  	_ =	shalt  }
0x41: {  	_ =	shalt  }
0x42: {  	_ =	shalt  }
0x43: {  	_ =	shalt  }
0x44: {  	_ =	shalt  }
0x45: {  	_ =	shalt  }
0x46: {  	_ =	shalt  }
0x47: {  	_ =	shalt  }
0x48: {  	_ =	shalt  }
0x49: {  	_ =	shalt  }
0x4a: {  	_ =	shalt  }
0x4b: {  	_ =	shalt  }
0x4c: {  	_ =	shalt  }
0x4d: {  	_ =	shalt  }
0x4e: {  	_ =	shalt  }
0x4f: {  	_ =	shalt  }
0x50: {  	_ =	shalt  }
0x51: {  	_ =	shalt  }
0x52: {  	_ =	shalt  }
0x53: {  	_ =	shalt  }
0x54: {  	_ =	shalt  }
0x55: {  	_ =	shalt  }
0x56: {  	_ =	shalt  }
0x57: {  	_ =	shalt  }
0x58: {  	_ =	shalt  }
0x59: {  	_ =	shalt  }
0x5a: {  	_ =	shalt  }
0x5b: {  	_ =	shalt  }
0x5c: {  	_ =	shalt  }
0x5d: {  	_ =	shalt  }
0x5e: {  	_ =	shalt  }
0x5f: {  	_ =	shalt  }
0x60: {  	_ =	shalt  }
0x61: {  	_ =	shalt  }
0x62: {  	_ =	shalt  }
0x63: {  	_ =	shalt  }
0x64: {  	_ =	shalt  }
0x65: {  	_ =	shalt  }
0x66: {  	_ =	shalt  }
0x67: {  	_ =	shalt  }
0x68: {  	_ =	shalt  }
0x69: {  	_ =	shalt  }
0x6a: {  	_ =	shalt  }
0x6b: {  	_ =	shalt  }
0x6c: {  	_ =	shalt  }
0x6d: {  	_ =	shalt  }
0x6e: {  	_ =	shalt  }
0x6f: {  	_ =	shalt  }
0x70: {  	_ =	shalt  }
0x71: {  	_ =	shalt  }
0x72: {  	_ =	shalt  }
0x73: {  	_ =	shalt  }
0x74: {  	_ =	shalt  }
0x75: {  	_ =	shalt  }
0x76: {  	_ =	shalt  }
0x77: {  	_ =	shalt  }
0x78: {  	_ =	shalt  }
0x79: {  	_ =	shalt  }
0x7a: {  	_ =	shalt  }
0x7b: {  	_ =	shalt  }
0x7c: {  	_ =	shalt  }
0x7d: {  	_ =	shalt  }
0x7e: {  	_ =	shalt  }
0x7f: {  	_ =	shalt  }
0x80: {  	_ =	shalt  }
0x81: {  	_ =	shalt  }
0x82: {  	_ =	shalt  }
0x83: {  	_ =	shalt  }
0x84: {  	_ =	shalt  }
0x85: {  	_ =	shalt  }
0x86: {  	_ =	shalt  }
0x87: {  	_ =	shalt  }
.Lfunc_end0:
.L_simem_size_0:
called_computation.3_lowered:
.L_overlay_start_0:
0x88: {  	s2 =	sld [smem:$0x3FD9]  }
0x89: {  	s3 =	sld [smem:$0x3FFE];
	_ =	sdelay $0x1  }
0x8a: {  	s1 =	srdreg.scid  }
0x8b: {  	s0 =	sand.u32 $0x1, s1  }
0x8c: {  	s16 =	sshll.u32 s0, $0xA;
	s2 =	sadd.s32 s3, s2  }
0x8d: {  	s2 =	sadd.s32 s2, s16  }
0x8e: {  	[smem:$0x3FB1] =	sst s2  }
0x8f: {  	_ = 	snop  }
0x90: {  	(tm) =	ssettm $0x1  }
0x91: {  	s17 =	sld [smem:$0x3FFB];
	_ =	sdelay $0x3  }
0x92: {  	_ =	strace s17  }
0x93: {  	s2 =	sld [smem:$0x3FFC];
	_ =	sdelay $0x3  }
0x94: {  	_ =	strace s2  }
0x95: {  	s2 =	sld [smem:$0x3FFD];
	_ =	sdelay $0x3  }
0x96: {  	_ =	strace s2  }
0x97: {  	_ =	strace $0x8FFFFFFF  }
0x98: {  	s18 =	sld [smem:$0x3FDB];
	_ =	sdelay $0x1  }
0x99: {  	s19 =	simm.s32 $_scs_section_size  }
0x9a: {  	s4 =	simm.s32 $_size__tile_overlayer_lowered;
	s5 =	simm.s32 $_tile_overlayer_lowered  }
0x9b: {  	s22 =	simm.s32 $0x1BFF;
	s21 =	sshll.u32 s5, $0x1;
	s2 =	sadd.s32 s19, s18  }
0x9c: {  	s6 =	simm.s32 $0x0;
	s20 =	sshll.u32 s4, $0x1;
	s4 =	sadd.s32 s21, s2  }
0x9d: {  	[timem:s6], [sflag:s22] =	dma.local [hbm:s4], s20  }
0x9e: {  	_ =	swait.ge [sflag:s22], s20  }
0x9f: {  	s3 =	ssub.s32 $0x0, s20;
	[sflag:s22] =	ssyncset.done $0x0  }
0xa0: {  	[sflag:s22] =	ssyncadd.s32 s3;
	_ =	sdelay $0x1  }
0xa1: {  	s23 =	simm.s32 $0x1B8B  }
0xa2: {  	_ =	swait.ge [sflag:s23], $0x1  }
0xa3: {  	[sflag:s23] =	ssyncset.done $0x0  }
0xa4: {  	s25 =	simm.s32 $0x1B8E;
	s24 =	sld [smem:$0x3FFE];
	[sflag:s23] =	ssyncadd.s32 $0xFFFFFFFF  }
0xa5: {  	s26 =	simm.s32 $execute0_lowered;
	[smem:$0x3FD2] =	sst s25  }
0xa6: {  	s4 =	sshll.u32 s26, $0x1;
	_ =	strace $0x8000004F;
	[dreg:$0x1] =	wrdreg $0xFFFFFFFF  }
0xa7: {  	s28 =	simm.s32 $_size_execute0_lowered;
	s2 =	sadd.s32 s2, s4;
	[dreg:$0x0] =	wrdreg $0x0  }
0xa8: {  	s4 =	sshll.u32 s28, $0x1;
	[dreg:$0x2] =	wrdreg s2  }
0xa9: {  	[dreg:$0x3] =	wrdreg s4  }
0xaa: {  	[dreg:$0x4] =	wrdreg $0xC0  }
0xab: {  	_ =	task [dreg:s6], $0x5FFFF  }
0xac: {  	[dreg:$0x1] =	wrdreg $0xFFFFFFFF  }
0xad: {  	[dreg:$0x0] =	wrdreg $0x60  }
0xae: {  	[dreg:$0x2] =	wrdreg s24  }
0xaf: {  	[dreg:$0x3] =	wrdreg $0x9  }
0xb0: {  	_ =	task.clear_ibuf [dreg:s6], $0x4FFFF;
	_ =	strace $0x9000004F  }
0xb1: {  	s29 =	simm.s32 $0x9;
	_ =	strace $0x80000051  }
0xb2: {  	_ =	swait.ge [sflag:s29], $0x1  }
0xb3: {  	[sflag:s29] =	ssyncadd.s32 $0xFFFFFFFF  }
0xb4: {  	_ =	strace $0x90000051  }
0xb5: {  	_ =	sfence  }
0xb6: {  	s30 =	sld [smem:$0x0];
	_ =	sdelay $0x2  }
0xb7: {  	s31 =	sshll.u32 s1, $0xD;
	s1 =	sshrl.u32 s1, $0x2  }
0xb8: {  	s3 =	sand.u32 $0x4000, s31;
	s1 =	sadd.s32 s1, s30  }
0xb9: {  	s0 =	sor.u32 s3, s0;
	s1 =	sshll.u32 s1, $0x11  }
0xba: {  	s0 =	sor.u32 s1, s0  }
0xbb: {  	s0 =	sadd.s32 $0x8F2B, s0  }
0xbc: {  	[sflag:s0] =	ssyncadd.remote.s32 $0x1  }
0xbd: {  	_ =	sfence.sel $0xFFFF  }
0xbe: {  	[dreg:$0x0] =	wrdreg $0xFFFFFFFF;
	(pc) =	sbr.abs _section_cstart, $3  }
0xbf: {  	[dreg:$0x1] =	wrdreg $0xFFFFFFFF  }
0xc0: {  	_ =	task.clear_ibuf [dreg:s6], $0x2FFFF;
	_ =	strace $0x9FFFFFFF  }
0xc1: {  	(tm) =	ssettm $0x7FFFFFFF  }
tec
execute0_lowered:
.L_overlay_start_1:
0x0: {  	(tag) =	ssettag $0x1  }
0x1: {  	s7 =	rddreg [dreg:$0x0]  }
0x2: {  	s0 =	rddreg [dreg:$0x1]  }
0x3: {  	s1 =	simm.s32 $0x0;
	s6 =	srdreg.scid;
	s2 =	stileid.u32  }
0x4: {  	s13 =	simm.s32 $0x80;
	s14 =	simm.s32 $0x100;
	s15 =	simm.s32 $0x4100  }
0x5: {  	s16 =	simm.s32 $0x1;
	s17 =	simm.s32 $0x0;
	[smem:$0x7FF] =	sst s1  }
0x6: {  	s3 =	sadd.s32 $0x4E800, s7;
	s4 =	sadd.s32 $0x111E00, s7;
	s5 =	sadd.s32 $0x1D800, s7  }
0x7: {  	s9 =	sand.u32 $0x1, s6;
	s6 =	sadd.s32 $0x36000, s7;
	s10 =	sshll.u32 s2, $0x1  }
0x8: {  	s11 =	sshll.u32 s2, $0xC;
	s31 =	sshll.u32 s2, $0x8;
	_ =	strace $0x80000050  }
0x9: {  	s8 =	ssub.s32 $0x2, s9;
	s10 =	sor.u32 s10, s9;
	s11 =	sadd.s32 s11, s7  }
0xa: {  	s30 =	sshll.u32 s9, $0xB;
	s9 =	sshll.u32 s9, $0x7;
	s12 =	sshrl.u32 s8, $0x1  }
0xb: {  	s29 =	ssub.s32 $0x1889, s10;
	s11 =	sadd.s32 s30, s11;
	s9 =	sor.u32 s9, s31  }
0xc: {  	s28 =	ssub.s32 s8, s12;
	s8 =	sshrl.u32 s29, $0x5;
	s10 =	sadd.s32 $0x35C000, s11  }
0xd: {  	s11 =	sadd.s32 $0x336CA00, s11;
	s12 =	simm.s32 $0x2;
	s7 =	smax.u32 s28, $0x1  }
.LBB2_1:
0xe: {  	p1 =	sne.s32 s8, $0x1  }
.Ltmp0:
0xf: {  	_ = 	snop;
	(pc) =	sbr.rel @!p1 .LBB2_2-.Ltmp0, $2  }
0x10: {  	_ =	sdelay $0x2  }
0x11: {  	s18 =	sadd.s32 $0xFFFFFFFF, s8;
	s22 =	sshrl.u32 s9, $0x3;
	p0 =	por $0x0, $0x0  }
0x12: {  	s19 =	sadd.s32 s5, s22  }
0x13: {  	[tilespmem:s1], [sflag:$0x2] =	stream.linear.gather [hbm4b:s19+s1], $0x80, $0x38;
	[tilespmem:$0x8100] =	vst v63  }
0x14: {  	_ =	swait.ge [sflag:s12], $0x80  }
0x15: {  	[sflag:s12] =	ssyncset.done $0x0  }
0x16: {  	s31 =	sadd.s32 s6, s22;
	[sflag:s12] =	ssyncadd.s32 $0xFFFFFF80  }
0x17: {  	[tilespmem:s13], [sflag:$0x2] =	stream.linear.gather [hbm4b:s31+s1], $0x80, $0x38;
	[tilespmem:$0x8100] =	vst v63  }
0x18: {  	_ =	swait.ge [sflag:s12], $0x80  }
0x19: {  	[sflag:s12] =	ssyncset.done $0x0  }
0x1a: {  	[sflag:s12] =	ssyncadd.s32 $0xFFFFFF80  }
0x1b: {  	[tilespmem:s14], [sflag:$0x1] =	stream.indirect.gather [hbm4b:s3+s13], $0x80, s13, s13, $0xb8;
	[tilespmem:$0x8100] =	vst v63  }
0x1c: {  	_ = 	snop  }
0x1d: {  	[tilespmem:s15], [sflag:$0x1] =	stream.indirect.gather [hbm4b:s4+s13], $0x80, s1, s13, $0xb8;
	[tilespmem:$0x8100] =	vst v63  }
0x1e: {  	_ =	swait.ge [sflag:s16], $0x4000  }
0x1f: {  	[sflag:s16] =	ssyncset.done $0x0  }
0x20: {  	[sflag:s16] =	ssyncadd.s32 $0xFFFFC000  }
0x21: {  	_ =	swait.ge [sflag:s16], $0x4000  }
0x22: {  	[sflag:s16] =	ssyncset.done $0x0  }
0x23: {  	[sflag:s16] =	ssyncadd.s32 $0xFFFFC000  }
0x24: {  	[hbm4b:s10+s1] =	stream.linear.scatter [tilespmem:s14], [sflag:$0x2], $0x4000, $0x38;
	[tilespmem:$0x8100] =	vst v63  }
0x25: {  	p1 =	sne.s32 s18, $0x1;
	_ =	swait.ge [sflag:s12], $0x4000  }
.Ltmp1:
0x26: {  	[sflag:s12] =	ssyncset.done $0x0;
	(pc) =	sbr.rel @!p1 .LBB2_4-.Ltmp1, $4  }
0x27: {  	s20 =	sadd.s32 $0x1000, s9;
	s21 =	sadd.s32 $0xFFFFFFFF, s18;
	[sflag:s12] =	ssyncadd.s32 $0xFFFFC000  }
0x28: {  	[hbm4b:s11+s1] =	stream.linear.scatter [tilespmem:s15], [sflag:$0x2], $0x4000, $0x38;
	[tilespmem:$0x8100] =	vst v63  }
0x29: {  	s18 =	sadd.s32 $0x10000, s11;
	p0 =	por $0x1, $0x1;
	_ =	swait.ge [sflag:s12], $0x4000  }
0x2a: {  	s22 =	sshrl.u32 s20, $0x3;
	s19 =	smov.u32 s10;
	[sflag:s12] =	ssyncset.done $0x0  }
.LBB2_5:
0x2b: {  	s23 =	sadd.s32 s5, s22;
	[sflag:s12] =	ssyncadd.s32 $0xFFFFC000;
	s19 =	sadd.s32 $0x10000, s19  }
0x2c: {  	[tilespmem:s1], [sflag:$0x2] =	stream.linear.gather [hbm4b:s23+s1], $0x80, $0x38;
	[tilespmem:$0x8100] =	vst v63  }
0x2d: {  	p1 =	sne.s32 s21, $0x1;
	s21 =	sadd.s32 $0xFFFFFFFF, s21;
	_ =	swait.ge [sflag:s12], $0x80  }
0x2e: {  	[sflag:s12] =	ssyncset.done $0x0  }
0x2f: {  	s22 =	sadd.s32 s6, s22;
	[sflag:s12] =	ssyncadd.s32 $0xFFFFFF80  }
0x30: {  	[tilespmem:s13], [sflag:$0x2] =	stream.linear.gather [hbm4b:s22+s1], $0x80, $0x38;
	[tilespmem:$0x8100] =	vst v63  }
0x31: {  	_ =	swait.ge [sflag:s12], $0x80  }
0x32: {  	[sflag:s12] =	ssyncset.done $0x0  }
0x33: {  	[sflag:s12] =	ssyncadd.s32 $0xFFFFFF80  }
0x34: {  	[tilespmem:s14], [sflag:$0x1] =	stream.indirect.gather [hbm4b:s3+s13], $0x80, s13, s13, $0xb8;
	[tilespmem:$0x8100] =	vst v63  }
0x35: {  	_ = 	snop  }
0x36: {  	[tilespmem:s15], [sflag:$0x1] =	stream.indirect.gather [hbm4b:s4+s13], $0x80, s1, s13, $0xb8;
	[tilespmem:$0x8100] =	vst v63  }
0x37: {  	_ =	swait.ge [sflag:s16], $0x4000  }
0x38: {  	[sflag:s16] =	ssyncset.done $0x0  }
0x39: {  	[sflag:s16] =	ssyncadd.s32 $0xFFFFC000  }
0x3a: {  	_ =	swait.ge [sflag:s16], $0x4000  }
0x3b: {  	[sflag:s16] =	ssyncset.done $0x0  }
0x3c: {  	[sflag:s16] =	ssyncadd.s32 $0xFFFFC000  }
0x3d: {  	[hbm4b:s19+s1] =	stream.linear.scatter [tilespmem:s14], [sflag:$0x2], $0x4000, $0x38;
	[tilespmem:$0x8100] =	vst v63  }
0x3e: {  	_ =	swait.ge [sflag:s12], $0x4000  }
.Ltmp2:
0x3f: {  	[sflag:s12] =	ssyncset.done $0x0;
	(pc) =	sbr.rel @p1 .LBB2_5-.Ltmp2, $4  }
0x40: {  	[sflag:s12] =	ssyncadd.s32 $0xFFFFC000  }
0x41: {  	[hbm4b:s18+s1] =	stream.linear.scatter [tilespmem:s15], [sflag:$0x2], $0x4000, $0x38;
	[tilespmem:$0x8100] =	vst v63  }
0x42: {  	s20 =	sadd.s32 $0x1000, s20;
	_ =	swait.ge [sflag:s12], $0x4000  }
0x43: {  	s22 =	sshrl.u32 s20, $0x3;
	s18 =	sadd.s32 $0x10000, s18;
	[sflag:s12] =	ssyncset.done $0x0  }
.LBB2_6:
0x44: {  	s20 =	sadd.s32 s5, s22;
	[sflag:s12] =	ssyncadd.s32 @p0 $0xFFFFC000  }
0x45: {  	[tilespmem:s1], [sflag:$0x2] =	stream.linear.gather [hbm4b:s20+s1], $0x80, $0x38;
	[tilespmem:$0x8100] =	vst v63  }
0x46: {  	_ =	swait.ge [sflag:s12], $0x80  }
0x47: {  	[sflag:s12] =	ssyncset.done $0x0  }
0x48: {  	s31 =	sadd.s32 s6, s22;
	[sflag:s12] =	ssyncadd.s32 $0xFFFFFF80  }
0x49: {  	[tilespmem:s13], [sflag:$0x2] =	stream.linear.gather [hbm4b:s31+s1], $0x80, $0x38;
	[tilespmem:$0x8100] =	vst v63  }
0x4a: {  	_ =	swait.ge [sflag:s12], $0x80  }
0x4b: {  	[sflag:s12] =	ssyncset.done $0x0  }
0x4c: {  	[sflag:s12] =	ssyncadd.s32 $0xFFFFFF80  }
0x4d: {  	[tilespmem:s14], [sflag:$0x1] =	stream.indirect.gather [hbm4b:s3+s13], $0x80, s13, s13, $0xb8;
	[tilespmem:$0x8100] =	vst v63  }
0x4e: {  	_ = 	snop  }
0x4f: {  	[tilespmem:s15], [sflag:$0x1] =	stream.indirect.gather [hbm4b:s4+s13], $0x80, s1, s13, $0xb8;
	[tilespmem:$0x8100] =	vst v63  }
0x50: {  	_ =	swait.ge [sflag:s16], $0x4000  }
0x51: {  	[sflag:s16] =	ssyncset.done $0x0  }
0x52: {  	[sflag:s16] =	ssyncadd.s32 $0xFFFFC000  }
0x53: {  	_ =	swait.ge [sflag:s16], $0x4000  }
0x54: {  	s19 =	sadd.s32 @p0 $0x10000, s19;
	s20 =	smov.u32 s10;
	[sflag:s16] =	ssyncset.done $0x0  }
0x55: {  	s20 =	smov.u32 @p0 s19;
	[sflag:s16] =	ssyncadd.s32 $0xFFFFC000  }
0x56: {  	[hbm4b:s20+s1] =	stream.linear.scatter [tilespmem:s14], [sflag:$0x2], $0x4000, $0x38;
	[tilespmem:$0x8100] =	vst v63  }
0x57: {  	_ =	swait.ge [sflag:s12], $0x4000  }
0x58: {  	s17 =	sadd.s32 $0x1, s17;
	[sflag:s12] =	ssyncset.done $0x0  }
0x59: {  	p0 =	sne.s32 s17, s7;
	[sflag:s12] =	ssyncadd.s32 $0xFFFFC000  }
0x5a: {  	[hbm4b:s18+s1] =	stream.linear.scatter [tilespmem:s15], [sflag:$0x2], $0x4000, $0x38;
	[tilespmem:$0x8100] =	vst v63  }
.Ltmp3:
0x5b: {  	_ = 	snop;
	(pc) =	sbr.rel @p0 .LBB2_1-.Ltmp3, $4  }
.Ltmp4:
0x5c: {  	_ = 	snop;
	(pc) =	sbr.rel @!p0 .LBB2_7-.Ltmp4, $4  }
0x5d: {  	_ =	swait.ge [sflag:s12], $0x4000  }
0x5e: {  	[sflag:s12] =	ssyncset.done $0x0  }
0x5f: {  	[sflag:s12] =	ssyncadd.s32 $0xFFFFC000  }
0x60: {  	_ = 	snop  }
.LBB2_2:
.Ltmp5:
0x61: {  	(pc) =	sbr.rel .LBB2_6-.Ltmp5, $2  }
0x62: {  	_ =	sdelay $0x2  }
0x63: {  	s19 =	smov.u32 s10;
	s18 =	smov.u32 s11  }
.LBB2_4:
.Ltmp6:
0x64: {  	(pc) =	sbr.rel .LBB2_6-.Ltmp6, $2  }
0x65: {  	_ =	sdelay $0x2  }
0x66: {  	s19 =	smov.u32 s10  }
.LBB2_7:
0x67: {  	_ =	sfence.sel $0x180000  }
0x68: {  	[bflag:$0x0] =	sbarrier.arrive $0xFFFF  }
0x69: {  	p0 =	sne.s32 s2, $0x0;
	_ =	strace $0x90000050  }
0x6a: {  	s0 =	sadd.s32 @!p0 $0x100000, s0;
	[bflag:$0x2] =	sbarrier.arrive $0xFFFF  }
0x6b: {  	[sflag:s0] =	ssyncadd.tile.s32 @!p0 $0x1;
	_ =	shalt  }
.Lfunc_end2:
_tile_overlayer_lowered:
.L_overlay_start_2:
0x6c: {  	(tag) =	ssettag $0x2  }
0x6d: {  	s0 =	rddreg [dreg:$0x0];
	s2 =	stileid.u32  }
0x6e: {  	s1 =	rddreg [dreg:$0x1];
	p0 =	sne.s32 s2, $0x0  }
0x6f: {  	s3 =	rddreg [dreg:$0x2];
	[bflag:$0x3] =	sbarrier.arrive $0xFFFF;
	s2 =	simm.s32 @!p0 $0x1C02  }
0x70: {  	[timem:s3], [sflag:s2] =	dma.local @!p0 [hbm:s0], s1  }
0x71: {  	s0 =	simm.s32 @!p0 $0x2  }
0x72: {  	_ =	swait.ge @!p0 [sflag:s0], s1  }
0x73: {  	s1 =	ssub.s32 @!p0 $0x0, s1;
	[sflag:s0] =	ssyncset.done @!p0 $0x0  }
0x74: {  	[sflag:s0] =	ssyncadd.s32 @!p0 s1  }
0x75: {  	[bflag:$0x3] =	sbarrier.arrive $0xFFFF  }
0x76: {  	_ =	shalt  }

// kernel: kernel.27.cloned.1.call-start
scs
__scs_entry_jumppad:
0x0: {  	(pc) =	sbr.rel $0x88, $3  }
0x1: {  	(tag) =	ssettag $0x0;
	lr =	simm.s32 $0x1  }
0x2: {  	[smem:$0x3F8A] =	sst lr;
	_ =	strace $0xD0000000  }
0x3: {  	_ = 	snop  }
0x4: {  	_ = 	snop  }
0x5: {  	_ = 	snop  }
0x6: {  	_ = 	snop  }
0x7: {  	_ = 	snop  }
__scs_overlays_trampoline_lowered:
0x8: {  	[smem:$0x3F99] =	sst s0  }
0x9: {  	[smem:$0x3F9A] =	sst s1  }
0xa: {  	[smem:$0x3F9B] =	sst s2  }
0xb: {  	[smem:$0x3F9C] =	sst s3  }
0xc: {  	[smem:$0x3F9D] =	sst s4  }
0xd: {  	[smem:$0x3F9E] =	sst s5  }
0xe: {  	[smem:$0x3F9F] =	sst s6  }
0xf: {  	[smem:$0x3FA0] =	sst s7  }
0x10: {  	[smem:$0x3FA1] =	sst s8  }
0x11: {  	[smem:$0x3FA2] =	sst s9;
	s0 =	simm.s32 @!p0 $0x0  }
0x12: {  	s1 =	sld [smem:$0x3F88];
	s0 =	simm.s32 @p0 $0x1  }
0x13: {  	[smem:$0x3FA3] =	sst s0;
	s0 =	simm.s32 @!p1 $0x0  }
0x14: {  	s2 =	sld [smem:$0x3F87];
	s0 =	simm.s32 @p1 $0x1  }
0x15: {  	[smem:$0x3FA4] =	sst s0;
	s0 =	simm.s32 @!p2 $0x0  }
0x16: {  	s3 =	sld [smem:$0x3FDB];
	s0 =	simm.s32 @p2 $0x1  }
0x17: {  	s4 =	simm.s32 $0x1BF5;
	[smem:$0x3FA6] =	sst s0  }
0x18: {  	s0 =	sld [smem:$0x3F89];
	_ =	swait.ge [sflag:s4], $0x0  }
0x19: {  	s7 =	sld [smem:$0x3F8A]  }
0x1a: {  	s8 =	sadd.s32 $0xFFFFE003, lr  }
0x1b: {  	s9 =	sadd.s32 $0xFFFFFEF7, lr;
	s5 =	simm.s32 $0xFFFFFFFF;
	p2 =	slt.u32 s8, $0xFFFFF086  }
0x1c: {  	p1 =	slt.u32 s9, $0xF7A;
	s5 =	simm.s32 @!p2 $0x0  }
0x1d: {  	s5 =	simm.s32 @p1 $0x1;
	p0 =	seq.s32 s7, s2  }
0x1e: {  	s7 =	smul.u32 @!p0 $0xF7A, s2;
	p2 =	seq.s32 @!p0 s5, $0x0  }
0x1f: {  	s9 =	smul.u32 $0xF7A, s1;
	s8 =	simm.s32 @!p0 $0x1BF5;
	p2 =	por !p2, p0  }
0x20: {  	[sflag:s8] =	ssyncset.s32 @!p0 $0xFFFFF086;
	s6 =	sadd.s32 @!p0 s3, s7;
	s7 =	simm.s32 @!p0 $0x108  }
0x21: {  	s3 =	sadd.s32 s3, s9;
	s6 =	sadd.s32 @!p0 $0x88, s6;
	s7 =	simm.s32 @p2 $0x1082  }
0x22: {  	[simem:s7], [sflag:s8] =	dma.local @!p0 [hbm:s6], $0xF7A  }
0x23: {  	s9 =	sor.u32 $0xD0000000, s2;
	s6 =	simm.s32 $0x108;
	_ =	swait.ge @!p0 [sflag:s8], $0x0  }
0x24: {  	s3 =	sadd.s32 $0x88, s3;
	s6 =	simm.s32 @!p1 $0x1082;
	[sflag:s4] =	ssyncset.s32 $0xFFFFF086  }
0x25: {  	[simem:s6], [sflag:s4] =	dma.local [hbm:s3], $0xF7A  }
0x26: {  	[smem:$0x3F8A] =	sst s1;
	(tag) =	ssettag s2;
	_ =	strace s9  }
0x27: {  	s1 =	sld [smem:$0x3F9A]  }
0x28: {  	s2 =	sld [smem:$0x3F9B]  }
0x29: {  	s4 =	sld [smem:$0x3F9D]  }
0x2a: {  	p0 =	seq.s32 s5, $0x0;
	s5 =	sld [smem:$0x3F9E]  }
0x2b: {  	s6 =	sld [smem:$0x3F9F]  }
0x2c: {  	s7 =	sld [smem:$0x3FA0]  }
0x2d: {  	s3 =	simm.s32 $0x108;
	s8 =	sld [smem:$0x3FA1]  }
0x2e: {  	s3 =	simm.s32 @!p0 $0x1082;
	s9 =	sld [smem:$0x3FA2]  }
0x2f: {  	lr =	sadd.s32 s0, s3;
	s0 =	sld [smem:$0x3F99]  }
0x30: {  	s3 =	sld [smem:$0x3F9C]  }
0x31: {  	[smem:$0x3FA5] =	sst s10  }
0x32: {  	s10 =	sld [smem:$0x3FA3];
	_ =	sdelay $0x3  }
0x33: {  	p0 =	seq.s32 s10, $0x1;
	s10 =	sld [smem:$0x3FA5];
	_ =	sdelay $0x3  }
0x34: {  	[smem:$0x3FA5] =	sst s10  }
0x35: {  	s10 =	sld [smem:$0x3FA4];
	_ =	sdelay $0x3  }
0x36: {  	p1 =	seq.s32 s10, $0x1;
	s10 =	sld [smem:$0x3FA5];
	_ =	sdelay $0x3  }
0x37: {  	[smem:$0x3FA5] =	sst s10  }
0x38: {  	s10 =	sld [smem:$0x3FA6]  }
0x39: {  	_ = 	snop;
	(pc) =	sbr.ind lr, $3  }
0x3a: {  	_ = 	snop  }
0x3b: {  	_ = 	snop  }
0x3c: {  	p2 =	seq.s32 s10, $0x1;
	s10 =	sld [smem:$0x3FA5]  }
0x3d: {  	_ =	shalt  }
0x3e: {  	_ =	shalt  }
0x3f: {  	_ =	shalt  }
0x40: {  	_ =	shalt  }
0x41: {  	_ =	shalt  }
0x42: {  	_ =	shalt  }
0x43: {  	_ =	shalt  }
0x44: {  	_ =	shalt  }
0x45: {  	_ =	shalt  }
0x46: {  	_ =	shalt  }
0x47: {  	_ =	shalt  }
0x48: {  	_ =	shalt  }
0x49: {  	_ =	shalt  }
0x4a: {  	_ =	shalt  }
0x4b: {  	_ =	shalt  }
0x4c: {  	_ =	shalt  }
0x4d: {  	_ =	shalt  }
0x4e: {  	_ =	shalt  }
0x4f: {  	_ =	shalt  }
0x50: {  	_ =	shalt  }
0x51: {  	_ =	shalt  }
0x52: {  	_ =	shalt  }
0x53: {  	_ =	shalt  }
0x54: {  	_ =	shalt  }
0x55: {  	_ =	shalt  }
0x56: {  	_ =	shalt  }
0x57: {  	_ =	shalt  }
0x58: {  	_ =	shalt  }
0x59: {  	_ =	shalt  }
0x5a: {  	_ =	shalt  }
0x5b: {  	_ =	shalt  }
0x5c: {  	_ =	shalt  }
0x5d: {  	_ =	shalt  }
0x5e: {  	_ =	shalt  }
0x5f: {  	_ =	shalt  }
0x60: {  	_ =	shalt  }
0x61: {  	_ =	shalt  }
0x62: {  	_ =	shalt  }
0x63: {  	_ =	shalt  }
0x64: {  	_ =	shalt  }
0x65: {  	_ =	shalt  }
0x66: {  	_ =	shalt  }
0x67: {  	_ =	shalt  }
0x68: {  	_ =	shalt  }
0x69: {  	_ =	shalt  }
0x6a: {  	_ =	shalt  }
0x6b: {  	_ =	shalt  }
0x6c: {  	_ =	shalt  }
0x6d: {  	_ =	shalt  }
0x6e: {  	_ =	shalt  }
0x6f: {  	_ =	shalt  }
0x70: {  	_ =	shalt  }
0x71: {  	_ =	shalt  }
0x72: {  	_ =	shalt  }
0x73: {  	_ =	shalt  }
0x74: {  	_ =	shalt  }
0x75: {  	_ =	shalt  }
0x76: {  	_ =	shalt  }
0x77: {  	_ =	shalt  }
0x78: {  	_ =	shalt  }
0x79: {  	_ =	shalt  }
0x7a: {  	_ =	shalt  }
0x7b: {  	_ =	shalt  }
0x7c: {  	_ =	shalt  }
0x7d: {  	_ =	shalt  }
0x7e: {  	_ =	shalt  }
0x7f: {  	_ =	shalt  }
0x80: {  	_ =	shalt  }
0x81: {  	_ =	shalt  }
0x82: {  	_ =	shalt  }
0x83: {  	_ =	shalt  }
0x84: {  	_ =	shalt  }
0x85: {  	_ =	shalt  }
0x86: {  	_ =	shalt  }
0x87: {  	_ =	shalt  }
.Lfunc_end0:
.L_simem_size_0:
called_computation.4_lowered:
.L_overlay_start_0:
0x88: {  	s2 =	sld [smem:$0x3FD9]  }
0x89: {  	s3 =	sld [smem:$0x3FFE];
	_ =	sdelay $0x1  }
0x8a: {  	s1 =	srdreg.scid  }
0x8b: {  	s0 =	sand.u32 $0x1, s1  }
0x8c: {  	s17 =	sshll.u32 s0, $0xA;
	s2 =	sadd.s32 s3, s2  }
0x8d: {  	s2 =	sadd.s32 s2, s17  }
0x8e: {  	[smem:$0x3FB1] =	sst s2  }
0x8f: {  	_ = 	snop  }
0x90: {  	(tm) =	ssettm $0x1  }
0x91: {  	s18 =	sld [smem:$0x3FFB];
	_ =	sdelay $0x3  }
0x92: {  	_ =	strace s18  }
0x93: {  	s2 =	sld [smem:$0x3FFC];
	_ =	sdelay $0x3  }
0x94: {  	_ =	strace s2  }
0x95: {  	s2 =	sld [smem:$0x3FFD];
	_ =	sdelay $0x3  }
0x96: {  	_ =	strace s2  }
0x97: {  	_ =	strace $0x8FFFFFFF  }
0x98: {  	s19 =	sld [smem:$0x3FDB];
	_ =	sdelay $0x1  }
0x99: {  	s20 =	simm.s32 $_scs_section_size  }
0x9a: {  	s4 =	simm.s32 $_size__tile_overlayer_lowered;
	s5 =	simm.s32 $_tile_overlayer_lowered  }
0x9b: {  	s6 =	simm.s32 $0x1BFF;
	s21 =	sshll.u32 s5, $0x1;
	s3 =	sadd.s32 s20, s19  }
0x9c: {  	s22 =	simm.s32 $0x0;
	s4 =	sshll.u32 s4, $0x1;
	s5 =	sadd.s32 s21, s3  }
0x9d: {  	[timem:s22], [sflag:s6] =	dma.local [hbm:s5], s4  }
0x9e: {  	_ =	swait.ge [sflag:s6], s4  }
0x9f: {  	s4 =	ssub.s32 $0x0, s4;
	[sflag:s6] =	ssyncset.done $0x0  }
0xa0: {  	[sflag:s6] =	ssyncadd.s32 s4;
	_ =	sdelay $0x1  }
0xa1: {  	s23 =	simm.s32 $0x1B8B  }
0xa2: {  	_ =	swait.ge [sflag:s23], $0x1  }
0xa3: {  	[sflag:s23] =	ssyncset.done $0x0  }
0xa4: {  	[sflag:s23] =	ssyncadd.s32 $0xFFFFFFFF  }
0xa5: {  	s4 =	sld [smem:$0x0]  }
0xa6: {  	s5 =	sand.u32 $0xFFFFFFFE, s1  }
0xa7: {  	p0 =	sne.s32 s1, s5  }
0xa8: {  	s5 =	sshll.u32 @p0 s5, $0xE  }
0xa9: {  	s5 =	sadd.s32 @p0 $0x11B8D, s5;
	s6 =	sshll.u32 @p0 s4, $0x11  }
0xaa: {  	s5 =	sor.u32 @p0 s6, s5  }
0xab: {  	[sflag:s5] =	ssyncadd.remote.s32 @p0 $0x1;
	_ =	sdelay $0x1  }
0xac: {  	s5 =	simm.s32 @p0 $0x1B8D  }
0xad: {  	_ =	swait.eq @p0 [sflag:s5], $0x1  }
0xae: {  	[sflag:s5] =	ssyncadd.s32 @p0 $0xFFFFFFFF  }
0xaf: {  	s6 =	sshll.u32 @!p0 s1, $0xE  }
0xb0: {  	s6 =	sor.u32 @!p0 $0x4000, s6;
	s5 =	simm.s32 @!p0 $0x1B8D  }
0xb1: {  	s4 =	sshll.u32 @!p0 s4, $0x11;
	s6 =	sadd.s32 @!p0 $0x11B8D, s6;
	_ =	swait.eq @!p0 [sflag:s5], $0x1  }
0xb2: {  	s4 =	sor.u32 @!p0 s4, s6;
	[sflag:s5] =	ssyncadd.s32 @!p0 $0xFFFFFFFF  }
0xb3: {  	s25 =	simm.s32 $0x1B8E;
	s24 =	sld [smem:$0x3FFE];
	[sflag:s4] =	ssyncadd.remote.s32 @!p0 $0x1  }
0xb4: {  	s26 =	simm.s32 $execute0_lowered;
	[smem:$0x3FD2] =	sst s25  }
0xb5: {  	s5 =	sshll.u32 s26, $0x1;
	_ =	strace $0x80000055;
	[dreg:$0x1] =	wrdreg $0xFFFFFFFF  }
0xb6: {  	s28 =	simm.s32 $_size_execute0_lowered;
	s3 =	sadd.s32 s3, s5;
	[dreg:$0x0] =	wrdreg $0x0  }
0xb7: {  	s5 =	sshll.u32 s28, $0x1;
	[dreg:$0x2] =	wrdreg s3  }
0xb8: {  	[dreg:$0x3] =	wrdreg s5  }
0xb9: {  	[dreg:$0x4] =	wrdreg $0xC0  }
0xba: {  	_ =	task [dreg:s22], $0x5FFFF  }
0xbb: {  	[dreg:$0x1] =	wrdreg $0xFFFFFFFF  }
0xbc: {  	[dreg:$0x0] =	wrdreg $0x60  }
0xbd: {  	[dreg:$0x2] =	wrdreg s24  }
0xbe: {  	[dreg:$0x3] =	wrdreg $0x41000  }
0xbf: {  	[dreg:$0x4] =	wrdreg $0x9  }
0xc0: {  	_ =	task.clear_ibuf [dreg:s22], $0x5FFFF;
	_ =	strace $0x90000055  }
0xc1: {  	s29 =	simm.s32 $0x9;
	_ =	strace $0x80000057  }
0xc2: {  	_ =	swait.ge [sflag:s29], $0x1  }
0xc3: {  	[sflag:s29] =	ssyncadd.s32 $0xFFFFFFFF  }
0xc4: {  	_ =	strace $0x90000057  }
0xc5: {  	_ =	sfence  }
0xc6: {  	s30 =	sld [smem:$0x0];
	_ =	sdelay $0x2  }
0xc7: {  	s31 =	sshll.u32 s1, $0xD;
	s1 =	sshrl.u32 s1, $0x2  }
0xc8: {  	s4 =	sand.u32 $0x4000, s31;
	s1 =	sadd.s32 s1, s30  }
0xc9: {  	s0 =	sor.u32 s4, s0;
	s1 =	sshll.u32 s1, $0x11  }
0xca: {  	s0 =	sor.u32 s1, s0  }
0xcb: {  	s0 =	sadd.s32 $0x8F2B, s0  }
0xcc: {  	[sflag:s0] =	ssyncadd.remote.s32 $0x1  }
0xcd: {  	_ =	sfence.sel $0xFFFF  }
0xce: {  	[dreg:$0x0] =	wrdreg $0xFFFFFFFF;
	(pc) =	sbr.abs _section_cstart, $3  }
0xcf: {  	[dreg:$0x1] =	wrdreg $0xFFFFFFFF  }
0xd0: {  	_ =	task.clear_ibuf [dreg:s22], $0x2FFFF;
	_ =	strace $0x9FFFFFFF  }
0xd1: {  	(tm) =	ssettm $0x7FFFFFFF  }
tec
execute0_lowered:
.L_overlay_start_1:
0x0: {  	(tag) =	ssettag $0x1  }
0x1: {  	s7 =	rddreg [dreg:$0x0]  }
0x2: {  	s2 =	rddreg [dreg:$0x1]  }
0x3: {  	s0 =	rddreg [dreg:$0x2];
	s1 =	stileid.u32  }
0x4: {  	s4 =	srdreg.scid;
	s3 =	simm.s32 $0x0;
	s14 =	simm.s32 $0x80  }
0x5: {  	s15 =	simm.s32 $0x0;
	s5 =	sand.u32 $0x1, s4;
	s6 =	smul.u32 $0x3100, s1  }
0x6: {  	[smem:$0x7FF] =	sst s3;
	s26 =	sshll.u32 s1, $0x4;
	s9 =	smul.u32 $0x62000, s1  }
0x7: {  	s4 =	sadd.s32 $0x5000, s7;
	s30 =	sshll.u32 s1, $0x6;
	s31 =	ssub.s32 $0x1879, s1  }
0x8: {  	s13 =	sshll.u32 s1, $0xB;
	s8 =	smul.u32 $0x31000, s5;
	_ =	strace $0x80000056  }
0x9: {  	s10 =	sadd.s32 s26, s7;
	s11 =	ssub.s32 $0x2, s5;
	p0 =	seq.s32 s5, $0x1  }
0xa: {  	s5 =	sor.u32 $0x1C01, s30;
	s28 =	sshrl.u32 s11, $0x1;
	s9 =	sshrl.u32 s9, $0x2  }
0xb: {  	s10 =	sadd.s32 $0x36000, s10;
	s6 =	sadd.s32 s6, s8;
	s8 =	ssub.s32 s11, s28  }
0xc: {  	s29 =	sadd.s32 s9, s2;
	s9 =	simm.s32 $0x580BA00;
	s12 =	sadd.s32 s6, s7  }
0xd: {  	s9 =	simm.s32 @!p0 $0x4BD6A00;
	s6 =	sshrl.u32 s31, $0x4;
	s8 =	smax.u32 s8, $0x1  }
0xe: {  	s11 =	sshrl.u32 s29, $0x3;
	s9 =	sadd.s32 s9, s7;
	s7 =	sadd.s32 $0x4E800, s12  }
0xf: {  	s12 =	simm.s32 $0x1;
	s9 =	sadd.s32 s13, s9;
	s13 =	simm.s32 $0x100  }
.LBB2_1:
0x10: {  	[spmem:s11], [sflag:s5] =	dma.local [hbm:s4], $0x3100  }
0x11: {  	_ =	swait.ge [sflag:s12], $0x3100  }
0x12: {  	[sflag:s12] =	ssyncset.done $0x0  }
0x13: {  	[sflag:s12] =	ssyncadd.s32 $0xFFFFCF00  }
0x14: {  	[bflag:$0x0] =	sbarrier.arrive $0xFFFF  }
0x15: {  	[tilespmem:s3], [sflag:$0x1] =	stream.linear.gather [hbm4b:s10+s3], $0x80, $0x38;
	[tilespmem:$0x1C900] =	vst v63  }
0x16: {  	_ =	swait.ge [sflag:s12], $0x80  }
0x17: {  	[sflag:s12] =	ssyncset.done $0x0  }
0x18: {  	[sflag:s12] =	ssyncadd.s32 $0xFFFFFF80  }
0x19: {  	v0 =	vld [tilespmem:$0x70]  }
0x1a: {  	v1 =	vld [tilespmem:$0x60]  }
0x1b: {  	v2 =	vld [tilespmem:$0x50]  }
0x1c: {  	v3 =	vld [tilespmem:$0x30]  }
0x1d: {  	v4 =	vld [tilespmem:$0x20]  }
0x1e: {  	v5 =	vld [tilespmem:$0x10];
	v0 =	vshrl.u32 v0, $0x2  }
0x1f: {  	v6 =	vld [tilespmem:$0x40];
	v1 =	vshrl.u32 v1, $0x2;
	[tilespmem:$0xF0] =	vst v0  }
0x20: {  	v59 =	vld [tilespmem:$0x0];
	v2 =	vshrl.u32 v2, $0x2;
	[tilespmem:$0xE0] =	vst v1  }
0x21: {  	p0 =	sne.s32 s6, $0x1;
	v60 =	vshrl.u32 v3, $0x2;
	[tilespmem:$0xD0] =	vst v2  }
.Ltmp0:
0x22: {  	v61 =	vshrl.u32 v4, $0x2;
	[tilespmem:$0xB0] =	vst v60;
	(pc) =	sbr.rel @!p0 .LBB2_3-.Ltmp0, $4  }
0x23: {  	v62 =	vshrl.u32 v5, $0x2;
	[tilespmem:$0xA0] =	vst v61  }
0x24: {  	v63 =	vshrl.u32 v6, $0x2;
	[tilespmem:$0x90] =	vst v62  }
0x25: {  	s16 =	sadd.s32 $0xFFFFFFFF, s6;
	v0 =	vshrl.u32 v59, $0x2;
	[tilespmem:$0xC0] =	vst v63  }
0x26: {  	s17 =	sadd.s32 $0x8000, s9;
	s18 =	sadd.s32 $0x100, s10;
	s19 =	smov.u32 s9;
	[tilespmem:$0x80] =	vst v0  }
.LBB2_2:
0x27: {  	[tilespmem:s13], [sflag:$0x1] =	stream.linear.gather [hbm4b:s19+s3], $0x4000, $0x38;
	[tilespmem:$0x1C900] =	vst v63  }
0x28: {  	p0 =	sne.s32 s16, $0x1;
	s16 =	sadd.s32 $0xFFFFFFFF, s16;
	_ =	swait.ge [sflag:s12], $0x4000  }
0x29: {  	s19 =	smov.u32 s17;
	[sflag:s12] =	ssyncset.done $0x0  }
0x2a: {  	[sflag:s12] =	ssyncadd.s32 $0xFFFFC000  }
0x2b: {  	[spmem:s2] =	stream.indirect.scatter.add.f32 [tilespmem:s13], [sflag:$0x1], $0x80, s14, s14, $0xb8;
	[tilespmem:$0x1C900] =	vst v63  }
0x2c: {  	_ =	swait.ge [sflag:s12], $0x4000  }
0x2d: {  	[sflag:s12] =	ssyncset.done $0x0  }
0x2e: {  	[sflag:s12] =	ssyncadd.s32 $0xFFFFC000  }
0x2f: {  	[tilespmem:s3], [sflag:$0x1] =	stream.linear.gather [hbm4b:s18+s3], $0x80, $0x38;
	[tilespmem:$0x1C900] =	vst v63  }
0x30: {  	_ =	swait.ge [sflag:s12], $0x80  }
0x31: {  	[sflag:s12] =	ssyncset.done $0x0  }
0x32: {  	[sflag:s12] =	ssyncadd.s32 $0xFFFFFF80  }
0x33: {  	v0 =	vld [tilespmem:$0x70]  }
0x34: {  	v1 =	vld [tilespmem:$0x60]  }
0x35: {  	v2 =	vld [tilespmem:$0x50]  }
0x36: {  	v3 =	vld [tilespmem:$0x30]  }
0x37: {  	v4 =	vld [tilespmem:$0x20]  }
0x38: {  	v5 =	vld [tilespmem:$0x10];
	v0 =	vshrl.u32 v0, $0x2  }
0x39: {  	v6 =	vld [tilespmem:$0x40];
	v1 =	vshrl.u32 v1, $0x2;
	[tilespmem:$0xF0] =	vst v0  }
0x3a: {  	v0 =	vld [tilespmem:$0x0];
	v2 =	vshrl.u32 v2, $0x2;
	[tilespmem:$0xE0] =	vst v1  }
0x3b: {  	v1 =	vshrl.u32 v3, $0x2;
	[tilespmem:$0xD0] =	vst v2  }
.Ltmp1:
0x3c: {  	v2 =	vshrl.u32 v4, $0x2;
	[tilespmem:$0xB0] =	vst v1;
	(pc) =	sbr.rel @p0 .LBB2_2-.Ltmp1, $4  }
0x3d: {  	v1 =	vshrl.u32 v5, $0x2;
	[tilespmem:$0xA0] =	vst v2  }
0x3e: {  	[tilespmem:$0x90] =	vst v1;
	v1 =	vshrl.u32 v6, $0x2  }
0x3f: {  	v0 =	vshrl.u32 v0, $0x2;
	[tilespmem:$0xC0] =	vst v1  }
0x40: {  	s17 =	sadd.s32 $0x8000, s17;
	s18 =	sadd.s32 $0x100, s18;
	[tilespmem:$0x80] =	vst v0  }
.LBB2_3:
0x41: {  	[tilespmem:s13], [sflag:$0x1] =	stream.linear.gather [hbm4b:s19+s3], $0x4000, $0x38;
	[tilespmem:$0x1C900] =	vst v63  }
0x42: {  	_ =	swait.ge [sflag:s12], $0x4000  }
0x43: {  	[sflag:s12] =	ssyncset.done $0x0  }
0x44: {  	[sflag:s12] =	ssyncadd.s32 $0xFFFFC000  }
0x45: {  	[spmem:s2] =	stream.indirect.scatter.add.f32 [tilespmem:s13], [sflag:$0x1], $0x80, s14, s14, $0xb8;
	[tilespmem:$0x1C900] =	vst v63  }
0x46: {  	_ =	swait.ge [sflag:s12], $0x4000  }
0x47: {  	s15 =	sadd.s32 $0x1, s15;
	[sflag:s12] =	ssyncset.done $0x0  }
0x48: {  	p0 =	sne.s32 s15, s8;
	[sflag:s12] =	ssyncadd.s32 $0xFFFFC000  }
.Ltmp2:
0x49: {  	[bflag:$0x0] =	sbarrier.arrive $0xFFFF;
	(pc) =	sbr.rel @p0 .LBB2_1-.Ltmp2, $4  }
0x4a: {  	[hbm:s7], [sflag:s5] =	dma.local [spmem:s11], $0x3100  }
0x4b: {  	_ =	swait.ge [sflag:s12], $0x3100  }
0x4c: {  	[sflag:s12] =	ssyncset.done $0x0  }
0x4d: {  	[sflag:s12] =	ssyncadd.s32 $0xFFFFCF00  }
0x4e: {  	_ =	sfence.sel $0x180000  }
0x4f: {  	[bflag:$0x0] =	sbarrier.arrive $0xFFFF  }
0x50: {  	p0 =	sne.s32 s1, $0x0;
	_ =	strace $0x90000056  }
0x51: {  	s0 =	sadd.s32 @!p0 $0x100000, s0;
	[bflag:$0x2] =	sbarrier.arrive $0xFFFF  }
0x52: {  	[sflag:s0] =	ssyncadd.tile.s32 @!p0 $0x1;
	_ =	shalt  }
.Lfunc_end2:
_tile_overlayer_lowered:
.L_overlay_start_2:
0x53: {  	(tag) =	ssettag $0x2  }
0x54: {  	s0 =	rddreg [dreg:$0x0];
	s2 =	stileid.u32  }
0x55: {  	s1 =	rddreg [dreg:$0x1];
	p0 =	sne.s32 s2, $0x0  }
0x56: {  	s3 =	rddreg [dreg:$0x2];
	[bflag:$0x3] =	sbarrier.arrive $0xFFFF;
	s2 =	simm.s32 @!p0 $0x1C01  }
0x57: {  	[timem:s3], [sflag:s2] =	dma.local @!p0 [hbm:s0], s1  }
0x58: {  	s0 =	simm.s32 @!p0 $0x1  }
0x59: {  	_ =	swait.ge @!p0 [sflag:s0], s1  }
0x5a: {  	s1 =	ssub.s32 @!p0 $0x0, s1;
	[sflag:s0] =	ssyncset.done @!p0 $0x0  }
0x5b: {  	[sflag:s0] =	ssyncadd.s32 @!p0 s1  }
0x5c: {  	[bflag:$0x3] =	sbarrier.arrive $0xFFFF  }
0x5d: {  	_ =	shalt  }

// kernel: kernel.30.cloned.1.call-start
scs
__scs_entry_jumppad:
0x0: {  	(pc) =	sbr.rel $0x88, $3  }
0x1: {  	(tag) =	ssettag $0x0;
	lr =	simm.s32 $0x1  }
0x2: {  	[smem:$0x3F8A] =	sst lr;
	_ =	strace $0xD0000000  }
0x3: {  	_ = 	snop  }
0x4: {  	_ = 	snop  }
0x5: {  	_ = 	snop  }
0x6: {  	_ = 	snop  }
0x7: {  	_ = 	snop  }
__scs_overlays_trampoline_lowered:
0x8: {  	[smem:$0x3F99] =	sst s0  }
0x9: {  	[smem:$0x3F9A] =	sst s1  }
0xa: {  	[smem:$0x3F9B] =	sst s2  }
0xb: {  	[smem:$0x3F9C] =	sst s3  }
0xc: {  	[smem:$0x3F9D] =	sst s4  }
0xd: {  	[smem:$0x3F9E] =	sst s5  }
0xe: {  	[smem:$0x3F9F] =	sst s6  }
0xf: {  	[smem:$0x3FA0] =	sst s7  }
0x10: {  	[smem:$0x3FA1] =	sst s8  }
0x11: {  	[smem:$0x3FA2] =	sst s9;
	s0 =	simm.s32 @!p0 $0x0  }
0x12: {  	s1 =	sld [smem:$0x3F88];
	s0 =	simm.s32 @p0 $0x1  }
0x13: {  	[smem:$0x3FA3] =	sst s0;
	s0 =	simm.s32 @!p1 $0x0  }
0x14: {  	s2 =	sld [smem:$0x3F87];
	s0 =	simm.s32 @p1 $0x1  }
0x15: {  	[smem:$0x3FA4] =	sst s0;
	s0 =	simm.s32 @!p2 $0x0  }
0x16: {  	s3 =	sld [smem:$0x3FDB];
	s0 =	simm.s32 @p2 $0x1  }
0x17: {  	s4 =	simm.s32 $0x1BF5;
	[smem:$0x3FA6] =	sst s0  }
0x18: {  	s0 =	sld [smem:$0x3F89];
	_ =	swait.ge [sflag:s4], $0x0  }
0x19: {  	s7 =	sld [smem:$0x3F8A]  }
0x1a: {  	s8 =	sadd.s32 $0xFFFFE003, lr  }
0x1b: {  	s9 =	sadd.s32 $0xFFFFFEF7, lr;
	s5 =	simm.s32 $0xFFFFFFFF;
	p2 =	slt.u32 s8, $0xFFFFF086  }
0x1c: {  	p1 =	slt.u32 s9, $0xF7A;
	s5 =	simm.s32 @!p2 $0x0  }
0x1d: {  	s5 =	simm.s32 @p1 $0x1;
	p0 =	seq.s32 s7, s2  }
0x1e: {  	s7 =	smul.u32 @!p0 $0xF7A, s2;
	p2 =	seq.s32 @!p0 s5, $0x0  }
0x1f: {  	s9 =	smul.u32 $0xF7A, s1;
	s8 =	simm.s32 @!p0 $0x1BF5;
	p2 =	por !p2, p0  }
0x20: {  	[sflag:s8] =	ssyncset.s32 @!p0 $0xFFFFF086;
	s6 =	sadd.s32 @!p0 s3, s7;
	s7 =	simm.s32 @!p0 $0x108  }
0x21: {  	s3 =	sadd.s32 s3, s9;
	s6 =	sadd.s32 @!p0 $0x88, s6;
	s7 =	simm.s32 @p2 $0x1082  }
0x22: {  	[simem:s7], [sflag:s8] =	dma.local @!p0 [hbm:s6], $0xF7A  }
0x23: {  	s9 =	sor.u32 $0xD0000000, s2;
	s6 =	simm.s32 $0x108;
	_ =	swait.ge @!p0 [sflag:s8], $0x0  }
0x24: {  	s3 =	sadd.s32 $0x88, s3;
	s6 =	simm.s32 @!p1 $0x1082;
	[sflag:s4] =	ssyncset.s32 $0xFFFFF086  }
0x25: {  	[simem:s6], [sflag:s4] =	dma.local [hbm:s3], $0xF7A  }
0x26: {  	[smem:$0x3F8A] =	sst s1;
	(tag) =	ssettag s2;
	_ =	strace s9  }
0x27: {  	s1 =	sld [smem:$0x3F9A]  }
0x28: {  	s2 =	sld [smem:$0x3F9B]  }
0x29: {  	s4 =	sld [smem:$0x3F9D]  }
0x2a: {  	p0 =	seq.s32 s5, $0x0;
	s5 =	sld [smem:$0x3F9E]  }
0x2b: {  	s6 =	sld [smem:$0x3F9F]  }
0x2c: {  	s7 =	sld [smem:$0x3FA0]  }
0x2d: {  	s3 =	simm.s32 $0x108;
	s8 =	sld [smem:$0x3FA1]  }
0x2e: {  	s3 =	simm.s32 @!p0 $0x1082;
	s9 =	sld [smem:$0x3FA2]  }
0x2f: {  	lr =	sadd.s32 s0, s3;
	s0 =	sld [smem:$0x3F99]  }
0x30: {  	s3 =	sld [smem:$0x3F9C]  }
0x31: {  	[smem:$0x3FA5] =	sst s10  }
0x32: {  	s10 =	sld [smem:$0x3FA3];
	_ =	sdelay $0x3  }
0x33: {  	p0 =	seq.s32 s10, $0x1;
	s10 =	sld [smem:$0x3FA5];
	_ =	sdelay $0x3  }
0x34: {  	[smem:$0x3FA5] =	sst s10  }
0x35: {  	s10 =	sld [smem:$0x3FA4];
	_ =	sdelay $0x3  }
0x36: {  	p1 =	seq.s32 s10, $0x1;
	s10 =	sld [smem:$0x3FA5];
	_ =	sdelay $0x3  }
0x37: {  	[smem:$0x3FA5] =	sst s10  }
0x38: {  	s10 =	sld [smem:$0x3FA6]  }
0x39: {  	_ = 	snop;
	(pc) =	sbr.ind lr, $3  }
0x3a: {  	_ = 	snop  }
0x3b: {  	_ = 	snop  }
0x3c: {  	p2 =	seq.s32 s10, $0x1;
	s10 =	sld [smem:$0x3FA5]  }
0x3d: {  	_ =	shalt  }
0x3e: {  	_ =	shalt  }
0x3f: {  	_ =	shalt  }
0x40: {  	_ =	shalt  }
0x41: {  	_ =	shalt  }
0x42: {  	_ =	shalt  }
0x43: {  	_ =	shalt  }
0x44: {  	_ =	shalt  }
0x45: {  	_ =	shalt  }
0x46: {  	_ =	shalt  }
0x47: {  	_ =	shalt  }
0x48: {  	_ =	shalt  }
0x49: {  	_ =	shalt  }
0x4a: {  	_ =	shalt  }
0x4b: {  	_ =	shalt  }
0x4c: {  	_ =	shalt  }
0x4d: {  	_ =	shalt  }
0x4e: {  	_ =	shalt  }
0x4f: {  	_ =	shalt  }
0x50: {  	_ =	shalt  }
0x51: {  	_ =	shalt  }
0x52: {  	_ =	shalt  }
0x53: {  	_ =	shalt  }
0x54: {  	_ =	shalt  }
0x55: {  	_ =	shalt  }
0x56: {  	_ =	shalt  }
0x57: {  	_ =	shalt  }
0x58: {  	_ =	shalt  }
0x59: {  	_ =	shalt  }
0x5a: {  	_ =	shalt  }
0x5b: {  	_ =	shalt  }
0x5c: {  	_ =	shalt  }
0x5d: {  	_ =	shalt  }
0x5e: {  	_ =	shalt  }
0x5f: {  	_ =	shalt  }
0x60: {  	_ =	shalt  }
0x61: {  	_ =	shalt  }
0x62: {  	_ =	shalt  }
0x63: {  	_ =	shalt  }
0x64: {  	_ =	shalt  }
0x65: {  	_ =	shalt  }
0x66: {  	_ =	shalt  }
0x67: {  	_ =	shalt  }
0x68: {  	_ =	shalt  }
0x69: {  	_ =	shalt  }
0x6a: {  	_ =	shalt  }
0x6b: {  	_ =	shalt  }
0x6c: {  	_ =	shalt  }
0x6d: {  	_ =	shalt  }
0x6e: {  	_ =	shalt  }
0x6f: {  	_ =	shalt  }
0x70: {  	_ =	shalt  }
0x71: {  	_ =	shalt  }
0x72: {  	_ =	shalt  }
0x73: {  	_ =	shalt  }
0x74: {  	_ =	shalt  }
0x75: {  	_ =	shalt  }
0x76: {  	_ =	shalt  }
0x77: {  	_ =	shalt  }
0x78: {  	_ =	shalt  }
0x79: {  	_ =	shalt  }
0x7a: {  	_ =	shalt  }
0x7b: {  	_ =	shalt  }
0x7c: {  	_ =	shalt  }
0x7d: {  	_ =	shalt  }
0x7e: {  	_ =	shalt  }
0x7f: {  	_ =	shalt  }
0x80: {  	_ =	shalt  }
0x81: {  	_ =	shalt  }
0x82: {  	_ =	shalt  }
0x83: {  	_ =	shalt  }
0x84: {  	_ =	shalt  }
0x85: {  	_ =	shalt  }
0x86: {  	_ =	shalt  }
0x87: {  	_ =	shalt  }
.Lfunc_end0:
.L_simem_size_0:
called_computation.5_lowered:
.L_overlay_start_0:
0x88: {  	s2 =	sld [smem:$0x3FD9]  }
0x89: {  	s3 =	sld [smem:$0x3FFE];
	_ =	sdelay $0x1  }
0x8a: {  	s1 =	srdreg.scid  }
0x8b: {  	s0 =	sand.u32 $0x1, s1  }
0x8c: {  	s16 =	sshll.u32 s0, $0xA;
	s2 =	sadd.s32 s3, s2  }
0x8d: {  	s2 =	sadd.s32 s2, s16  }
0x8e: {  	[smem:$0x3FB1] =	sst s2  }
0x8f: {  	_ = 	snop  }
0x90: {  	(tm) =	ssettm $0x1  }
0x91: {  	s17 =	sld [smem:$0x3FFB];
	_ =	sdelay $0x3  }
0x92: {  	_ =	strace s17  }
0x93: {  	s2 =	sld [smem:$0x3FFC];
	_ =	sdelay $0x3  }
0x94: {  	_ =	strace s2  }
0x95: {  	s2 =	sld [smem:$0x3FFD];
	_ =	sdelay $0x3  }
0x96: {  	_ =	strace s2  }
0x97: {  	_ =	strace $0x8FFFFFFF  }
0x98: {  	s18 =	sld [smem:$0x3FDB];
	_ =	sdelay $0x1  }
0x99: {  	s19 =	simm.s32 $_scs_section_size  }
0x9a: {  	s4 =	simm.s32 $_size__tile_overlayer_lowered;
	s5 =	simm.s32 $_tile_overlayer_lowered  }
0x9b: {  	s22 =	simm.s32 $0x1BFF;
	s21 =	sshll.u32 s5, $0x1;
	s2 =	sadd.s32 s19, s18  }
0x9c: {  	s6 =	simm.s32 $0x0;
	s20 =	sshll.u32 s4, $0x1;
	s4 =	sadd.s32 s21, s2  }
0x9d: {  	[timem:s6], [sflag:s22] =	dma.local [hbm:s4], s20  }
0x9e: {  	_ =	swait.ge [sflag:s22], s20  }
0x9f: {  	s3 =	ssub.s32 $0x0, s20;
	[sflag:s22] =	ssyncset.done $0x0  }
0xa0: {  	[sflag:s22] =	ssyncadd.s32 s3;
	_ =	sdelay $0x1  }
0xa1: {  	s23 =	simm.s32 $0x1B8B  }
0xa2: {  	_ =	swait.ge [sflag:s23], $0x1  }
0xa3: {  	[sflag:s23] =	ssyncset.done $0x0  }
0xa4: {  	s25 =	simm.s32 $0x1B8E;
	s24 =	sld [smem:$0x3FFE];
	[sflag:s23] =	ssyncadd.s32 $0xFFFFFFFF  }
0xa5: {  	s26 =	simm.s32 $execute0_lowered;
	[smem:$0x3FD2] =	sst s25  }
0xa6: {  	s4 =	sshll.u32 s26, $0x1;
	_ =	strace $0x80000052;
	[dreg:$0x1] =	wrdreg $0xFFFFFFFF  }
0xa7: {  	s28 =	simm.s32 $_size_execute0_lowered;
	s2 =	sadd.s32 s2, s4;
	[dreg:$0x0] =	wrdreg $0x0  }
0xa8: {  	s4 =	sshll.u32 s28, $0x1;
	[dreg:$0x2] =	wrdreg s2  }
0xa9: {  	[dreg:$0x3] =	wrdreg s4  }
0xaa: {  	[dreg:$0x4] =	wrdreg $0xC0  }
0xab: {  	_ =	task [dreg:s6], $0x5FFFF  }
0xac: {  	[dreg:$0x1] =	wrdreg $0xFFFFFFFF  }
0xad: {  	[dreg:$0x0] =	wrdreg $0x60  }
0xae: {  	[dreg:$0x2] =	wrdreg s24  }
0xaf: {  	[dreg:$0x3] =	wrdreg $0x41000  }
0xb0: {  	[dreg:$0x4] =	wrdreg $0xA  }
0xb1: {  	_ =	task.clear_ibuf [dreg:s6], $0x5FFFF;
	_ =	strace $0x90000052  }
0xb2: {  	s29 =	simm.s32 $0xA;
	_ =	strace $0x80000054  }
0xb3: {  	_ =	swait.ge [sflag:s29], $0x1  }
0xb4: {  	[sflag:s29] =	ssyncadd.s32 $0xFFFFFFFF  }
0xb5: {  	_ =	strace $0x90000054  }
0xb6: {  	_ =	sfence  }
0xb7: {  	s30 =	sld [smem:$0x0];
	_ =	sdelay $0x2  }
0xb8: {  	s31 =	sshll.u32 s1, $0xD;
	s1 =	sshrl.u32 s1, $0x2  }
0xb9: {  	s3 =	sand.u32 $0x4000, s31;
	s1 =	sadd.s32 s1, s30  }
0xba: {  	s0 =	sor.u32 s3, s0;
	s1 =	sshll.u32 s1, $0x11  }
0xbb: {  	s0 =	sor.u32 s1, s0  }
0xbc: {  	s0 =	sadd.s32 $0x8F2B, s0  }
0xbd: {  	[sflag:s0] =	ssyncadd.remote.s32 $0x1  }
0xbe: {  	_ =	sfence.sel $0xFFFF  }
0xbf: {  	[dreg:$0x0] =	wrdreg $0xFFFFFFFF;
	(pc) =	sbr.abs _section_cstart, $3  }
0xc0: {  	[dreg:$0x1] =	wrdreg $0xFFFFFFFF  }
0xc1: {  	_ =	task.clear_ibuf [dreg:s6], $0x2FFFF;
	_ =	strace $0x9FFFFFFF  }
0xc2: {  	(tm) =	ssettm $0x7FFFFFFF  }
0xc3: {  	_ =	shalt  }
tec
execute0_lowered:
.L_overlay_start_1:
0x0: {  	(tag) =	ssettag $0x1  }
0x1: {  	s5 =	rddreg [dreg:$0x0];
	s0 =	srdreg.scid  }
0x2: {  	s1 =	rddreg [dreg:$0x1];
	s3 =	simm.s32 $0x0;
	s2 =	stileid.u32  }
0x3: {  	s13 =	simm.s32 $0x100;
	s14 =	simm.s32 $0x80;
	s8 =	smul.u32 $0x680, s2  }
0x4: {  	s6 =	sand.u32 $0x1, s0;
	s0 =	rddreg [dreg:$0x2];
	s26 =	smul.u32 $0xD000, s2  }
0x5: {  	s15 =	simm.s32 $0x0;
	[smem:$0x7FF] =	sst s3;
	s4 =	smul.u32 $0x61A800, s6  }
0x6: {  	s29 =	sshll.u32 s2, $0x6;
	s30 =	ssub.s32 $0xC44, s2;
	s7 =	smul.u32 $0xC35, s6  }
0x7: {  	s31 =	sshll.u32 s2, $0xB;
	s9 =	smul.u32 $0x6800, s6;
	s6 =	ssub.s32 $0x2, s6  }
0x8: {  	_ =	strace $0x80000053;
	s28 =	sshrl.u32 s6, $0x1;
	s7 =	sadd.s32 s2, s7  }
0x9: {  	s10 =	sadd.s32 s4, s5;
	s4 =	sadd.s32 $0x8200, s5;
	s8 =	sadd.s32 s8, s9  }
0xa: {  	s9 =	ssub.s32 s6, s28;
	s6 =	sshrl.u32 s30, $0x4;
	s25 =	sshll.u32 s7, $0x4  }
0xb: {  	s7 =	sshrl.u32 s26, $0x2;
	s8 =	sadd.s32 s8, s5;
	s10 =	sadd.s32 s31, s10  }
0xc: {  	s11 =	sadd.s32 s25, s5;
	s12 =	sadd.s32 s7, s1;
	s5 =	sor.u32 $0x1C01, s29  }
0xd: {  	s7 =	sadd.s32 $0x8A00, s8;
	s8 =	smax.u32 s9, $0x1;
	s9 =	sadd.s32 $0x3FA1A00, s10  }
0xe: {  	s10 =	sadd.s32 $0x36000, s11;
	s11 =	sshrl.u32 s12, $0x3;
	s12 =	simm.s32 $0x1  }
.LBB2_1:
0xf: {  	[spmem:s11], [sflag:s5] =	dma.local [hbm:s4], $0x680  }
0x10: {  	_ =	swait.ge [sflag:s12], $0x680  }
0x11: {  	[sflag:s12] =	ssyncset.done $0x0  }
0x12: {  	[sflag:s12] =	ssyncadd.s32 $0xFFFFF980  }
0x13: {  	[bflag:$0x0] =	sbarrier.arrive $0xFFFF  }
0x14: {  	[tilespmem:s3], [sflag:$0x1] =	stream.linear.gather [hbm4b:s10+s3], $0x80, $0x38;
	[tilespmem:$0x7500] =	vst v63  }
0x15: {  	_ =	swait.ge [sflag:s12], $0x80  }
0x16: {  	[sflag:s12] =	ssyncset.done $0x0  }
0x17: {  	[sflag:s12] =	ssyncadd.s32 $0xFFFFFF80  }
0x18: {  	v0 =	vld [tilespmem:$0x70]  }
0x19: {  	v1 =	vld [tilespmem:$0x60]  }
0x1a: {  	v2 =	vld [tilespmem:$0x50]  }
0x1b: {  	v3 =	vld [tilespmem:$0x30]  }
0x1c: {  	v4 =	vld [tilespmem:$0x20]  }
0x1d: {  	v5 =	vld [tilespmem:$0x10];
	v0 =	vshrl.u32 v0, $0x5  }
0x1e: {  	v6 =	vld [tilespmem:$0x40];
	v1 =	vshrl.u32 v1, $0x5;
	[tilespmem:$0xF0] =	vst v0  }
0x1f: {  	v59 =	vld [tilespmem:$0x0];
	v2 =	vshrl.u32 v2, $0x5;
	[tilespmem:$0xE0] =	vst v1  }
0x20: {  	p0 =	sne.s32 s6, $0x1;
	v60 =	vshrl.u32 v3, $0x5;
	[tilespmem:$0xD0] =	vst v2  }
.Ltmp0:
0x21: {  	v61 =	vshrl.u32 v4, $0x5;
	[tilespmem:$0xB0] =	vst v60;
	(pc) =	sbr.rel @!p0 .LBB2_3-.Ltmp0, $4  }
0x22: {  	v62 =	vshrl.u32 v5, $0x5;
	[tilespmem:$0xA0] =	vst v61  }
0x23: {  	v63 =	vshrl.u32 v6, $0x5;
	[tilespmem:$0x90] =	vst v62  }
0x24: {  	s16 =	sadd.s32 $0xFFFFFFFF, s6;
	v0 =	vshrl.u32 v59, $0x5;
	[tilespmem:$0xC0] =	vst v63  }
0x25: {  	s17 =	sadd.s32 $0x8000, s9;
	s18 =	sadd.s32 $0x100, s10;
	s19 =	smov.u32 s9;
	[tilespmem:$0x80] =	vst v0  }
.LBB2_2:
0x26: {  	[tilespmem:s13], [sflag:$0x1] =	stream.linear.gather [hbm4b:s19+s3], $0x4000, $0x38;
	[tilespmem:$0x7500] =	vst v63  }
0x27: {  	p0 =	sne.s32 s16, $0x1;
	s16 =	sadd.s32 $0xFFFFFFFF, s16;
	_ =	swait.ge [sflag:s12], $0x4000  }
0x28: {  	s19 =	smov.u32 s17;
	[sflag:s12] =	ssyncset.done $0x0  }
0x29: {  	[sflag:s12] =	ssyncadd.s32 $0xFFFFC000  }
0x2a: {  	[spmem:s1] =	stream.indirect.scatter.add.f32 [tilespmem:s13], [sflag:$0x1], $0x80, s14, s14, $0xb8;
	[tilespmem:$0x7500] =	vst v63  }
0x2b: {  	_ =	swait.ge [sflag:s12], $0x4000  }
0x2c: {  	[sflag:s12] =	ssyncset.done $0x0  }
0x2d: {  	[sflag:s12] =	ssyncadd.s32 $0xFFFFC000  }
0x2e: {  	[tilespmem:s3], [sflag:$0x1] =	stream.linear.gather [hbm4b:s18+s3], $0x80, $0x38;
	[tilespmem:$0x7500] =	vst v63  }
0x2f: {  	_ =	swait.ge [sflag:s12], $0x80  }
0x30: {  	[sflag:s12] =	ssyncset.done $0x0  }
0x31: {  	[sflag:s12] =	ssyncadd.s32 $0xFFFFFF80  }
0x32: {  	v0 =	vld [tilespmem:$0x70]  }
0x33: {  	v1 =	vld [tilespmem:$0x60]  }
0x34: {  	v2 =	vld [tilespmem:$0x50]  }
0x35: {  	v3 =	vld [tilespmem:$0x30]  }
0x36: {  	v4 =	vld [tilespmem:$0x20]  }
0x37: {  	v5 =	vld [tilespmem:$0x10];
	v0 =	vshrl.u32 v0, $0x5  }
0x38: {  	v6 =	vld [tilespmem:$0x40];
	v1 =	vshrl.u32 v1, $0x5;
	[tilespmem:$0xF0] =	vst v0  }
0x39: {  	v0 =	vld [tilespmem:$0x0];
	v2 =	vshrl.u32 v2, $0x5;
	[tilespmem:$0xE0] =	vst v1  }
0x3a: {  	v1 =	vshrl.u32 v3, $0x5;
	[tilespmem:$0xD0] =	vst v2  }
.Ltmp1:
0x3b: {  	v2 =	vshrl.u32 v4, $0x5;
	[tilespmem:$0xB0] =	vst v1;
	(pc) =	sbr.rel @p0 .LBB2_2-.Ltmp1, $4  }
0x3c: {  	v1 =	vshrl.u32 v5, $0x5;
	[tilespmem:$0xA0] =	vst v2  }
0x3d: {  	[tilespmem:$0x90] =	vst v1;
	v1 =	vshrl.u32 v6, $0x5  }
0x3e: {  	v0 =	vshrl.u32 v0, $0x5;
	[tilespmem:$0xC0] =	vst v1  }
0x3f: {  	s17 =	sadd.s32 $0x8000, s17;
	s18 =	sadd.s32 $0x100, s18;
	[tilespmem:$0x80] =	vst v0  }
.LBB2_3:
0x40: {  	[tilespmem:s13], [sflag:$0x1] =	stream.linear.gather [hbm4b:s19+s3], $0x4000, $0x38;
	[tilespmem:$0x7500] =	vst v63  }
0x41: {  	_ =	swait.ge [sflag:s12], $0x4000  }
0x42: {  	[sflag:s12] =	ssyncset.done $0x0  }
0x43: {  	[sflag:s12] =	ssyncadd.s32 $0xFFFFC000  }
0x44: {  	[spmem:s1] =	stream.indirect.scatter.add.f32 [tilespmem:s13], [sflag:$0x1], $0x80, s14, s14, $0xb8;
	[tilespmem:$0x7500] =	vst v63  }
0x45: {  	_ =	swait.ge [sflag:s12], $0x4000  }
0x46: {  	s15 =	sadd.s32 $0x1, s15;
	[sflag:s12] =	ssyncset.done $0x0  }
0x47: {  	p0 =	sne.s32 s15, s8;
	[sflag:s12] =	ssyncadd.s32 $0xFFFFC000  }
.Ltmp2:
0x48: {  	[bflag:$0x0] =	sbarrier.arrive $0xFFFF;
	(pc) =	sbr.rel @p0 .LBB2_1-.Ltmp2, $4  }
0x49: {  	[hbm:s7], [sflag:s5] =	dma.local [spmem:s11], $0x680  }
0x4a: {  	_ =	swait.ge [sflag:s12], $0x680  }
0x4b: {  	[sflag:s12] =	ssyncset.done $0x0  }
0x4c: {  	[sflag:s12] =	ssyncadd.s32 $0xFFFFF980  }
0x4d: {  	_ =	sfence.sel $0x180000  }
0x4e: {  	[bflag:$0x0] =	sbarrier.arrive $0xFFFF  }
0x4f: {  	p0 =	sne.s32 s2, $0x0;
	_ =	strace $0x90000053  }
0x50: {  	s0 =	sadd.s32 @!p0 $0x100000, s0;
	[bflag:$0x2] =	sbarrier.arrive $0xFFFF  }
0x51: {  	[sflag:s0] =	ssyncadd.tile.s32 @!p0 $0x1;
	_ =	shalt  }
.Lfunc_end2:
_tile_overlayer_lowered:
.L_overlay_start_2:
0x52: {  	(tag) =	ssettag $0x2  }
0x53: {  	s0 =	rddreg [dreg:$0x0];
	s2 =	stileid.u32  }
0x54: {  	s1 =	rddreg [dreg:$0x1];
	p0 =	sne.s32 s2, $0x0  }
0x55: {  	s3 =	rddreg [dreg:$0x2];
	[bflag:$0x3] =	sbarrier.arrive $0xFFFF;
	s2 =	simm.s32 @!p0 $0x1C01  }
0x56: {  	[timem:s3], [sflag:s2] =	dma.local @!p0 [hbm:s0], s1  }
0x57: {  	s0 =	simm.s32 @!p0 $0x1  }
0x58: {  	_ =	swait.ge @!p0 [sflag:s0], s1  }
0x59: {  	s1 =	ssub.s32 @!p0 $0x0, s1;
	[sflag:s0] =	ssyncset.done @!p0 $0x0  }
0x5a: {  	[sflag:s0] =	ssyncadd.s32 @!p0 s1  }
0x5b: {  	[bflag:$0x3] =	sbarrier.arrive $0xFFFF  }
0x5c: {  	_ =	shalt  }

</sc_bundles>
